<compile_context>
chip_gen: v7x
topology: tpu7x:2x2x1
jax: 0.10.2.dev20260603
libtpu: 0.0.44.dev20260713+nightly
codegen_flags: <defaults>
</compile_context>

<pallas_src>
import functools

import jax
import jax.numpy as jnp
from jax import lax
from jax.experimental import pallas as pl
from jax.experimental.pallas import tpu as pltpu
from jax.experimental.pallas import tpu_sc as plsc

H = 256
W = 256
D = 768
LANES = 16
NC = 2
NS = 16
NW = NC * NS
HI = 192
RPW = (H - HI) // NW
JC = 32
NJ = W // JC
LG = D // LANES
PAD = 8

_mesh = plsc.VectorSubcoreMesh(core_axis_name="c", subcore_axis_name="s")


@functools.partial(
    pl.kernel,
    mesh=_mesh,
    out_type=jax.ShapeDtypeStruct((H * W, D), jnp.float32),
    scratch_types=[
        pltpu.VMEM((PAD,), jnp.int32),
        pltpu.VMEM((JC,), jnp.int32),
        pltpu.VMEM((JC,), jnp.int32),
        pltpu.VMEM((PAD, D), jnp.float32),
        pltpu.VMEM((JC, D), jnp.float32),
        pltpu.VMEM((JC, D), jnp.float32),
        pltpu.VMEM((JC, D), jnp.float32),
        pltpu.VMEM((JC, D), jnp.float32),
        pltpu.SemaphoreType.DMA,
        pltpu.SemaphoreType.DMA,
        pltpu.SemaphoreType.DMA,
        pltpu.SemaphoreType.DMA,
    ],
)
def _sc_embed(rows_pad_hbm, cols_hbm, row_table, col_table, out_hbm,
              ridx_v, cidx0_v, cidx1_v, rowe_v, cole0_v, cole1_v,
              outb0_v, outb1_v, sem_row, sem_c, sem_o0, sem_o1):
    wid = lax.axis_index("s") * NC + lax.axis_index("c")
    rbase = HI + wid * RPW

    pltpu.sync_copy(rows_pad_hbm.at[wid], ridx_v)
    row_cp = pltpu.make_async_copy(row_table.at[ridx_v], rowe_v, sem_row)
    row_cp.start()

    def col_gather(cidx_v, cole_v, cj):
        pltpu.sync_copy(cols_hbm.at[pl.ds(cj * JC, JC)], cidx_v)
        pltpu.make_async_copy(col_table.at[cidx_v], cole_v, sem_c).start()

    col_gather(cidx0_v, cole0_v, 0)
    row_cp.wait()

    halves = ((cidx0_v, cole0_v), (cidx1_v, cole1_v))
    bufs = ((outb0_v, sem_o0), (outb1_v, sem_o1))

    def chunk_pair_body(cjp, _):
        for half, (cidx_v, cole_v) in enumerate(halves):
            cj = cjp * 2 + half
            pltpu.make_async_copy(
                col_table.at[cidx_v], cole_v, sem_c).wait()
            n_cidx, n_cole = halves[1 - half]

            @pl.when(cj < NJ - 1)
            def _():
                col_gather(n_cidx, n_cole, cj + 1)

            for b, (outb_v, sem_o) in enumerate(bufs):
                il = b

                def wait_out(outb_v=outb_v, sem_o=sem_o):
                    pltpu.make_async_copy(
                        outb_v, out_hbm.at[pl.ds(0, JC)], sem_o).wait()

                if half == 0:
                    @pl.when(cjp > 0)
                    def _():
                        wait_out()
                else:
                    wait_out()

                rvs = [rowe_v[il, pl.ds(g * LANES, LANES)]
                       for g in range(LG)]

                def r_body(r, _, outb_v=outb_v, cole_v=cole_v, rvs=rvs):
                    for g in range(LG):
                        sl = pl.ds(g * LANES, LANES)
                        outb_v[r, sl] = cole_v[r, sl] + rvs[g]
                    return 0

                lax.fori_loop(0, JC, r_body, 0)
                out_start = (rbase + il) * W + cj * JC
                pltpu.make_async_copy(
                    outb_v, out_hbm.at[pl.ds(out_start, JC)],
                    sem_o).start()
        return 0

    lax.fori_loop(0, NJ // 2, chunk_pair_body, 0)

    pltpu.make_async_copy(outb0_v, out_hbm.at[pl.ds(0, JC)], sem_o0).wait()
    pltpu.make_async_copy(outb1_v, out_hbm.at[pl.ds(0, JC)], sem_o1).wait()


def _tc_body(rows_sm, gs_sm, full_ref, row_ref, col_ref, colfix_ref, out_ref):
    del full_ref
    gw = gs_sm[1]
    jio = lax.broadcasted_iota(jnp.int32, (W, 1), 0)
    col = jnp.where(jio >= gw, colfix_ref[0], col_ref[...])
    out_ref[...] = col + row_ref[0]


_tc_embed = pl.pallas_call(
    _tc_body,
    grid_spec=pltpu.PrefetchScalarGridSpec(
        num_scalar_prefetch=2,
        grid=(HI,),
        in_specs=[
            pl.BlockSpec(memory_space=pl.ANY),
            pl.BlockSpec((1, 1, D), lambda i, rows_sm, gs_sm: (rows_sm[i], 0, 0)),
            pl.BlockSpec((W, D), lambda i, rows_sm, gs_sm: (0, 0)),
            pl.BlockSpec((1, 1, D), lambda i, rows_sm, gs_sm: (gs_sm[1] - 1, 0, 0)),
        ],
        out_specs=pl.BlockSpec((W, D), lambda i, rows_sm, gs_sm: (i, 0)),
    ),
    out_shape=jax.ShapeDtypeStruct((H * W, D), jnp.float32),
    input_output_aliases={2: 0},
)


def kernel(grid_size, row_table, col_table):
    gh = jnp.asarray(grid_size[0], jnp.int32)
    gw = jnp.asarray(grid_size[1], jnp.int32)
    rows = jnp.minimum(jnp.arange(H, dtype=jnp.int32), gh - 1)
    cols = jnp.minimum(jnp.arange(W, dtype=jnp.int32), gw - 1)
    gs_arr = jnp.stack([gh, gw])
    rows_sc = rows[HI:].reshape(NW, RPW)
    rows_pad = jnp.concatenate(
        [rows_sc, jnp.broadcast_to(rows_sc[:, -1:], (NW, PAD - RPW))], axis=1)
    row_table3 = row_table.reshape(row_table.shape[0], 1, D)
    col_table3 = col_table.reshape(col_table.shape[0], 1, D)
    sc_full = _sc_embed(rows_pad, cols, row_table, col_table)
    return _tc_embed(rows, gs_arr, sc_full, row_table3, col_table, col_table3)

# --- scband reference (transcript-rebuilt; emitter-appended) ---
"""Pipeline reference for scband-absolute2-dpositional-embedding-61546881352246 (READ-ONLY COPY).

The authoritative reference and input builder live on the scoring server;
editing this copy changes nothing except your own understanding.
"""

import jax, jax.numpy as jnp
import numpy as np

HIDDEN = 768
NUM_POS = 1024

def setup_inputs(seed: int = 0) -> dict:
    key = jax.random.key(seed)
    k1, k2 = jax.random.split(key)
    row_table = jax.random.normal(k1, (NUM_POS, HIDDEN), dtype=jnp.float32) * 0.02
    col_table = jax.random.normal(k2, (NUM_POS, HIDDEN), dtype=jnp.float32) * 0.02
    grid_size = (256, 256)
    return {"grid_size": grid_size, "row_table": row_table, "col_table": col_table}

def reference(grid_size, row_table, col_table):
    H = 256
    W = 256
    rows = jnp.minimum(jnp.arange(H), grid_size[0] - 1)
    cols = jnp.minimum(jnp.arange(W), grid_size[1] - 1)
    row_emb = jnp.take(row_table, rows, axis=0)[:, None, :]   # [H, 1, D]
    col_emb = jnp.take(col_table, cols, axis=0)[None, :, :]   # [1, W, D]
    out = (row_emb + col_emb).reshape(-1, row_table.shape[1])  # [H*W, D]
    return out

if __name__ == "__main__":
    import jax
    _d = setup_inputs()
    print(jax.jit(kernel)(*tuple(_d.values())))

</pallas_src>

<mosaic_0001>
#map = affine_map<(d0, d1) -> (0, 0)>
#map1 = affine_map<(d0, d1) -> (0)>
module attributes {stable_mosaic.version = 14 : i64} {
  func.func @_sc_embed(%arg0: i32, %arg1: i32, %arg2: memref<32x8xi32, #tpu.memory_space<hbm>>, %arg3: memref<256xi32, #tpu.memory_space<hbm>>, %arg4: memref<1024x768xf32, #tpu.memory_space<hbm>>, %arg5: memref<1024x768xf32, #tpu.memory_space<hbm>>, %arg6: memref<65536x768xf32, #tpu.memory_space<hbm>>, %arg7: memref<8xi32, #tpu.memory_space<vmem>>, %arg8: memref<32xi32, #tpu.memory_space<vmem>>, %arg9: memref<32xi32, #tpu.memory_space<vmem>>, %arg10: memref<8x768xf32, #tpu.memory_space<vmem>>, %arg11: memref<32x768xf32, #tpu.memory_space<vmem>>, %arg12: memref<32x768xf32, #tpu.memory_space<vmem>>, %arg13: memref<32x768xf32, #tpu.memory_space<vmem>>, %arg14: memref<32x768xf32, #tpu.memory_space<vmem>>, %arg15: memref<!tpu.dma_semaphore, #tpu.memory_space<semaphore_mem>>, %arg16: memref<!tpu.dma_semaphore, #tpu.memory_space<semaphore_mem>>, %arg17: memref<!tpu.dma_semaphore, #tpu.memory_space<semaphore_mem>>, %arg18: memref<!tpu.dma_semaphore, #tpu.memory_space<semaphore_mem>>) attributes {dimension_semantics = [#tpu.dimension_semantics<core_parallel>, #tpu.dimension_semantics<subcore_parallel>], iteration_bounds = array<i64: 2, 16>, scalar_prefetch = 0 : i64, scratch_operands = 12 : i64, tpu.core_type = #tpu.core_type<sc_vector_subcore>, window_params = [{transform_indices = #map}, {transform_indices = #map1}, {transform_indices = #map}, {transform_indices = #map}, {transform_indices = #map}]} {
    %mul3A = arith.constant 2 : i32
    %mul3A_0 = arith.muli %arg1, %mul3A : i32
    %add3A = arith.addi %mul3A_0, %arg0 : i32
    %mul3A_1 = arith.constant 2 : i32
    %mul3A_2 = arith.muli %add3A, %mul3A_1 : i32
    %add3A_3 = arith.constant 192 : i32
    %add3A_4 = arith.addi %add3A_3, %mul3A_2 : i32
    "tpu.region"() ({
      %run_scoped3A = tpu.sem_alloc : memref<!tpu.dma_semaphore, #tpu.memory_space<semaphore_mem>>
      %dma_start3A_30 = arith.constant 0 : i32
      %dma_start3A_31 = tpu.memref_slice %arg2[%add3A, %dma_start3A_30] : memref<32x8xi32, #tpu.memory_space<hbm>> -> memref<1x8xi32, #tpu.memory_space<hbm>>
      %dma_start3A_32 = tpu.memref_squeeze %dma_start3A_31 : memref<1x8xi32, #tpu.memory_space<hbm>> -> memref<8xi32, #tpu.memory_space<hbm>>
      %dma_start3A_33 = arith.constant 0 : i32
      %dma_start3A_34 = tpu.memref_slice %arg2[%add3A, %dma_start3A_33] : memref<32x8xi32, #tpu.memory_space<hbm>> -> memref<1x8xi32, #tpu.memory_space<hbm>>
      %dma_start3A_35 = tpu.memref_squeeze %dma_start3A_34 : memref<1x8xi32, #tpu.memory_space<hbm>> -> memref<8xi32, #tpu.memory_space<hbm>>
      tpu.enqueue_dma source(%dma_start3A_35 : memref<8xi32, #tpu.memory_space<hbm>>) target(%arg7 : memref<8xi32, #tpu.memory_space<vmem>>) target_semaphore(%run_scoped3A : memref<!tpu.dma_semaphore, #tpu.memory_space<semaphore_mem>>)
      %dma_wait3A_36 = arith.constant 0 : i32
      %dma_wait3A_37 = tpu.memref_slice %arg2[%add3A, %dma_wait3A_36] : memref<32x8xi32, #tpu.memory_space<hbm>> -> memref<1x8xi32, #tpu.memory_space<hbm>>
      %dma_wait3A_38 = tpu.memref_squeeze %dma_wait3A_37 : memref<1x8xi32, #tpu.memory_space<hbm>> -> memref<8xi32, #tpu.memory_space<hbm>>
      %dma_wait3A_39 = arith.constant 0 : i32
      %dma_wait3A_40 = tpu.memref_slice %arg2[%add3A, %dma_wait3A_39] : memref<32x8xi32, #tpu.memory_space<hbm>> -> memref<1x8xi32, #tpu.memory_space<hbm>>
      %dma_wait3A_41 = tpu.memref_squeeze %dma_wait3A_40 : memref<1x8xi32, #tpu.memory_space<hbm>> -> memref<8xi32, #tpu.memory_space<hbm>>
      tpu.wait_dma2 semaphore(%run_scoped3A : memref<!tpu.dma_semaphore, #tpu.memory_space<semaphore_mem>>) src(%dma_wait3A_41 : memref<8xi32, #tpu.memory_space<hbm>>) dst(%arg7 : memref<8xi32, #tpu.memory_space<vmem>>)
      tpu.yield
    }) : () -> ()
    %dma_start3A = arith.constant 0 : i32
    %dma_start3A_5 = arith.constant 0 : i32
    %dma_start3A_6 = tpu.memref_slice %arg4[%dma_start3A, %dma_start3A_5] : memref<1024x768xf32, #tpu.memory_space<hbm>> -> memref<1024x768xf32, #tpu.memory_space<hbm>>
    tpu.enqueue_indirect_dma source(%dma_start3A_6 : memref<1024x768xf32, #tpu.memory_space<hbm>>) target(%arg10 : memref<8x768xf32, #tpu.memory_space<vmem>>) offsets(%arg7 : memref<8xi32, #tpu.memory_space<vmem>>) semaphore(%arg15 : memref<!tpu.dma_semaphore, #tpu.memory_space<semaphore_mem>>)
    "tpu.region"() ({
      %run_scoped3A = tpu.sem_alloc : memref<!tpu.dma_semaphore, #tpu.memory_space<semaphore_mem>>
      %dma_start3A_30 = arith.constant 0 : i32
      %dma_start3A_31 = tpu.memref_slice %arg3[%dma_start3A_30] : memref<256xi32, #tpu.memory_space<hbm>> -> memref<32xi32, #tpu.memory_space<hbm>>
      %dma_start3A_32 = arith.constant 0 : i32
      %dma_start3A_33 = tpu.memref_slice %arg3[%dma_start3A_32] : memref<256xi32, #tpu.memory_space<hbm>> -> memref<32xi32, #tpu.memory_space<hbm>>
      tpu.enqueue_dma source(%dma_start3A_33 : memref<32xi32, #tpu.memory_space<hbm>>) target(%arg8 : memref<32xi32, #tpu.memory_space<vmem>>) target_semaphore(%run_scoped3A : memref<!tpu.dma_semaphore, #tpu.memory_space<semaphore_mem>>)
      %dma_wait3A_34 = arith.constant 0 : i32
      %dma_wait3A_35 = tpu.memref_slice %arg3[%dma_wait3A_34] : memref<256xi32, #tpu.memory_space<hbm>> -> memref<32xi32, #tpu.memory_space<hbm>>
      %dma_wait3A_36 = arith.constant 0 : i32
      %dma_wait3A_37 = tpu.memref_slice %arg3[%dma_wait3A_36] : memref<256xi32, #tpu.memory_space<hbm>> -> memref<32xi32, #tpu.memory_space<hbm>>
      tpu.wait_dma2 semaphore(%run_scoped3A : memref<!tpu.dma_semaphore, #tpu.memory_space<semaphore_mem>>) src(%dma_wait3A_37 : memref<32xi32, #tpu.memory_space<hbm>>) dst(%arg8 : memref<32xi32, #tpu.memory_space<vmem>>)
      tpu.yield
    }) : () -> ()
    %dma_start3A_7 = arith.constant 0 : i32
    %dma_start3A_8 = arith.constant 0 : i32
    %dma_start3A_9 = tpu.memref_slice %arg5[%dma_start3A_7, %dma_start3A_8] : memref<1024x768xf32, #tpu.memory_space<hbm>> -> memref<1024x768xf32, #tpu.memory_space<hbm>>
    tpu.enqueue_indirect_dma source(%dma_start3A_9 : memref<1024x768xf32, #tpu.memory_space<hbm>>) target(%arg11 : memref<32x768xf32, #tpu.memory_space<vmem>>) offsets(%arg8 : memref<32xi32, #tpu.memory_space<vmem>>) semaphore(%arg16 : memref<!tpu.dma_semaphore, #tpu.memory_space<semaphore_mem>>)
    %dma_wait3A = arith.constant 0 : i32
    %dma_wait3A_10 = arith.constant 0 : i32
    %dma_wait3A_11 = tpu.memref_slice %arg4[%dma_wait3A, %dma_wait3A_10] : memref<1024x768xf32, #tpu.memory_space<hbm>> -> memref<1024x768xf32, #tpu.memory_space<hbm>>
    tpu.wait_indirect_dma semaphore(%arg15 : memref<!tpu.dma_semaphore, #tpu.memory_space<semaphore_mem>>) src(%dma_wait3A_11 : memref<1024x768xf32, #tpu.memory_space<hbm>>) dst(%arg10 : memref<8x768xf32, #tpu.memory_space<vmem>>)
    %scan3A = arith.constant 0 : i32
    %scan3A_12 = arith.constant 0 : i32
    %scan3A_13 = arith.constant 4 : i32
    %scan3A_14 = arith.addi %scan3A_12, %scan3A_13 : i32
    %scan3A_15 = arith.constant 1 : i32
    %scan3A_16 = scf.for %scan3A_30 = %scan3A_12 to %scan3A_14 step %scan3A_15 iter_args(%scan3A_31 = %scan3A) -> (i32)  : i32 {
      %mul3A_32 = arith.constant 2 : i32
      %mul3A_33 = arith.muli %scan3A_30, %mul3A_32 : i32
      %add3A_34 = arith.constant 0 : i32
      %add3A_35 = arith.addi %mul3A_33, %add3A_34 : i32
      %dma_wait3A_36 = arith.constant 0 : i32
      %dma_wait3A_37 = arith.constant 0 : i32
      %dma_wait3A_38 = tpu.memref_slice %arg5[%dma_wait3A_36, %dma_wait3A_37] : memref<1024x768xf32, #tpu.memory_space<hbm>> -> memref<1024x768xf32, #tpu.memory_space<hbm>>
      tpu.wait_indirect_dma semaphore(%arg16 : memref<!tpu.dma_semaphore, #tpu.memory_space<semaphore_mem>>) src(%dma_wait3A_38 : memref<1024x768xf32, #tpu.memory_space<hbm>>) dst(%arg11 : memref<32x768xf32, #tpu.memory_space<vmem>>)
      %lt3A = arith.constant 7 : i32
      %lt3A_39 = arith.cmpi slt, %add3A_35, %lt3A : i32
      %convert_element_type3A = arith.extui %lt3A_39 : i1 to i32
      %cond3A = arith.constant 0 : i32
      %cond3A_40 = arith.cmpi ne, %convert_element_type3A, %cond3A : i32
      scf.if %cond3A_40 {
        %add3A_1106 = arith.constant 1 : i32
        %add3A_1107 = arith.addi %add3A_35, %add3A_1106 : i32
        %mul3A_1108 = arith.constant 32 : i32
        %mul3A_1109 = arith.muli %add3A_1107, %mul3A_1108 : i32
        "tpu.region"() ({
          %run_scoped3A = tpu.sem_alloc : memref<!tpu.dma_semaphore, #tpu.memory_space<semaphore_mem>>
          %dma_start3A_1113 = tpu.memref_slice %arg3[%mul3A_1109] : memref<256xi32, #tpu.memory_space<hbm>> -> memref<32xi32, #tpu.memory_space<hbm>>
          %dma_start3A_1114 = tpu.memref_slice %arg3[%mul3A_1109] : memref<256xi32, #tpu.memory_space<hbm>> -> memref<32xi32, #tpu.memory_space<hbm>>
          tpu.enqueue_dma source(%dma_start3A_1114 : memref<32xi32, #tpu.memory_space<hbm>>) target(%arg9 : memref<32xi32, #tpu.memory_space<vmem>>) target_semaphore(%run_scoped3A : memref<!tpu.dma_semaphore, #tpu.memory_space<semaphore_mem>>)
          %dma_wait3A_1115 = tpu.memref_slice %arg3[%mul3A_1109] : memref<256xi32, #tpu.memory_space<hbm>> -> memref<32xi32, #tpu.memory_space<hbm>>
          %dma_wait3A_1116 = tpu.memref_slice %arg3[%mul3A_1109] : memref<256xi32, #tpu.memory_space<hbm>> -> memref<32xi32, #tpu.memory_space<hbm>>
          tpu.wait_dma2 semaphore(%run_scoped3A : memref<!tpu.dma_semaphore, #tpu.memory_space<semaphore_mem>>) src(%dma_wait3A_1116 : memref<32xi32, #tpu.memory_space<hbm>>) dst(%arg9 : memref<32xi32, #tpu.memory_space<vmem>>)
          tpu.yield
        }) : () -> ()
        %dma_start3A_1110 = arith.constant 0 : i32
        %dma_start3A_1111 = arith.constant 0 : i32
        %dma_start3A_1112 = tpu.memref_slice %arg5[%dma_start3A_1110, %dma_start3A_1111] : memref<1024x768xf32, #tpu.memory_space<hbm>> -> memref<1024x768xf32, #tpu.memory_space<hbm>>
        tpu.enqueue_indirect_dma source(%dma_start3A_1112 : memref<1024x768xf32, #tpu.memory_space<hbm>>) target(%arg12 : memref<32x768xf32, #tpu.memory_space<vmem>>) offsets(%arg9 : memref<32xi32, #tpu.memory_space<vmem>>) semaphore(%arg16 : memref<!tpu.dma_semaphore, #tpu.memory_space<semaphore_mem>>)
      } else {
      }
      %gt3A = arith.constant 0 : i32
      %gt3A_41 = arith.cmpi sgt, %scan3A_30, %gt3A : i32
      %convert_element_type3A_42 = arith.extui %gt3A_41 : i1 to i32
      %cond3A_43 = arith.constant 0 : i32
      %cond3A_44 = arith.cmpi ne, %convert_element_type3A_42, %cond3A_43 : i32
      scf.if %cond3A_44 {
        %dma_wait3A_1106 = arith.constant 0 : i32
        %dma_wait3A_1107 = arith.constant 0 : i32
        %dma_wait3A_1108 = tpu.memref_slice %arg6[%dma_wait3A_1106, %dma_wait3A_1107] : memref<65536x768xf32, #tpu.memory_space<hbm>> -> memref<32x768xf32, #tpu.memory_space<hbm>>
        %dma_wait3A_1109 = arith.constant 0 : i32
        %dma_wait3A_1110 = arith.constant 0 : i32
        %dma_wait3A_1111 = tpu.memref_slice %arg6[%dma_wait3A_1109, %dma_wait3A_1110] : memref<65536x768xf32, #tpu.memory_space<hbm>> -> memref<32x768xf32, #tpu.memory_space<hbm>>
        tpu.wait_dma2 semaphore(%arg17 : memref<!tpu.dma_semaphore, #tpu.memory_space<semaphore_mem>>) src(%arg13 : memref<32x768xf32, #tpu.memory_space<vmem>>) dst(%dma_wait3A_1111 : memref<32x768xf32, #tpu.memory_space<hbm>>)
      } else {
      }
      %get3A = arith.constant 0 : i32
      %get3A_45 = arith.index_cast %get3A : i32 to index
      %get3A_46 = arith.constant 0 : index
      %get3A_47 = tpu.vector_load %arg10[%get3A_45, %get3A_46] {strides = array<i32>} : memref<8x768xf32, #tpu.memory_space<vmem>>, vector<1x16xf32>,
      %get3A_48 = vector.shape_cast %get3A_47 : vector<1x16xf32> to vector<16xf32>
      %get3A_49 = arith.constant 0 : i32
      %get3A_50 = arith.index_cast %get3A_49 : i32 to index
      %get3A_51 = arith.constant 16 : index
      %get3A_52 = tpu.vector_load %arg10[%get3A_50, %get3A_51] {strides = array<i32>} : memref<8x768xf32, #tpu.memory_space<vmem>>, vector<1x16xf32>,
      %get3A_53 = vector.shape_cast %get3A_52 : vector<1x16xf32> to vector<16xf32>
      %get3A_54 = arith.constant 0 : i32
      %get3A_55 = arith.index_cast %get3A_54 : i32 to index
      %get3A_56 = arith.constant 32 : index
      %get3A_57 = tpu.vector_load %arg10[%get3A_55, %get3A_56] {strides = array<i32>} : memref<8x768xf32, #tpu.memory_space<vmem>>, vector<1x16xf32>,
      %get3A_58 = vector.shape_cast %get3A_57 : vector<1x16xf32> to vector<16xf32>
      %get3A_59 = arith.constant 0 : i32
      %get3A_60 = arith.index_cast %get3A_59 : i32 to index
      %get3A_61 = arith.constant 48 : index
      %get3A_62 = tpu.vector_load %arg10[%get3A_60, %get3A_61] {strides = array<i32>} : memref<8x768xf32, #tpu.memory_space<vmem>>, vector<1x16xf32>,
      %get3A_63 = vector.shape_cast %get3A_62 : vector<1x16xf32> to vector<16xf32>
      %get3A_64 = arith.constant 0 : i32
      %get3A_65 = arith.index_cast %get3A_64 : i32 to index
      %get3A_66 = arith.constant 64 : index
      %get3A_67 = tpu.vector_load %arg10[%get3A_65, %get3A_66] {strides = array<i32>} : memref<8x768xf32, #tpu.memory_space<vmem>>, vector<1x16xf32>,
      %get3A_68 = vector.shape_cast %get3A_67 : vector<1x16xf32> to vector<16xf32>
      %get3A_69 = arith.constant 0 : i32
      %get3A_70 = arith.index_cast %get3A_69 : i32 to index
      %get3A_71 = arith.constant 80 : index
      %get3A_72 = tpu.vector_load %arg10[%get3A_70, %get3A_71] {strides = array<i32>} : memref<8x768xf32, #tpu.memory_space<vmem>>, vector<1x16xf32>,
      %get3A_73 = vector.shape_cast %get3A_72 : vector<1x16xf32> to vector<16xf32>
      %get3A_74 = arith.constant 0 : i32
      %get3A_75 = arith.index_cast %get3A_74 : i32 to index
      %get3A_76 = arith.constant 96 : index
      %get3A_77 = tpu.vector_load %arg10[%get3A_75, %get3A_76] {strides = array<i32>} : memref<8x768xf32, #tpu.memory_space<vmem>>, vector<1x16xf32>,
      %get3A_78 = vector.shape_cast %get3A_77 : vector<1x16xf32> to vector<16xf32>
      %get3A_79 = arith.constant 0 : i32
      %get3A_80 = arith.index_cast %get3A_79 : i32 to index
      %get3A_81 = arith.constant 112 : index
      %get3A_82 = tpu.vector_load %arg10[%get3A_80, %get3A_81] {strides = array<i32>} : memref<8x768xf32, #tpu.memory_space<vmem>>, vector<1x16xf32>,
      %get3A_83 = vector.shape_cast %get3A_82 : vector<1x16xf32> to vector<16xf32>
      %get3A_84 = arith.constant 0 : i32
      %get3A_85 = arith.index_cast %get3A_84 : i32 to index
      %get3A_86 = arith.constant 128 : index
      %get3A_87 = tpu.vector_load %arg10[%get3A_85, %get3A_86] {strides = array<i32>} : memref<8x768xf32, #tpu.memory_space<vmem>>, vector<1x16xf32>,
      %get3A_88 = vector.shape_cast %get3A_87 : vector<1x16xf32> to vector<16xf32>
      %get3A_89 = arith.constant 0 : i32
      %get3A_90 = arith.index_cast %get3A_89 : i32 to index
      %get3A_91 = arith.constant 144 : index
      %get3A_92 = tpu.vector_load %arg10[%get3A_90, %get3A_91] {strides = array<i32>} : memref<8x768xf32, #tpu.memory_space<vmem>>, vector<1x16xf32>,
      %get3A_93 = vector.shape_cast %get3A_92 : vector<1x16xf32> to vector<16xf32>
      %get3A_94 = arith.constant 0 : i32
      %get3A_95 = arith.index_cast %get3A_94 : i32 to index
      %get3A_96 = arith.constant 160 : index
      %get3A_97 = tpu.vector_load %arg10[%get3A_95, %get3A_96] {strides = array<i32>} : memref<8x768xf32, #tpu.memory_space<vmem>>, vector<1x16xf32>,
      %get3A_98 = vector.shape_cast %get3A_97 : vector<1x16xf32> to vector<16xf32>
      %get3A_99 = arith.constant 0 : i32
      %get3A_100 = arith.index_cast %get3A_99 : i32 to index
      %get3A_101 = arith.constant 176 : index
      %get3A_102 = tpu.vector_load %arg10[%get3A_100, %get3A_101] {strides = array<i32>} : memref<8x768xf32, #tpu.memory_space<vmem>>, vector<1x16xf32>,
      %get3A_103 = vector.shape_cast %get3A_102 : vector<1x16xf32> to vector<16xf32>
      %get3A_104 = arith.constant 0 : i32
      %get3A_105 = arith.index_cast %get3A_104 : i32 to index
      %get3A_106 = arith.constant 192 : index
      %get3A_107 = tpu.vector_load %arg10[%get3A_105, %get3A_106] {strides = array<i32>} : memref<8x768xf32, #tpu.memory_space<vmem>>, vector<1x16xf32>,
      %get3A_108 = vector.shape_cast %get3A_107 : vector<1x16xf32> to vector<16xf32>
      %get3A_109 = arith.constant 0 : i32
      %get3A_110 = arith.index_cast %get3A_109 : i32 to index
      %get3A_111 = arith.constant 208 : index
      %get3A_112 = tpu.vector_load %arg10[%get3A_110, %get3A_111] {strides = array<i32>} : memref<8x768xf32, #tpu.memory_space<vmem>>, vector<1x16xf32>,
      %get3A_113 = vector.shape_cast %get3A_112 : vector<1x16xf32> to vector<16xf32>
      %get3A_114 = arith.constant 0 : i32
      %get3A_115 = arith.index_cast %get3A_114 : i32 to index
      %get3A_116 = arith.constant 224 : index
      %get3A_117 = tpu.vector_load %arg10[%get3A_115, %get3A_116] {strides = array<i32>} : memref<8x768xf32, #tpu.memory_space<vmem>>, vector<1x16xf32>,
      %get3A_118 = vector.shape_cast %get3A_117 : vector<1x16xf32> to vector<16xf32>
      %get3A_119 = arith.constant 0 : i32
      %get3A_120 = arith.index_cast %get3A_119 : i32 to index
      %get3A_121 = arith.constant 240 : index
      %get3A_122 = tpu.vector_load %arg10[%get3A_120, %get3A_121] {strides = array<i32>} : memref<8x768xf32, #tpu.memory_space<vmem>>, vector<1x16xf32>,
      %get3A_123 = vector.shape_cast %get3A_122 : vector<1x16xf32> to vector<16xf32>
      %get3A_124 = arith.constant 0 : i32
      %get3A_125 = arith.index_cast %get3A_124 : i32 to index
      %get3A_126 = arith.constant 256 : index
      %get3A_127 = tpu.vector_load %arg10[%get3A_125, %get3A_126] {strides = array<i32>} : memref<8x768xf32, #tpu.memory_space<vmem>>, vector<1x16xf32>,
      %get3A_128 = vector.shape_cast %get3A_127 : vector<1x16xf32> to vector<16xf32>
      %get3A_129 = arith.constant 0 : i32
      %get3A_130 = arith.index_cast %get3A_129 : i32 to index
      %get3A_131 = arith.constant 272 : index
      %get3A_132 = tpu.vector_load %arg10[%get3A_130, %get3A_131] {strides = array<i32>} : memref<8x768xf32, #tpu.memory_space<vmem>>, vector<1x16xf32>,
      %get3A_133 = vector.shape_cast %get3A_132 : vector<1x16xf32> to vector<16xf32>
      %get3A_134 = arith.constant 0 : i32
      %get3A_135 = arith.index_cast %get3A_134 : i32 to index
      %get3A_136 = arith.constant 288 : index
      %get3A_137 = tpu.vector_load %arg10[%get3A_135, %get3A_136] {strides = array<i32>} : memref<8x768xf32, #tpu.memory_space<vmem>>, vector<1x16xf32>,
      %get3A_138 = vector.shape_cast %get3A_137 : vector<1x16xf32> to vector<16xf32>
      %get3A_139 = arith.constant 0 : i32
      %get3A_140 = arith.index_cast %get3A_139 : i32 to index
      %get3A_141 = arith.constant 304 : index
      %get3A_142 = tpu.vector_load %arg10[%get3A_140, %get3A_141] {strides = array<i32>} : memref<8x768xf32, #tpu.memory_space<vmem>>, vector<1x16xf32>,
      %get3A_143 = vector.shape_cast %get3A_142 : vector<1x16xf32> to vector<16xf32>
      %get3A_144 = arith.constant 0 : i32
      %get3A_145 = arith.index_cast %get3A_144 : i32 to index
      %get3A_146 = arith.constant 320 : index
      %get3A_147 = tpu.vector_load %arg10[%get3A_145, %get3A_146] {strides = array<i32>} : memref<8x768xf32, #tpu.memory_space<vmem>>, vector<1x16xf32>,
      %get3A_148 = vector.shape_cast %get3A_147 : vector<1x16xf32> to vector<16xf32>
      %get3A_149 = arith.constant 0 : i32
      %get3A_150 = arith.index_cast %get3A_149 : i32 to index
      %get3A_151 = arith.constant 336 : index
      %get3A_152 = tpu.vector_load %arg10[%get3A_150, %get3A_151] {strides = array<i32>} : memref<8x768xf32, #tpu.memory_space<vmem>>, vector<1x16xf32>,
      %get3A_153 = vector.shape_cast %get3A_152 : vector<1x16xf32> to vector<16xf32>
      %get3A_154 = arith.constant 0 : i32
      %get3A_155 = arith.index_cast %get3A_154 : i32 to index
      %get3A_156 = arith.constant 352 : index
      %get3A_157 = tpu.vector_load %arg10[%get3A_155, %get3A_156] {strides = array<i32>} : memref<8x768xf32, #tpu.memory_space<vmem>>, vector<1x16xf32>,
      %get3A_158 = vector.shape_cast %get3A_157 : vector<1x16xf32> to vector<16xf32>
      %get3A_159 = arith.constant 0 : i32
      %get3A_160 = arith.index_cast %get3A_159 : i32 to index
      %get3A_161 = arith.constant 368 : index
      %get3A_162 = tpu.vector_load %arg10[%get3A_160, %get3A_161] {strides = array<i32>} : memref<8x768xf32, #tpu.memory_space<vmem>>, vector<1x16xf32>,
      %get3A_163 = vector.shape_cast %get3A_162 : vector<1x16xf32> to vector<16xf32>
      %get3A_164 = arith.constant 0 : i32
      %get3A_165 = arith.index_cast %get3A_164 : i32 to index
      %get3A_166 = arith.constant 384 : index
      %get3A_167 = tpu.vector_load %arg10[%get3A_165, %get3A_166] {strides = array<i32>} : memref<8x768xf32, #tpu.memory_space<vmem>>, vector<1x16xf32>,
      %get3A_168 = vector.shape_cast %get3A_167 : vector<1x16xf32> to vector<16xf32>
      %get3A_169 = arith.constant 0 : i32
      %get3A_170 = arith.index_cast %get3A_169 : i32 to index
      %get3A_171 = arith.constant 400 : index
      %get3A_172 = tpu.vector_load %arg10[%get3A_170, %get3A_171] {strides = array<i32>} : memref<8x768xf32, #tpu.memory_space<vmem>>, vector<1x16xf32>,
      %get3A_173 = vector.shape_cast %get3A_172 : vector<1x16xf32> to vector<16xf32>
      %get3A_174 = arith.constant 0 : i32
      %get3A_175 = arith.index_cast %get3A_174 : i32 to index
      %get3A_176 = arith.constant 416 : index
      %get3A_177 = tpu.vector_load %arg10[%get3A_175, %get3A_176] {strides = array<i32>} : memref<8x768xf32, #tpu.memory_space<vmem>>, vector<1x16xf32>,
      %get3A_178 = vector.shape_cast %get3A_177 : vector<1x16xf32> to vector<16xf32>
      %get3A_179 = arith.constant 0 : i32
      %get3A_180 = arith.index_cast %get3A_179 : i32 to index
      %get3A_181 = arith.constant 432 : index
      %get3A_182 = tpu.vector_load %arg10[%get3A_180, %get3A_181] {strides = array<i32>} : memref<8x768xf32, #tpu.memory_space<vmem>>, vector<1x16xf32>,
      %get3A_183 = vector.shape_cast %get3A_182 : vector<1x16xf32> to vector<16xf32>
      %get3A_184 = arith.constant 0 : i32
      %get3A_185 = arith.index_cast %get3A_184 : i32 to index
      %get3A_186 = arith.constant 448 : index
      %get3A_187 = tpu.vector_load %arg10[%get3A_185, %get3A_186] {strides = array<i32>} : memref<8x768xf32, #tpu.memory_space<vmem>>, vector<1x16xf32>,
      %get3A_188 = vector.shape_cast %get3A_187 : vector<1x16xf32> to vector<16xf32>
      %get3A_189 = arith.constant 0 : i32
      %get3A_190 = arith.index_cast %get3A_189 : i32 to index
      %get3A_191 = arith.constant 464 : index
      %get3A_192 = tpu.vector_load %arg10[%get3A_190, %get3A_191] {strides = array<i32>} : memref<8x768xf32, #tpu.memory_space<vmem>>, vector<1x16xf32>,
      %get3A_193 = vector.shape_cast %get3A_192 : vector<1x16xf32> to vector<16xf32>
      %get3A_194 = arith.constant 0 : i32
      %get3A_195 = arith.index_cast %get3A_194 : i32 to index
      %get3A_196 = arith.constant 480 : index
      %get3A_197 = tpu.vector_load %arg10[%get3A_195, %get3A_196] {strides = array<i32>} : memref<8x768xf32, #tpu.memory_space<vmem>>, vector<1x16xf32>,
      %get3A_198 = vector.shape_cast %get3A_197 : vector<1x16xf32> to vector<16xf32>
      %get3A_199 = arith.constant 0 : i32
      %get3A_200 = arith.index_cast %get3A_199 : i32 to index
      %get3A_201 = arith.constant 496 : index
      %get3A_202 = tpu.vector_load %arg10[%get3A_200, %get3A_201] {strides = array<i32>} : memref<8x768xf32, #tpu.memory_space<vmem>>, vector<1x16xf32>,
      %get3A_203 = vector.shape_cast %get3A_202 : vector<1x16xf32> to vector<16xf32>
      %get3A_204 = arith.constant 0 : i32
      %get3A_205 = arith.index_cast %get3A_204 : i32 to index
      %get3A_206 = arith.constant 512 : index
      %get3A_207 = tpu.vector_load %arg10[%get3A_205, %get3A_206] {strides = array<i32>} : memref<8x768xf32, #tpu.memory_space<vmem>>, vector<1x16xf32>,
      %get3A_208 = vector.shape_cast %get3A_207 : vector<1x16xf32> to vector<16xf32>
      %get3A_209 = arith.constant 0 : i32
      %get3A_210 = arith.index_cast %get3A_209 : i32 to index
      %get3A_211 = arith.constant 528 : index
      %get3A_212 = tpu.vector_load %arg10[%get3A_210, %get3A_211] {strides = array<i32>} : memref<8x768xf32, #tpu.memory_space<vmem>>, vector<1x16xf32>,
      %get3A_213 = vector.shape_cast %get3A_212 : vector<1x16xf32> to vector<16xf32>
      %get3A_214 = arith.constant 0 : i32
      %get3A_215 = arith.index_cast %get3A_214 : i32 to index
      %get3A_216 = arith.constant 544 : index
      %get3A_217 = tpu.vector_load %arg10[%get3A_215, %get3A_216] {strides = array<i32>} : memref<8x768xf32, #tpu.memory_space<vmem>>, vector<1x16xf32>,
      %get3A_218 = vector.shape_cast %get3A_217 : vector<1x16xf32> to vector<16xf32>
      %get3A_219 = arith.constant 0 : i32
      %get3A_220 = arith.index_cast %get3A_219 : i32 to index
      %get3A_221 = arith.constant 560 : index
      %get3A_222 = tpu.vector_load %arg10[%get3A_220, %get3A_221] {strides = array<i32>} : memref<8x768xf32, #tpu.memory_space<vmem>>, vector<1x16xf32>,
      %get3A_223 = vector.shape_cast %get3A_222 : vector<1x16xf32> to vector<16xf32>
      %get3A_224 = arith.constant 0 : i32
      %get3A_225 = arith.index_cast %get3A_224 : i32 to index
      %get3A_226 = arith.constant 576 : index
      %get3A_227 = tpu.vector_load %arg10[%get3A_225, %get3A_226] {strides = array<i32>} : memref<8x768xf32, #tpu.memory_space<vmem>>, vector<1x16xf32>,
      %get3A_228 = vector.shape_cast %get3A_227 : vector<1x16xf32> to vector<16xf32>
      %get3A_229 = arith.constant 0 : i32
      %get3A_230 = arith.index_cast %get3A_229 : i32 to index
      %get3A_231 = arith.constant 592 : index
      %get3A_232 = tpu.vector_load %arg10[%get3A_230, %get3A_231] {strides = array<i32>} : memref<8x768xf32, #tpu.memory_space<vmem>>, vector<1x16xf32>,
      %get3A_233 = vector.shape_cast %get3A_232 : vector<1x16xf32> to vector<16xf32>
      %get3A_234 = arith.constant 0 : i32
      %get3A_235 = arith.index_cast %get3A_234 : i32 to index
      %get3A_236 = arith.constant 608 : index
      %get3A_237 = tpu.vector_load %arg10[%get3A_235, %get3A_236] {strides = array<i32>} : memref<8x768xf32, #tpu.memory_space<vmem>>, vector<1x16xf32>,
      %get3A_238 = vector.shape_cast %get3A_237 : vector<1x16xf32> to vector<16xf32>
      %get3A_239 = arith.constant 0 : i32
      %get3A_240 = arith.index_cast %get3A_239 : i32 to index
      %get3A_241 = arith.constant 624 : index
      %get3A_242 = tpu.vector_load %arg10[%get3A_240, %get3A_241] {strides = array<i32>} : memref<8x768xf32, #tpu.memory_space<vmem>>, vector<1x16xf32>,
      %get3A_243 = vector.shape_cast %get3A_242 : vector<1x16xf32> to vector<16xf32>
      %get3A_244 = arith.constant 0 : i32
      %get3A_245 = arith.index_cast %get3A_244 : i32 to index
      %get3A_246 = arith.constant 640 : index
      %get3A_247 = tpu.vector_load %arg10[%get3A_245, %get3A_246] {strides = array<i32>} : memref<8x768xf32, #tpu.memory_space<vmem>>, vector<1x16xf32>,
      %get3A_248 = vector.shape_cast %get3A_247 : vector<1x16xf32> to vector<16xf32>
      %get3A_249 = arith.constant 0 : i32
      %get3A_250 = arith.index_cast %get3A_249 : i32 to index
      %get3A_251 = arith.constant 656 : index
      %get3A_252 = tpu.vector_load %arg10[%get3A_250, %get3A_251] {strides = array<i32>} : memref<8x768xf32, #tpu.memory_space<vmem>>, vector<1x16xf32>,
      %get3A_253 = vector.shape_cast %get3A_252 : vector<1x16xf32> to vector<16xf32>
      %get3A_254 = arith.constant 0 : i32
      %get3A_255 = arith.index_cast %get3A_254 : i32 to index
      %get3A_256 = arith.constant 672 : index
      %get3A_257 = tpu.vector_load %arg10[%get3A_255, %get3A_256] {strides = array<i32>} : memref<8x768xf32, #tpu.memory_space<vmem>>, vector<1x16xf32>,
      %get3A_258 = vector.shape_cast %get3A_257 : vector<1x16xf32> to vector<16xf32>
      %get3A_259 = arith.constant 0 : i32
      %get3A_260 = arith.index_cast %get3A_259 : i32 to index
      %get3A_261 = arith.constant 688 : index
      %get3A_262 = tpu.vector_load %arg10[%get3A_260, %get3A_261] {strides = array<i32>} : memref<8x768xf32, #tpu.memory_space<vmem>>, vector<1x16xf32>,
      %get3A_263 = vector.shape_cast %get3A_262 : vector<1x16xf32> to vector<16xf32>
      %get3A_264 = arith.constant 0 : i32
      %get3A_265 = arith.index_cast %get3A_264 : i32 to index
      %get3A_266 = arith.constant 704 : index
      %get3A_267 = tpu.vector_load %arg10[%get3A_265, %get3A_266] {strides = array<i32>} : memref<8x768xf32, #tpu.memory_space<vmem>>, vector<1x16xf32>,
      %get3A_268 = vector.shape_cast %get3A_267 : vector<1x16xf32> to vector<16xf32>
      %get3A_269 = arith.constant 0 : i32
      %get3A_270 = arith.index_cast %get3A_269 : i32 to index
      %get3A_271 = arith.constant 720 : index
      %get3A_272 = tpu.vector_load %arg10[%get3A_270, %get3A_271] {strides = array<i32>} : memref<8x768xf32, #tpu.memory_space<vmem>>, vector<1x16xf32>,
      %get3A_273 = vector.shape_cast %get3A_272 : vector<1x16xf32> to vector<16xf32>
      %get3A_274 = arith.constant 0 : i32
      %get3A_275 = arith.index_cast %get3A_274 : i32 to index
      %get3A_276 = arith.constant 736 : index
      %get3A_277 = tpu.vector_load %arg10[%get3A_275, %get3A_276] {strides = array<i32>} : memref<8x768xf32, #tpu.memory_space<vmem>>, vector<1x16xf32>,
      %get3A_278 = vector.shape_cast %get3A_277 : vector<1x16xf32> to vector<16xf32>
      %get3A_279 = arith.constant 0 : i32
      %get3A_280 = arith.index_cast %get3A_279 : i32 to index
      %get3A_281 = arith.constant 752 : index
      %get3A_282 = tpu.vector_load %arg10[%get3A_280, %get3A_281] {strides = array<i32>} : memref<8x768xf32, #tpu.memory_space<vmem>>, vector<1x16xf32>,
      %get3A_283 = vector.shape_cast %get3A_282 : vector<1x16xf32> to vector<16xf32>
      %scan3A_284 = arith.constant 0 : i32
      %scan3A_285 = arith.constant 0 : i32
      %scan3A_286 = arith.constant 32 : i32
      %scan3A_287 = arith.addi %scan3A_285, %scan3A_286 : i32
      %scan3A_288 = arith.constant 1 : i32
      %scan3A_289 = scf.for %scan3A_1106 = %scan3A_285 to %scan3A_287 step %scan3A_288 iter_args(%scan3A_1107 = %scan3A_284) -> (i32)  : i32 {
        %get3A_1108 = arith.index_cast %scan3A_1106 : i32 to index
        %get3A_1109 = arith.constant 0 : index
        %get3A_1110 = tpu.vector_load %arg11[%get3A_1108, %get3A_1109] {strides = array<i32>} : memref<32x768xf32, #tpu.memory_space<vmem>>, vector<1x16xf32>,
        %get3A_1111 = vector.shape_cast %get3A_1110 : vector<1x16xf32> to vector<16xf32>
        %add3A_1112 = arith.addf %get3A_1111, %get3A_48 : vector<16xf32>
        %swap3A = arith.index_cast %scan3A_1106 : i32 to index
        %swap3A_1113 = arith.constant 0 : index
        %swap3A_1114 = tpu.vector_load %arg13[%swap3A, %swap3A_1113] {strides = array<i32>} : memref<32x768xf32, #tpu.memory_space<vmem>>, vector<1x16xf32>,
        %swap3A_1115 = vector.shape_cast %swap3A_1114 : vector<1x16xf32> to vector<16xf32>
        %swap3A_1116 = vector.shape_cast %add3A_1112 : vector<16xf32> to vector<1x16xf32>
        tpu.vector_store %arg13[%swap3A, %swap3A_1113], %swap3A_1116 {strides = array<i32>} : memref<32x768xf32, #tpu.memory_space<vmem>>, vector<1x16xf32>,
        %get3A_1117 = arith.index_cast %scan3A_1106 : i32 to index
        %get3A_1118 = arith.constant 16 : index
        %get3A_1119 = tpu.vector_load %arg11[%get3A_1117, %get3A_1118] {strides = array<i32>} : memref<32x768xf32, #tpu.memory_space<vmem>>, vector<1x16xf32>,
        %get3A_1120 = vector.shape_cast %get3A_1119 : vector<1x16xf32> to vector<16xf32>
        %add3A_1121 = arith.addf %get3A_1120, %get3A_53 : vector<16xf32>
        %swap3A_1122 = arith.index_cast %scan3A_1106 : i32 to index
        %swap3A_1123 = arith.constant 16 : index
        %swap3A_1124 = tpu.vector_load %arg13[%swap3A_1122, %swap3A_1123] {strides = array<i32>} : memref<32x768xf32, #tpu.memory_space<vmem>>, vector<1x16xf32>,
        %swap3A_1125 = vector.shape_cast %swap3A_1124 : vector<1x16xf32> to vector<16xf32>
        %swap3A_1126 = vector.shape_cast %add3A_1121 : vector<16xf32> to vector<1x16xf32>
        tpu.vector_store %arg13[%swap3A_1122, %swap3A_1123], %swap3A_1126 {strides = array<i32>} : memref<32x768xf32, #tpu.memory_space<vmem>>, vector<1x16xf32>,
        %get3A_1127 = arith.index_cast %scan3A_1106 : i32 to index
        %get3A_1128 = arith.constant 32 : index
        %get3A_1129 = tpu.vector_load %arg11[%get3A_1127, %get3A_1128] {strides = array<i32>} : memref<32x768xf32, #tpu.memory_space<vmem>>, vector<1x16xf32>,
        %get3A_1130 = vector.shape_cast %get3A_1129 : vector<1x16xf32> to vector<16xf32>
        %add3A_1131 = arith.addf %get3A_1130, %get3A_58 : vector<16xf32>
        %swap3A_1132 = arith.index_cast %scan3A_1106 : i32 to index
        %swap3A_1133 = arith.constant 32 : index
        %swap3A_1134 = tpu.vector_load %arg13[%swap3A_1132, %swap3A_1133] {strides = array<i32>} : memref<32x768xf32, #tpu.memory_space<vmem>>, vector<1x16xf32>,
        %swap3A_1135 = vector.shape_cast %swap3A_1134 : vector<1x16xf32> to vector<16xf32>
        %swap3A_1136 = vector.shape_cast %add3A_1131 : vector<16xf32> to vector<1x16xf32>
        tpu.vector_store %arg13[%swap3A_1132, %swap3A_1133], %swap3A_1136 {strides = array<i32>} : memref<32x768xf32, #tpu.memory_space<vmem>>, vector<1x16xf32>,
        %get3A_1137 = arith.index_cast %scan3A_1106 : i32 to index
        %get3A_1138 = arith.constant 48 : index
        %get3A_1139 = tpu.vector_load %arg11[%get3A_1137, %get3A_1138] {strides = array<i32>} : memref<32x768xf32, #tpu.memory_space<vmem>>, vector<1x16xf32>,
        %get3A_1140 = vector.shape_cast %get3A_1139 : vector<1x16xf32> to vector<16xf32>
        %add3A_1141 = arith.addf %get3A_1140, %get3A_63 : vector<16xf32>
        %swap3A_1142 = arith.index_cast %scan3A_1106 : i32 to index
        %swap3A_1143 = arith.constant 48 : index
        %swap3A_1144 = tpu.vector_load %arg13[%swap3A_1142, %swap3A_1143] {strides = array<i32>} : memref<32x768xf32, #tpu.memory_space<vmem>>, vector<1x16xf32>,
        %swap3A_1145 = vector.shape_cast %swap3A_1144 : vector<1x16xf32> to vector<16xf32>
        %swap3A_1146 = vector.shape_cast %add3A_1141 : vector<16xf32> to vector<1x16xf32>
        tpu.vector_store %arg13[%swap3A_1142, %swap3A_1143], %swap3A_1146 {strides = array<i32>} : memref<32x768xf32, #tpu.memory_space<vmem>>, vector<1x16xf32>,
        %get3A_1147 = arith.index_cast %scan3A_1106 : i32 to index
        %get3A_1148 = arith.constant 64 : index
        %get3A_1149 = tpu.vector_load %arg11[%get3A_1147, %get3A_1148] {strides = array<i32>} : memref<32x768xf32, #tpu.memory_space<vmem>>, vector<1x16xf32>,
        %get3A_1150 = vector.shape_cast %get3A_1149 : vector<1x16xf32> to vector<16xf32>
        %add3A_1151 = arith.addf %get3A_1150, %get3A_68 : vector<16xf32>
        %swap3A_1152 = arith.index_cast %scan3A_1106 : i32 to index
        %swap3A_1153 = arith.constant 64 : index
        %swap3A_1154 = tpu.vector_load %arg13[%swap3A_1152, %swap3A_1153] {strides = array<i32>} : memref<32x768xf32, #tpu.memory_space<vmem>>, vector<1x16xf32>,
        %swap3A_1155 = vector.shape_cast %swap3A_1154 : vector<1x16xf32> to vector<16xf32>
        %swap3A_1156 = vector.shape_cast %add3A_1151 : vector<16xf32> to vector<1x16xf32>
        tpu.vector_store %arg13[%swap3A_1152, %swap3A_1153], %swap3A_1156 {strides = array<i32>} : memref<32x768xf32, #tpu.memory_space<vmem>>, vector<1x16xf32>,
        %get3A_1157 = arith.index_cast %scan3A_1106 : i32 to index
        %get3A_1158 = arith.constant 80 : index
        %get3A_1159 = tpu.vector_load %arg11[%get3A_1157, %get3A_1158] {strides = array<i32>} : memref<32x768xf32, #tpu.memory_space<vmem>>, vector<1x16xf32>,
        %get3A_1160 = vector.shape_cast %get3A_1159 : vector<1x16xf32> to vector<16xf32>
        %add3A_1161 = arith.addf %get3A_1160, %get3A_73 : vector<16xf32>
        %swap3A_1162 = arith.index_cast %scan3A_1106 : i32 to index
        %swap3A_1163 = arith.constant 80 : index
        %swap3A_1164 = tpu.vector_load %arg13[%swap3A_1162, %swap3A_1163] {strides = array<i32>} : memref<32x768xf32, #tpu.memory_space<vmem>>, vector<1x16xf32>,
        %swap3A_1165 = vector.shape_cast %swap3A_1164 : vector<1x16xf32> to vector<16xf32>
        %swap3A_1166 = vector.shape_cast %add3A_1161 : vector<16xf32> to vector<1x16xf32>
        tpu.vector_store %arg13[%swap3A_1162, %swap3A_1163], %swap3A_1166 {strides = array<i32>} : memref<32x768xf32, #tpu.memory_space<vmem>>, vector<1x16xf32>,
        %get3A_1167 = arith.index_cast %scan3A_1106 : i32 to index
        %get3A_1168 = arith.constant 96 : index
        %get3A_1169 = tpu.vector_load %arg11[%get3A_1167, %get3A_1168] {strides = array<i32>} : memref<32x768xf32, #tpu.memory_space<vmem>>, vector<1x16xf32>,
        %get3A_1170 = vector.shape_cast %get3A_1169 : vector<1x16xf32> to vector<16xf32>
        %add3A_1171 = arith.addf %get3A_1170, %get3A_78 : vector<16xf32>
        %swap3A_1172 = arith.index_cast %scan3A_1106 : i32 to index
        %swap3A_1173 = arith.constant 96 : index
        %swap3A_1174 = tpu.vector_load %arg13[%swap3A_1172, %swap3A_1173] {strides = array<i32>} : memref<32x768xf32, #tpu.memory_space<vmem>>, vector<1x16xf32>,
        %swap3A_1175 = vector.shape_cast %swap3A_1174 : vector<1x16xf32> to vector<16xf32>
        %swap3A_1176 = vector.shape_cast %add3A_1171 : vector<16xf32> to vector<1x16xf32>
        tpu.vector_store %arg13[%swap3A_1172, %swap3A_1173], %swap3A_1176 {strides = array<i32>} : memref<32x768xf32, #tpu.memory_space<vmem>>, vector<1x16xf32>,
        %get3A_1177 = arith.index_cast %scan3A_1106 : i32 to index
        %get3A_1178 = arith.constant 112 : index
        %get3A_1179 = tpu.vector_load %arg11[%get3A_1177, %get3A_1178] {strides = array<i32>} : memref<32x768xf32, #tpu.memory_space<vmem>>, vector<1x16xf32>,
        %get3A_1180 = vector.shape_cast %get3A_1179 : vector<1x16xf32> to vector<16xf32>
        %add3A_1181 = arith.addf %get3A_1180, %get3A_83 : vector<16xf32>
        %swap3A_1182 = arith.index_cast %scan3A_1106 : i32 to index
        %swap3A_1183 = arith.constant 112 : index
        %swap3A_1184 = tpu.vector_load %arg13[%swap3A_1182, %swap3A_1183] {strides = array<i32>} : memref<32x768xf32, #tpu.memory_space<vmem>>, vector<1x16xf32>,
        %swap3A_1185 = vector.shape_cast %swap3A_1184 : vector<1x16xf32> to vector<16xf32>
        %swap3A_1186 = vector.shape_cast %add3A_1181 : vector<16xf32> to vector<1x16xf32>
        tpu.vector_store %arg13[%swap3A_1182, %swap3A_1183], %swap3A_1186 {strides = array<i32>} : memref<32x768xf32, #tpu.memory_space<vmem>>, vector<1x16xf32>,
        %get3A_1187 = arith.index_cast %scan3A_1106 : i32 to index
        %get3A_1188 = arith.constant 128 : index
        %get3A_1189 = tpu.vector_load %arg11[%get3A_1187, %get3A_1188] {strides = array<i32>} : memref<32x768xf32, #tpu.memory_space<vmem>>, vector<1x16xf32>,
        %get3A_1190 = vector.shape_cast %get3A_1189 : vector<1x16xf32> to vector<16xf32>
        %add3A_1191 = arith.addf %get3A_1190, %get3A_88 : vector<16xf32>
        %swap3A_1192 = arith.index_cast %scan3A_1106 : i32 to index
        %swap3A_1193 = arith.constant 128 : index
        %swap3A_1194 = tpu.vector_load %arg13[%swap3A_1192, %swap3A_1193] {strides = array<i32>} : memref<32x768xf32, #tpu.memory_space<vmem>>, vector<1x16xf32>,
        %swap3A_1195 = vector.shape_cast %swap3A_1194 : vector<1x16xf32> to vector<16xf32>
        %swap3A_1196 = vector.shape_cast %add3A_1191 : vector<16xf32> to vector<1x16xf32>
        tpu.vector_store %arg13[%swap3A_1192, %swap3A_1193], %swap3A_1196 {strides = array<i32>} : memref<32x768xf32, #tpu.memory_space<vmem>>, vector<1x16xf32>,
        %get3A_1197 = arith.index_cast %scan3A_1106 : i32 to index
        %get3A_1198 = arith.constant 144 : index
        %get3A_1199 = tpu.vector_load %arg11[%get3A_1197, %get3A_1198] {strides = array<i32>} : memref<32x768xf32, #tpu.memory_space<vmem>>, vector<1x16xf32>,
        %get3A_1200 = vector.shape_cast %get3A_1199 : vector<1x16xf32> to vector<16xf32>
        %add3A_1201 = arith.addf %get3A_1200, %get3A_93 : vector<16xf32>
        %swap3A_1202 = arith.index_cast %scan3A_1106 : i32 to index
        %swap3A_1203 = arith.constant 144 : index
        %swap3A_1204 = tpu.vector_load %arg13[%swap3A_1202, %swap3A_1203] {strides = array<i32>} : memref<32x768xf32, #tpu.memory_space<vmem>>, vector<1x16xf32>,
        %swap3A_1205 = vector.shape_cast %swap3A_1204 : vector<1x16xf32> to vector<16xf32>
        %swap3A_1206 = vector.shape_cast %add3A_1201 : vector<16xf32> to vector<1x16xf32>
        tpu.vector_store %arg13[%swap3A_1202, %swap3A_1203], %swap3A_1206 {strides = array<i32>} : memref<32x768xf32, #tpu.memory_space<vmem>>, vector<1x16xf32>,
        %get3A_1207 = arith.index_cast %scan3A_1106 : i32 to index
        %get3A_1208 = arith.constant 160 : index
        %get3A_1209 = tpu.vector_load %arg11[%get3A_1207, %get3A_1208] {strides = array<i32>} : memref<32x768xf32, #tpu.memory_space<vmem>>, vector<1x16xf32>,
        %get3A_1210 = vector.shape_cast %get3A_1209 : vector<1x16xf32> to vector<16xf32>
        %add3A_1211 = arith.addf %get3A_1210, %get3A_98 : vector<16xf32>
        %swap3A_1212 = arith.index_cast %scan3A_1106 : i32 to index
        %swap3A_1213 = arith.constant 160 : index
        %swap3A_1214 = tpu.vector_load %arg13[%swap3A_1212, %swap3A_1213] {strides = array<i32>} : memref<32x768xf32, #tpu.memory_space<vmem>>, vector<1x16xf32>,
        %swap3A_1215 = vector.shape_cast %swap3A_1214 : vector<1x16xf32> to vector<16xf32>
        %swap3A_1216 = vector.shape_cast %add3A_1211 : vector<16xf32> to vector<1x16xf32>
        tpu.vector_store %arg13[%swap3A_1212, %swap3A_1213], %swap3A_1216 {strides = array<i32>} : memref<32x768xf32, #tpu.memory_space<vmem>>, vector<1x16xf32>,
        %get3A_1217 = arith.index_cast %scan3A_1106 : i32 to index
        %get3A_1218 = arith.constant 176 : index
        %get3A_1219 = tpu.vector_load %arg11[%get3A_1217, %get3A_1218] {strides = array<i32>} : memref<32x768xf32, #tpu.memory_space<vmem>>, vector<1x16xf32>,
        %get3A_1220 = vector.shape_cast %get3A_1219 : vector<1x16xf32> to vector<16xf32>
        %add3A_1221 = arith.addf %get3A_1220, %get3A_103 : vector<16xf32>
        %swap3A_1222 = arith.index_cast %scan3A_1106 : i32 to index
        %swap3A_1223 = arith.constant 176 : index
        %swap3A_1224 = tpu.vector_load %arg13[%swap3A_1222, %swap3A_1223] {strides = array<i32>} : memref<32x768xf32, #tpu.memory_space<vmem>>, vector<1x16xf32>,
        %swap3A_1225 = vector.shape_cast %swap3A_1224 : vector<1x16xf32> to vector<16xf32>
        %swap3A_1226 = vector.shape_cast %add3A_1221 : vector<16xf32> to vector<1x16xf32>
        tpu.vector_store %arg13[%swap3A_1222, %swap3A_1223], %swap3A_1226 {strides = array<i32>} : memref<32x768xf32, #tpu.memory_space<vmem>>, vector<1x16xf32>,
        %get3A_1227 = arith.index_cast %scan3A_1106 : i32 to index
        %get3A_1228 = arith.constant 192 : index
        %get3A_1229 = tpu.vector_load %arg11[%get3A_1227, %get3A_1228] {strides = array<i32>} : memref<32x768xf32, #tpu.memory_space<vmem>>, vector<1x16xf32>,
        %get3A_1230 = vector.shape_cast %get3A_1229 : vector<1x16xf32> to vector<16xf32>
        %add3A_1231 = arith.addf %get3A_1230, %get3A_108 : vector<16xf32>
        %swap3A_1232 = arith.index_cast %scan3A_1106 : i32 to index
        %swap3A_1233 = arith.constant 192 : index
        %swap3A_1234 = tpu.vector_load %arg13[%swap3A_1232, %swap3A_1233] {strides = array<i32>} : memref<32x768xf32, #tpu.memory_space<vmem>>, vector<1x16xf32>,
        %swap3A_1235 = vector.shape_cast %swap3A_1234 : vector<1x16xf32> to vector<16xf32>
        %swap3A_1236 = vector.shape_cast %add3A_1231 : vector<16xf32> to vector<1x16xf32>
        tpu.vector_store %arg13[%swap3A_1232, %swap3A_1233], %swap3A_1236 {strides = array<i32>} : memref<32x768xf32, #tpu.memory_space<vmem>>, vector<1x16xf32>,
        %get3A_1237 = arith.index_cast %scan3A_1106 : i32 to index
        %get3A_1238 = arith.constant 208 : index
        %get3A_1239 = tpu.vector_load %arg11[%get3A_1237, %get3A_1238] {strides = array<i32>} : memref<32x768xf32, #tpu.memory_space<vmem>>, vector<1x16xf32>,
        %get3A_1240 = vector.shape_cast %get3A_1239 : vector<1x16xf32> to vector<16xf32>
        %add3A_1241 = arith.addf %get3A_1240, %get3A_113 : vector<16xf32>
        %swap3A_1242 = arith.index_cast %scan3A_1106 : i32 to index
        %swap3A_1243 = arith.constant 208 : index
        %swap3A_1244 = tpu.vector_load %arg13[%swap3A_1242, %swap3A_1243] {strides = array<i32>} : memref<32x768xf32, #tpu.memory_space<vmem>>, vector<1x16xf32>,
        %swap3A_1245 = vector.shape_cast %swap3A_1244 : vector<1x16xf32> to vector<16xf32>
        %swap3A_1246 = vector.shape_cast %add3A_1241 : vector<16xf32> to vector<1x16xf32>
        tpu.vector_store %arg13[%swap3A_1242, %swap3A_1243], %swap3A_1246 {strides = array<i32>} : memref<32x768xf32, #tpu.memory_space<vmem>>, vector<1x16xf32>,
        %get3A_1247 = arith.index_cast %scan3A_1106 : i32 to index
        %get3A_1248 = arith.constant 224 : index
        %get3A_1249 = tpu.vector_load %arg11[%get3A_1247, %get3A_1248] {strides = array<i32>} : memref<32x768xf32, #tpu.memory_space<vmem>>, vector<1x16xf32>,
        %get3A_1250 = vector.shape_cast %get3A_1249 : vector<1x16xf32> to vector<16xf32>
        %add3A_1251 = arith.addf %get3A_1250, %get3A_118 : vector<16xf32>
        %swap3A_1252 = arith.index_cast %scan3A_1106 : i32 to index
        %swap3A_1253 = arith.constant 224 : index
        %swap3A_1254 = tpu.vector_load %arg13[%swap3A_1252, %swap3A_1253] {strides = array<i32>} : memref<32x768xf32, #tpu.memory_space<vmem>>, vector<1x16xf32>,
        %swap3A_1255 = vector.shape_cast %swap3A_1254 : vector<1x16xf32> to vector<16xf32>
        %swap3A_1256 = vector.shape_cast %add3A_1251 : vector<16xf32> to vector<1x16xf32>
        tpu.vector_store %arg13[%swap3A_1252, %swap3A_1253], %swap3A_1256 {strides = array<i32>} : memref<32x768xf32, #tpu.memory_space<vmem>>, vector<1x16xf32>,
        %get3A_1257 = arith.index_cast %scan3A_1106 : i32 to index
        %get3A_1258 = arith.constant 240 : index
        %get3A_1259 = tpu.vector_load %arg11[%get3A_1257, %get3A_1258] {strides = array<i32>} : memref<32x768xf32, #tpu.memory_space<vmem>>, vector<1x16xf32>,
        %get3A_1260 = vector.shape_cast %get3A_1259 : vector<1x16xf32> to vector<16xf32>
        %add3A_1261 = arith.addf %get3A_1260, %get3A_123 : vector<16xf32>
        %swap3A_1262 = arith.index_cast %scan3A_1106 : i32 to index
        %swap3A_1263 = arith.constant 240 : index
        %swap3A_1264 = tpu.vector_load %arg13[%swap3A_1262, %swap3A_1263] {strides = array<i32>} : memref<32x768xf32, #tpu.memory_space<vmem>>, vector<1x16xf32>,
        %swap3A_1265 = vector.shape_cast %swap3A_1264 : vector<1x16xf32> to vector<16xf32>
        %swap3A_1266 = vector.shape_cast %add3A_1261 : vector<16xf32> to vector<1x16xf32>
        tpu.vector_store %arg13[%swap3A_1262, %swap3A_1263], %swap3A_1266 {strides = array<i32>} : memref<32x768xf32, #tpu.memory_space<vmem>>, vector<1x16xf32>,
        %get3A_1267 = arith.index_cast %scan3A_1106 : i32 to index
        %get3A_1268 = arith.constant 256 : index
        %get3A_1269 = tpu.vector_load %arg11[%get3A_1267, %get3A_1268] {strides = array<i32>} : memref<32x768xf32, #tpu.memory_space<vmem>>, vector<1x16xf32>,
        %get3A_1270 = vector.shape_cast %get3A_1269 : vector<1x16xf32> to vector<16xf32>
        %add3A_1271 = arith.addf %get3A_1270, %get3A_128 : vector<16xf32>
        %swap3A_1272 = arith.index_cast %scan3A_1106 : i32 to index
        %swap3A_1273 = arith.constant 256 : index
        %swap3A_1274 = tpu.vector_load %arg13[%swap3A_1272, %swap3A_1273] {strides = array<i32>} : memref<32x768xf32, #tpu.memory_space<vmem>>, vector<1x16xf32>,
        %swap3A_1275 = vector.shape_cast %swap3A_1274 : vector<1x16xf32> to vector<16xf32>
        %swap3A_1276 = vector.shape_cast %add3A_1271 : vector<16xf32> to vector<1x16xf32>
        tpu.vector_store %arg13[%swap3A_1272, %swap3A_1273], %swap3A_1276 {strides = array<i32>} : memref<32x768xf32, #tpu.memory_space<vmem>>, vector<1x16xf32>,
        %get3A_1277 = arith.index_cast %scan3A_1106 : i32 to index
        %get3A_1278 = arith.constant 272 : index
        %get3A_1279 = tpu.vector_load %arg11[%get3A_1277, %get3A_1278] {strides = array<i32>} : memref<32x768xf32, #tpu.memory_space<vmem>>, vector<1x16xf32>,
        %get3A_1280 = vector.shape_cast %get3A_1279 : vector<1x16xf32> to vector<16xf32>
        %add3A_1281 = arith.addf %get3A_1280, %get3A_133 : vector<16xf32>
        %swap3A_1282 = arith.index_cast %scan3A_1106 : i32 to index
        %swap3A_1283 = arith.constant 272 : index
        %swap3A_1284 = tpu.vector_load %arg13[%swap3A_1282, %swap3A_1283] {strides = array<i32>} : memref<32x768xf32, #tpu.memory_space<vmem>>, vector<1x16xf32>,
        %swap3A_1285 = vector.shape_cast %swap3A_1284 : vector<1x16xf32> to vector<16xf32>
        %swap3A_1286 = vector.shape_cast %add3A_1281 : vector<16xf32> to vector<1x16xf32>
        tpu.vector_store %arg13[%swap3A_1282, %swap3A_1283], %swap3A_1286 {strides = array<i32>} : memref<32x768xf32, #tpu.memory_space<vmem>>, vector<1x16xf32>,
        %get3A_1287 = arith.index_cast %scan3A_1106 : i32 to index
        %get3A_1288 = arith.constant 288 : index
        %get3A_1289 = tpu.vector_load %arg11[%get3A_1287, %get3A_1288] {strides = array<i32>} : memref<32x768xf32, #tpu.memory_space<vmem>>, vector<1x16xf32>,
        %get3A_1290 = vector.shape_cast %get3A_1289 : vector<1x16xf32> to vector<16xf32>
        %add3A_1291 = arith.addf %get3A_1290, %get3A_138 : vector<16xf32>
        %swap3A_1292 = arith.index_cast %scan3A_1106 : i32 to index
        %swap3A_1293 = arith.constant 288 : index
        %swap3A_1294 = tpu.vector_load %arg13[%swap3A_1292, %swap3A_1293] {strides = array<i32>} : memref<32x768xf32, #tpu.memory_space<vmem>>, vector<1x16xf32>,
        %swap3A_1295 = vector.shape_cast %swap3A_1294 : vector<1x16xf32> to vector<16xf32>
        %swap3A_1296 = vector.shape_cast %add3A_1291 : vector<16xf32> to vector<1x16xf32>
        tpu.vector_store %arg13[%swap3A_1292, %swap3A_1293], %swap3A_1296 {strides = array<i32>} : memref<32x768xf32, #tpu.memory_space<vmem>>, vector<1x16xf32>,
        %get3A_1297 = arith.index_cast %scan3A_1106 : i32 to index
        %get3A_1298 = arith.constant 304 : index
        %get3A_1299 = tpu.vector_load %arg11[%get3A_1297, %get3A_1298] {strides = array<i32>} : memref<32x768xf32, #tpu.memory_space<vmem>>, vector<1x16xf32>,
        %get3A_1300 = vector.shape_cast %get3A_1299 : vector<1x16xf32> to vector<16xf32>
        %add3A_1301 = arith.addf %get3A_1300, %get3A_143 : vector<16xf32>
        %swap3A_1302 = arith.index_cast %scan3A_1106 : i32 to index
        %swap3A_1303 = arith.constant 304 : index
        %swap3A_1304 = tpu.vector_load %arg13[%swap3A_1302, %swap3A_1303] {strides = array<i32>} : memref<32x768xf32, #tpu.memory_space<vmem>>, vector<1x16xf32>,
        %swap3A_1305 = vector.shape_cast %swap3A_1304 : vector<1x16xf32> to vector<16xf32>
        %swap3A_1306 = vector.shape_cast %add3A_1301 : vector<16xf32> to vector<1x16xf32>
        tpu.vector_store %arg13[%swap3A_1302, %swap3A_1303], %swap3A_1306 {strides = array<i32>} : memref<32x768xf32, #tpu.memory_space<vmem>>, vector<1x16xf32>,
        %get3A_1307 = arith.index_cast %scan3A_1106 : i32 to index
        %get3A_1308 = arith.constant 320 : index
        %get3A_1309 = tpu.vector_load %arg11[%get3A_1307, %get3A_1308] {strides = array<i32>} : memref<32x768xf32, #tpu.memory_space<vmem>>, vector<1x16xf32>,
        %get3A_1310 = vector.shape_cast %get3A_1309 : vector<1x16xf32> to vector<16xf32>
        %add3A_1311 = arith.addf %get3A_1310, %get3A_148 : vector<16xf32>
        %swap3A_1312 = arith.index_cast %scan3A_1106 : i32 to index
        %swap3A_1313 = arith.constant 320 : index
        %swap3A_1314 = tpu.vector_load %arg13[%swap3A_1312, %swap3A_1313] {strides = array<i32>} : memref<32x768xf32, #tpu.memory_space<vmem>>, vector<1x16xf32>,
        %swap3A_1315 = vector.shape_cast %swap3A_1314 : vector<1x16xf32> to vector<16xf32>
        %swap3A_1316 = vector.shape_cast %add3A_1311 : vector<16xf32> to vector<1x16xf32>
        tpu.vector_store %arg13[%swap3A_1312, %swap3A_1313], %swap3A_1316 {strides = array<i32>} : memref<32x768xf32, #tpu.memory_space<vmem>>, vector<1x16xf32>,
        %get3A_1317 = arith.index_cast %scan3A_1106 : i32 to index
        %get3A_1318 = arith.constant 336 : index
        %get3A_1319 = tpu.vector_load %arg11[%get3A_1317, %get3A_1318] {strides = array<i32>} : memref<32x768xf32, #tpu.memory_space<vmem>>, vector<1x16xf32>,
        %get3A_1320 = vector.shape_cast %get3A_1319 : vector<1x16xf32> to vector<16xf32>
        %add3A_1321 = arith.addf %get3A_1320, %get3A_153 : vector<16xf32>
        %swap3A_1322 = arith.index_cast %scan3A_1106 : i32 to index
        %swap3A_1323 = arith.constant 336 : index
        %swap3A_1324 = tpu.vector_load %arg13[%swap3A_1322, %swap3A_1323] {strides = array<i32>} : memref<32x768xf32, #tpu.memory_space<vmem>>, vector<1x16xf32>,
        %swap3A_1325 = vector.shape_cast %swap3A_1324 : vector<1x16xf32> to vector<16xf32>
        %swap3A_1326 = vector.shape_cast %add3A_1321 : vector<16xf32> to vector<1x16xf32>
        tpu.vector_store %arg13[%swap3A_1322, %swap3A_1323], %swap3A_1326 {strides = array<i32>} : memref<32x768xf32, #tpu.memory_space<vmem>>, vector<1x16xf32>,
        %get3A_1327 = arith.index_cast %scan3A_1106 : i32 to index
        %get3A_1328 = arith.constant 352 : index
        %get3A_1329 = tpu.vector_load %arg11[%get3A_1327, %get3A_1328] {strides = array<i32>} : memref<32x768xf32, #tpu.memory_space<vmem>>, vector<1x16xf32>,
        %get3A_1330 = vector.shape_cast %get3A_1329 : vector<1x16xf32> to vector<16xf32>
        %add3A_1331 = arith.addf %get3A_1330, %get3A_158 : vector<16xf32>
        %swap3A_1332 = arith.index_cast %scan3A_1106 : i32 to index
        %swap3A_1333 = arith.constant 352 : index
        %swap3A_1334 = tpu.vector_load %arg13[%swap3A_1332, %swap3A_1333] {strides = array<i32>} : memref<32x768xf32, #tpu.memory_space<vmem>>, vector<1x16xf32>,
        %swap3A_1335 = vector.shape_cast %swap3A_1334 : vector<1x16xf32> to vector<16xf32>
        %swap3A_1336 = vector.shape_cast %add3A_1331 : vector<16xf32> to vector<1x16xf32>
        tpu.vector_store %arg13[%swap3A_1332, %swap3A_1333], %swap3A_1336 {strides = array<i32>} : memref<32x768xf32, #tpu.memory_space<vmem>>, vector<1x16xf32>,
        %get3A_1337 = arith.index_cast %scan3A_1106 : i32 to index
        %get3A_1338 = arith.constant 368 : index
        %get3A_1339 = tpu.vector_load %arg11[%get3A_1337, %get3A_1338] {strides = array<i32>} : memref<32x768xf32, #tpu.memory_space<vmem>>, vector<1x16xf32>,
        %get3A_1340 = vector.shape_cast %get3A_1339 : vector<1x16xf32> to vector<16xf32>
        %add3A_1341 = arith.addf %get3A_1340, %get3A_163 : vector<16xf32>
        %swap3A_1342 = arith.index_cast %scan3A_1106 : i32 to index
        %swap3A_1343 = arith.constant 368 : index
        %swap3A_1344 = tpu.vector_load %arg13[%swap3A_1342, %swap3A_1343] {strides = array<i32>} : memref<32x768xf32, #tpu.memory_space<vmem>>, vector<1x16xf32>,
        %swap3A_1345 = vector.shape_cast %swap3A_1344 : vector<1x16xf32> to vector<16xf32>
        %swap3A_1346 = vector.shape_cast %add3A_1341 : vector<16xf32> to vector<1x16xf32>
        tpu.vector_store %arg13[%swap3A_1342, %swap3A_1343], %swap3A_1346 {strides = array<i32>} : memref<32x768xf32, #tpu.memory_space<vmem>>, vector<1x16xf32>,
        %get3A_1347 = arith.index_cast %scan3A_1106 : i32 to index
        %get3A_1348 = arith.constant 384 : index
        %get3A_1349 = tpu.vector_load %arg11[%get3A_1347, %get3A_1348] {strides = array<i32>} : memref<32x768xf32, #tpu.memory_space<vmem>>, vector<1x16xf32>,
        %get3A_1350 = vector.shape_cast %get3A_1349 : vector<1x16xf32> to vector<16xf32>
        %add3A_1351 = arith.addf %get3A_1350, %get3A_168 : vector<16xf32>
        %swap3A_1352 = arith.index_cast %scan3A_1106 : i32 to index
        %swap3A_1353 = arith.constant 384 : index
        %swap3A_1354 = tpu.vector_load %arg13[%swap3A_1352, %swap3A_1353] {strides = array<i32>} : memref<32x768xf32, #tpu.memory_space<vmem>>, vector<1x16xf32>,
        %swap3A_1355 = vector.shape_cast %swap3A_1354 : vector<1x16xf32> to vector<16xf32>
        %swap3A_1356 = vector.shape_cast %add3A_1351 : vector<16xf32> to vector<1x16xf32>
        tpu.vector_store %arg13[%swap3A_1352, %swap3A_1353], %swap3A_1356 {strides = array<i32>} : memref<32x768xf32, #tpu.memory_space<vmem>>, vector<1x16xf32>,
        %get3A_1357 = arith.index_cast %scan3A_1106 : i32 to index
        %get3A_1358 = arith.constant 400 : index
        %get3A_1359 = tpu.vector_load %arg11[%get3A_1357, %get3A_1358] {strides = array<i32>} : memref<32x768xf32, #tpu.memory_space<vmem>>, vector<1x16xf32>,
        %get3A_1360 = vector.shape_cast %get3A_1359 : vector<1x16xf32> to vector<16xf32>
        %add3A_1361 = arith.addf %get3A_1360, %get3A_173 : vector<16xf32>
        %swap3A_1362 = arith.index_cast %scan3A_1106 : i32 to index
        %swap3A_1363 = arith.constant 400 : index
        %swap3A_1364 = tpu.vector_load %arg13[%swap3A_1362, %swap3A_1363] {strides = array<i32>} : memref<32x768xf32, #tpu.memory_space<vmem>>, vector<1x16xf32>,
        %swap3A_1365 = vector.shape_cast %swap3A_1364 : vector<1x16xf32> to vector<16xf32>
        %swap3A_1366 = vector.shape_cast %add3A_1361 : vector<16xf32> to vector<1x16xf32>
        tpu.vector_store %arg13[%swap3A_1362, %swap3A_1363], %swap3A_1366 {strides = array<i32>} : memref<32x768xf32, #tpu.memory_space<vmem>>, vector<1x16xf32>,
        %get3A_1367 = arith.index_cast %scan3A_1106 : i32 to index
        %get3A_1368 = arith.constant 416 : index
        %get3A_1369 = tpu.vector_load %arg11[%get3A_1367, %get3A_1368] {strides = array<i32>} : memref<32x768xf32, #tpu.memory_space<vmem>>, vector<1x16xf32>,
        %get3A_1370 = vector.shape_cast %get3A_1369 : vector<1x16xf32> to vector<16xf32>
        %add3A_1371 = arith.addf %get3A_1370, %get3A_178 : vector<16xf32>
        %swap3A_1372 = arith.index_cast %scan3A_1106 : i32 to index
        %swap3A_1373 = arith.constant 416 : index
        %swap3A_1374 = tpu.vector_load %arg13[%swap3A_1372, %swap3A_1373] {strides = array<i32>} : memref<32x768xf32, #tpu.memory_space<vmem>>, vector<1x16xf32>,
        %swap3A_1375 = vector.shape_cast %swap3A_1374 : vector<1x16xf32> to vector<16xf32>
        %swap3A_1376 = vector.shape_cast %add3A_1371 : vector<16xf32> to vector<1x16xf32>
        tpu.vector_store %arg13[%swap3A_1372, %swap3A_1373], %swap3A_1376 {strides = array<i32>} : memref<32x768xf32, #tpu.memory_space<vmem>>, vector<1x16xf32>,
        %get3A_1377 = arith.index_cast %scan3A_1106 : i32 to index
        %get3A_1378 = arith.constant 432 : index
        %get3A_1379 = tpu.vector_load %arg11[%get3A_1377, %get3A_1378] {strides = array<i32>} : memref<32x768xf32, #tpu.memory_space<vmem>>, vector<1x16xf32>,
        %get3A_1380 = vector.shape_cast %get3A_1379 : vector<1x16xf32> to vector<16xf32>
        %add3A_1381 = arith.addf %get3A_1380, %get3A_183 : vector<16xf32>
        %swap3A_1382 = arith.index_cast %scan3A_1106 : i32 to index
        %swap3A_1383 = arith.constant 432 : index
        %swap3A_1384 = tpu.vector_load %arg13[%swap3A_1382, %swap3A_1383] {strides = array<i32>} : memref<32x768xf32, #tpu.memory_space<vmem>>, vector<1x16xf32>,
        %swap3A_1385 = vector.shape_cast %swap3A_1384 : vector<1x16xf32> to vector<16xf32>
        %swap3A_1386 = vector.shape_cast %add3A_1381 : vector<16xf32> to vector<1x16xf32>
        tpu.vector_store %arg13[%swap3A_1382, %swap3A_1383], %swap3A_1386 {strides = array<i32>} : memref<32x768xf32, #tpu.memory_space<vmem>>, vector<1x16xf32>,
        %get3A_1387 = arith.index_cast %scan3A_1106 : i32 to index
        %get3A_1388 = arith.constant 448 : index
        %get3A_1389 = tpu.vector_load %arg11[%get3A_1387, %get3A_1388] {strides = array<i32>} : memref<32x768xf32, #tpu.memory_space<vmem>>, vector<1x16xf32>,
        %get3A_1390 = vector.shape_cast %get3A_1389 : vector<1x16xf32> to vector<16xf32>
        %add3A_1391 = arith.addf %get3A_1390, %get3A_188 : vector<16xf32>
        %swap3A_1392 = arith.index_cast %scan3A_1106 : i32 to index
        %swap3A_1393 = arith.constant 448 : index
        %swap3A_1394 = tpu.vector_load %arg13[%swap3A_1392, %swap3A_1393] {strides = array<i32>} : memref<32x768xf32, #tpu.memory_space<vmem>>, vector<1x16xf32>,
        %swap3A_1395 = vector.shape_cast %swap3A_1394 : vector<1x16xf32> to vector<16xf32>
        %swap3A_1396 = vector.shape_cast %add3A_1391 : vector<16xf32> to vector<1x16xf32>
        tpu.vector_store %arg13[%swap3A_1392, %swap3A_1393], %swap3A_1396 {strides = array<i32>} : memref<32x768xf32, #tpu.memory_space<vmem>>, vector<1x16xf32>,
        %get3A_1397 = arith.index_cast %scan3A_1106 : i32 to index
        %get3A_1398 = arith.constant 464 : index
        %get3A_1399 = tpu.vector_load %arg11[%get3A_1397, %get3A_1398] {strides = array<i32>} : memref<32x768xf32, #tpu.memory_space<vmem>>, vector<1x16xf32>,
        %get3A_1400 = vector.shape_cast %get3A_1399 : vector<1x16xf32> to vector<16xf32>
        %add3A_1401 = arith.addf %get3A_1400, %get3A_193 : vector<16xf32>
        %swap3A_1402 = arith.index_cast %scan3A_1106 : i32 to index
        %swap3A_1403 = arith.constant 464 : index
        %swap3A_1404 = tpu.vector_load %arg13[%swap3A_1402, %swap3A_1403] {strides = array<i32>} : memref<32x768xf32, #tpu.memory_space<vmem>>, vector<1x16xf32>,
        %swap3A_1405 = vector.shape_cast %swap3A_1404 : vector<1x16xf32> to vector<16xf32>
        %swap3A_1406 = vector.shape_cast %add3A_1401 : vector<16xf32> to vector<1x16xf32>
        tpu.vector_store %arg13[%swap3A_1402, %swap3A_1403], %swap3A_1406 {strides = array<i32>} : memref<32x768xf32, #tpu.memory_space<vmem>>, vector<1x16xf32>,
        %get3A_1407 = arith.index_cast %scan3A_1106 : i32 to index
        %get3A_1408 = arith.constant 480 : index
        %get3A_1409 = tpu.vector_load %arg11[%get3A_1407, %get3A_1408] {strides = array<i32>} : memref<32x768xf32, #tpu.memory_space<vmem>>, vector<1x16xf32>,
        %get3A_1410 = vector.shape_cast %get3A_1409 : vector<1x16xf32> to vector<16xf32>
        %add3A_1411 = arith.addf %get3A_1410, %get3A_198 : vector<16xf32>
        %swap3A_1412 = arith.index_cast %scan3A_1106 : i32 to index
        %swap3A_1413 = arith.constant 480 : index
        %swap3A_1414 = tpu.vector_load %arg13[%swap3A_1412, %swap3A_1413] {strides = array<i32>} : memref<32x768xf32, #tpu.memory_space<vmem>>, vector<1x16xf32>,
        %swap3A_1415 = vector.shape_cast %swap3A_1414 : vector<1x16xf32> to vector<16xf32>
        %swap3A_1416 = vector.shape_cast %add3A_1411 : vector<16xf32> to vector<1x16xf32>
        tpu.vector_store %arg13[%swap3A_1412, %swap3A_1413], %swap3A_1416 {strides = array<i32>} : memref<32x768xf32, #tpu.memory_space<vmem>>, vector<1x16xf32>,
        %get3A_1417 = arith.index_cast %scan3A_1106 : i32 to index
        %get3A_1418 = arith.constant 496 : index
        %get3A_1419 = tpu.vector_load %arg11[%get3A_1417, %get3A_1418] {strides = array<i32>} : memref<32x768xf32, #tpu.memory_space<vmem>>, vector<1x16xf32>,
        %get3A_1420 = vector.shape_cast %get3A_1419 : vector<1x16xf32> to vector<16xf32>
        %add3A_1421 = arith.addf %get3A_1420, %get3A_203 : vector<16xf32>
        %swap3A_1422 = arith.index_cast %scan3A_1106 : i32 to index
        %swap3A_1423 = arith.constant 496 : index
        %swap3A_1424 = tpu.vector_load %arg13[%swap3A_1422, %swap3A_1423] {strides = array<i32>} : memref<32x768xf32, #tpu.memory_space<vmem>>, vector<1x16xf32>,
        %swap3A_1425 = vector.shape_cast %swap3A_1424 : vector<1x16xf32> to vector<16xf32>
        %swap3A_1426 = vector.shape_cast %add3A_1421 : vector<16xf32> to vector<1x16xf32>
        tpu.vector_store %arg13[%swap3A_1422, %swap3A_1423], %swap3A_1426 {strides = array<i32>} : memref<32x768xf32, #tpu.memory_space<vmem>>, vector<1x16xf32>,
        %get3A_1427 = arith.index_cast %scan3A_1106 : i32 to index
        %get3A_1428 = arith.constant 512 : index
        %get3A_1429 = tpu.vector_load %arg11[%get3A_1427, %get3A_1428] {strides = array<i32>} : memref<32x768xf32, #tpu.memory_space<vmem>>, vector<1x16xf32>,
        %get3A_1430 = vector.shape_cast %get3A_1429 : vector<1x16xf32> to vector<16xf32>
        %add3A_1431 = arith.addf %get3A_1430, %get3A_208 : vector<16xf32>
        %swap3A_1432 = arith.index_cast %scan3A_1106 : i32 to index
        %swap3A_1433 = arith.constant 512 : index
        %swap3A_1434 = tpu.vector_load %arg13[%swap3A_1432, %swap3A_1433] {strides = array<i32>} : memref<32x768xf32, #tpu.memory_space<vmem>>, vector<1x16xf32>,
        %swap3A_1435 = vector.shape_cast %swap3A_1434 : vector<1x16xf32> to vector<16xf32>
        %swap3A_1436 = vector.shape_cast %add3A_1431 : vector<16xf32> to vector<1x16xf32>
        tpu.vector_store %arg13[%swap3A_1432, %swap3A_1433], %swap3A_1436 {strides = array<i32>} : memref<32x768xf32, #tpu.memory_space<vmem>>, vector<1x16xf32>,
        %get3A_1437 = arith.index_cast %scan3A_1106 : i32 to index
        %get3A_1438 = arith.constant 528 : index
        %get3A_1439 = tpu.vector_load %arg11[%get3A_1437, %get3A_1438] {strides = array<i32>} : memref<32x768xf32, #tpu.memory_space<vmem>>, vector<1x16xf32>,
        %get3A_1440 = vector.shape_cast %get3A_1439 : vector<1x16xf32> to vector<16xf32>
        %add3A_1441 = arith.addf %get3A_1440, %get3A_213 : vector<16xf32>
        %swap3A_1442 = arith.index_cast %scan3A_1106 : i32 to index
        %swap3A_1443 = arith.constant 528 : index
        %swap3A_1444 = tpu.vector_load %arg13[%swap3A_1442, %swap3A_1443] {strides = array<i32>} : memref<32x768xf32, #tpu.memory_space<vmem>>, vector<1x16xf32>,
        %swap3A_1445 = vector.shape_cast %swap3A_1444 : vector<1x16xf32> to vector<16xf32>
        %swap3A_1446 = vector.shape_cast %add3A_1441 : vector<16xf32> to vector<1x16xf32>
        tpu.vector_store %arg13[%swap3A_1442, %swap3A_1443], %swap3A_1446 {strides = array<i32>} : memref<32x768xf32, #tpu.memory_space<vmem>>, vector<1x16xf32>,
        %get3A_1447 = arith.index_cast %scan3A_1106 : i32 to index
        %get3A_1448 = arith.constant 544 : index
        %get3A_1449 = tpu.vector_load %arg11[%get3A_1447, %get3A_1448] {strides = array<i32>} : memref<32x768xf32, #tpu.memory_space<vmem>>, vector<1x16xf32>,
        %get3A_1450 = vector.shape_cast %get3A_1449 : vector<1x16xf32> to vector<16xf32>
        %add3A_1451 = arith.addf %get3A_1450, %get3A_218 : vector<16xf32>
        %swap3A_1452 = arith.index_cast %scan3A_1106 : i32 to index
        %swap3A_1453 = arith.constant 544 : index
        %swap3A_1454 = tpu.vector_load %arg13[%swap3A_1452, %swap3A_1453] {strides = array<i32>} : memref<32x768xf32, #tpu.memory_space<vmem>>, vector<1x16xf32>,
        %swap3A_1455 = vector.shape_cast %swap3A_1454 : vector<1x16xf32> to vector<16xf32>
        %swap3A_1456 = vector.shape_cast %add3A_1451 : vector<16xf32> to vector<1x16xf32>
        tpu.vector_store %arg13[%swap3A_1452, %swap3A_1453], %swap3A_1456 {strides = array<i32>} : memref<32x768xf32, #tpu.memory_space<vmem>>, vector<1x16xf32>,
        %get3A_1457 = arith.index_cast %scan3A_1106 : i32 to index
        %get3A_1458 = arith.constant 560 : index
        %get3A_1459 = tpu.vector_load %arg11[%get3A_1457, %get3A_1458] {strides = array<i32>} : memref<32x768xf32, #tpu.memory_space<vmem>>, vector<1x16xf32>,
        %get3A_1460 = vector.shape_cast %get3A_1459 : vector<1x16xf32> to vector<16xf32>
        %add3A_1461 = arith.addf %get3A_1460, %get3A_223 : vector<16xf32>
        %swap3A_1462 = arith.index_cast %scan3A_1106 : i32 to index
        %swap3A_1463 = arith.constant 560 : index
        %swap3A_1464 = tpu.vector_load %arg13[%swap3A_1462, %swap3A_1463] {strides = array<i32>} : memref<32x768xf32, #tpu.memory_space<vmem>>, vector<1x16xf32>,
        %swap3A_1465 = vector.shape_cast %swap3A_1464 : vector<1x16xf32> to vector<16xf32>
        %swap3A_1466 = vector.shape_cast %add3A_1461 : vector<16xf32> to vector<1x16xf32>
        tpu.vector_store %arg13[%swap3A_1462, %swap3A_1463], %swap3A_1466 {strides = array<i32>} : memref<32x768xf32, #tpu.memory_space<vmem>>, vector<1x16xf32>,
        %get3A_1467 = arith.index_cast %scan3A_1106 : i32 to index
        %get3A_1468 = arith.constant 576 : index
        %get3A_1469 = tpu.vector_load %arg11[%get3A_1467, %get3A_1468] {strides = array<i32>} : memref<32x768xf32, #tpu.memory_space<vmem>>, vector<1x16xf32>,
        %get3A_1470 = vector.shape_cast %get3A_1469 : vector<1x16xf32> to vector<16xf32>
        %add3A_1471 = arith.addf %get3A_1470, %get3A_228 : vector<16xf32>
        %swap3A_1472 = arith.index_cast %scan3A_1106 : i32 to index
        %swap3A_1473 = arith.constant 576 : index
        %swap3A_1474 = tpu.vector_load %arg13[%swap3A_1472, %swap3A_1473] {strides = array<i32>} : memref<32x768xf32, #tpu.memory_space<vmem>>, vector<1x16xf32>,
        %swap3A_1475 = vector.shape_cast %swap3A_1474 : vector<1x16xf32> to vector<16xf32>
        %swap3A_1476 = vector.shape_cast %add3A_1471 : vector<16xf32> to vector<1x16xf32>
        tpu.vector_store %arg13[%swap3A_1472, %swap3A_1473], %swap3A_1476 {strides = array<i32>} : memref<32x768xf32, #tpu.memory_space<vmem>>, vector<1x16xf32>,
        %get3A_1477 = arith.index_cast %scan3A_1106 : i32 to index
        %get3A_1478 = arith.constant 592 : index
        %get3A_1479 = tpu.vector_load %arg11[%get3A_1477, %get3A_1478] {strides = array<i32>} : memref<32x768xf32, #tpu.memory_space<vmem>>, vector<1x16xf32>,
        %get3A_1480 = vector.shape_cast %get3A_1479 : vector<1x16xf32> to vector<16xf32>
        %add3A_1481 = arith.addf %get3A_1480, %get3A_233 : vector<16xf32>
        %swap3A_1482 = arith.index_cast %scan3A_1106 : i32 to index
        %swap3A_1483 = arith.constant 592 : index
        %swap3A_1484 = tpu.vector_load %arg13[%swap3A_1482, %swap3A_1483] {strides = array<i32>} : memref<32x768xf32, #tpu.memory_space<vmem>>, vector<1x16xf32>,
        %swap3A_1485 = vector.shape_cast %swap3A_1484 : vector<1x16xf32> to vector<16xf32>
        %swap3A_1486 = vector.shape_cast %add3A_1481 : vector<16xf32> to vector<1x16xf32>
        tpu.vector_store %arg13[%swap3A_1482, %swap3A_1483], %swap3A_1486 {strides = array<i32>} : memref<32x768xf32, #tpu.memory_space<vmem>>, vector<1x16xf32>,
        %get3A_1487 = arith.index_cast %scan3A_1106 : i32 to index
        %get3A_1488 = arith.constant 608 : index
        %get3A_1489 = tpu.vector_load %arg11[%get3A_1487, %get3A_1488] {strides = array<i32>} : memref<32x768xf32, #tpu.memory_space<vmem>>, vector<1x16xf32>,
        %get3A_1490 = vector.shape_cast %get3A_1489 : vector<1x16xf32> to vector<16xf32>
        %add3A_1491 = arith.addf %get3A_1490, %get3A_238 : vector<16xf32>
        %swap3A_1492 = arith.index_cast %scan3A_1106 : i32 to index
        %swap3A_1493 = arith.constant 608 : index
        %swap3A_1494 = tpu.vector_load %arg13[%swap3A_1492, %swap3A_1493] {strides = array<i32>} : memref<32x768xf32, #tpu.memory_space<vmem>>, vector<1x16xf32>,
        %swap3A_1495 = vector.shape_cast %swap3A_1494 : vector<1x16xf32> to vector<16xf32>
        %swap3A_1496 = vector.shape_cast %add3A_1491 : vector<16xf32> to vector<1x16xf32>
        tpu.vector_store %arg13[%swap3A_1492, %swap3A_1493], %swap3A_1496 {strides = array<i32>} : memref<32x768xf32, #tpu.memory_space<vmem>>, vector<1x16xf32>,
        %get3A_1497 = arith.index_cast %scan3A_1106 : i32 to index
        %get3A_1498 = arith.constant 624 : index
        %get3A_1499 = tpu.vector_load %arg11[%get3A_1497, %get3A_1498] {strides = array<i32>} : memref<32x768xf32, #tpu.memory_space<vmem>>, vector<1x16xf32>,
        %get3A_1500 = vector.shape_cast %get3A_1499 : vector<1x16xf32> to vector<16xf32>
        %add3A_1501 = arith.addf %get3A_1500, %get3A_243 : vector<16xf32>
        %swap3A_1502 = arith.index_cast %scan3A_1106 : i32 to index
        %swap3A_1503 = arith.constant 624 : index
        %swap3A_1504 = tpu.vector_load %arg13[%swap3A_1502, %swap3A_1503] {strides = array<i32>} : memref<32x768xf32, #tpu.memory_space<vmem>>, vector<1x16xf32>,
        %swap3A_1505 = vector.shape_cast %swap3A_1504 : vector<1x16xf32> to vector<16xf32>
        %swap3A_1506 = vector.shape_cast %add3A_1501 : vector<16xf32> to vector<1x16xf32>
        tpu.vector_store %arg13[%swap3A_1502, %swap3A_1503], %swap3A_1506 {strides = array<i32>} : memref<32x768xf32, #tpu.memory_space<vmem>>, vector<1x16xf32>,
        %get3A_1507 = arith.index_cast %scan3A_1106 : i32 to index
        %get3A_1508 = arith.constant 640 : index
        %get3A_1509 = tpu.vector_load %arg11[%get3A_1507, %get3A_1508] {strides = array<i32>} : memref<32x768xf32, #tpu.memory_space<vmem>>, vector<1x16xf32>,
        %get3A_1510 = vector.shape_cast %get3A_1509 : vector<1x16xf32> to vector<16xf32>
        %add3A_1511 = arith.addf %get3A_1510, %get3A_248 : vector<16xf32>
        %swap3A_1512 = arith.index_cast %scan3A_1106 : i32 to index
        %swap3A_1513 = arith.constant 640 : index
        %swap3A_1514 = tpu.vector_load %arg13[%swap3A_1512, %swap3A_1513] {strides = array<i32>} : memref<32x768xf32, #tpu.memory_space<vmem>>, vector<1x16xf32>,
        %swap3A_1515 = vector.shape_cast %swap3A_1514 : vector<1x16xf32> to vector<16xf32>
        %swap3A_1516 = vector.shape_cast %add3A_1511 : vector<16xf32> to vector<1x16xf32>
        tpu.vector_store %arg13[%swap3A_1512, %swap3A_1513], %swap3A_1516 {strides = array<i32>} : memref<32x768xf32, #tpu.memory_space<vmem>>, vector<1x16xf32>,
        %get3A_1517 = arith.index_cast %scan3A_1106 : i32 to index
        %get3A_1518 = arith.constant 656 : index
        %get3A_1519 = tpu.vector_load %arg11[%get3A_1517, %get3A_1518] {strides = array<i32>} : memref<32x768xf32, #tpu.memory_space<vmem>>, vector<1x16xf32>,
        %get3A_1520 = vector.shape_cast %get3A_1519 : vector<1x16xf32> to vector<16xf32>
        %add3A_1521 = arith.addf %get3A_1520, %get3A_253 : vector<16xf32>
        %swap3A_1522 = arith.index_cast %scan3A_1106 : i32 to index
        %swap3A_1523 = arith.constant 656 : index
        %swap3A_1524 = tpu.vector_load %arg13[%swap3A_1522, %swap3A_1523] {strides = array<i32>} : memref<32x768xf32, #tpu.memory_space<vmem>>, vector<1x16xf32>,
        %swap3A_1525 = vector.shape_cast %swap3A_1524 : vector<1x16xf32> to vector<16xf32>
        %swap3A_1526 = vector.shape_cast %add3A_1521 : vector<16xf32> to vector<1x16xf32>
        tpu.vector_store %arg13[%swap3A_1522, %swap3A_1523], %swap3A_1526 {strides = array<i32>} : memref<32x768xf32, #tpu.memory_space<vmem>>, vector<1x16xf32>,
        %get3A_1527 = arith.index_cast %scan3A_1106 : i32 to index
        %get3A_1528 = arith.constant 672 : index
        %get3A_1529 = tpu.vector_load %arg11[%get3A_1527, %get3A_1528] {strides = array<i32>} : memref<32x768xf32, #tpu.memory_space<vmem>>, vector<1x16xf32>,
        %get3A_1530 = vector.shape_cast %get3A_1529 : vector<1x16xf32> to vector<16xf32>
        %add3A_1531 = arith.addf %get3A_1530, %get3A_258 : vector<16xf32>
        %swap3A_1532 = arith.index_cast %scan3A_1106 : i32 to index
        %swap3A_1533 = arith.constant 672 : index
        %swap3A_1534 = tpu.vector_load %arg13[%swap3A_1532, %swap3A_1533] {strides = array<i32>} : memref<32x768xf32, #tpu.memory_space<vmem>>, vector<1x16xf32>,
        %swap3A_1535 = vector.shape_cast %swap3A_1534 : vector<1x16xf32> to vector<16xf32>
        %swap3A_1536 = vector.shape_cast %add3A_1531 : vector<16xf32> to vector<1x16xf32>
        tpu.vector_store %arg13[%swap3A_1532, %swap3A_1533], %swap3A_1536 {strides = array<i32>} : memref<32x768xf32, #tpu.memory_space<vmem>>, vector<1x16xf32>,
        %get3A_1537 = arith.index_cast %scan3A_1106 : i32 to index
        %get3A_1538 = arith.constant 688 : index
        %get3A_1539 = tpu.vector_load %arg11[%get3A_1537, %get3A_1538] {strides = array<i32>} : memref<32x768xf32, #tpu.memory_space<vmem>>, vector<1x16xf32>,
        %get3A_1540 = vector.shape_cast %get3A_1539 : vector<1x16xf32> to vector<16xf32>
        %add3A_1541 = arith.addf %get3A_1540, %get3A_263 : vector<16xf32>
        %swap3A_1542 = arith.index_cast %scan3A_1106 : i32 to index
        %swap3A_1543 = arith.constant 688 : index
        %swap3A_1544 = tpu.vector_load %arg13[%swap3A_1542, %swap3A_1543] {strides = array<i32>} : memref<32x768xf32, #tpu.memory_space<vmem>>, vector<1x16xf32>,
        %swap3A_1545 = vector.shape_cast %swap3A_1544 : vector<1x16xf32> to vector<16xf32>
        %swap3A_1546 = vector.shape_cast %add3A_1541 : vector<16xf32> to vector<1x16xf32>
        tpu.vector_store %arg13[%swap3A_1542, %swap3A_1543], %swap3A_1546 {strides = array<i32>} : memref<32x768xf32, #tpu.memory_space<vmem>>, vector<1x16xf32>,
        %get3A_1547 = arith.index_cast %scan3A_1106 : i32 to index
        %get3A_1548 = arith.constant 704 : index
        %get3A_1549 = tpu.vector_load %arg11[%get3A_1547, %get3A_1548] {strides = array<i32>} : memref<32x768xf32, #tpu.memory_space<vmem>>, vector<1x16xf32>,
        %get3A_1550 = vector.shape_cast %get3A_1549 : vector<1x16xf32> to vector<16xf32>
        %add3A_1551 = arith.addf %get3A_1550, %get3A_268 : vector<16xf32>
        %swap3A_1552 = arith.index_cast %scan3A_1106 : i32 to index
        %swap3A_1553 = arith.constant 704 : index
        %swap3A_1554 = tpu.vector_load %arg13[%swap3A_1552, %swap3A_1553] {strides = array<i32>} : memref<32x768xf32, #tpu.memory_space<vmem>>, vector<1x16xf32>,
        %swap3A_1555 = vector.shape_cast %swap3A_1554 : vector<1x16xf32> to vector<16xf32>
        %swap3A_1556 = vector.shape_cast %add3A_1551 : vector<16xf32> to vector<1x16xf32>
        tpu.vector_store %arg13[%swap3A_1552, %swap3A_1553], %swap3A_1556 {strides = array<i32>} : memref<32x768xf32, #tpu.memory_space<vmem>>, vector<1x16xf32>,
        %get3A_1557 = arith.index_cast %scan3A_1106 : i32 to index
        %get3A_1558 = arith.constant 720 : index
        %get3A_1559 = tpu.vector_load %arg11[%get3A_1557, %get3A_1558] {strides = array<i32>} : memref<32x768xf32, #tpu.memory_space<vmem>>, vector<1x16xf32>,
        %get3A_1560 = vector.shape_cast %get3A_1559 : vector<1x16xf32> to vector<16xf32>
        %add3A_1561 = arith.addf %get3A_1560, %get3A_273 : vector<16xf32>
        %swap3A_1562 = arith.index_cast %scan3A_1106 : i32 to index
        %swap3A_1563 = arith.constant 720 : index
        %swap3A_1564 = tpu.vector_load %arg13[%swap3A_1562, %swap3A_1563] {strides = array<i32>} : memref<32x768xf32, #tpu.memory_space<vmem>>, vector<1x16xf32>,
        %swap3A_1565 = vector.shape_cast %swap3A_1564 : vector<1x16xf32> to vector<16xf32>
        %swap3A_1566 = vector.shape_cast %add3A_1561 : vector<16xf32> to vector<1x16xf32>
        tpu.vector_store %arg13[%swap3A_1562, %swap3A_1563], %swap3A_1566 {strides = array<i32>} : memref<32x768xf32, #tpu.memory_space<vmem>>, vector<1x16xf32>,
        %get3A_1567 = arith.index_cast %scan3A_1106 : i32 to index
        %get3A_1568 = arith.constant 736 : index
        %get3A_1569 = tpu.vector_load %arg11[%get3A_1567, %get3A_1568] {strides = array<i32>} : memref<32x768xf32, #tpu.memory_space<vmem>>, vector<1x16xf32>,
        %get3A_1570 = vector.shape_cast %get3A_1569 : vector<1x16xf32> to vector<16xf32>
        %add3A_1571 = arith.addf %get3A_1570, %get3A_278 : vector<16xf32>
        %swap3A_1572 = arith.index_cast %scan3A_1106 : i32 to index
        %swap3A_1573 = arith.constant 736 : index
        %swap3A_1574 = tpu.vector_load %arg13[%swap3A_1572, %swap3A_1573] {strides = array<i32>} : memref<32x768xf32, #tpu.memory_space<vmem>>, vector<1x16xf32>,
        %swap3A_1575 = vector.shape_cast %swap3A_1574 : vector<1x16xf32> to vector<16xf32>
        %swap3A_1576 = vector.shape_cast %add3A_1571 : vector<16xf32> to vector<1x16xf32>
        tpu.vector_store %arg13[%swap3A_1572, %swap3A_1573], %swap3A_1576 {strides = array<i32>} : memref<32x768xf32, #tpu.memory_space<vmem>>, vector<1x16xf32>,
        %get3A_1577 = arith.index_cast %scan3A_1106 : i32 to index
        %get3A_1578 = arith.constant 752 : index
        %get3A_1579 = tpu.vector_load %arg11[%get3A_1577, %get3A_1578] {strides = array<i32>} : memref<32x768xf32, #tpu.memory_space<vmem>>, vector<1x16xf32>,
        %get3A_1580 = vector.shape_cast %get3A_1579 : vector<1x16xf32> to vector<16xf32>
        %add3A_1581 = arith.addf %get3A_1580, %get3A_283 : vector<16xf32>
        %swap3A_1582 = arith.index_cast %scan3A_1106 : i32 to index
        %swap3A_1583 = arith.constant 752 : index
        %swap3A_1584 = tpu.vector_load %arg13[%swap3A_1582, %swap3A_1583] {strides = array<i32>} : memref<32x768xf32, #tpu.memory_space<vmem>>, vector<1x16xf32>,
        %swap3A_1585 = vector.shape_cast %swap3A_1584 : vector<1x16xf32> to vector<16xf32>
        %swap3A_1586 = vector.shape_cast %add3A_1581 : vector<16xf32> to vector<1x16xf32>
        tpu.vector_store %arg13[%swap3A_1582, %swap3A_1583], %swap3A_1586 {strides = array<i32>} : memref<32x768xf32, #tpu.memory_space<vmem>>, vector<1x16xf32>,
        %scan3A_1587 = arith.constant 0 : i32
        scf.yield %scan3A_1587 : i32
      }
      %scan3A_290 = arith.constant 32 : i32
      %add3A_291 = arith.constant 0 : i32
      %add3A_292 = arith.addi %add3A_4, %add3A_291 : i32
      %mul3A_293 = arith.constant 256 : i32
      %mul3A_294 = arith.muli %add3A_292, %mul3A_293 : i32
      %mul3A_295 = arith.constant 32 : i32
      %mul3A_296 = arith.muli %add3A_35, %mul3A_295 : i32
      %add3A_297 = arith.addi %mul3A_294, %mul3A_296 : i32
      %dma_start3A_298 = arith.constant 0 : i32
      %dma_start3A_299 = tpu.memref_slice %arg6[%add3A_297, %dma_start3A_298] : memref<65536x768xf32, #tpu.memory_space<hbm>> -> memref<32x768xf32, #tpu.memory_space<hbm>>
      %dma_start3A_300 = arith.constant 0 : i32
      %dma_start3A_301 = tpu.memref_slice %arg6[%add3A_297, %dma_start3A_300] : memref<65536x768xf32, #tpu.memory_space<hbm>> -> memref<32x768xf32, #tpu.memory_space<hbm>>
      tpu.enqueue_dma source(%arg13 : memref<32x768xf32, #tpu.memory_space<vmem>>) target(%dma_start3A_301 : memref<32x768xf32, #tpu.memory_space<hbm>>) target_semaphore(%arg17 : memref<!tpu.dma_semaphore, #tpu.memory_space<semaphore_mem>>)
      %gt3A_302 = arith.constant 0 : i32
      %gt3A_303 = arith.cmpi sgt, %scan3A_30, %gt3A_302 : i32
      %convert_element_type3A_304 = arith.extui %gt3A_303 : i1 to i32
      %cond3A_305 = arith.constant 0 : i32
      %cond3A_306 = arith.cmpi ne, %convert_element_type3A_304, %cond3A_305 : i32
      scf.if %cond3A_306 {
        %dma_wait3A_1106 = arith.constant 0 : i32
        %dma_wait3A_1107 = arith.constant 0 : i32
        %dma_wait3A_1108 = tpu.memref_slice %arg6[%dma_wait3A_1106, %dma_wait3A_1107] : memref<65536x768xf32, #tpu.memory_space<hbm>> -> memref<32x768xf32, #tpu.memory_space<hbm>>
        %dma_wait3A_1109 = arith.constant 0 : i32
        %dma_wait3A_1110 = arith.constant 0 : i32
        %dma_wait3A_1111 = tpu.memref_slice %arg6[%dma_wait3A_1109, %dma_wait3A_1110] : memref<65536x768xf32, #tpu.memory_space<hbm>> -> memref<32x768xf32, #tpu.memory_space<hbm>>
        tpu.wait_dma2 semaphore(%arg18 : memref<!tpu.dma_semaphore, #tpu.memory_space<semaphore_mem>>) src(%arg14 : memref<32x768xf32, #tpu.memory_space<vmem>>) dst(%dma_wait3A_1111 : memref<32x768xf32, #tpu.memory_space<hbm>>)
      } else {
      }
      %get3A_307 = arith.constant 1 : i32
      %get3A_308 = arith.index_cast %get3A_307 : i32 to index
      %get3A_309 = arith.constant 0 : index
      %get3A_310 = tpu.vector_load %arg10[%get3A_308, %get3A_309] {strides = array<i32>} : memref<8x768xf32, #tpu.memory_space<vmem>>, vector<1x16xf32>,
      %get3A_311 = vector.shape_cast %get3A_310 : vector<1x16xf32> to vector<16xf32>
      %get3A_312 = arith.constant 1 : i32
      %get3A_313 = arith.index_cast %get3A_312 : i32 to index
      %get3A_314 = arith.constant 16 : index
      %get3A_315 = tpu.vector_load %arg10[%get3A_313, %get3A_314] {strides = array<i32>} : memref<8x768xf32, #tpu.memory_space<vmem>>, vector<1x16xf32>,
      %get3A_316 = vector.shape_cast %get3A_315 : vector<1x16xf32> to vector<16xf32>
      %get3A_317 = arith.constant 1 : i32
      %get3A_318 = arith.index_cast %get3A_317 : i32 to index
      %get3A_319 = arith.constant 32 : index
      %get3A_320 = tpu.vector_load %arg10[%get3A_318, %get3A_319] {strides = array<i32>} : memref<8x768xf32, #tpu.memory_space<vmem>>, vector<1x16xf32>,
      %get3A_321 = vector.shape_cast %get3A_320 : vector<1x16xf32> to vector<16xf32>
      %get3A_322 = arith.constant 1 : i32
      %get3A_323 = arith.index_cast %get3A_322 : i32 to index
      %get3A_324 = arith.constant 48 : index
      %get3A_325 = tpu.vector_load %arg10[%get3A_323, %get3A_324] {strides = array<i32>} : memref<8x768xf32, #tpu.memory_space<vmem>>, vector<1x16xf32>,
      %get3A_326 = vector.shape_cast %get3A_325 : vector<1x16xf32> to vector<16xf32>
      %get3A_327 = arith.constant 1 : i32
      %get3A_328 = arith.index_cast %get3A_327 : i32 to index
      %get3A_329 = arith.constant 64 : index
      %get3A_330 = tpu.vector_load %arg10[%get3A_328, %get3A_329] {strides = array<i32>} : memref<8x768xf32, #tpu.memory_space<vmem>>, vector<1x16xf32>,
      %get3A_331 = vector.shape_cast %get3A_330 : vector<1x16xf32> to vector<16xf32>
      %get3A_332 = arith.constant 1 : i32
      %get3A_333 = arith.index_cast %get3A_332 : i32 to index
      %get3A_334 = arith.constant 80 : index
      %get3A_335 = tpu.vector_load %arg10[%get3A_333, %get3A_334] {strides = array<i32>} : memref<8x768xf32, #tpu.memory_space<vmem>>, vector<1x16xf32>,
      %get3A_336 = vector.shape_cast %get3A_335 : vector<1x16xf32> to vector<16xf32>
      %get3A_337 = arith.constant 1 : i32
      %get3A_338 = arith.index_cast %get3A_337 : i32 to index
      %get3A_339 = arith.constant 96 : index
      %get3A_340 = tpu.vector_load %arg10[%get3A_338, %get3A_339] {strides = array<i32>} : memref<8x768xf32, #tpu.memory_space<vmem>>, vector<1x16xf32>,
      %get3A_341 = vector.shape_cast %get3A_340 : vector<1x16xf32> to vector<16xf32>
      %get3A_342 = arith.constant 1 : i32
      %get3A_343 = arith.index_cast %get3A_342 : i32 to index
      %get3A_344 = arith.constant 112 : index
      %get3A_345 = tpu.vector_load %arg10[%get3A_343, %get3A_344] {strides = array<i32>} : memref<8x768xf32, #tpu.memory_space<vmem>>, vector<1x16xf32>,
      %get3A_346 = vector.shape_cast %get3A_345 : vector<1x16xf32> to vector<16xf32>
      %get3A_347 = arith.constant 1 : i32
      %get3A_348 = arith.index_cast %get3A_347 : i32 to index
      %get3A_349 = arith.constant 128 : index
      %get3A_350 = tpu.vector_load %arg10[%get3A_348, %get3A_349] {strides = array<i32>} : memref<8x768xf32, #tpu.memory_space<vmem>>, vector<1x16xf32>,
      %get3A_351 = vector.shape_cast %get3A_350 : vector<1x16xf32> to vector<16xf32>
      %get3A_352 = arith.constant 1 : i32
      %get3A_353 = arith.index_cast %get3A_352 : i32 to index
      %get3A_354 = arith.constant 144 : index
      %get3A_355 = tpu.vector_load %arg10[%get3A_353, %get3A_354] {strides = array<i32>} : memref<8x768xf32, #tpu.memory_space<vmem>>, vector<1x16xf32>,
      %get3A_356 = vector.shape_cast %get3A_355 : vector<1x16xf32> to vector<16xf32>
      %get3A_357 = arith.constant 1 : i32
      %get3A_358 = arith.index_cast %get3A_357 : i32 to index
      %get3A_359 = arith.constant 160 : index
      %get3A_360 = tpu.vector_load %arg10[%get3A_358, %get3A_359] {strides = array<i32>} : memref<8x768xf32, #tpu.memory_space<vmem>>, vector<1x16xf32>,
      %get3A_361 = vector.shape_cast %get3A_360 : vector<1x16xf32> to vector<16xf32>
      %get3A_362 = arith.constant 1 : i32
      %get3A_363 = arith.index_cast %get3A_362 : i32 to index
      %get3A_364 = arith.constant 176 : index
      %get3A_365 = tpu.vector_load %arg10[%get3A_363, %get3A_364] {strides = array<i32>} : memref<8x768xf32, #tpu.memory_space<vmem>>, vector<1x16xf32>,
      %get3A_366 = vector.shape_cast %get3A_365 : vector<1x16xf32> to vector<16xf32>
      %get3A_367 = arith.constant 1 : i32
      %get3A_368 = arith.index_cast %get3A_367 : i32 to index
      %get3A_369 = arith.constant 192 : index
      %get3A_370 = tpu.vector_load %arg10[%get3A_368, %get3A_369] {strides = array<i32>} : memref<8x768xf32, #tpu.memory_space<vmem>>, vector<1x16xf32>,
      %get3A_371 = vector.shape_cast %get3A_370 : vector<1x16xf32> to vector<16xf32>
      %get3A_372 = arith.constant 1 : i32
      %get3A_373 = arith.index_cast %get3A_372 : i32 to index
      %get3A_374 = arith.constant 208 : index
      %get3A_375 = tpu.vector_load %arg10[%get3A_373, %get3A_374] {strides = array<i32>} : memref<8x768xf32, #tpu.memory_space<vmem>>, vector<1x16xf32>,
      %get3A_376 = vector.shape_cast %get3A_375 : vector<1x16xf32> to vector<16xf32>
      %get3A_377 = arith.constant 1 : i32
      %get3A_378 = arith.index_cast %get3A_377 : i32 to index
      %get3A_379 = arith.constant 224 : index
      %get3A_380 = tpu.vector_load %arg10[%get3A_378, %get3A_379] {strides = array<i32>} : memref<8x768xf32, #tpu.memory_space<vmem>>, vector<1x16xf32>,
      %get3A_381 = vector.shape_cast %get3A_380 : vector<1x16xf32> to vector<16xf32>
      %get3A_382 = arith.constant 1 : i32
      %get3A_383 = arith.index_cast %get3A_382 : i32 to index
      %get3A_384 = arith.constant 240 : index
      %get3A_385 = tpu.vector_load %arg10[%get3A_383, %get3A_384] {strides = array<i32>} : memref<8x768xf32, #tpu.memory_space<vmem>>, vector<1x16xf32>,
      %get3A_386 = vector.shape_cast %get3A_385 : vector<1x16xf32> to vector<16xf32>
      %get3A_387 = arith.constant 1 : i32
      %get3A_388 = arith.index_cast %get3A_387 : i32 to index
      %get3A_389 = arith.constant 256 : index
      %get3A_390 = tpu.vector_load %arg10[%get3A_388, %get3A_389] {strides = array<i32>} : memref<8x768xf32, #tpu.memory_space<vmem>>, vector<1x16xf32>,
      %get3A_391 = vector.shape_cast %get3A_390 : vector<1x16xf32> to vector<16xf32>
      %get3A_392 = arith.constant 1 : i32
      %get3A_393 = arith.index_cast %get3A_392 : i32 to index
      %get3A_394 = arith.constant 272 : index
      %get3A_395 = tpu.vector_load %arg10[%get3A_393, %get3A_394] {strides = array<i32>} : memref<8x768xf32, #tpu.memory_space<vmem>>, vector<1x16xf32>,
      %get3A_396 = vector.shape_cast %get3A_395 : vector<1x16xf32> to vector<16xf32>
      %get3A_397 = arith.constant 1 : i32
      %get3A_398 = arith.index_cast %get3A_397 : i32 to index
      %get3A_399 = arith.constant 288 : index
      %get3A_400 = tpu.vector_load %arg10[%get3A_398, %get3A_399] {strides = array<i32>} : memref<8x768xf32, #tpu.memory_space<vmem>>, vector<1x16xf32>,
      %get3A_401 = vector.shape_cast %get3A_400 : vector<1x16xf32> to vector<16xf32>
      %get3A_402 = arith.constant 1 : i32
      %get3A_403 = arith.index_cast %get3A_402 : i32 to index
      %get3A_404 = arith.constant 304 : index
      %get3A_405 = tpu.vector_load %arg10[%get3A_403, %get3A_404] {strides = array<i32>} : memref<8x768xf32, #tpu.memory_space<vmem>>, vector<1x16xf32>,
      %get3A_406 = vector.shape_cast %get3A_405 : vector<1x16xf32> to vector<16xf32>
      %get3A_407 = arith.constant 1 : i32
      %get3A_408 = arith.index_cast %get3A_407 : i32 to index
      %get3A_409 = arith.constant 320 : index
      %get3A_410 = tpu.vector_load %arg10[%get3A_408, %get3A_409] {strides = array<i32>} : memref<8x768xf32, #tpu.memory_space<vmem>>, vector<1x16xf32>,
      %get3A_411 = vector.shape_cast %get3A_410 : vector<1x16xf32> to vector<16xf32>
      %get3A_412 = arith.constant 1 : i32
      %get3A_413 = arith.index_cast %get3A_412 : i32 to index
      %get3A_414 = arith.constant 336 : index
      %get3A_415 = tpu.vector_load %arg10[%get3A_413, %get3A_414] {strides = array<i32>} : memref<8x768xf32, #tpu.memory_space<vmem>>, vector<1x16xf32>,
      %get3A_416 = vector.shape_cast %get3A_415 : vector<1x16xf32> to vector<16xf32>
      %get3A_417 = arith.constant 1 : i32
      %get3A_418 = arith.index_cast %get3A_417 : i32 to index
      %get3A_419 = arith.constant 352 : index
      %get3A_420 = tpu.vector_load %arg10[%get3A_418, %get3A_419] {strides = array<i32>} : memref<8x768xf32, #tpu.memory_space<vmem>>, vector<1x16xf32>,
      %get3A_421 = vector.shape_cast %get3A_420 : vector<1x16xf32> to vector<16xf32>
      %get3A_422 = arith.constant 1 : i32
      %get3A_423 = arith.index_cast %get3A_422 : i32 to index
      %get3A_424 = arith.constant 368 : index
      %get3A_425 = tpu.vector_load %arg10[%get3A_423, %get3A_424] {strides = array<i32>} : memref<8x768xf32, #tpu.memory_space<vmem>>, vector<1x16xf32>,
      %get3A_426 = vector.shape_cast %get3A_425 : vector<1x16xf32> to vector<16xf32>
      %get3A_427 = arith.constant 1 : i32
      %get3A_428 = arith.index_cast %get3A_427 : i32 to index
      %get3A_429 = arith.constant 384 : index
      %get3A_430 = tpu.vector_load %arg10[%get3A_428, %get3A_429] {strides = array<i32>} : memref<8x768xf32, #tpu.memory_space<vmem>>, vector<1x16xf32>,
      %get3A_431 = vector.shape_cast %get3A_430 : vector<1x16xf32> to vector<16xf32>
      %get3A_432 = arith.constant 1 : i32
      %get3A_433 = arith.index_cast %get3A_432 : i32 to index
      %get3A_434 = arith.constant 400 : index
      %get3A_435 = tpu.vector_load %arg10[%get3A_433, %get3A_434] {strides = array<i32>} : memref<8x768xf32, #tpu.memory_space<vmem>>, vector<1x16xf32>,
      %get3A_436 = vector.shape_cast %get3A_435 : vector<1x16xf32> to vector<16xf32>
      %get3A_437 = arith.constant 1 : i32
      %get3A_438 = arith.index_cast %get3A_437 : i32 to index
      %get3A_439 = arith.constant 416 : index
      %get3A_440 = tpu.vector_load %arg10[%get3A_438, %get3A_439] {strides = array<i32>} : memref<8x768xf32, #tpu.memory_space<vmem>>, vector<1x16xf32>,
      %get3A_441 = vector.shape_cast %get3A_440 : vector<1x16xf32> to vector<16xf32>
      %get3A_442 = arith.constant 1 : i32
      %get3A_443 = arith.index_cast %get3A_442 : i32 to index
      %get3A_444 = arith.constant 432 : index
      %get3A_445 = tpu.vector_load %arg10[%get3A_443, %get3A_444] {strides = array<i32>} : memref<8x768xf32, #tpu.memory_space<vmem>>, vector<1x16xf32>,
      %get3A_446 = vector.shape_cast %get3A_445 : vector<1x16xf32> to vector<16xf32>
      %get3A_447 = arith.constant 1 : i32
      %get3A_448 = arith.index_cast %get3A_447 : i32 to index
      %get3A_449 = arith.constant 448 : index
      %get3A_450 = tpu.vector_load %arg10[%get3A_448, %get3A_449] {strides = array<i32>} : memref<8x768xf32, #tpu.memory_space<vmem>>, vector<1x16xf32>,
      %get3A_451 = vector.shape_cast %get3A_450 : vector<1x16xf32> to vector<16xf32>
      %get3A_452 = arith.constant 1 : i32
      %get3A_453 = arith.index_cast %get3A_452 : i32 to index
      %get3A_454 = arith.constant 464 : index
      %get3A_455 = tpu.vector_load %arg10[%get3A_453, %get3A_454] {strides = array<i32>} : memref<8x768xf32, #tpu.memory_space<vmem>>, vector<1x16xf32>,
      %get3A_456 = vector.shape_cast %get3A_455 : vector<1x16xf32> to vector<16xf32>
      %get3A_457 = arith.constant 1 : i32
      %get3A_458 = arith.index_cast %get3A_457 : i32 to index
      %get3A_459 = arith.constant 480 : index
      %get3A_460 = tpu.vector_load %arg10[%get3A_458, %get3A_459] {strides = array<i32>} : memref<8x768xf32, #tpu.memory_space<vmem>>, vector<1x16xf32>,
      %get3A_461 = vector.shape_cast %get3A_460 : vector<1x16xf32> to vector<16xf32>
      %get3A_462 = arith.constant 1 : i32
      %get3A_463 = arith.index_cast %get3A_462 : i32 to index
      %get3A_464 = arith.constant 496 : index
      %get3A_465 = tpu.vector_load %arg10[%get3A_463, %get3A_464] {strides = array<i32>} : memref<8x768xf32, #tpu.memory_space<vmem>>, vector<1x16xf32>,
      %get3A_466 = vector.shape_cast %get3A_465 : vector<1x16xf32> to vector<16xf32>
      %get3A_467 = arith.constant 1 : i32
      %get3A_468 = arith.index_cast %get3A_467 : i32 to index
      %get3A_469 = arith.constant 512 : index
      %get3A_470 = tpu.vector_load %arg10[%get3A_468, %get3A_469] {strides = array<i32>} : memref<8x768xf32, #tpu.memory_space<vmem>>, vector<1x16xf32>,
      %get3A_471 = vector.shape_cast %get3A_470 : vector<1x16xf32> to vector<16xf32>
      %get3A_472 = arith.constant 1 : i32
      %get3A_473 = arith.index_cast %get3A_472 : i32 to index
      %get3A_474 = arith.constant 528 : index
      %get3A_475 = tpu.vector_load %arg10[%get3A_473, %get3A_474] {strides = array<i32>} : memref<8x768xf32, #tpu.memory_space<vmem>>, vector<1x16xf32>,
      %get3A_476 = vector.shape_cast %get3A_475 : vector<1x16xf32> to vector<16xf32>
      %get3A_477 = arith.constant 1 : i32
      %get3A_478 = arith.index_cast %get3A_477 : i32 to index
      %get3A_479 = arith.constant 544 : index
      %get3A_480 = tpu.vector_load %arg10[%get3A_478, %get3A_479] {strides = array<i32>} : memref<8x768xf32, #tpu.memory_space<vmem>>, vector<1x16xf32>,
      %get3A_481 = vector.shape_cast %get3A_480 : vector<1x16xf32> to vector<16xf32>
      %get3A_482 = arith.constant 1 : i32
      %get3A_483 = arith.index_cast %get3A_482 : i32 to index
      %get3A_484 = arith.constant 560 : index
      %get3A_485 = tpu.vector_load %arg10[%get3A_483, %get3A_484] {strides = array<i32>} : memref<8x768xf32, #tpu.memory_space<vmem>>, vector<1x16xf32>,
      %get3A_486 = vector.shape_cast %get3A_485 : vector<1x16xf32> to vector<16xf32>
      %get3A_487 = arith.constant 1 : i32
      %get3A_488 = arith.index_cast %get3A_487 : i32 to index
      %get3A_489 = arith.constant 576 : index
      %get3A_490 = tpu.vector_load %arg10[%get3A_488, %get3A_489] {strides = array<i32>} : memref<8x768xf32, #tpu.memory_space<vmem>>, vector<1x16xf32>,
      %get3A_491 = vector.shape_cast %get3A_490 : vector<1x16xf32> to vector<16xf32>
      %get3A_492 = arith.constant 1 : i32
      %get3A_493 = arith.index_cast %get3A_492 : i32 to index
      %get3A_494 = arith.constant 592 : index
      %get3A_495 = tpu.vector_load %arg10[%get3A_493, %get3A_494] {strides = array<i32>} : memref<8x768xf32, #tpu.memory_space<vmem>>, vector<1x16xf32>,
      %get3A_496 = vector.shape_cast %get3A_495 : vector<1x16xf32> to vector<16xf32>
      %get3A_497 = arith.constant 1 : i32
      %get3A_498 = arith.index_cast %get3A_497 : i32 to index
      %get3A_499 = arith.constant 608 : index
      %get3A_500 = tpu.vector_load %arg10[%get3A_498, %get3A_499] {strides = array<i32>} : memref<8x768xf32, #tpu.memory_space<vmem>>, vector<1x16xf32>,
      %get3A_501 = vector.shape_cast %get3A_500 : vector<1x16xf32> to vector<16xf32>
      %get3A_502 = arith.constant 1 : i32
      %get3A_503 = arith.index_cast %get3A_502 : i32 to index
      %get3A_504 = arith.constant 624 : index
      %get3A_505 = tpu.vector_load %arg10[%get3A_503, %get3A_504] {strides = array<i32>} : memref<8x768xf32, #tpu.memory_space<vmem>>, vector<1x16xf32>,
      %get3A_506 = vector.shape_cast %get3A_505 : vector<1x16xf32> to vector<16xf32>
      %get3A_507 = arith.constant 1 : i32
      %get3A_508 = arith.index_cast %get3A_507 : i32 to index
      %get3A_509 = arith.constant 640 : index
      %get3A_510 = tpu.vector_load %arg10[%get3A_508, %get3A_509] {strides = array<i32>} : memref<8x768xf32, #tpu.memory_space<vmem>>, vector<1x16xf32>,
      %get3A_511 = vector.shape_cast %get3A_510 : vector<1x16xf32> to vector<16xf32>
      %get3A_512 = arith.constant 1 : i32
      %get3A_513 = arith.index_cast %get3A_512 : i32 to index
      %get3A_514 = arith.constant 656 : index
      %get3A_515 = tpu.vector_load %arg10[%get3A_513, %get3A_514] {strides = array<i32>} : memref<8x768xf32, #tpu.memory_space<vmem>>, vector<1x16xf32>,
      %get3A_516 = vector.shape_cast %get3A_515 : vector<1x16xf32> to vector<16xf32>
      %get3A_517 = arith.constant 1 : i32
      %get3A_518 = arith.index_cast %get3A_517 : i32 to index
      %get3A_519 = arith.constant 672 : index
      %get3A_520 = tpu.vector_load %arg10[%get3A_518, %get3A_519] {strides = array<i32>} : memref<8x768xf32, #tpu.memory_space<vmem>>, vector<1x16xf32>,
      %get3A_521 = vector.shape_cast %get3A_520 : vector<1x16xf32> to vector<16xf32>
      %get3A_522 = arith.constant 1 : i32
      %get3A_523 = arith.index_cast %get3A_522 : i32 to index
      %get3A_524 = arith.constant 688 : index
      %get3A_525 = tpu.vector_load %arg10[%get3A_523, %get3A_524] {strides = array<i32>} : memref<8x768xf32, #tpu.memory_space<vmem>>, vector<1x16xf32>,
      %get3A_526 = vector.shape_cast %get3A_525 : vector<1x16xf32> to vector<16xf32>
      %get3A_527 = arith.constant 1 : i32
      %get3A_528 = arith.index_cast %get3A_527 : i32 to index
      %get3A_529 = arith.constant 704 : index
      %get3A_530 = tpu.vector_load %arg10[%get3A_528, %get3A_529] {strides = array<i32>} : memref<8x768xf32, #tpu.memory_space<vmem>>, vector<1x16xf32>,
      %get3A_531 = vector.shape_cast %get3A_530 : vector<1x16xf32> to vector<16xf32>
      %get3A_532 = arith.constant 1 : i32
      %get3A_533 = arith.index_cast %get3A_532 : i32 to index
      %get3A_534 = arith.constant 720 : index
      %get3A_535 = tpu.vector_load %arg10[%get3A_533, %get3A_534] {strides = array<i32>} : memref<8x768xf32, #tpu.memory_space<vmem>>, vector<1x16xf32>,
      %get3A_536 = vector.shape_cast %get3A_535 : vector<1x16xf32> to vector<16xf32>
      %get3A_537 = arith.constant 1 : i32
      %get3A_538 = arith.index_cast %get3A_537 : i32 to index
      %get3A_539 = arith.constant 736 : index
      %get3A_540 = tpu.vector_load %arg10[%get3A_538, %get3A_539] {strides = array<i32>} : memref<8x768xf32, #tpu.memory_space<vmem>>, vector<1x16xf32>,
      %get3A_541 = vector.shape_cast %get3A_540 : vector<1x16xf32> to vector<16xf32>
      %get3A_542 = arith.constant 1 : i32
      %get3A_543 = arith.index_cast %get3A_542 : i32 to index
      %get3A_544 = arith.constant 752 : index
      %get3A_545 = tpu.vector_load %arg10[%get3A_543, %get3A_544] {strides = array<i32>} : memref<8x768xf32, #tpu.memory_space<vmem>>, vector<1x16xf32>,
      %get3A_546 = vector.shape_cast %get3A_545 : vector<1x16xf32> to vector<16xf32>
      %scan3A_547 = arith.constant 0 : i32
      %scan3A_548 = arith.constant 0 : i32
      %scan3A_549 = arith.constant 32 : i32
      %scan3A_550 = arith.addi %scan3A_548, %scan3A_549 : i32
      %scan3A_551 = arith.constant 1 : i32
      %scan3A_552 = scf.for %scan3A_1106 = %scan3A_548 to %scan3A_550 step %scan3A_551 iter_args(%scan3A_1107 = %scan3A_547) -> (i32)  : i32 {
        %get3A_1108 = arith.index_cast %scan3A_1106 : i32 to index
        %get3A_1109 = arith.constant 0 : index
        %get3A_1110 = tpu.vector_load %arg11[%get3A_1108, %get3A_1109] {strides = array<i32>} : memref<32x768xf32, #tpu.memory_space<vmem>>, vector<1x16xf32>,
        %get3A_1111 = vector.shape_cast %get3A_1110 : vector<1x16xf32> to vector<16xf32>
        %add3A_1112 = arith.addf %get3A_1111, %get3A_311 : vector<16xf32>
        %swap3A = arith.index_cast %scan3A_1106 : i32 to index
        %swap3A_1113 = arith.constant 0 : index
        %swap3A_1114 = tpu.vector_load %arg14[%swap3A, %swap3A_1113] {strides = array<i32>} : memref<32x768xf32, #tpu.memory_space<vmem>>, vector<1x16xf32>,
        %swap3A_1115 = vector.shape_cast %swap3A_1114 : vector<1x16xf32> to vector<16xf32>
        %swap3A_1116 = vector.shape_cast %add3A_1112 : vector<16xf32> to vector<1x16xf32>
        tpu.vector_store %arg14[%swap3A, %swap3A_1113], %swap3A_1116 {strides = array<i32>} : memref<32x768xf32, #tpu.memory_space<vmem>>, vector<1x16xf32>,
        %get3A_1117 = arith.index_cast %scan3A_1106 : i32 to index
        %get3A_1118 = arith.constant 16 : index
        %get3A_1119 = tpu.vector_load %arg11[%get3A_1117, %get3A_1118] {strides = array<i32>} : memref<32x768xf32, #tpu.memory_space<vmem>>, vector<1x16xf32>,
        %get3A_1120 = vector.shape_cast %get3A_1119 : vector<1x16xf32> to vector<16xf32>
        %add3A_1121 = arith.addf %get3A_1120, %get3A_316 : vector<16xf32>
        %swap3A_1122 = arith.index_cast %scan3A_1106 : i32 to index
        %swap3A_1123 = arith.constant 16 : index
        %swap3A_1124 = tpu.vector_load %arg14[%swap3A_1122, %swap3A_1123] {strides = array<i32>} : memref<32x768xf32, #tpu.memory_space<vmem>>, vector<1x16xf32>,
        %swap3A_1125 = vector.shape_cast %swap3A_1124 : vector<1x16xf32> to vector<16xf32>
        %swap3A_1126 = vector.shape_cast %add3A_1121 : vector<16xf32> to vector<1x16xf32>
        tpu.vector_store %arg14[%swap3A_1122, %swap3A_1123], %swap3A_1126 {strides = array<i32>} : memref<32x768xf32, #tpu.memory_space<vmem>>, vector<1x16xf32>,
        %get3A_1127 = arith.index_cast %scan3A_1106 : i32 to index
        %get3A_1128 = arith.constant 32 : index
        %get3A_1129 = tpu.vector_load %arg11[%get3A_1127, %get3A_1128] {strides = array<i32>} : memref<32x768xf32, #tpu.memory_space<vmem>>, vector<1x16xf32>,
        %get3A_1130 = vector.shape_cast %get3A_1129 : vector<1x16xf32> to vector<16xf32>
        %add3A_1131 = arith.addf %get3A_1130, %get3A_321 : vector<16xf32>
        %swap3A_1132 = arith.index_cast %scan3A_1106 : i32 to index
        %swap3A_1133 = arith.constant 32 : index
        %swap3A_1134 = tpu.vector_load %arg14[%swap3A_1132, %swap3A_1133] {strides = array<i32>} : memref<32x768xf32, #tpu.memory_space<vmem>>, vector<1x16xf32>,
        %swap3A_1135 = vector.shape_cast %swap3A_1134 : vector<1x16xf32> to vector<16xf32>
        %swap3A_1136 = vector.shape_cast %add3A_1131 : vector<16xf32> to vector<1x16xf32>
        tpu.vector_store %arg14[%swap3A_1132, %swap3A_1133], %swap3A_1136 {strides = array<i32>} : memref<32x768xf32, #tpu.memory_space<vmem>>, vector<1x16xf32>,
        %get3A_1137 = arith.index_cast %scan3A_1106 : i32 to index
        %get3A_1138 = arith.constant 48 : index
        %get3A_1139 = tpu.vector_load %arg11[%get3A_1137, %get3A_1138] {strides = array<i32>} : memref<32x768xf32, #tpu.memory_space<vmem>>, vector<1x16xf32>,
        %get3A_1140 = vector.shape_cast %get3A_1139 : vector<1x16xf32> to vector<16xf32>
        %add3A_1141 = arith.addf %get3A_1140, %get3A_326 : vector<16xf32>
        %swap3A_1142 = arith.index_cast %scan3A_1106 : i32 to index
        %swap3A_1143 = arith.constant 48 : index
        %swap3A_1144 = tpu.vector_load %arg14[%swap3A_1142, %swap3A_1143] {strides = array<i32>} : memref<32x768xf32, #tpu.memory_space<vmem>>, vector<1x16xf32>,
        %swap3A_1145 = vector.shape_cast %swap3A_1144 : vector<1x16xf32> to vector<16xf32>
        %swap3A_1146 = vector.shape_cast %add3A_1141 : vector<16xf32> to vector<1x16xf32>
        tpu.vector_store %arg14[%swap3A_1142, %swap3A_1143], %swap3A_1146 {strides = array<i32>} : memref<32x768xf32, #tpu.memory_space<vmem>>, vector<1x16xf32>,
        %get3A_1147 = arith.index_cast %scan3A_1106 : i32 to index
        %get3A_1148 = arith.constant 64 : index
        %get3A_1149 = tpu.vector_load %arg11[%get3A_1147, %get3A_1148] {strides = array<i32>} : memref<32x768xf32, #tpu.memory_space<vmem>>, vector<1x16xf32>,
        %get3A_1150 = vector.shape_cast %get3A_1149 : vector<1x16xf32> to vector<16xf32>
        %add3A_1151 = arith.addf %get3A_1150, %get3A_331 : vector<16xf32>
        %swap3A_1152 = arith.index_cast %scan3A_1106 : i32 to index
        %swap3A_1153 = arith.constant 64 : index
        %swap3A_1154 = tpu.vector_load %arg14[%swap3A_1152, %swap3A_1153] {strides = array<i32>} : memref<32x768xf32, #tpu.memory_space<vmem>>, vector<1x16xf32>,
        %swap3A_1155 = vector.shape_cast %swap3A_1154 : vector<1x16xf32> to vector<16xf32>
        %swap3A_1156 = vector.shape_cast %add3A_1151 : vector<16xf32> to vector<1x16xf32>
        tpu.vector_store %arg14[%swap3A_1152, %swap3A_1153], %swap3A_1156 {strides = array<i32>} : memref<32x768xf32, #tpu.memory_space<vmem>>, vector<1x16xf32>,
        %get3A_1157 = arith.index_cast %scan3A_1106 : i32 to index
        %get3A_1158 = arith.constant 80 : index
        %get3A_1159 = tpu.vector_load %arg11[%get3A_1157, %get3A_1158] {strides = array<i32>} : memref<32x768xf32, #tpu.memory_space<vmem>>, vector<1x16xf32>,
        %get3A_1160 = vector.shape_cast %get3A_1159 : vector<1x16xf32> to vector<16xf32>
        %add3A_1161 = arith.addf %get3A_1160, %get3A_336 : vector<16xf32>
        %swap3A_1162 = arith.index_cast %scan3A_1106 : i32 to index
        %swap3A_1163 = arith.constant 80 : index
        %swap3A_1164 = tpu.vector_load %arg14[%swap3A_1162, %swap3A_1163] {strides = array<i32>} : memref<32x768xf32, #tpu.memory_space<vmem>>, vector<1x16xf32>,
        %swap3A_1165 = vector.shape_cast %swap3A_1164 : vector<1x16xf32> to vector<16xf32>
        %swap3A_1166 = vector.shape_cast %add3A_1161 : vector<16xf32> to vector<1x16xf32>
        tpu.vector_store %arg14[%swap3A_1162, %swap3A_1163], %swap3A_1166 {strides = array<i32>} : memref<32x768xf32, #tpu.memory_space<vmem>>, vector<1x16xf32>,
        %get3A_1167 = arith.index_cast %scan3A_1106 : i32 to index
        %get3A_1168 = arith.constant 96 : index
        %get3A_1169 = tpu.vector_load %arg11[%get3A_1167, %get3A_1168] {strides = array<i32>} : memref<32x768xf32, #tpu.memory_space<vmem>>, vector<1x16xf32>,
        %get3A_1170 = vector.shape_cast %get3A_1169 : vector<1x16xf32> to vector<16xf32>
        %add3A_1171 = arith.addf %get3A_1170, %get3A_341 : vector<16xf32>
        %swap3A_1172 = arith.index_cast %scan3A_1106 : i32 to index
        %swap3A_1173 = arith.constant 96 : index
        %swap3A_1174 = tpu.vector_load %arg14[%swap3A_1172, %swap3A_1173] {strides = array<i32>} : memref<32x768xf32, #tpu.memory_space<vmem>>, vector<1x16xf32>,
        %swap3A_1175 = vector.shape_cast %swap3A_1174 : vector<1x16xf32> to vector<16xf32>
        %swap3A_1176 = vector.shape_cast %add3A_1171 : vector<16xf32> to vector<1x16xf32>
        tpu.vector_store %arg14[%swap3A_1172, %swap3A_1173], %swap3A_1176 {strides = array<i32>} : memref<32x768xf32, #tpu.memory_space<vmem>>, vector<1x16xf32>,
        %get3A_1177 = arith.index_cast %scan3A_1106 : i32 to index
        %get3A_1178 = arith.constant 112 : index
        %get3A_1179 = tpu.vector_load %arg11[%get3A_1177, %get3A_1178] {strides = array<i32>} : memref<32x768xf32, #tpu.memory_space<vmem>>, vector<1x16xf32>,
        %get3A_1180 = vector.shape_cast %get3A_1179 : vector<1x16xf32> to vector<16xf32>
        %add3A_1181 = arith.addf %get3A_1180, %get3A_346 : vector<16xf32>
        %swap3A_1182 = arith.index_cast %scan3A_1106 : i32 to index
        %swap3A_1183 = arith.constant 112 : index
        %swap3A_1184 = tpu.vector_load %arg14[%swap3A_1182, %swap3A_1183] {strides = array<i32>} : memref<32x768xf32, #tpu.memory_space<vmem>>, vector<1x16xf32>,
        %swap3A_1185 = vector.shape_cast %swap3A_1184 : vector<1x16xf32> to vector<16xf32>
        %swap3A_1186 = vector.shape_cast %add3A_1181 : vector<16xf32> to vector<1x16xf32>
        tpu.vector_store %arg14[%swap3A_1182, %swap3A_1183], %swap3A_1186 {strides = array<i32>} : memref<32x768xf32, #tpu.memory_space<vmem>>, vector<1x16xf32>,
        %get3A_1187 = arith.index_cast %scan3A_1106 : i32 to index
        %get3A_1188 = arith.constant 128 : index
        %get3A_1189 = tpu.vector_load %arg11[%get3A_1187, %get3A_1188] {strides = array<i32>} : memref<32x768xf32, #tpu.memory_space<vmem>>, vector<1x16xf32>,
        %get3A_1190 = vector.shape_cast %get3A_1189 : vector<1x16xf32> to vector<16xf32>
        %add3A_1191 = arith.addf %get3A_1190, %get3A_351 : vector<16xf32>
        %swap3A_1192 = arith.index_cast %scan3A_1106 : i32 to index
        %swap3A_1193 = arith.constant 128 : index
        %swap3A_1194 = tpu.vector_load %arg14[%swap3A_1192, %swap3A_1193] {strides = array<i32>} : memref<32x768xf32, #tpu.memory_space<vmem>>, vector<1x16xf32>,
        %swap3A_1195 = vector.shape_cast %swap3A_1194 : vector<1x16xf32> to vector<16xf32>
        %swap3A_1196 = vector.shape_cast %add3A_1191 : vector<16xf32> to vector<1x16xf32>
        tpu.vector_store %arg14[%swap3A_1192, %swap3A_1193], %swap3A_1196 {strides = array<i32>} : memref<32x768xf32, #tpu.memory_space<vmem>>, vector<1x16xf32>,
        %get3A_1197 = arith.index_cast %scan3A_1106 : i32 to index
        %get3A_1198 = arith.constant 144 : index
        %get3A_1199 = tpu.vector_load %arg11[%get3A_1197, %get3A_1198] {strides = array<i32>} : memref<32x768xf32, #tpu.memory_space<vmem>>, vector<1x16xf32>,
        %get3A_1200 = vector.shape_cast %get3A_1199 : vector<1x16xf32> to vector<16xf32>
        %add3A_1201 = arith.addf %get3A_1200, %get3A_356 : vector<16xf32>
        %swap3A_1202 = arith.index_cast %scan3A_1106 : i32 to index
        %swap3A_1203 = arith.constant 144 : index
        %swap3A_1204 = tpu.vector_load %arg14[%swap3A_1202, %swap3A_1203] {strides = array<i32>} : memref<32x768xf32, #tpu.memory_space<vmem>>, vector<1x16xf32>,
        %swap3A_1205 = vector.shape_cast %swap3A_1204 : vector<1x16xf32> to vector<16xf32>
        %swap3A_1206 = vector.shape_cast %add3A_1201 : vector<16xf32> to vector<1x16xf32>
        tpu.vector_store %arg14[%swap3A_1202, %swap3A_1203], %swap3A_1206 {strides = array<i32>} : memref<32x768xf32, #tpu.memory_space<vmem>>, vector<1x16xf32>,
        %get3A_1207 = arith.index_cast %scan3A_1106 : i32 to index
        %get3A_1208 = arith.constant 160 : index
        %get3A_1209 = tpu.vector_load %arg11[%get3A_1207, %get3A_1208] {strides = array<i32>} : memref<32x768xf32, #tpu.memory_space<vmem>>, vector<1x16xf32>,
        %get3A_1210 = vector.shape_cast %get3A_1209 : vector<1x16xf32> to vector<16xf32>
        %add3A_1211 = arith.addf %get3A_1210, %get3A_361 : vector<16xf32>
        %swap3A_1212 = arith.index_cast %scan3A_1106 : i32 to index
        %swap3A_1213 = arith.constant 160 : index
        %swap3A_1214 = tpu.vector_load %arg14[%swap3A_1212, %swap3A_1213] {strides = array<i32>} : memref<32x768xf32, #tpu.memory_space<vmem>>, vector<1x16xf32>,
        %swap3A_1215 = vector.shape_cast %swap3A_1214 : vector<1x16xf32> to vector<16xf32>
        %swap3A_1216 = vector.shape_cast %add3A_1211 : vector<16xf32> to vector<1x16xf32>
        tpu.vector_store %arg14[%swap3A_1212, %swap3A_1213], %swap3A_1216 {strides = array<i32>} : memref<32x768xf32, #tpu.memory_space<vmem>>, vector<1x16xf32>,
        %get3A_1217 = arith.index_cast %scan3A_1106 : i32 to index
        %get3A_1218 = arith.constant 176 : index
        %get3A_1219 = tpu.vector_load %arg11[%get3A_1217, %get3A_1218] {strides = array<i32>} : memref<32x768xf32, #tpu.memory_space<vmem>>, vector<1x16xf32>,
        %get3A_1220 = vector.shape_cast %get3A_1219 : vector<1x16xf32> to vector<16xf32>
        %add3A_1221 = arith.addf %get3A_1220, %get3A_366 : vector<16xf32>
        %swap3A_1222 = arith.index_cast %scan3A_1106 : i32 to index
        %swap3A_1223 = arith.constant 176 : index
        %swap3A_1224 = tpu.vector_load %arg14[%swap3A_1222, %swap3A_1223] {strides = array<i32>} : memref<32x768xf32, #tpu.memory_space<vmem>>, vector<1x16xf32>,
        %swap3A_1225 = vector.shape_cast %swap3A_1224 : vector<1x16xf32> to vector<16xf32>
        %swap3A_1226 = vector.shape_cast %add3A_1221 : vector<16xf32> to vector<1x16xf32>
        tpu.vector_store %arg14[%swap3A_1222, %swap3A_1223], %swap3A_1226 {strides = array<i32>} : memref<32x768xf32, #tpu.memory_space<vmem>>, vector<1x16xf32>,
        %get3A_1227 = arith.index_cast %scan3A_1106 : i32 to index
        %get3A_1228 = arith.constant 192 : index
        %get3A_1229 = tpu.vector_load %arg11[%get3A_1227, %get3A_1228] {strides = array<i32>} : memref<32x768xf32, #tpu.memory_space<vmem>>, vector<1x16xf32>,
        %get3A_1230 = vector.shape_cast %get3A_1229 : vector<1x16xf32> to vector<16xf32>
        %add3A_1231 = arith.addf %get3A_1230, %get3A_371 : vector<16xf32>
        %swap3A_1232 = arith.index_cast %scan3A_1106 : i32 to index
        %swap3A_1233 = arith.constant 192 : index
        %swap3A_1234 = tpu.vector_load %arg14[%swap3A_1232, %swap3A_1233] {strides = array<i32>} : memref<32x768xf32, #tpu.memory_space<vmem>>, vector<1x16xf32>,
        %swap3A_1235 = vector.shape_cast %swap3A_1234 : vector<1x16xf32> to vector<16xf32>
        %swap3A_1236 = vector.shape_cast %add3A_1231 : vector<16xf32> to vector<1x16xf32>
        tpu.vector_store %arg14[%swap3A_1232, %swap3A_1233], %swap3A_1236 {strides = array<i32>} : memref<32x768xf32, #tpu.memory_space<vmem>>, vector<1x16xf32>,
        %get3A_1237 = arith.index_cast %scan3A_1106 : i32 to index
        %get3A_1238 = arith.constant 208 : index
        %get3A_1239 = tpu.vector_load %arg11[%get3A_1237, %get3A_1238] {strides = array<i32>} : memref<32x768xf32, #tpu.memory_space<vmem>>, vector<1x16xf32>,
        %get3A_1240 = vector.shape_cast %get3A_1239 : vector<1x16xf32> to vector<16xf32>
        %add3A_1241 = arith.addf %get3A_1240, %get3A_376 : vector<16xf32>
        %swap3A_1242 = arith.index_cast %scan3A_1106 : i32 to index
        %swap3A_1243 = arith.constant 208 : index
        %swap3A_1244 = tpu.vector_load %arg14[%swap3A_1242, %swap3A_1243] {strides = array<i32>} : memref<32x768xf32, #tpu.memory_space<vmem>>, vector<1x16xf32>,
        %swap3A_1245 = vector.shape_cast %swap3A_1244 : vector<1x16xf32> to vector<16xf32>
        %swap3A_1246 = vector.shape_cast %add3A_1241 : vector<16xf32> to vector<1x16xf32>
        tpu.vector_store %arg14[%swap3A_1242, %swap3A_1243], %swap3A_1246 {strides = array<i32>} : memref<32x768xf32, #tpu.memory_space<vmem>>, vector<1x16xf32>,
        %get3A_1247 = arith.index_cast %scan3A_1106 : i32 to index
        %get3A_1248 = arith.constant 224 : index
        %get3A_1249 = tpu.vector_load %arg11[%get3A_1247, %get3A_1248] {strides = array<i32>} : memref<32x768xf32, #tpu.memory_space<vmem>>, vector<1x16xf32>,
        %get3A_1250 = vector.shape_cast %get3A_1249 : vector<1x16xf32> to vector<16xf32>
        %add3A_1251 = arith.addf %get3A_1250, %get3A_381 : vector<16xf32>
        %swap3A_1252 = arith.index_cast %scan3A_1106 : i32 to index
        %swap3A_1253 = arith.constant 224 : index
        %swap3A_1254 = tpu.vector_load %arg14[%swap3A_1252, %swap3A_1253] {strides = array<i32>} : memref<32x768xf32, #tpu.memory_space<vmem>>, vector<1x16xf32>,
        %swap3A_1255 = vector.shape_cast %swap3A_1254 : vector<1x16xf32> to vector<16xf32>
        %swap3A_1256 = vector.shape_cast %add3A_1251 : vector<16xf32> to vector<1x16xf32>
        tpu.vector_store %arg14[%swap3A_1252, %swap3A_1253], %swap3A_1256 {strides = array<i32>} : memref<32x768xf32, #tpu.memory_space<vmem>>, vector<1x16xf32>,
        %get3A_1257 = arith.index_cast %scan3A_1106 : i32 to index
        %get3A_1258 = arith.constant 240 : index
        %get3A_1259 = tpu.vector_load %arg11[%get3A_1257, %get3A_1258] {strides = array<i32>} : memref<32x768xf32, #tpu.memory_space<vmem>>, vector<1x16xf32>,
        %get3A_1260 = vector.shape_cast %get3A_1259 : vector<1x16xf32> to vector<16xf32>
        %add3A_1261 = arith.addf %get3A_1260, %get3A_386 : vector<16xf32>
        %swap3A_1262 = arith.index_cast %scan3A_1106 : i32 to index
        %swap3A_1263 = arith.constant 240 : index
        %swap3A_1264 = tpu.vector_load %arg14[%swap3A_1262, %swap3A_1263] {strides = array<i32>} : memref<32x768xf32, #tpu.memory_space<vmem>>, vector<1x16xf32>,
        %swap3A_1265 = vector.shape_cast %swap3A_1264 : vector<1x16xf32> to vector<16xf32>
        %swap3A_1266 = vector.shape_cast %add3A_1261 : vector<16xf32> to vector<1x16xf32>
        tpu.vector_store %arg14[%swap3A_1262, %swap3A_1263], %swap3A_1266 {strides = array<i32>} : memref<32x768xf32, #tpu.memory_space<vmem>>, vector<1x16xf32>,
        %get3A_1267 = arith.index_cast %scan3A_1106 : i32 to index
        %get3A_1268 = arith.constant 256 : index
        %get3A_1269 = tpu.vector_load %arg11[%get3A_1267, %get3A_1268] {strides = array<i32>} : memref<32x768xf32, #tpu.memory_space<vmem>>, vector<1x16xf32>,
        %get3A_1270 = vector.shape_cast %get3A_1269 : vector<1x16xf32> to vector<16xf32>
        %add3A_1271 = arith.addf %get3A_1270, %get3A_391 : vector<16xf32>
        %swap3A_1272 = arith.index_cast %scan3A_1106 : i32 to index
        %swap3A_1273 = arith.constant 256 : index
        %swap3A_1274 = tpu.vector_load %arg14[%swap3A_1272, %swap3A_1273] {strides = array<i32>} : memref<32x768xf32, #tpu.memory_space<vmem>>, vector<1x16xf32>,
        %swap3A_1275 = vector.shape_cast %swap3A_1274 : vector<1x16xf32> to vector<16xf32>
        %swap3A_1276 = vector.shape_cast %add3A_1271 : vector<16xf32> to vector<1x16xf32>
        tpu.vector_store %arg14[%swap3A_1272, %swap3A_1273], %swap3A_1276 {strides = array<i32>} : memref<32x768xf32, #tpu.memory_space<vmem>>, vector<1x16xf32>,
        %get3A_1277 = arith.index_cast %scan3A_1106 : i32 to index
        %get3A_1278 = arith.constant 272 : index
        %get3A_1279 = tpu.vector_load %arg11[%get3A_1277, %get3A_1278] {strides = array<i32>} : memref<32x768xf32, #tpu.memory_space<vmem>>, vector<1x16xf32>,
        %get3A_1280 = vector.shape_cast %get3A_1279 : vector<1x16xf32> to vector<16xf32>
        %add3A_1281 = arith.addf %get3A_1280, %get3A_396 : vector<16xf32>
        %swap3A_1282 = arith.index_cast %scan3A_1106 : i32 to index
        %swap3A_1283 = arith.constant 272 : index
        %swap3A_1284 = tpu.vector_load %arg14[%swap3A_1282, %swap3A_1283] {strides = array<i32>} : memref<32x768xf32, #tpu.memory_space<vmem>>, vector<1x16xf32>,
        %swap3A_1285 = vector.shape_cast %swap3A_1284 : vector<1x16xf32> to vector<16xf32>
        %swap3A_1286 = vector.shape_cast %add3A_1281 : vector<16xf32> to vector<1x16xf32>
        tpu.vector_store %arg14[%swap3A_1282, %swap3A_1283], %swap3A_1286 {strides = array<i32>} : memref<32x768xf32, #tpu.memory_space<vmem>>, vector<1x16xf32>,
        %get3A_1287 = arith.index_cast %scan3A_1106 : i32 to index
        %get3A_1288 = arith.constant 288 : index
        %get3A_1289 = tpu.vector_load %arg11[%get3A_1287, %get3A_1288] {strides = array<i32>} : memref<32x768xf32, #tpu.memory_space<vmem>>, vector<1x16xf32>,
        %get3A_1290 = vector.shape_cast %get3A_1289 : vector<1x16xf32> to vector<16xf32>
        %add3A_1291 = arith.addf %get3A_1290, %get3A_401 : vector<16xf32>
        %swap3A_1292 = arith.index_cast %scan3A_1106 : i32 to index
        %swap3A_1293 = arith.constant 288 : index
        %swap3A_1294 = tpu.vector_load %arg14[%swap3A_1292, %swap3A_1293] {strides = array<i32>} : memref<32x768xf32, #tpu.memory_space<vmem>>, vector<1x16xf32>,
        %swap3A_1295 = vector.shape_cast %swap3A_1294 : vector<1x16xf32> to vector<16xf32>
        %swap3A_1296 = vector.shape_cast %add3A_1291 : vector<16xf32> to vector<1x16xf32>
        tpu.vector_store %arg14[%swap3A_1292, %swap3A_1293], %swap3A_1296 {strides = array<i32>} : memref<32x768xf32, #tpu.memory_space<vmem>>, vector<1x16xf32>,
        %get3A_1297 = arith.index_cast %scan3A_1106 : i32 to index
        %get3A_1298 = arith.constant 304 : index
        %get3A_1299 = tpu.vector_load %arg11[%get3A_1297, %get3A_1298] {strides = array<i32>} : memref<32x768xf32, #tpu.memory_space<vmem>>, vector<1x16xf32>,
        %get3A_1300 = vector.shape_cast %get3A_1299 : vector<1x16xf32> to vector<16xf32>
        %add3A_1301 = arith.addf %get3A_1300, %get3A_406 : vector<16xf32>
        %swap3A_1302 = arith.index_cast %scan3A_1106 : i32 to index
        %swap3A_1303 = arith.constant 304 : index
        %swap3A_1304 = tpu.vector_load %arg14[%swap3A_1302, %swap3A_1303] {strides = array<i32>} : memref<32x768xf32, #tpu.memory_space<vmem>>, vector<1x16xf32>,
        %swap3A_1305 = vector.shape_cast %swap3A_1304 : vector<1x16xf32> to vector<16xf32>
        %swap3A_1306 = vector.shape_cast %add3A_1301 : vector<16xf32> to vector<1x16xf32>
        tpu.vector_store %arg14[%swap3A_1302, %swap3A_1303], %swap3A_1306 {strides = array<i32>} : memref<32x768xf32, #tpu.memory_space<vmem>>, vector<1x16xf32>,
        %get3A_1307 = arith.index_cast %scan3A_1106 : i32 to index
        %get3A_1308 = arith.constant 320 : index
        %get3A_1309 = tpu.vector_load %arg11[%get3A_1307, %get3A_1308] {strides = array<i32>} : memref<32x768xf32, #tpu.memory_space<vmem>>, vector<1x16xf32>,
        %get3A_1310 = vector.shape_cast %get3A_1309 : vector<1x16xf32> to vector<16xf32>
        %add3A_1311 = arith.addf %get3A_1310, %get3A_411 : vector<16xf32>
        %swap3A_1312 = arith.index_cast %scan3A_1106 : i32 to index
        %swap3A_1313 = arith.constant 320 : index
        %swap3A_1314 = tpu.vector_load %arg14[%swap3A_1312, %swap3A_1313] {strides = array<i32>} : memref<32x768xf32, #tpu.memory_space<vmem>>, vector<1x16xf32>,
        %swap3A_1315 = vector.shape_cast %swap3A_1314 : vector<1x16xf32> to vector<16xf32>
        %swap3A_1316 = vector.shape_cast %add3A_1311 : vector<16xf32> to vector<1x16xf32>
        tpu.vector_store %arg14[%swap3A_1312, %swap3A_1313], %swap3A_1316 {strides = array<i32>} : memref<32x768xf32, #tpu.memory_space<vmem>>, vector<1x16xf32>,
        %get3A_1317 = arith.index_cast %scan3A_1106 : i32 to index
        %get3A_1318 = arith.constant 336 : index
        %get3A_1319 = tpu.vector_load %arg11[%get3A_1317, %get3A_1318] {strides = array<i32>} : memref<32x768xf32, #tpu.memory_space<vmem>>, vector<1x16xf32>,
        %get3A_1320 = vector.shape_cast %get3A_1319 : vector<1x16xf32> to vector<16xf32>
        %add3A_1321 = arith.addf %get3A_1320, %get3A_416 : vector<16xf32>
        %swap3A_1322 = arith.index_cast %scan3A_1106 : i32 to index
        %swap3A_1323 = arith.constant 336 : index
        %swap3A_1324 = tpu.vector_load %arg14[%swap3A_1322, %swap3A_1323] {strides = array<i32>} : memref<32x768xf32, #tpu.memory_space<vmem>>, vector<1x16xf32>,
        %swap3A_1325 = vector.shape_cast %swap3A_1324 : vector<1x16xf32> to vector<16xf32>
        %swap3A_1326 = vector.shape_cast %add3A_1321 : vector<16xf32> to vector<1x16xf32>
        tpu.vector_store %arg14[%swap3A_1322, %swap3A_1323], %swap3A_1326 {strides = array<i32>} : memref<32x768xf32, #tpu.memory_space<vmem>>, vector<1x16xf32>,
        %get3A_1327 = arith.index_cast %scan3A_1106 : i32 to index
        %get3A_1328 = arith.constant 352 : index
        %get3A_1329 = tpu.vector_load %arg11[%get3A_1327, %get3A_1328] {strides = array<i32>} : memref<32x768xf32, #tpu.memory_space<vmem>>, vector<1x16xf32>,
        %get3A_1330 = vector.shape_cast %get3A_1329 : vector<1x16xf32> to vector<16xf32>
        %add3A_1331 = arith.addf %get3A_1330, %get3A_421 : vector<16xf32>
        %swap3A_1332 = arith.index_cast %scan3A_1106 : i32 to index
        %swap3A_1333 = arith.constant 352 : index
        %swap3A_1334 = tpu.vector_load %arg14[%swap3A_1332, %swap3A_1333] {strides = array<i32>} : memref<32x768xf32, #tpu.memory_space<vmem>>, vector<1x16xf32>,
        %swap3A_1335 = vector.shape_cast %swap3A_1334 : vector<1x16xf32> to vector<16xf32>
        %swap3A_1336 = vector.shape_cast %add3A_1331 : vector<16xf32> to vector<1x16xf32>
        tpu.vector_store %arg14[%swap3A_1332, %swap3A_1333], %swap3A_1336 {strides = array<i32>} : memref<32x768xf32, #tpu.memory_space<vmem>>, vector<1x16xf32>,
        %get3A_1337 = arith.index_cast %scan3A_1106 : i32 to index
        %get3A_1338 = arith.constant 368 : index
        %get3A_1339 = tpu.vector_load %arg11[%get3A_1337, %get3A_1338] {strides = array<i32>} : memref<32x768xf32, #tpu.memory_space<vmem>>, vector<1x16xf32>,
        %get3A_1340 = vector.shape_cast %get3A_1339 : vector<1x16xf32> to vector<16xf32>
        %add3A_1341 = arith.addf %get3A_1340, %get3A_426 : vector<16xf32>
        %swap3A_1342 = arith.index_cast %scan3A_1106 : i32 to index
        %swap3A_1343 = arith.constant 368 : index
        %swap3A_1344 = tpu.vector_load %arg14[%swap3A_1342, %swap3A_1343] {strides = array<i32>} : memref<32x768xf32, #tpu.memory_space<vmem>>, vector<1x16xf32>,
        %swap3A_1345 = vector.shape_cast %swap3A_1344 : vector<1x16xf32> to vector<16xf32>
        %swap3A_1346 = vector.shape_cast %add3A_1341 : vector<16xf32> to vector<1x16xf32>
        tpu.vector_store %arg14[%swap3A_1342, %swap3A_1343], %swap3A_1346 {strides = array<i32>} : memref<32x768xf32, #tpu.memory_space<vmem>>, vector<1x16xf32>,
        %get3A_1347 = arith.index_cast %scan3A_1106 : i32 to index
        %get3A_1348 = arith.constant 384 : index
        %get3A_1349 = tpu.vector_load %arg11[%get3A_1347, %get3A_1348] {strides = array<i32>} : memref<32x768xf32, #tpu.memory_space<vmem>>, vector<1x16xf32>,
        %get3A_1350 = vector.shape_cast %get3A_1349 : vector<1x16xf32> to vector<16xf32>
        %add3A_1351 = arith.addf %get3A_1350, %get3A_431 : vector<16xf32>
        %swap3A_1352 = arith.index_cast %scan3A_1106 : i32 to index
        %swap3A_1353 = arith.constant 384 : index
        %swap3A_1354 = tpu.vector_load %arg14[%swap3A_1352, %swap3A_1353] {strides = array<i32>} : memref<32x768xf32, #tpu.memory_space<vmem>>, vector<1x16xf32>,
        %swap3A_1355 = vector.shape_cast %swap3A_1354 : vector<1x16xf32> to vector<16xf32>
        %swap3A_1356 = vector.shape_cast %add3A_1351 : vector<16xf32> to vector<1x16xf32>
        tpu.vector_store %arg14[%swap3A_1352, %swap3A_1353], %swap3A_1356 {strides = array<i32>} : memref<32x768xf32, #tpu.memory_space<vmem>>, vector<1x16xf32>,
        %get3A_1357 = arith.index_cast %scan3A_1106 : i32 to index
        %get3A_1358 = arith.constant 400 : index
        %get3A_1359 = tpu.vector_load %arg11[%get3A_1357, %get3A_1358] {strides = array<i32>} : memref<32x768xf32, #tpu.memory_space<vmem>>, vector<1x16xf32>,
        %get3A_1360 = vector.shape_cast %get3A_1359 : vector<1x16xf32> to vector<16xf32>
        %add3A_1361 = arith.addf %get3A_1360, %get3A_436 : vector<16xf32>
        %swap3A_1362 = arith.index_cast %scan3A_1106 : i32 to index
        %swap3A_1363 = arith.constant 400 : index
        %swap3A_1364 = tpu.vector_load %arg14[%swap3A_1362, %swap3A_1363] {strides = array<i32>} : memref<32x768xf32, #tpu.memory_space<vmem>>, vector<1x16xf32>,
        %swap3A_1365 = vector.shape_cast %swap3A_1364 : vector<1x16xf32> to vector<16xf32>
        %swap3A_1366 = vector.shape_cast %add3A_1361 : vector<16xf32> to vector<1x16xf32>
        tpu.vector_store %arg14[%swap3A_1362, %swap3A_1363], %swap3A_1366 {strides = array<i32>} : memref<32x768xf32, #tpu.memory_space<vmem>>, vector<1x16xf32>,
        %get3A_1367 = arith.index_cast %scan3A_1106 : i32 to index
        %get3A_1368 = arith.constant 416 : index
        %get3A_1369 = tpu.vector_load %arg11[%get3A_1367, %get3A_1368] {strides = array<i32>} : memref<32x768xf32, #tpu.memory_space<vmem>>, vector<1x16xf32>,
        %get3A_1370 = vector.shape_cast %get3A_1369 : vector<1x16xf32> to vector<16xf32>
        %add3A_1371 = arith.addf %get3A_1370, %get3A_441 : vector<16xf32>
        %swap3A_1372 = arith.index_cast %scan3A_1106 : i32 to index
        %swap3A_1373 = arith.constant 416 : index
        %swap3A_1374 = tpu.vector_load %arg14[%swap3A_1372, %swap3A_1373] {strides = array<i32>} : memref<32x768xf32, #tpu.memory_space<vmem>>, vector<1x16xf32>,
        %swap3A_1375 = vector.shape_cast %swap3A_1374 : vector<1x16xf32> to vector<16xf32>
        %swap3A_1376 = vector.shape_cast %add3A_1371 : vector<16xf32> to vector<1x16xf32>
        tpu.vector_store %arg14[%swap3A_1372, %swap3A_1373], %swap3A_1376 {strides = array<i32>} : memref<32x768xf32, #tpu.memory_space<vmem>>, vector<1x16xf32>,
        %get3A_1377 = arith.index_cast %scan3A_1106 : i32 to index
        %get3A_1378 = arith.constant 432 : index
        %get3A_1379 = tpu.vector_load %arg11[%get3A_1377, %get3A_1378] {strides = array<i32>} : memref<32x768xf32, #tpu.memory_space<vmem>>, vector<1x16xf32>,
        %get3A_1380 = vector.shape_cast %get3A_1379 : vector<1x16xf32> to vector<16xf32>
        %add3A_1381 = arith.addf %get3A_1380, %get3A_446 : vector<16xf32>
        %swap3A_1382 = arith.index_cast %scan3A_1106 : i32 to index
        %swap3A_1383 = arith.constant 432 : index
        %swap3A_1384 = tpu.vector_load %arg14[%swap3A_1382, %swap3A_1383] {strides = array<i32>} : memref<32x768xf32, #tpu.memory_space<vmem>>, vector<1x16xf32>,
        %swap3A_1385 = vector.shape_cast %swap3A_1384 : vector<1x16xf32> to vector<16xf32>
        %swap3A_1386 = vector.shape_cast %add3A_1381 : vector<16xf32> to vector<1x16xf32>
        tpu.vector_store %arg14[%swap3A_1382, %swap3A_1383], %swap3A_1386 {strides = array<i32>} : memref<32x768xf32, #tpu.memory_space<vmem>>, vector<1x16xf32>,
        %get3A_1387 = arith.index_cast %scan3A_1106 : i32 to index
        %get3A_1388 = arith.constant 448 : index
        %get3A_1389 = tpu.vector_load %arg11[%get3A_1387, %get3A_1388] {strides = array<i32>} : memref<32x768xf32, #tpu.memory_space<vmem>>, vector<1x16xf32>,
        %get3A_1390 = vector.shape_cast %get3A_1389 : vector<1x16xf32> to vector<16xf32>
        %add3A_1391 = arith.addf %get3A_1390, %get3A_451 : vector<16xf32>
        %swap3A_1392 = arith.index_cast %scan3A_1106 : i32 to index
        %swap3A_1393 = arith.constant 448 : index
        %swap3A_1394 = tpu.vector_load %arg14[%swap3A_1392, %swap3A_1393] {strides = array<i32>} : memref<32x768xf32, #tpu.memory_space<vmem>>, vector<1x16xf32>,
        %swap3A_1395 = vector.shape_cast %swap3A_1394 : vector<1x16xf32> to vector<16xf32>
        %swap3A_1396 = vector.shape_cast %add3A_1391 : vector<16xf32> to vector<1x16xf32>
        tpu.vector_store %arg14[%swap3A_1392, %swap3A_1393], %swap3A_1396 {strides = array<i32>} : memref<32x768xf32, #tpu.memory_space<vmem>>, vector<1x16xf32>,
        %get3A_1397 = arith.index_cast %scan3A_1106 : i32 to index
        %get3A_1398 = arith.constant 464 : index
        %get3A_1399 = tpu.vector_load %arg11[%get3A_1397, %get3A_1398] {strides = array<i32>} : memref<32x768xf32, #tpu.memory_space<vmem>>, vector<1x16xf32>,
        %get3A_1400 = vector.shape_cast %get3A_1399 : vector<1x16xf32> to vector<16xf32>
        %add3A_1401 = arith.addf %get3A_1400, %get3A_456 : vector<16xf32>
        %swap3A_1402 = arith.index_cast %scan3A_1106 : i32 to index
        %swap3A_1403 = arith.constant 464 : index
        %swap3A_1404 = tpu.vector_load %arg14[%swap3A_1402, %swap3A_1403] {strides = array<i32>} : memref<32x768xf32, #tpu.memory_space<vmem>>, vector<1x16xf32>,
        %swap3A_1405 = vector.shape_cast %swap3A_1404 : vector<1x16xf32> to vector<16xf32>
        %swap3A_1406 = vector.shape_cast %add3A_1401 : vector<16xf32> to vector<1x16xf32>
        tpu.vector_store %arg14[%swap3A_1402, %swap3A_1403], %swap3A_1406 {strides = array<i32>} : memref<32x768xf32, #tpu.memory_space<vmem>>, vector<1x16xf32>,
        %get3A_1407 = arith.index_cast %scan3A_1106 : i32 to index
        %get3A_1408 = arith.constant 480 : index
        %get3A_1409 = tpu.vector_load %arg11[%get3A_1407, %get3A_1408] {strides = array<i32>} : memref<32x768xf32, #tpu.memory_space<vmem>>, vector<1x16xf32>,
        %get3A_1410 = vector.shape_cast %get3A_1409 : vector<1x16xf32> to vector<16xf32>
        %add3A_1411 = arith.addf %get3A_1410, %get3A_461 : vector<16xf32>
        %swap3A_1412 = arith.index_cast %scan3A_1106 : i32 to index
        %swap3A_1413 = arith.constant 480 : index
        %swap3A_1414 = tpu.vector_load %arg14[%swap3A_1412, %swap3A_1413] {strides = array<i32>} : memref<32x768xf32, #tpu.memory_space<vmem>>, vector<1x16xf32>,
        %swap3A_1415 = vector.shape_cast %swap3A_1414 : vector<1x16xf32> to vector<16xf32>
        %swap3A_1416 = vector.shape_cast %add3A_1411 : vector<16xf32> to vector<1x16xf32>
        tpu.vector_store %arg14[%swap3A_1412, %swap3A_1413], %swap3A_1416 {strides = array<i32>} : memref<32x768xf32, #tpu.memory_space<vmem>>, vector<1x16xf32>,
        %get3A_1417 = arith.index_cast %scan3A_1106 : i32 to index
        %get3A_1418 = arith.constant 496 : index
        %get3A_1419 = tpu.vector_load %arg11[%get3A_1417, %get3A_1418] {strides = array<i32>} : memref<32x768xf32, #tpu.memory_space<vmem>>, vector<1x16xf32>,
        %get3A_1420 = vector.shape_cast %get3A_1419 : vector<1x16xf32> to vector<16xf32>
        %add3A_1421 = arith.addf %get3A_1420, %get3A_466 : vector<16xf32>
        %swap3A_1422 = arith.index_cast %scan3A_1106 : i32 to index
        %swap3A_1423 = arith.constant 496 : index
        %swap3A_1424 = tpu.vector_load %arg14[%swap3A_1422, %swap3A_1423] {strides = array<i32>} : memref<32x768xf32, #tpu.memory_space<vmem>>, vector<1x16xf32>,
        %swap3A_1425 = vector.shape_cast %swap3A_1424 : vector<1x16xf32> to vector<16xf32>
        %swap3A_1426 = vector.shape_cast %add3A_1421 : vector<16xf32> to vector<1x16xf32>
        tpu.vector_store %arg14[%swap3A_1422, %swap3A_1423], %swap3A_1426 {strides = array<i32>} : memref<32x768xf32, #tpu.memory_space<vmem>>, vector<1x16xf32>,
        %get3A_1427 = arith.index_cast %scan3A_1106 : i32 to index
        %get3A_1428 = arith.constant 512 : index
        %get3A_1429 = tpu.vector_load %arg11[%get3A_1427, %get3A_1428] {strides = array<i32>} : memref<32x768xf32, #tpu.memory_space<vmem>>, vector<1x16xf32>,
        %get3A_1430 = vector.shape_cast %get3A_1429 : vector<1x16xf32> to vector<16xf32>
        %add3A_1431 = arith.addf %get3A_1430, %get3A_471 : vector<16xf32>
        %swap3A_1432 = arith.index_cast %scan3A_1106 : i32 to index
        %swap3A_1433 = arith.constant 512 : index
        %swap3A_1434 = tpu.vector_load %arg14[%swap3A_1432, %swap3A_1433] {strides = array<i32>} : memref<32x768xf32, #tpu.memory_space<vmem>>, vector<1x16xf32>,
        %swap3A_1435 = vector.shape_cast %swap3A_1434 : vector<1x16xf32> to vector<16xf32>
        %swap3A_1436 = vector.shape_cast %add3A_1431 : vector<16xf32> to vector<1x16xf32>
        tpu.vector_store %arg14[%swap3A_1432, %swap3A_1433], %swap3A_1436 {strides = array<i32>} : memref<32x768xf32, #tpu.memory_space<vmem>>, vector<1x16xf32>,
        %get3A_1437 = arith.index_cast %scan3A_1106 : i32 to index
        %get3A_1438 = arith.constant 528 : index
        %get3A_1439 = tpu.vector_load %arg11[%get3A_1437, %get3A_1438] {strides = array<i32>} : memref<32x768xf32, #tpu.memory_space<vmem>>, vector<1x16xf32>,
        %get3A_1440 = vector.shape_cast %get3A_1439 : vector<1x16xf32> to vector<16xf32>
        %add3A_1441 = arith.addf %get3A_1440, %get3A_476 : vector<16xf32>
        %swap3A_1442 = arith.index_cast %scan3A_1106 : i32 to index
        %swap3A_1443 = arith.constant 528 : index
        %swap3A_1444 = tpu.vector_load %arg14[%swap3A_1442, %swap3A_1443] {strides = array<i32>} : memref<32x768xf32, #tpu.memory_space<vmem>>, vector<1x16xf32>,
        %swap3A_1445 = vector.shape_cast %swap3A_1444 : vector<1x16xf32> to vector<16xf32>
        %swap3A_1446 = vector.shape_cast %add3A_1441 : vector<16xf32> to vector<1x16xf32>
        tpu.vector_store %arg14[%swap3A_1442, %swap3A_1443], %swap3A_1446 {strides = array<i32>} : memref<32x768xf32, #tpu.memory_space<vmem>>, vector<1x16xf32>,
        %get3A_1447 = arith.index_cast %scan3A_1106 : i32 to index
        %get3A_1448 = arith.constant 544 : index
        %get3A_1449 = tpu.vector_load %arg11[%get3A_1447, %get3A_1448] {strides = array<i32>} : memref<32x768xf32, #tpu.memory_space<vmem>>, vector<1x16xf32>,
        %get3A_1450 = vector.shape_cast %get3A_1449 : vector<1x16xf32> to vector<16xf32>
        %add3A_1451 = arith.addf %get3A_1450, %get3A_481 : vector<16xf32>
        %swap3A_1452 = arith.index_cast %scan3A_1106 : i32 to index
        %swap3A_1453 = arith.constant 544 : index
        %swap3A_1454 = tpu.vector_load %arg14[%swap3A_1452, %swap3A_1453] {strides = array<i32>} : memref<32x768xf32, #tpu.memory_space<vmem>>, vector<1x16xf32>,
        %swap3A_1455 = vector.shape_cast %swap3A_1454 : vector<1x16xf32> to vector<16xf32>
        %swap3A_1456 = vector.shape_cast %add3A_1451 : vector<16xf32> to vector<1x16xf32>
        tpu.vector_store %arg14[%swap3A_1452, %swap3A_1453], %swap3A_1456 {strides = array<i32>} : memref<32x768xf32, #tpu.memory_space<vmem>>, vector<1x16xf32>,
        %get3A_1457 = arith.index_cast %scan3A_1106 : i32 to index
        %get3A_1458 = arith.constant 560 : index
        %get3A_1459 = tpu.vector_load %arg11[%get3A_1457, %get3A_1458] {strides = array<i32>} : memref<32x768xf32, #tpu.memory_space<vmem>>, vector<1x16xf32>,
        %get3A_1460 = vector.shape_cast %get3A_1459 : vector<1x16xf32> to vector<16xf32>
        %add3A_1461 = arith.addf %get3A_1460, %get3A_486 : vector<16xf32>
        %swap3A_1462 = arith.index_cast %scan3A_1106 : i32 to index
        %swap3A_1463 = arith.constant 560 : index
        %swap3A_1464 = tpu.vector_load %arg14[%swap3A_1462, %swap3A_1463] {strides = array<i32>} : memref<32x768xf32, #tpu.memory_space<vmem>>, vector<1x16xf32>,
        %swap3A_1465 = vector.shape_cast %swap3A_1464 : vector<1x16xf32> to vector<16xf32>
        %swap3A_1466 = vector.shape_cast %add3A_1461 : vector<16xf32> to vector<1x16xf32>
        tpu.vector_store %arg14[%swap3A_1462, %swap3A_1463], %swap3A_1466 {strides = array<i32>} : memref<32x768xf32, #tpu.memory_space<vmem>>, vector<1x16xf32>,
        %get3A_1467 = arith.index_cast %scan3A_1106 : i32 to index
        %get3A_1468 = arith.constant 576 : index
        %get3A_1469 = tpu.vector_load %arg11[%get3A_1467, %get3A_1468] {strides = array<i32>} : memref<32x768xf32, #tpu.memory_space<vmem>>, vector<1x16xf32>,
        %get3A_1470 = vector.shape_cast %get3A_1469 : vector<1x16xf32> to vector<16xf32>
        %add3A_1471 = arith.addf %get3A_1470, %get3A_491 : vector<16xf32>
        %swap3A_1472 = arith.index_cast %scan3A_1106 : i32 to index
        %swap3A_1473 = arith.constant 576 : index
        %swap3A_1474 = tpu.vector_load %arg14[%swap3A_1472, %swap3A_1473] {strides = array<i32>} : memref<32x768xf32, #tpu.memory_space<vmem>>, vector<1x16xf32>,
        %swap3A_1475 = vector.shape_cast %swap3A_1474 : vector<1x16xf32> to vector<16xf32>
        %swap3A_1476 = vector.shape_cast %add3A_1471 : vector<16xf32> to vector<1x16xf32>
        tpu.vector_store %arg14[%swap3A_1472, %swap3A_1473], %swap3A_1476 {strides = array<i32>} : memref<32x768xf32, #tpu.memory_space<vmem>>, vector<1x16xf32>,
        %get3A_1477 = arith.index_cast %scan3A_1106 : i32 to index
        %get3A_1478 = arith.constant 592 : index
        %get3A_1479 = tpu.vector_load %arg11[%get3A_1477, %get3A_1478] {strides = array<i32>} : memref<32x768xf32, #tpu.memory_space<vmem>>, vector<1x16xf32>,
        %get3A_1480 = vector.shape_cast %get3A_1479 : vector<1x16xf32> to vector<16xf32>
        %add3A_1481 = arith.addf %get3A_1480, %get3A_496 : vector<16xf32>
        %swap3A_1482 = arith.index_cast %scan3A_1106 : i32 to index
        %swap3A_1483 = arith.constant 592 : index
        %swap3A_1484 = tpu.vector_load %arg14[%swap3A_1482, %swap3A_1483] {strides = array<i32>} : memref<32x768xf32, #tpu.memory_space<vmem>>, vector<1x16xf32>,
        %swap3A_1485 = vector.shape_cast %swap3A_1484 : vector<1x16xf32> to vector<16xf32>
        %swap3A_1486 = vector.shape_cast %add3A_1481 : vector<16xf32> to vector<1x16xf32>
        tpu.vector_store %arg14[%swap3A_1482, %swap3A_1483], %swap3A_1486 {strides = array<i32>} : memref<32x768xf32, #tpu.memory_space<vmem>>, vector<1x16xf32>,
        %get3A_1487 = arith.index_cast %scan3A_1106 : i32 to index
        %get3A_1488 = arith.constant 608 : index
        %get3A_1489 = tpu.vector_load %arg11[%get3A_1487, %get3A_1488] {strides = array<i32>} : memref<32x768xf32, #tpu.memory_space<vmem>>, vector<1x16xf32>,
        %get3A_1490 = vector.shape_cast %get3A_1489 : vector<1x16xf32> to vector<16xf32>
        %add3A_1491 = arith.addf %get3A_1490, %get3A_501 : vector<16xf32>
        %swap3A_1492 = arith.index_cast %scan3A_1106 : i32 to index
        %swap3A_1493 = arith.constant 608 : index
        %swap3A_1494 = tpu.vector_load %arg14[%swap3A_1492, %swap3A_1493] {strides = array<i32>} : memref<32x768xf32, #tpu.memory_space<vmem>>, vector<1x16xf32>,
        %swap3A_1495 = vector.shape_cast %swap3A_1494 : vector<1x16xf32> to vector<16xf32>
        %swap3A_1496 = vector.shape_cast %add3A_1491 : vector<16xf32> to vector<1x16xf32>
        tpu.vector_store %arg14[%swap3A_1492, %swap3A_1493], %swap3A_1496 {strides = array<i32>} : memref<32x768xf32, #tpu.memory_space<vmem>>, vector<1x16xf32>,
        %get3A_1497 = arith.index_cast %scan3A_1106 : i32 to index
        %get3A_1498 = arith.constant 624 : index
        %get3A_1499 = tpu.vector_load %arg11[%get3A_1497, %get3A_1498] {strides = array<i32>} : memref<32x768xf32, #tpu.memory_space<vmem>>, vector<1x16xf32>,
        %get3A_1500 = vector.shape_cast %get3A_1499 : vector<1x16xf32> to vector<16xf32>
        %add3A_1501 = arith.addf %get3A_1500, %get3A_506 : vector<16xf32>
        %swap3A_1502 = arith.index_cast %scan3A_1106 : i32 to index
        %swap3A_1503 = arith.constant 624 : index
        %swap3A_1504 = tpu.vector_load %arg14[%swap3A_1502, %swap3A_1503] {strides = array<i32>} : memref<32x768xf32, #tpu.memory_space<vmem>>, vector<1x16xf32>,
        %swap3A_1505 = vector.shape_cast %swap3A_1504 : vector<1x16xf32> to vector<16xf32>
        %swap3A_1506 = vector.shape_cast %add3A_1501 : vector<16xf32> to vector<1x16xf32>
        tpu.vector_store %arg14[%swap3A_1502, %swap3A_1503], %swap3A_1506 {strides = array<i32>} : memref<32x768xf32, #tpu.memory_space<vmem>>, vector<1x16xf32>,
        %get3A_1507 = arith.index_cast %scan3A_1106 : i32 to index
        %get3A_1508 = arith.constant 640 : index
        %get3A_1509 = tpu.vector_load %arg11[%get3A_1507, %get3A_1508] {strides = array<i32>} : memref<32x768xf32, #tpu.memory_space<vmem>>, vector<1x16xf32>,
        %get3A_1510 = vector.shape_cast %get3A_1509 : vector<1x16xf32> to vector<16xf32>
        %add3A_1511 = arith.addf %get3A_1510, %get3A_511 : vector<16xf32>
        %swap3A_1512 = arith.index_cast %scan3A_1106 : i32 to index
        %swap3A_1513 = arith.constant 640 : index
        %swap3A_1514 = tpu.vector_load %arg14[%swap3A_1512, %swap3A_1513] {strides = array<i32>} : memref<32x768xf32, #tpu.memory_space<vmem>>, vector<1x16xf32>,
        %swap3A_1515 = vector.shape_cast %swap3A_1514 : vector<1x16xf32> to vector<16xf32>
        %swap3A_1516 = vector.shape_cast %add3A_1511 : vector<16xf32> to vector<1x16xf32>
        tpu.vector_store %arg14[%swap3A_1512, %swap3A_1513], %swap3A_1516 {strides = array<i32>} : memref<32x768xf32, #tpu.memory_space<vmem>>, vector<1x16xf32>,
        %get3A_1517 = arith.index_cast %scan3A_1106 : i32 to index
        %get3A_1518 = arith.constant 656 : index
        %get3A_1519 = tpu.vector_load %arg11[%get3A_1517, %get3A_1518] {strides = array<i32>} : memref<32x768xf32, #tpu.memory_space<vmem>>, vector<1x16xf32>,
        %get3A_1520 = vector.shape_cast %get3A_1519 : vector<1x16xf32> to vector<16xf32>
        %add3A_1521 = arith.addf %get3A_1520, %get3A_516 : vector<16xf32>
        %swap3A_1522 = arith.index_cast %scan3A_1106 : i32 to index
        %swap3A_1523 = arith.constant 656 : index
        %swap3A_1524 = tpu.vector_load %arg14[%swap3A_1522, %swap3A_1523] {strides = array<i32>} : memref<32x768xf32, #tpu.memory_space<vmem>>, vector<1x16xf32>,
        %swap3A_1525 = vector.shape_cast %swap3A_1524 : vector<1x16xf32> to vector<16xf32>
        %swap3A_1526 = vector.shape_cast %add3A_1521 : vector<16xf32> to vector<1x16xf32>
        tpu.vector_store %arg14[%swap3A_1522, %swap3A_1523], %swap3A_1526 {strides = array<i32>} : memref<32x768xf32, #tpu.memory_space<vmem>>, vector<1x16xf32>,
        %get3A_1527 = arith.index_cast %scan3A_1106 : i32 to index
        %get3A_1528 = arith.constant 672 : index
        %get3A_1529 = tpu.vector_load %arg11[%get3A_1527, %get3A_1528] {strides = array<i32>} : memref<32x768xf32, #tpu.memory_space<vmem>>, vector<1x16xf32>,
        %get3A_1530 = vector.shape_cast %get3A_1529 : vector<1x16xf32> to vector<16xf32>
        %add3A_1531 = arith.addf %get3A_1530, %get3A_521 : vector<16xf32>
        %swap3A_1532 = arith.index_cast %scan3A_1106 : i32 to index
        %swap3A_1533 = arith.constant 672 : index
        %swap3A_1534 = tpu.vector_load %arg14[%swap3A_1532, %swap3A_1533] {strides = array<i32>} : memref<32x768xf32, #tpu.memory_space<vmem>>, vector<1x16xf32>,
        %swap3A_1535 = vector.shape_cast %swap3A_1534 : vector<1x16xf32> to vector<16xf32>
        %swap3A_1536 = vector.shape_cast %add3A_1531 : vector<16xf32> to vector<1x16xf32>
        tpu.vector_store %arg14[%swap3A_1532, %swap3A_1533], %swap3A_1536 {strides = array<i32>} : memref<32x768xf32, #tpu.memory_space<vmem>>, vector<1x16xf32>,
        %get3A_1537 = arith.index_cast %scan3A_1106 : i32 to index
        %get3A_1538 = arith.constant 688 : index
        %get3A_1539 = tpu.vector_load %arg11[%get3A_1537, %get3A_1538] {strides = array<i32>} : memref<32x768xf32, #tpu.memory_space<vmem>>, vector<1x16xf32>,
        %get3A_1540 = vector.shape_cast %get3A_1539 : vector<1x16xf32> to vector<16xf32>
        %add3A_1541 = arith.addf %get3A_1540, %get3A_526 : vector<16xf32>
        %swap3A_1542 = arith.index_cast %scan3A_1106 : i32 to index
        %swap3A_1543 = arith.constant 688 : index
        %swap3A_1544 = tpu.vector_load %arg14[%swap3A_1542, %swap3A_1543] {strides = array<i32>} : memref<32x768xf32, #tpu.memory_space<vmem>>, vector<1x16xf32>,
        %swap3A_1545 = vector.shape_cast %swap3A_1544 : vector<1x16xf32> to vector<16xf32>
        %swap3A_1546 = vector.shape_cast %add3A_1541 : vector<16xf32> to vector<1x16xf32>
        tpu.vector_store %arg14[%swap3A_1542, %swap3A_1543], %swap3A_1546 {strides = array<i32>} : memref<32x768xf32, #tpu.memory_space<vmem>>, vector<1x16xf32>,
        %get3A_1547 = arith.index_cast %scan3A_1106 : i32 to index
        %get3A_1548 = arith.constant 704 : index
        %get3A_1549 = tpu.vector_load %arg11[%get3A_1547, %get3A_1548] {strides = array<i32>} : memref<32x768xf32, #tpu.memory_space<vmem>>, vector<1x16xf32>,
        %get3A_1550 = vector.shape_cast %get3A_1549 : vector<1x16xf32> to vector<16xf32>
        %add3A_1551 = arith.addf %get3A_1550, %get3A_531 : vector<16xf32>
        %swap3A_1552 = arith.index_cast %scan3A_1106 : i32 to index
        %swap3A_1553 = arith.constant 704 : index
        %swap3A_1554 = tpu.vector_load %arg14[%swap3A_1552, %swap3A_1553] {strides = array<i32>} : memref<32x768xf32, #tpu.memory_space<vmem>>, vector<1x16xf32>,
        %swap3A_1555 = vector.shape_cast %swap3A_1554 : vector<1x16xf32> to vector<16xf32>
        %swap3A_1556 = vector.shape_cast %add3A_1551 : vector<16xf32> to vector<1x16xf32>
        tpu.vector_store %arg14[%swap3A_1552, %swap3A_1553], %swap3A_1556 {strides = array<i32>} : memref<32x768xf32, #tpu.memory_space<vmem>>, vector<1x16xf32>,
        %get3A_1557 = arith.index_cast %scan3A_1106 : i32 to index
        %get3A_1558 = arith.constant 720 : index
        %get3A_1559 = tpu.vector_load %arg11[%get3A_1557, %get3A_1558] {strides = array<i32>} : memref<32x768xf32, #tpu.memory_space<vmem>>, vector<1x16xf32>,
        %get3A_1560 = vector.shape_cast %get3A_1559 : vector<1x16xf32> to vector<16xf32>
        %add3A_1561 = arith.addf %get3A_1560, %get3A_536 : vector<16xf32>
        %swap3A_1562 = arith.index_cast %scan3A_1106 : i32 to index
        %swap3A_1563 = arith.constant 720 : index
        %swap3A_1564 = tpu.vector_load %arg14[%swap3A_1562, %swap3A_1563] {strides = array<i32>} : memref<32x768xf32, #tpu.memory_space<vmem>>, vector<1x16xf32>,
        %swap3A_1565 = vector.shape_cast %swap3A_1564 : vector<1x16xf32> to vector<16xf32>
        %swap3A_1566 = vector.shape_cast %add3A_1561 : vector<16xf32> to vector<1x16xf32>
        tpu.vector_store %arg14[%swap3A_1562, %swap3A_1563], %swap3A_1566 {strides = array<i32>} : memref<32x768xf32, #tpu.memory_space<vmem>>, vector<1x16xf32>,
        %get3A_1567 = arith.index_cast %scan3A_1106 : i32 to index
        %get3A_1568 = arith.constant 736 : index
        %get3A_1569 = tpu.vector_load %arg11[%get3A_1567, %get3A_1568] {strides = array<i32>} : memref<32x768xf32, #tpu.memory_space<vmem>>, vector<1x16xf32>,
        %get3A_1570 = vector.shape_cast %get3A_1569 : vector<1x16xf32> to vector<16xf32>
        %add3A_1571 = arith.addf %get3A_1570, %get3A_541 : vector<16xf32>
        %swap3A_1572 = arith.index_cast %scan3A_1106 : i32 to index
        %swap3A_1573 = arith.constant 736 : index
        %swap3A_1574 = tpu.vector_load %arg14[%swap3A_1572, %swap3A_1573] {strides = array<i32>} : memref<32x768xf32, #tpu.memory_space<vmem>>, vector<1x16xf32>,
        %swap3A_1575 = vector.shape_cast %swap3A_1574 : vector<1x16xf32> to vector<16xf32>
        %swap3A_1576 = vector.shape_cast %add3A_1571 : vector<16xf32> to vector<1x16xf32>
        tpu.vector_store %arg14[%swap3A_1572, %swap3A_1573], %swap3A_1576 {strides = array<i32>} : memref<32x768xf32, #tpu.memory_space<vmem>>, vector<1x16xf32>,
        %get3A_1577 = arith.index_cast %scan3A_1106 : i32 to index
        %get3A_1578 = arith.constant 752 : index
        %get3A_1579 = tpu.vector_load %arg11[%get3A_1577, %get3A_1578] {strides = array<i32>} : memref<32x768xf32, #tpu.memory_space<vmem>>, vector<1x16xf32>,
        %get3A_1580 = vector.shape_cast %get3A_1579 : vector<1x16xf32> to vector<16xf32>
        %add3A_1581 = arith.addf %get3A_1580, %get3A_546 : vector<16xf32>
        %swap3A_1582 = arith.index_cast %scan3A_1106 : i32 to index
        %swap3A_1583 = arith.constant 752 : index
        %swap3A_1584 = tpu.vector_load %arg14[%swap3A_1582, %swap3A_1583] {strides = array<i32>} : memref<32x768xf32, #tpu.memory_space<vmem>>, vector<1x16xf32>,
        %swap3A_1585 = vector.shape_cast %swap3A_1584 : vector<1x16xf32> to vector<16xf32>
        %swap3A_1586 = vector.shape_cast %add3A_1581 : vector<16xf32> to vector<1x16xf32>
        tpu.vector_store %arg14[%swap3A_1582, %swap3A_1583], %swap3A_1586 {strides = array<i32>} : memref<32x768xf32, #tpu.memory_space<vmem>>, vector<1x16xf32>,
        %scan3A_1587 = arith.constant 0 : i32
        scf.yield %scan3A_1587 : i32
      }
      %scan3A_553 = arith.constant 32 : i32
      %add3A_554 = arith.constant 1 : i32
      %add3A_555 = arith.addi %add3A_4, %add3A_554 : i32
      %mul3A_556 = arith.constant 256 : i32
      %mul3A_557 = arith.muli %add3A_555, %mul3A_556 : i32
      %mul3A_558 = arith.constant 32 : i32
      %mul3A_559 = arith.muli %add3A_35, %mul3A_558 : i32
      %add3A_560 = arith.addi %mul3A_557, %mul3A_559 : i32
      %dma_start3A_561 = arith.constant 0 : i32
      %dma_start3A_562 = tpu.memref_slice %arg6[%add3A_560, %dma_start3A_561] : memref<65536x768xf32, #tpu.memory_space<hbm>> -> memref<32x768xf32, #tpu.memory_space<hbm>>
      %dma_start3A_563 = arith.constant 0 : i32
      %dma_start3A_564 = tpu.memref_slice %arg6[%add3A_560, %dma_start3A_563] : memref<65536x768xf32, #tpu.memory_space<hbm>> -> memref<32x768xf32, #tpu.memory_space<hbm>>
      tpu.enqueue_dma source(%arg14 : memref<32x768xf32, #tpu.memory_space<vmem>>) target(%dma_start3A_564 : memref<32x768xf32, #tpu.memory_space<hbm>>) target_semaphore(%arg18 : memref<!tpu.dma_semaphore, #tpu.memory_space<semaphore_mem>>)
      %mul3A_565 = arith.constant 2 : i32
      %mul3A_566 = arith.muli %scan3A_30, %mul3A_565 : i32
      %add3A_567 = arith.constant 1 : i32
      %add3A_568 = arith.addi %mul3A_566, %add3A_567 : i32
      %dma_wait3A_569 = arith.constant 0 : i32
      %dma_wait3A_570 = arith.constant 0 : i32
      %dma_wait3A_571 = tpu.memref_slice %arg5[%dma_wait3A_569, %dma_wait3A_570] : memref<1024x768xf32, #tpu.memory_space<hbm>> -> memref<1024x768xf32, #tpu.memory_space<hbm>>
      tpu.wait_indirect_dma semaphore(%arg16 : memref<!tpu.dma_semaphore, #tpu.memory_space<semaphore_mem>>) src(%dma_wait3A_571 : memref<1024x768xf32, #tpu.memory_space<hbm>>) dst(%arg12 : memref<32x768xf32, #tpu.memory_space<vmem>>)
      %lt3A_572 = arith.constant 7 : i32
      %lt3A_573 = arith.cmpi slt, %add3A_568, %lt3A_572 : i32
      %convert_element_type3A_574 = arith.extui %lt3A_573 : i1 to i32
      %cond3A_575 = arith.constant 0 : i32
      %cond3A_576 = arith.cmpi ne, %convert_element_type3A_574, %cond3A_575 : i32
      scf.if %cond3A_576 {
        %add3A_1106 = arith.constant 1 : i32
        %add3A_1107 = arith.addi %add3A_568, %add3A_1106 : i32
        %mul3A_1108 = arith.constant 32 : i32
        %mul3A_1109 = arith.muli %add3A_1107, %mul3A_1108 : i32
        "tpu.region"() ({
          %run_scoped3A = tpu.sem_alloc : memref<!tpu.dma_semaphore, #tpu.memory_space<semaphore_mem>>
          %dma_start3A_1113 = tpu.memref_slice %arg3[%mul3A_1109] : memref<256xi32, #tpu.memory_space<hbm>> -> memref<32xi32, #tpu.memory_space<hbm>>
          %dma_start3A_1114 = tpu.memref_slice %arg3[%mul3A_1109] : memref<256xi32, #tpu.memory_space<hbm>> -> memref<32xi32, #tpu.memory_space<hbm>>
          tpu.enqueue_dma source(%dma_start3A_1114 : memref<32xi32, #tpu.memory_space<hbm>>) target(%arg8 : memref<32xi32, #tpu.memory_space<vmem>>) target_semaphore(%run_scoped3A : memref<!tpu.dma_semaphore, #tpu.memory_space<semaphore_mem>>)
          %dma_wait3A_1115 = tpu.memref_slice %arg3[%mul3A_1109] : memref<256xi32, #tpu.memory_space<hbm>> -> memref<32xi32, #tpu.memory_space<hbm>>
          %dma_wait3A_1116 = tpu.memref_slice %arg3[%mul3A_1109] : memref<256xi32, #tpu.memory_space<hbm>> -> memref<32xi32, #tpu.memory_space<hbm>>
          tpu.wait_dma2 semaphore(%run_scoped3A : memref<!tpu.dma_semaphore, #tpu.memory_space<semaphore_mem>>) src(%dma_wait3A_1116 : memref<32xi32, #tpu.memory_space<hbm>>) dst(%arg8 : memref<32xi32, #tpu.memory_space<vmem>>)
          tpu.yield
        }) : () -> ()
        %dma_start3A_1110 = arith.constant 0 : i32
        %dma_start3A_1111 = arith.constant 0 : i32
        %dma_start3A_1112 = tpu.memref_slice %arg5[%dma_start3A_1110, %dma_start3A_1111] : memref<1024x768xf32, #tpu.memory_space<hbm>> -> memref<1024x768xf32, #tpu.memory_space<hbm>>
        tpu.enqueue_indirect_dma source(%dma_start3A_1112 : memref<1024x768xf32, #tpu.memory_space<hbm>>) target(%arg11 : memref<32x768xf32, #tpu.memory_space<vmem>>) offsets(%arg8 : memref<32xi32, #tpu.memory_space<vmem>>) semaphore(%arg16 : memref<!tpu.dma_semaphore, #tpu.memory_space<semaphore_mem>>)
      } else {
      }
      %dma_wait3A_577 = arith.constant 0 : i32
      %dma_wait3A_578 = arith.constant 0 : i32
      %dma_wait3A_579 = tpu.memref_slice %arg6[%dma_wait3A_577, %dma_wait3A_578] : memref<65536x768xf32, #tpu.memory_space<hbm>> -> memref<32x768xf32, #tpu.memory_space<hbm>>
      %dma_wait3A_580 = arith.constant 0 : i32
      %dma_wait3A_581 = arith.constant 0 : i32
      %dma_wait3A_582 = tpu.memref_slice %arg6[%dma_wait3A_580, %dma_wait3A_581] : memref<65536x768xf32, #tpu.memory_space<hbm>> -> memref<32x768xf32, #tpu.memory_space<hbm>>
      tpu.wait_dma2 semaphore(%arg17 : memref<!tpu.dma_semaphore, #tpu.memory_space<semaphore_mem>>) src(%arg13 : memref<32x768xf32, #tpu.memory_space<vmem>>) dst(%dma_wait3A_582 : memref<32x768xf32, #tpu.memory_space<hbm>>)
      %get3A_583 = arith.constant 0 : i32
      %get3A_584 = arith.index_cast %get3A_583 : i32 to index
      %get3A_585 = arith.constant 0 : index
      %get3A_586 = tpu.vector_load %arg10[%get3A_584, %get3A_585] {strides = array<i32>} : memref<8x768xf32, #tpu.memory_space<vmem>>, vector<1x16xf32>,
      %get3A_587 = vector.shape_cast %get3A_586 : vector<1x16xf32> to vector<16xf32>
      %get3A_588 = arith.constant 0 : i32
      %get3A_589 = arith.index_cast %get3A_588 : i32 to index
      %get3A_590 = arith.constant 16 : index
      %get3A_591 = tpu.vector_load %arg10[%get3A_589, %get3A_590] {strides = array<i32>} : memref<8x768xf32, #tpu.memory_space<vmem>>, vector<1x16xf32>,
      %get3A_592 = vector.shape_cast %get3A_591 : vector<1x16xf32> to vector<16xf32>
      %get3A_593 = arith.constant 0 : i32
      %get3A_594 = arith.index_cast %get3A_593 : i32 to index
      %get3A_595 = arith.constant 32 : index
      %get3A_596 = tpu.vector_load %arg10[%get3A_594, %get3A_595] {strides = array<i32>} : memref<8x768xf32, #tpu.memory_space<vmem>>, vector<1x16xf32>,
      %get3A_597 = vector.shape_cast %get3A_596 : vector<1x16xf32> to vector<16xf32>
      %get3A_598 = arith.constant 0 : i32
      %get3A_599 = arith.index_cast %get3A_598 : i32 to index
      %get3A_600 = arith.constant 48 : index
      %get3A_601 = tpu.vector_load %arg10[%get3A_599, %get3A_600] {strides = array<i32>} : memref<8x768xf32, #tpu.memory_space<vmem>>, vector<1x16xf32>,
      %get3A_602 = vector.shape_cast %get3A_601 : vector<1x16xf32> to vector<16xf32>
      %get3A_603 = arith.constant 0 : i32
      %get3A_604 = arith.index_cast %get3A_603 : i32 to index
      %get3A_605 = arith.constant 64 : index
      %get3A_606 = tpu.vector_load %arg10[%get3A_604, %get3A_605] {strides = array<i32>} : memref<8x768xf32, #tpu.memory_space<vmem>>, vector<1x16xf32>,
      %get3A_607 = vector.shape_cast %get3A_606 : vector<1x16xf32> to vector<16xf32>
      %get3A_608 = arith.constant 0 : i32
      %get3A_609 = arith.index_cast %get3A_608 : i32 to index
      %get3A_610 = arith.constant 80 : index
      %get3A_611 = tpu.vector_load %arg10[%get3A_609, %get3A_610] {strides = array<i32>} : memref<8x768xf32, #tpu.memory_space<vmem>>, vector<1x16xf32>,
      %get3A_612 = vector.shape_cast %get3A_611 : vector<1x16xf32> to vector<16xf32>
      %get3A_613 = arith.constant 0 : i32
      %get3A_614 = arith.index_cast %get3A_613 : i32 to index
      %get3A_615 = arith.constant 96 : index
      %get3A_616 = tpu.vector_load %arg10[%get3A_614, %get3A_615] {strides = array<i32>} : memref<8x768xf32, #tpu.memory_space<vmem>>, vector<1x16xf32>,
      %get3A_617 = vector.shape_cast %get3A_616 : vector<1x16xf32> to vector<16xf32>
      %get3A_618 = arith.constant 0 : i32
      %get3A_619 = arith.index_cast %get3A_618 : i32 to index
      %get3A_620 = arith.constant 112 : index
      %get3A_621 = tpu.vector_load %arg10[%get3A_619, %get3A_620] {strides = array<i32>} : memref<8x768xf32, #tpu.memory_space<vmem>>, vector<1x16xf32>,
      %get3A_622 = vector.shape_cast %get3A_621 : vector<1x16xf32> to vector<16xf32>
      %get3A_623 = arith.constant 0 : i32
      %get3A_624 = arith.index_cast %get3A_623 : i32 to index
      %get3A_625 = arith.constant 128 : index
      %get3A_626 = tpu.vector_load %arg10[%get3A_624, %get3A_625] {strides = array<i32>} : memref<8x768xf32, #tpu.memory_space<vmem>>, vector<1x16xf32>,
      %get3A_627 = vector.shape_cast %get3A_626 : vector<1x16xf32> to vector<16xf32>
      %get3A_628 = arith.constant 0 : i32
      %get3A_629 = arith.index_cast %get3A_628 : i32 to index
      %get3A_630 = arith.constant 144 : index
      %get3A_631 = tpu.vector_load %arg10[%get3A_629, %get3A_630] {strides = array<i32>} : memref<8x768xf32, #tpu.memory_space<vmem>>, vector<1x16xf32>,
      %get3A_632 = vector.shape_cast %get3A_631 : vector<1x16xf32> to vector<16xf32>
      %get3A_633 = arith.constant 0 : i32
      %get3A_634 = arith.index_cast %get3A_633 : i32 to index
      %get3A_635 = arith.constant 160 : index
      %get3A_636 = tpu.vector_load %arg10[%get3A_634, %get3A_635] {strides = array<i32>} : memref<8x768xf32, #tpu.memory_space<vmem>>, vector<1x16xf32>,
      %get3A_637 = vector.shape_cast %get3A_636 : vector<1x16xf32> to vector<16xf32>
      %get3A_638 = arith.constant 0 : i32
      %get3A_639 = arith.index_cast %get3A_638 : i32 to index
      %get3A_640 = arith.constant 176 : index
      %get3A_641 = tpu.vector_load %arg10[%get3A_639, %get3A_640] {strides = array<i32>} : memref<8x768xf32, #tpu.memory_space<vmem>>, vector<1x16xf32>,
      %get3A_642 = vector.shape_cast %get3A_641 : vector<1x16xf32> to vector<16xf32>
      %get3A_643 = arith.constant 0 : i32
      %get3A_644 = arith.index_cast %get3A_643 : i32 to index
      %get3A_645 = arith.constant 192 : index
      %get3A_646 = tpu.vector_load %arg10[%get3A_644, %get3A_645] {strides = array<i32>} : memref<8x768xf32, #tpu.memory_space<vmem>>, vector<1x16xf32>,
      %get3A_647 = vector.shape_cast %get3A_646 : vector<1x16xf32> to vector<16xf32>
      %get3A_648 = arith.constant 0 : i32
      %get3A_649 = arith.index_cast %get3A_648 : i32 to index
      %get3A_650 = arith.constant 208 : index
      %get3A_651 = tpu.vector_load %arg10[%get3A_649, %get3A_650] {strides = array<i32>} : memref<8x768xf32, #tpu.memory_space<vmem>>, vector<1x16xf32>,
      %get3A_652 = vector.shape_cast %get3A_651 : vector<1x16xf32> to vector<16xf32>
      %get3A_653 = arith.constant 0 : i32
      %get3A_654 = arith.index_cast %get3A_653 : i32 to index
      %get3A_655 = arith.constant 224 : index
      %get3A_656 = tpu.vector_load %arg10[%get3A_654, %get3A_655] {strides = array<i32>} : memref<8x768xf32, #tpu.memory_space<vmem>>, vector<1x16xf32>,
      %get3A_657 = vector.shape_cast %get3A_656 : vector<1x16xf32> to vector<16xf32>
      %get3A_658 = arith.constant 0 : i32
      %get3A_659 = arith.index_cast %get3A_658 : i32 to index
      %get3A_660 = arith.constant 240 : index
      %get3A_661 = tpu.vector_load %arg10[%get3A_659, %get3A_660] {strides = array<i32>} : memref<8x768xf32, #tpu.memory_space<vmem>>, vector<1x16xf32>,
      %get3A_662 = vector.shape_cast %get3A_661 : vector<1x16xf32> to vector<16xf32>
      %get3A_663 = arith.constant 0 : i32
      %get3A_664 = arith.index_cast %get3A_663 : i32 to index
      %get3A_665 = arith.constant 256 : index
      %get3A_666 = tpu.vector_load %arg10[%get3A_664, %get3A_665] {strides = array<i32>} : memref<8x768xf32, #tpu.memory_space<vmem>>, vector<1x16xf32>,
      %get3A_667 = vector.shape_cast %get3A_666 : vector<1x16xf32> to vector<16xf32>
      %get3A_668 = arith.constant 0 : i32
      %get3A_669 = arith.index_cast %get3A_668 : i32 to index
      %get3A_670 = arith.constant 272 : index
      %get3A_671 = tpu.vector_load %arg10[%get3A_669, %get3A_670] {strides = array<i32>} : memref<8x768xf32, #tpu.memory_space<vmem>>, vector<1x16xf32>,
      %get3A_672 = vector.shape_cast %get3A_671 : vector<1x16xf32> to vector<16xf32>
      %get3A_673 = arith.constant 0 : i32
      %get3A_674 = arith.index_cast %get3A_673 : i32 to index
      %get3A_675 = arith.constant 288 : index
      %get3A_676 = tpu.vector_load %arg10[%get3A_674, %get3A_675] {strides = array<i32>} : memref<8x768xf32, #tpu.memory_space<vmem>>, vector<1x16xf32>,
      %get3A_677 = vector.shape_cast %get3A_676 : vector<1x16xf32> to vector<16xf32>
      %get3A_678 = arith.constant 0 : i32
      %get3A_679 = arith.index_cast %get3A_678 : i32 to index
      %get3A_680 = arith.constant 304 : index
      %get3A_681 = tpu.vector_load %arg10[%get3A_679, %get3A_680] {strides = array<i32>} : memref<8x768xf32, #tpu.memory_space<vmem>>, vector<1x16xf32>,
      %get3A_682 = vector.shape_cast %get3A_681 : vector<1x16xf32> to vector<16xf32>
      %get3A_683 = arith.constant 0 : i32
      %get3A_684 = arith.index_cast %get3A_683 : i32 to index
      %get3A_685 = arith.constant 320 : index
      %get3A_686 = tpu.vector_load %arg10[%get3A_684, %get3A_685] {strides = array<i32>} : memref<8x768xf32, #tpu.memory_space<vmem>>, vector<1x16xf32>,
      %get3A_687 = vector.shape_cast %get3A_686 : vector<1x16xf32> to vector<16xf32>
      %get3A_688 = arith.constant 0 : i32
      %get3A_689 = arith.index_cast %get3A_688 : i32 to index
      %get3A_690 = arith.constant 336 : index
      %get3A_691 = tpu.vector_load %arg10[%get3A_689, %get3A_690] {strides = array<i32>} : memref<8x768xf32, #tpu.memory_space<vmem>>, vector<1x16xf32>,
      %get3A_692 = vector.shape_cast %get3A_691 : vector<1x16xf32> to vector<16xf32>
      %get3A_693 = arith.constant 0 : i32
      %get3A_694 = arith.index_cast %get3A_693 : i32 to index
      %get3A_695 = arith.constant 352 : index
      %get3A_696 = tpu.vector_load %arg10[%get3A_694, %get3A_695] {strides = array<i32>} : memref<8x768xf32, #tpu.memory_space<vmem>>, vector<1x16xf32>,
      %get3A_697 = vector.shape_cast %get3A_696 : vector<1x16xf32> to vector<16xf32>
      %get3A_698 = arith.constant 0 : i32
      %get3A_699 = arith.index_cast %get3A_698 : i32 to index
      %get3A_700 = arith.constant 368 : index
      %get3A_701 = tpu.vector_load %arg10[%get3A_699, %get3A_700] {strides = array<i32>} : memref<8x768xf32, #tpu.memory_space<vmem>>, vector<1x16xf32>,
      %get3A_702 = vector.shape_cast %get3A_701 : vector<1x16xf32> to vector<16xf32>
      %get3A_703 = arith.constant 0 : i32
      %get3A_704 = arith.index_cast %get3A_703 : i32 to index
      %get3A_705 = arith.constant 384 : index
      %get3A_706 = tpu.vector_load %arg10[%get3A_704, %get3A_705] {strides = array<i32>} : memref<8x768xf32, #tpu.memory_space<vmem>>, vector<1x16xf32>,
      %get3A_707 = vector.shape_cast %get3A_706 : vector<1x16xf32> to vector<16xf32>
      %get3A_708 = arith.constant 0 : i32
      %get3A_709 = arith.index_cast %get3A_708 : i32 to index
      %get3A_710 = arith.constant 400 : index
      %get3A_711 = tpu.vector_load %arg10[%get3A_709, %get3A_710] {strides = array<i32>} : memref<8x768xf32, #tpu.memory_space<vmem>>, vector<1x16xf32>,
      %get3A_712 = vector.shape_cast %get3A_711 : vector<1x16xf32> to vector<16xf32>
      %get3A_713 = arith.constant 0 : i32
      %get3A_714 = arith.index_cast %get3A_713 : i32 to index
      %get3A_715 = arith.constant 416 : index
      %get3A_716 = tpu.vector_load %arg10[%get3A_714, %get3A_715] {strides = array<i32>} : memref<8x768xf32, #tpu.memory_space<vmem>>, vector<1x16xf32>,
      %get3A_717 = vector.shape_cast %get3A_716 : vector<1x16xf32> to vector<16xf32>
      %get3A_718 = arith.constant 0 : i32
      %get3A_719 = arith.index_cast %get3A_718 : i32 to index
      %get3A_720 = arith.constant 432 : index
      %get3A_721 = tpu.vector_load %arg10[%get3A_719, %get3A_720] {strides = array<i32>} : memref<8x768xf32, #tpu.memory_space<vmem>>, vector<1x16xf32>,
      %get3A_722 = vector.shape_cast %get3A_721 : vector<1x16xf32> to vector<16xf32>
      %get3A_723 = arith.constant 0 : i32
      %get3A_724 = arith.index_cast %get3A_723 : i32 to index
      %get3A_725 = arith.constant 448 : index
      %get3A_726 = tpu.vector_load %arg10[%get3A_724, %get3A_725] {strides = array<i32>} : memref<8x768xf32, #tpu.memory_space<vmem>>, vector<1x16xf32>,
      %get3A_727 = vector.shape_cast %get3A_726 : vector<1x16xf32> to vector<16xf32>
      %get3A_728 = arith.constant 0 : i32
      %get3A_729 = arith.index_cast %get3A_728 : i32 to index
      %get3A_730 = arith.constant 464 : index
      %get3A_731 = tpu.vector_load %arg10[%get3A_729, %get3A_730] {strides = array<i32>} : memref<8x768xf32, #tpu.memory_space<vmem>>, vector<1x16xf32>,
      %get3A_732 = vector.shape_cast %get3A_731 : vector<1x16xf32> to vector<16xf32>
      %get3A_733 = arith.constant 0 : i32
      %get3A_734 = arith.index_cast %get3A_733 : i32 to index
      %get3A_735 = arith.constant 480 : index
      %get3A_736 = tpu.vector_load %arg10[%get3A_734, %get3A_735] {strides = array<i32>} : memref<8x768xf32, #tpu.memory_space<vmem>>, vector<1x16xf32>,
      %get3A_737 = vector.shape_cast %get3A_736 : vector<1x16xf32> to vector<16xf32>
      %get3A_738 = arith.constant 0 : i32
      %get3A_739 = arith.index_cast %get3A_738 : i32 to index
      %get3A_740 = arith.constant 496 : index
      %get3A_741 = tpu.vector_load %arg10[%get3A_739, %get3A_740] {strides = array<i32>} : memref<8x768xf32, #tpu.memory_space<vmem>>, vector<1x16xf32>,
      %get3A_742 = vector.shape_cast %get3A_741 : vector<1x16xf32> to vector<16xf32>
      %get3A_743 = arith.constant 0 : i32
      %get3A_744 = arith.index_cast %get3A_743 : i32 to index
      %get3A_745 = arith.constant 512 : index
      %get3A_746 = tpu.vector_load %arg10[%get3A_744, %get3A_745] {strides = array<i32>} : memref<8x768xf32, #tpu.memory_space<vmem>>, vector<1x16xf32>,
      %get3A_747 = vector.shape_cast %get3A_746 : vector<1x16xf32> to vector<16xf32>
      %get3A_748 = arith.constant 0 : i32
      %get3A_749 = arith.index_cast %get3A_748 : i32 to index
      %get3A_750 = arith.constant 528 : index
      %get3A_751 = tpu.vector_load %arg10[%get3A_749, %get3A_750] {strides = array<i32>} : memref<8x768xf32, #tpu.memory_space<vmem>>, vector<1x16xf32>,
      %get3A_752 = vector.shape_cast %get3A_751 : vector<1x16xf32> to vector<16xf32>
      %get3A_753 = arith.constant 0 : i32
      %get3A_754 = arith.index_cast %get3A_753 : i32 to index
      %get3A_755 = arith.constant 544 : index
      %get3A_756 = tpu.vector_load %arg10[%get3A_754, %get3A_755] {strides = array<i32>} : memref<8x768xf32, #tpu.memory_space<vmem>>, vector<1x16xf32>,
      %get3A_757 = vector.shape_cast %get3A_756 : vector<1x16xf32> to vector<16xf32>
      %get3A_758 = arith.constant 0 : i32
      %get3A_759 = arith.index_cast %get3A_758 : i32 to index
      %get3A_760 = arith.constant 560 : index
      %get3A_761 = tpu.vector_load %arg10[%get3A_759, %get3A_760] {strides = array<i32>} : memref<8x768xf32, #tpu.memory_space<vmem>>, vector<1x16xf32>,
      %get3A_762 = vector.shape_cast %get3A_761 : vector<1x16xf32> to vector<16xf32>
      %get3A_763 = arith.constant 0 : i32
      %get3A_764 = arith.index_cast %get3A_763 : i32 to index
      %get3A_765 = arith.constant 576 : index
      %get3A_766 = tpu.vector_load %arg10[%get3A_764, %get3A_765] {strides = array<i32>} : memref<8x768xf32, #tpu.memory_space<vmem>>, vector<1x16xf32>,
      %get3A_767 = vector.shape_cast %get3A_766 : vector<1x16xf32> to vector<16xf32>
      %get3A_768 = arith.constant 0 : i32
      %get3A_769 = arith.index_cast %get3A_768 : i32 to index
      %get3A_770 = arith.constant 592 : index
      %get3A_771 = tpu.vector_load %arg10[%get3A_769, %get3A_770] {strides = array<i32>} : memref<8x768xf32, #tpu.memory_space<vmem>>, vector<1x16xf32>,
      %get3A_772 = vector.shape_cast %get3A_771 : vector<1x16xf32> to vector<16xf32>
      %get3A_773 = arith.constant 0 : i32
      %get3A_774 = arith.index_cast %get3A_773 : i32 to index
      %get3A_775 = arith.constant 608 : index
      %get3A_776 = tpu.vector_load %arg10[%get3A_774, %get3A_775] {strides = array<i32>} : memref<8x768xf32, #tpu.memory_space<vmem>>, vector<1x16xf32>,
      %get3A_777 = vector.shape_cast %get3A_776 : vector<1x16xf32> to vector<16xf32>
      %get3A_778 = arith.constant 0 : i32
      %get3A_779 = arith.index_cast %get3A_778 : i32 to index
      %get3A_780 = arith.constant 624 : index
      %get3A_781 = tpu.vector_load %arg10[%get3A_779, %get3A_780] {strides = array<i32>} : memref<8x768xf32, #tpu.memory_space<vmem>>, vector<1x16xf32>,
      %get3A_782 = vector.shape_cast %get3A_781 : vector<1x16xf32> to vector<16xf32>
      %get3A_783 = arith.constant 0 : i32
      %get3A_784 = arith.index_cast %get3A_783 : i32 to index
      %get3A_785 = arith.constant 640 : index
      %get3A_786 = tpu.vector_load %arg10[%get3A_784, %get3A_785] {strides = array<i32>} : memref<8x768xf32, #tpu.memory_space<vmem>>, vector<1x16xf32>,
      %get3A_787 = vector.shape_cast %get3A_786 : vector<1x16xf32> to vector<16xf32>
      %get3A_788 = arith.constant 0 : i32
      %get3A_789 = arith.index_cast %get3A_788 : i32 to index
      %get3A_790 = arith.constant 656 : index
      %get3A_791 = tpu.vector_load %arg10[%get3A_789, %get3A_790] {strides = array<i32>} : memref<8x768xf32, #tpu.memory_space<vmem>>, vector<1x16xf32>,
      %get3A_792 = vector.shape_cast %get3A_791 : vector<1x16xf32> to vector<16xf32>
      %get3A_793 = arith.constant 0 : i32
      %get3A_794 = arith.index_cast %get3A_793 : i32 to index
      %get3A_795 = arith.constant 672 : index
      %get3A_796 = tpu.vector_load %arg10[%get3A_794, %get3A_795] {strides = array<i32>} : memref<8x768xf32, #tpu.memory_space<vmem>>, vector<1x16xf32>,
      %get3A_797 = vector.shape_cast %get3A_796 : vector<1x16xf32> to vector<16xf32>
      %get3A_798 = arith.constant 0 : i32
      %get3A_799 = arith.index_cast %get3A_798 : i32 to index
      %get3A_800 = arith.constant 688 : index
      %get3A_801 = tpu.vector_load %arg10[%get3A_799, %get3A_800] {strides = array<i32>} : memref<8x768xf32, #tpu.memory_space<vmem>>, vector<1x16xf32>,
      %get3A_802 = vector.shape_cast %get3A_801 : vector<1x16xf32> to vector<16xf32>
      %get3A_803 = arith.constant 0 : i32
      %get3A_804 = arith.index_cast %get3A_803 : i32 to index
      %get3A_805 = arith.constant 704 : index
      %get3A_806 = tpu.vector_load %arg10[%get3A_804, %get3A_805] {strides = array<i32>} : memref<8x768xf32, #tpu.memory_space<vmem>>, vector<1x16xf32>,
      %get3A_807 = vector.shape_cast %get3A_806 : vector<1x16xf32> to vector<16xf32>
      %get3A_808 = arith.constant 0 : i32
      %get3A_809 = arith.index_cast %get3A_808 : i32 to index
      %get3A_810 = arith.constant 720 : index
      %get3A_811 = tpu.vector_load %arg10[%get3A_809, %get3A_810] {strides = array<i32>} : memref<8x768xf32, #tpu.memory_space<vmem>>, vector<1x16xf32>,
      %get3A_812 = vector.shape_cast %get3A_811 : vector<1x16xf32> to vector<16xf32>
      %get3A_813 = arith.constant 0 : i32
      %get3A_814 = arith.index_cast %get3A_813 : i32 to index
      %get3A_815 = arith.constant 736 : index
      %get3A_816 = tpu.vector_load %arg10[%get3A_814, %get3A_815] {strides = array<i32>} : memref<8x768xf32, #tpu.memory_space<vmem>>, vector<1x16xf32>,
      %get3A_817 = vector.shape_cast %get3A_816 : vector<1x16xf32> to vector<16xf32>
      %get3A_818 = arith.constant 0 : i32
      %get3A_819 = arith.index_cast %get3A_818 : i32 to index
      %get3A_820 = arith.constant 752 : index
      %get3A_821 = tpu.vector_load %arg10[%get3A_819, %get3A_820] {strides = array<i32>} : memref<8x768xf32, #tpu.memory_space<vmem>>, vector<1x16xf32>,
      %get3A_822 = vector.shape_cast %get3A_821 : vector<1x16xf32> to vector<16xf32>
      %scan3A_823 = arith.constant 0 : i32
      %scan3A_824 = arith.constant 0 : i32
      %scan3A_825 = arith.constant 32 : i32
      %scan3A_826 = arith.addi %scan3A_824, %scan3A_825 : i32
      %scan3A_827 = arith.constant 1 : i32
      %scan3A_828 = scf.for %scan3A_1106 = %scan3A_824 to %scan3A_826 step %scan3A_827 iter_args(%scan3A_1107 = %scan3A_823) -> (i32)  : i32 {
        %get3A_1108 = arith.index_cast %scan3A_1106 : i32 to index
        %get3A_1109 = arith.constant 0 : index
        %get3A_1110 = tpu.vector_load %arg12[%get3A_1108, %get3A_1109] {strides = array<i32>} : memref<32x768xf32, #tpu.memory_space<vmem>>, vector<1x16xf32>,
        %get3A_1111 = vector.shape_cast %get3A_1110 : vector<1x16xf32> to vector<16xf32>
        %add3A_1112 = arith.addf %get3A_1111, %get3A_587 : vector<16xf32>
        %swap3A = arith.index_cast %scan3A_1106 : i32 to index
        %swap3A_1113 = arith.constant 0 : index
        %swap3A_1114 = tpu.vector_load %arg13[%swap3A, %swap3A_1113] {strides = array<i32>} : memref<32x768xf32, #tpu.memory_space<vmem>>, vector<1x16xf32>,
        %swap3A_1115 = vector.shape_cast %swap3A_1114 : vector<1x16xf32> to vector<16xf32>
        %swap3A_1116 = vector.shape_cast %add3A_1112 : vector<16xf32> to vector<1x16xf32>
        tpu.vector_store %arg13[%swap3A, %swap3A_1113], %swap3A_1116 {strides = array<i32>} : memref<32x768xf32, #tpu.memory_space<vmem>>, vector<1x16xf32>,
        %get3A_1117 = arith.index_cast %scan3A_1106 : i32 to index
        %get3A_1118 = arith.constant 16 : index
        %get3A_1119 = tpu.vector_load %arg12[%get3A_1117, %get3A_1118] {strides = array<i32>} : memref<32x768xf32, #tpu.memory_space<vmem>>, vector<1x16xf32>,
        %get3A_1120 = vector.shape_cast %get3A_1119 : vector<1x16xf32> to vector<16xf32>
        %add3A_1121 = arith.addf %get3A_1120, %get3A_592 : vector<16xf32>
        %swap3A_1122 = arith.index_cast %scan3A_1106 : i32 to index
        %swap3A_1123 = arith.constant 16 : index
        %swap3A_1124 = tpu.vector_load %arg13[%swap3A_1122, %swap3A_1123] {strides = array<i32>} : memref<32x768xf32, #tpu.memory_space<vmem>>, vector<1x16xf32>,
        %swap3A_1125 = vector.shape_cast %swap3A_1124 : vector<1x16xf32> to vector<16xf32>
        %swap3A_1126 = vector.shape_cast %add3A_1121 : vector<16xf32> to vector<1x16xf32>
        tpu.vector_store %arg13[%swap3A_1122, %swap3A_1123], %swap3A_1126 {strides = array<i32>} : memref<32x768xf32, #tpu.memory_space<vmem>>, vector<1x16xf32>,
        %get3A_1127 = arith.index_cast %scan3A_1106 : i32 to index
        %get3A_1128 = arith.constant 32 : index
        %get3A_1129 = tpu.vector_load %arg12[%get3A_1127, %get3A_1128] {strides = array<i32>} : memref<32x768xf32, #tpu.memory_space<vmem>>, vector<1x16xf32>,
        %get3A_1130 = vector.shape_cast %get3A_1129 : vector<1x16xf32> to vector<16xf32>
        %add3A_1131 = arith.addf %get3A_1130, %get3A_597 : vector<16xf32>
        %swap3A_1132 = arith.index_cast %scan3A_1106 : i32 to index
        %swap3A_1133 = arith.constant 32 : index
        %swap3A_1134 = tpu.vector_load %arg13[%swap3A_1132, %swap3A_1133] {strides = array<i32>} : memref<32x768xf32, #tpu.memory_space<vmem>>, vector<1x16xf32>,
        %swap3A_1135 = vector.shape_cast %swap3A_1134 : vector<1x16xf32> to vector<16xf32>
        %swap3A_1136 = vector.shape_cast %add3A_1131 : vector<16xf32> to vector<1x16xf32>
        tpu.vector_store %arg13[%swap3A_1132, %swap3A_1133], %swap3A_1136 {strides = array<i32>} : memref<32x768xf32, #tpu.memory_space<vmem>>, vector<1x16xf32>,
        %get3A_1137 = arith.index_cast %scan3A_1106 : i32 to index
        %get3A_1138 = arith.constant 48 : index
        %get3A_1139 = tpu.vector_load %arg12[%get3A_1137, %get3A_1138] {strides = array<i32>} : memref<32x768xf32, #tpu.memory_space<vmem>>, vector<1x16xf32>,
        %get3A_1140 = vector.shape_cast %get3A_1139 : vector<1x16xf32> to vector<16xf32>
        %add3A_1141 = arith.addf %get3A_1140, %get3A_602 : vector<16xf32>
        %swap3A_1142 = arith.index_cast %scan3A_1106 : i32 to index
        %swap3A_1143 = arith.constant 48 : index
        %swap3A_1144 = tpu.vector_load %arg13[%swap3A_1142, %swap3A_1143] {strides = array<i32>} : memref<32x768xf32, #tpu.memory_space<vmem>>, vector<1x16xf32>,
        %swap3A_1145 = vector.shape_cast %swap3A_1144 : vector<1x16xf32> to vector<16xf32>
        %swap3A_1146 = vector.shape_cast %add3A_1141 : vector<16xf32> to vector<1x16xf32>
        tpu.vector_store %arg13[%swap3A_1142, %swap3A_1143], %swap3A_1146 {strides = array<i32>} : memref<32x768xf32, #tpu.memory_space<vmem>>, vector<1x16xf32>,
        %get3A_1147 = arith.index_cast %scan3A_1106 : i32 to index
        %get3A_1148 = arith.constant 64 : index
        %get3A_1149 = tpu.vector_load %arg12[%get3A_1147, %get3A_1148] {strides = array<i32>} : memref<32x768xf32, #tpu.memory_space<vmem>>, vector<1x16xf32>,
        %get3A_1150 = vector.shape_cast %get3A_1149 : vector<1x16xf32> to vector<16xf32>
        %add3A_1151 = arith.addf %get3A_1150, %get3A_607 : vector<16xf32>
        %swap3A_1152 = arith.index_cast %scan3A_1106 : i32 to index
        %swap3A_1153 = arith.constant 64 : index
        %swap3A_1154 = tpu.vector_load %arg13[%swap3A_1152, %swap3A_1153] {strides = array<i32>} : memref<32x768xf32, #tpu.memory_space<vmem>>, vector<1x16xf32>,
        %swap3A_1155 = vector.shape_cast %swap3A_1154 : vector<1x16xf32> to vector<16xf32>
        %swap3A_1156 = vector.shape_cast %add3A_1151 : vector<16xf32> to vector<1x16xf32>
        tpu.vector_store %arg13[%swap3A_1152, %swap3A_1153], %swap3A_1156 {strides = array<i32>} : memref<32x768xf32, #tpu.memory_space<vmem>>, vector<1x16xf32>,
        %get3A_1157 = arith.index_cast %scan3A_1106 : i32 to index
        %get3A_1158 = arith.constant 80 : index
        %get3A_1159 = tpu.vector_load %arg12[%get3A_1157, %get3A_1158] {strides = array<i32>} : memref<32x768xf32, #tpu.memory_space<vmem>>, vector<1x16xf32>,
        %get3A_1160 = vector.shape_cast %get3A_1159 : vector<1x16xf32> to vector<16xf32>
        %add3A_1161 = arith.addf %get3A_1160, %get3A_612 : vector<16xf32>
        %swap3A_1162 = arith.index_cast %scan3A_1106 : i32 to index
        %swap3A_1163 = arith.constant 80 : index
        %swap3A_1164 = tpu.vector_load %arg13[%swap3A_1162, %swap3A_1163] {strides = array<i32>} : memref<32x768xf32, #tpu.memory_space<vmem>>, vector<1x16xf32>,
        %swap3A_1165 = vector.shape_cast %swap3A_1164 : vector<1x16xf32> to vector<16xf32>
        %swap3A_1166 = vector.shape_cast %add3A_1161 : vector<16xf32> to vector<1x16xf32>
        tpu.vector_store %arg13[%swap3A_1162, %swap3A_1163], %swap3A_1166 {strides = array<i32>} : memref<32x768xf32, #tpu.memory_space<vmem>>, vector<1x16xf32>,
        %get3A_1167 = arith.index_cast %scan3A_1106 : i32 to index
        %get3A_1168 = arith.constant 96 : index
        %get3A_1169 = tpu.vector_load %arg12[%get3A_1167, %get3A_1168] {strides = array<i32>} : memref<32x768xf32, #tpu.memory_space<vmem>>, vector<1x16xf32>,
        %get3A_1170 = vector.shape_cast %get3A_1169 : vector<1x16xf32> to vector<16xf32>
        %add3A_1171 = arith.addf %get3A_1170, %get3A_617 : vector<16xf32>
        %swap3A_1172 = arith.index_cast %scan3A_1106 : i32 to index
        %swap3A_1173 = arith.constant 96 : index
        %swap3A_1174 = tpu.vector_load %arg13[%swap3A_1172, %swap3A_1173] {strides = array<i32>} : memref<32x768xf32, #tpu.memory_space<vmem>>, vector<1x16xf32>,
        %swap3A_1175 = vector.shape_cast %swap3A_1174 : vector<1x16xf32> to vector<16xf32>
        %swap3A_1176 = vector.shape_cast %add3A_1171 : vector<16xf32> to vector<1x16xf32>
        tpu.vector_store %arg13[%swap3A_1172, %swap3A_1173], %swap3A_1176 {strides = array<i32>} : memref<32x768xf32, #tpu.memory_space<vmem>>, vector<1x16xf32>,
        %get3A_1177 = arith.index_cast %scan3A_1106 : i32 to index
        %get3A_1178 = arith.constant 112 : index
        %get3A_1179 = tpu.vector_load %arg12[%get3A_1177, %get3A_1178] {strides = array<i32>} : memref<32x768xf32, #tpu.memory_space<vmem>>, vector<1x16xf32>,
        %get3A_1180 = vector.shape_cast %get3A_1179 : vector<1x16xf32> to vector<16xf32>
        %add3A_1181 = arith.addf %get3A_1180, %get3A_622 : vector<16xf32>
        %swap3A_1182 = arith.index_cast %scan3A_1106 : i32 to index
        %swap3A_1183 = arith.constant 112 : index
        %swap3A_1184 = tpu.vector_load %arg13[%swap3A_1182, %swap3A_1183] {strides = array<i32>} : memref<32x768xf32, #tpu.memory_space<vmem>>, vector<1x16xf32>,
        %swap3A_1185 = vector.shape_cast %swap3A_1184 : vector<1x16xf32> to vector<16xf32>
        %swap3A_1186 = vector.shape_cast %add3A_1181 : vector<16xf32> to vector<1x16xf32>
        tpu.vector_store %arg13[%swap3A_1182, %swap3A_1183], %swap3A_1186 {strides = array<i32>} : memref<32x768xf32, #tpu.memory_space<vmem>>, vector<1x16xf32>,
        %get3A_1187 = arith.index_cast %scan3A_1106 : i32 to index
        %get3A_1188 = arith.constant 128 : index
        %get3A_1189 = tpu.vector_load %arg12[%get3A_1187, %get3A_1188] {strides = array<i32>} : memref<32x768xf32, #tpu.memory_space<vmem>>, vector<1x16xf32>,
        %get3A_1190 = vector.shape_cast %get3A_1189 : vector<1x16xf32> to vector<16xf32>
        %add3A_1191 = arith.addf %get3A_1190, %get3A_627 : vector<16xf32>
        %swap3A_1192 = arith.index_cast %scan3A_1106 : i32 to index
        %swap3A_1193 = arith.constant 128 : index
        %swap3A_1194 = tpu.vector_load %arg13[%swap3A_1192, %swap3A_1193] {strides = array<i32>} : memref<32x768xf32, #tpu.memory_space<vmem>>, vector<1x16xf32>,
        %swap3A_1195 = vector.shape_cast %swap3A_1194 : vector<1x16xf32> to vector<16xf32>
        %swap3A_1196 = vector.shape_cast %add3A_1191 : vector<16xf32> to vector<1x16xf32>
        tpu.vector_store %arg13[%swap3A_1192, %swap3A_1193], %swap3A_1196 {strides = array<i32>} : memref<32x768xf32, #tpu.memory_space<vmem>>, vector<1x16xf32>,
        %get3A_1197 = arith.index_cast %scan3A_1106 : i32 to index
        %get3A_1198 = arith.constant 144 : index
        %get3A_1199 = tpu.vector_load %arg12[%get3A_1197, %get3A_1198] {strides = array<i32>} : memref<32x768xf32, #tpu.memory_space<vmem>>, vector<1x16xf32>,
        %get3A_1200 = vector.shape_cast %get3A_1199 : vector<1x16xf32> to vector<16xf32>
        %add3A_1201 = arith.addf %get3A_1200, %get3A_632 : vector<16xf32>
        %swap3A_1202 = arith.index_cast %scan3A_1106 : i32 to index
        %swap3A_1203 = arith.constant 144 : index
        %swap3A_1204 = tpu.vector_load %arg13[%swap3A_1202, %swap3A_1203] {strides = array<i32>} : memref<32x768xf32, #tpu.memory_space<vmem>>, vector<1x16xf32>,
        %swap3A_1205 = vector.shape_cast %swap3A_1204 : vector<1x16xf32> to vector<16xf32>
        %swap3A_1206 = vector.shape_cast %add3A_1201 : vector<16xf32> to vector<1x16xf32>
        tpu.vector_store %arg13[%swap3A_1202, %swap3A_1203], %swap3A_1206 {strides = array<i32>} : memref<32x768xf32, #tpu.memory_space<vmem>>, vector<1x16xf32>,
        %get3A_1207 = arith.index_cast %scan3A_1106 : i32 to index
        %get3A_1208 = arith.constant 160 : index
        %get3A_1209 = tpu.vector_load %arg12[%get3A_1207, %get3A_1208] {strides = array<i32>} : memref<32x768xf32, #tpu.memory_space<vmem>>, vector<1x16xf32>,
        %get3A_1210 = vector.shape_cast %get3A_1209 : vector<1x16xf32> to vector<16xf32>
        %add3A_1211 = arith.addf %get3A_1210, %get3A_637 : vector<16xf32>
        %swap3A_1212 = arith.index_cast %scan3A_1106 : i32 to index
        %swap3A_1213 = arith.constant 160 : index
        %swap3A_1214 = tpu.vector_load %arg13[%swap3A_1212, %swap3A_1213] {strides = array<i32>} : memref<32x768xf32, #tpu.memory_space<vmem>>, vector<1x16xf32>,
        %swap3A_1215 = vector.shape_cast %swap3A_1214 : vector<1x16xf32> to vector<16xf32>
        %swap3A_1216 = vector.shape_cast %add3A_1211 : vector<16xf32> to vector<1x16xf32>
        tpu.vector_store %arg13[%swap3A_1212, %swap3A_1213], %swap3A_1216 {strides = array<i32>} : memref<32x768xf32, #tpu.memory_space<vmem>>, vector<1x16xf32>,
        %get3A_1217 = arith.index_cast %scan3A_1106 : i32 to index
        %get3A_1218 = arith.constant 176 : index
        %get3A_1219 = tpu.vector_load %arg12[%get3A_1217, %get3A_1218] {strides = array<i32>} : memref<32x768xf32, #tpu.memory_space<vmem>>, vector<1x16xf32>,
        %get3A_1220 = vector.shape_cast %get3A_1219 : vector<1x16xf32> to vector<16xf32>
        %add3A_1221 = arith.addf %get3A_1220, %get3A_642 : vector<16xf32>
        %swap3A_1222 = arith.index_cast %scan3A_1106 : i32 to index
        %swap3A_1223 = arith.constant 176 : index
        %swap3A_1224 = tpu.vector_load %arg13[%swap3A_1222, %swap3A_1223] {strides = array<i32>} : memref<32x768xf32, #tpu.memory_space<vmem>>, vector<1x16xf32>,
        %swap3A_1225 = vector.shape_cast %swap3A_1224 : vector<1x16xf32> to vector<16xf32>
        %swap3A_1226 = vector.shape_cast %add3A_1221 : vector<16xf32> to vector<1x16xf32>
        tpu.vector_store %arg13[%swap3A_1222, %swap3A_1223], %swap3A_1226 {strides = array<i32>} : memref<32x768xf32, #tpu.memory_space<vmem>>, vector<1x16xf32>,
        %get3A_1227 = arith.index_cast %scan3A_1106 : i32 to index
        %get3A_1228 = arith.constant 192 : index
        %get3A_1229 = tpu.vector_load %arg12[%get3A_1227, %get3A_1228] {strides = array<i32>} : memref<32x768xf32, #tpu.memory_space<vmem>>, vector<1x16xf32>,
        %get3A_1230 = vector.shape_cast %get3A_1229 : vector<1x16xf32> to vector<16xf32>
        %add3A_1231 = arith.addf %get3A_1230, %get3A_647 : vector<16xf32>
        %swap3A_1232 = arith.index_cast %scan3A_1106 : i32 to index
        %swap3A_1233 = arith.constant 192 : index
        %swap3A_1234 = tpu.vector_load %arg13[%swap3A_1232, %swap3A_1233] {strides = array<i32>} : memref<32x768xf32, #tpu.memory_space<vmem>>, vector<1x16xf32>,
        %swap3A_1235 = vector.shape_cast %swap3A_1234 : vector<1x16xf32> to vector<16xf32>
        %swap3A_1236 = vector.shape_cast %add3A_1231 : vector<16xf32> to vector<1x16xf32>
        tpu.vector_store %arg13[%swap3A_1232, %swap3A_1233], %swap3A_1236 {strides = array<i32>} : memref<32x768xf32, #tpu.memory_space<vmem>>, vector<1x16xf32>,
        %get3A_1237 = arith.index_cast %scan3A_1106 : i32 to index
        %get3A_1238 = arith.constant 208 : index
        %get3A_1239 = tpu.vector_load %arg12[%get3A_1237, %get3A_1238] {strides = array<i32>} : memref<32x768xf32, #tpu.memory_space<vmem>>, vector<1x16xf32>,
        %get3A_1240 = vector.shape_cast %get3A_1239 : vector<1x16xf32> to vector<16xf32>
        %add3A_1241 = arith.addf %get3A_1240, %get3A_652 : vector<16xf32>
        %swap3A_1242 = arith.index_cast %scan3A_1106 : i32 to index
        %swap3A_1243 = arith.constant 208 : index
        %swap3A_1244 = tpu.vector_load %arg13[%swap3A_1242, %swap3A_1243] {strides = array<i32>} : memref<32x768xf32, #tpu.memory_space<vmem>>, vector<1x16xf32>,
        %swap3A_1245 = vector.shape_cast %swap3A_1244 : vector<1x16xf32> to vector<16xf32>
        %swap3A_1246 = vector.shape_cast %add3A_1241 : vector<16xf32> to vector<1x16xf32>
        tpu.vector_store %arg13[%swap3A_1242, %swap3A_1243], %swap3A_1246 {strides = array<i32>} : memref<32x768xf32, #tpu.memory_space<vmem>>, vector<1x16xf32>,
        %get3A_1247 = arith.index_cast %scan3A_1106 : i32 to index
        %get3A_1248 = arith.constant 224 : index
        %get3A_1249 = tpu.vector_load %arg12[%get3A_1247, %get3A_1248] {strides = array<i32>} : memref<32x768xf32, #tpu.memory_space<vmem>>, vector<1x16xf32>,
        %get3A_1250 = vector.shape_cast %get3A_1249 : vector<1x16xf32> to vector<16xf32>
        %add3A_1251 = arith.addf %get3A_1250, %get3A_657 : vector<16xf32>
        %swap3A_1252 = arith.index_cast %scan3A_1106 : i32 to index
        %swap3A_1253 = arith.constant 224 : index
        %swap3A_1254 = tpu.vector_load %arg13[%swap3A_1252, %swap3A_1253] {strides = array<i32>} : memref<32x768xf32, #tpu.memory_space<vmem>>, vector<1x16xf32>,
        %swap3A_1255 = vector.shape_cast %swap3A_1254 : vector<1x16xf32> to vector<16xf32>
        %swap3A_1256 = vector.shape_cast %add3A_1251 : vector<16xf32> to vector<1x16xf32>
        tpu.vector_store %arg13[%swap3A_1252, %swap3A_1253], %swap3A_1256 {strides = array<i32>} : memref<32x768xf32, #tpu.memory_space<vmem>>, vector<1x16xf32>,
        %get3A_1257 = arith.index_cast %scan3A_1106 : i32 to index
        %get3A_1258 = arith.constant 240 : index
        %get3A_1259 = tpu.vector_load %arg12[%get3A_1257, %get3A_1258] {strides = array<i32>} : memref<32x768xf32, #tpu.memory_space<vmem>>, vector<1x16xf32>,
        %get3A_1260 = vector.shape_cast %get3A_1259 : vector<1x16xf32> to vector<16xf32>
        %add3A_1261 = arith.addf %get3A_1260, %get3A_662 : vector<16xf32>
        %swap3A_1262 = arith.index_cast %scan3A_1106 : i32 to index
        %swap3A_1263 = arith.constant 240 : index
        %swap3A_1264 = tpu.vector_load %arg13[%swap3A_1262, %swap3A_1263] {strides = array<i32>} : memref<32x768xf32, #tpu.memory_space<vmem>>, vector<1x16xf32>,
        %swap3A_1265 = vector.shape_cast %swap3A_1264 : vector<1x16xf32> to vector<16xf32>
        %swap3A_1266 = vector.shape_cast %add3A_1261 : vector<16xf32> to vector<1x16xf32>
        tpu.vector_store %arg13[%swap3A_1262, %swap3A_1263], %swap3A_1266 {strides = array<i32>} : memref<32x768xf32, #tpu.memory_space<vmem>>, vector<1x16xf32>,
        %get3A_1267 = arith.index_cast %scan3A_1106 : i32 to index
        %get3A_1268 = arith.constant 256 : index
        %get3A_1269 = tpu.vector_load %arg12[%get3A_1267, %get3A_1268] {strides = array<i32>} : memref<32x768xf32, #tpu.memory_space<vmem>>, vector<1x16xf32>,
        %get3A_1270 = vector.shape_cast %get3A_1269 : vector<1x16xf32> to vector<16xf32>
        %add3A_1271 = arith.addf %get3A_1270, %get3A_667 : vector<16xf32>
        %swap3A_1272 = arith.index_cast %scan3A_1106 : i32 to index
        %swap3A_1273 = arith.constant 256 : index
        %swap3A_1274 = tpu.vector_load %arg13[%swap3A_1272, %swap3A_1273] {strides = array<i32>} : memref<32x768xf32, #tpu.memory_space<vmem>>, vector<1x16xf32>,
        %swap3A_1275 = vector.shape_cast %swap3A_1274 : vector<1x16xf32> to vector<16xf32>
        %swap3A_1276 = vector.shape_cast %add3A_1271 : vector<16xf32> to vector<1x16xf32>
        tpu.vector_store %arg13[%swap3A_1272, %swap3A_1273], %swap3A_1276 {strides = array<i32>} : memref<32x768xf32, #tpu.memory_space<vmem>>, vector<1x16xf32>,
        %get3A_1277 = arith.index_cast %scan3A_1106 : i32 to index
        %get3A_1278 = arith.constant 272 : index
        %get3A_1279 = tpu.vector_load %arg12[%get3A_1277, %get3A_1278] {strides = array<i32>} : memref<32x768xf32, #tpu.memory_space<vmem>>, vector<1x16xf32>,
        %get3A_1280 = vector.shape_cast %get3A_1279 : vector<1x16xf32> to vector<16xf32>
        %add3A_1281 = arith.addf %get3A_1280, %get3A_672 : vector<16xf32>
        %swap3A_1282 = arith.index_cast %scan3A_1106 : i32 to index
        %swap3A_1283 = arith.constant 272 : index
        %swap3A_1284 = tpu.vector_load %arg13[%swap3A_1282, %swap3A_1283] {strides = array<i32>} : memref<32x768xf32, #tpu.memory_space<vmem>>, vector<1x16xf32>,
        %swap3A_1285 = vector.shape_cast %swap3A_1284 : vector<1x16xf32> to vector<16xf32>
        %swap3A_1286 = vector.shape_cast %add3A_1281 : vector<16xf32> to vector<1x16xf32>
        tpu.vector_store %arg13[%swap3A_1282, %swap3A_1283], %swap3A_1286 {strides = array<i32>} : memref<32x768xf32, #tpu.memory_space<vmem>>, vector<1x16xf32>,
        %get3A_1287 = arith.index_cast %scan3A_1106 : i32 to index
        %get3A_1288 = arith.constant 288 : index
        %get3A_1289 = tpu.vector_load %arg12[%get3A_1287, %get3A_1288] {strides = array<i32>} : memref<32x768xf32, #tpu.memory_space<vmem>>, vector<1x16xf32>,
        %get3A_1290 = vector.shape_cast %get3A_1289 : vector<1x16xf32> to vector<16xf32>
        %add3A_1291 = arith.addf %get3A_1290, %get3A_677 : vector<16xf32>
        %swap3A_1292 = arith.index_cast %scan3A_1106 : i32 to index
        %swap3A_1293 = arith.constant 288 : index
        %swap3A_1294 = tpu.vector_load %arg13[%swap3A_1292, %swap3A_1293] {strides = array<i32>} : memref<32x768xf32, #tpu.memory_space<vmem>>, vector<1x16xf32>,
        %swap3A_1295 = vector.shape_cast %swap3A_1294 : vector<1x16xf32> to vector<16xf32>
        %swap3A_1296 = vector.shape_cast %add3A_1291 : vector<16xf32> to vector<1x16xf32>
        tpu.vector_store %arg13[%swap3A_1292, %swap3A_1293], %swap3A_1296 {strides = array<i32>} : memref<32x768xf32, #tpu.memory_space<vmem>>, vector<1x16xf32>,
        %get3A_1297 = arith.index_cast %scan3A_1106 : i32 to index
        %get3A_1298 = arith.constant 304 : index
        %get3A_1299 = tpu.vector_load %arg12[%get3A_1297, %get3A_1298] {strides = array<i32>} : memref<32x768xf32, #tpu.memory_space<vmem>>, vector<1x16xf32>,
        %get3A_1300 = vector.shape_cast %get3A_1299 : vector<1x16xf32> to vector<16xf32>
        %add3A_1301 = arith.addf %get3A_1300, %get3A_682 : vector<16xf32>
        %swap3A_1302 = arith.index_cast %scan3A_1106 : i32 to index
        %swap3A_1303 = arith.constant 304 : index
        %swap3A_1304 = tpu.vector_load %arg13[%swap3A_1302, %swap3A_1303] {strides = array<i32>} : memref<32x768xf32, #tpu.memory_space<vmem>>, vector<1x16xf32>,
        %swap3A_1305 = vector.shape_cast %swap3A_1304 : vector<1x16xf32> to vector<16xf32>
        %swap3A_1306 = vector.shape_cast %add3A_1301 : vector<16xf32> to vector<1x16xf32>
        tpu.vector_store %arg13[%swap3A_1302, %swap3A_1303], %swap3A_1306 {strides = array<i32>} : memref<32x768xf32, #tpu.memory_space<vmem>>, vector<1x16xf32>,
        %get3A_1307 = arith.index_cast %scan3A_1106 : i32 to index
        %get3A_1308 = arith.constant 320 : index
        %get3A_1309 = tpu.vector_load %arg12[%get3A_1307, %get3A_1308] {strides = array<i32>} : memref<32x768xf32, #tpu.memory_space<vmem>>, vector<1x16xf32>,
        %get3A_1310 = vector.shape_cast %get3A_1309 : vector<1x16xf32> to vector<16xf32>
        %add3A_1311 = arith.addf %get3A_1310, %get3A_687 : vector<16xf32>
        %swap3A_1312 = arith.index_cast %scan3A_1106 : i32 to index
        %swap3A_1313 = arith.constant 320 : index
        %swap3A_1314 = tpu.vector_load %arg13[%swap3A_1312, %swap3A_1313] {strides = array<i32>} : memref<32x768xf32, #tpu.memory_space<vmem>>, vector<1x16xf32>,
        %swap3A_1315 = vector.shape_cast %swap3A_1314 : vector<1x16xf32> to vector<16xf32>
        %swap3A_1316 = vector.shape_cast %add3A_1311 : vector<16xf32> to vector<1x16xf32>
        tpu.vector_store %arg13[%swap3A_1312, %swap3A_1313], %swap3A_1316 {strides = array<i32>} : memref<32x768xf32, #tpu.memory_space<vmem>>, vector<1x16xf32>,
        %get3A_1317 = arith.index_cast %scan3A_1106 : i32 to index
        %get3A_1318 = arith.constant 336 : index
        %get3A_1319 = tpu.vector_load %arg12[%get3A_1317, %get3A_1318] {strides = array<i32>} : memref<32x768xf32, #tpu.memory_space<vmem>>, vector<1x16xf32>,
        %get3A_1320 = vector.shape_cast %get3A_1319 : vector<1x16xf32> to vector<16xf32>
        %add3A_1321 = arith.addf %get3A_1320, %get3A_692 : vector<16xf32>
        %swap3A_1322 = arith.index_cast %scan3A_1106 : i32 to index
        %swap3A_1323 = arith.constant 336 : index
        %swap3A_1324 = tpu.vector_load %arg13[%swap3A_1322, %swap3A_1323] {strides = array<i32>} : memref<32x768xf32, #tpu.memory_space<vmem>>, vector<1x16xf32>,
        %swap3A_1325 = vector.shape_cast %swap3A_1324 : vector<1x16xf32> to vector<16xf32>
        %swap3A_1326 = vector.shape_cast %add3A_1321 : vector<16xf32> to vector<1x16xf32>
        tpu.vector_store %arg13[%swap3A_1322, %swap3A_1323], %swap3A_1326 {strides = array<i32>} : memref<32x768xf32, #tpu.memory_space<vmem>>, vector<1x16xf32>,
        %get3A_1327 = arith.index_cast %scan3A_1106 : i32 to index
        %get3A_1328 = arith.constant 352 : index
        %get3A_1329 = tpu.vector_load %arg12[%get3A_1327, %get3A_1328] {strides = array<i32>} : memref<32x768xf32, #tpu.memory_space<vmem>>, vector<1x16xf32>,
        %get3A_1330 = vector.shape_cast %get3A_1329 : vector<1x16xf32> to vector<16xf32>
        %add3A_1331 = arith.addf %get3A_1330, %get3A_697 : vector<16xf32>
        %swap3A_1332 = arith.index_cast %scan3A_1106 : i32 to index
        %swap3A_1333 = arith.constant 352 : index
        %swap3A_1334 = tpu.vector_load %arg13[%swap3A_1332, %swap3A_1333] {strides = array<i32>} : memref<32x768xf32, #tpu.memory_space<vmem>>, vector<1x16xf32>,
        %swap3A_1335 = vector.shape_cast %swap3A_1334 : vector<1x16xf32> to vector<16xf32>
        %swap3A_1336 = vector.shape_cast %add3A_1331 : vector<16xf32> to vector<1x16xf32>
        tpu.vector_store %arg13[%swap3A_1332, %swap3A_1333], %swap3A_1336 {strides = array<i32>} : memref<32x768xf32, #tpu.memory_space<vmem>>, vector<1x16xf32>,
        %get3A_1337 = arith.index_cast %scan3A_1106 : i32 to index
        %get3A_1338 = arith.constant 368 : index
        %get3A_1339 = tpu.vector_load %arg12[%get3A_1337, %get3A_1338] {strides = array<i32>} : memref<32x768xf32, #tpu.memory_space<vmem>>, vector<1x16xf32>,
        %get3A_1340 = vector.shape_cast %get3A_1339 : vector<1x16xf32> to vector<16xf32>
        %add3A_1341 = arith.addf %get3A_1340, %get3A_702 : vector<16xf32>
        %swap3A_1342 = arith.index_cast %scan3A_1106 : i32 to index
        %swap3A_1343 = arith.constant 368 : index
        %swap3A_1344 = tpu.vector_load %arg13[%swap3A_1342, %swap3A_1343] {strides = array<i32>} : memref<32x768xf32, #tpu.memory_space<vmem>>, vector<1x16xf32>,
        %swap3A_1345 = vector.shape_cast %swap3A_1344 : vector<1x16xf32> to vector<16xf32>
        %swap3A_1346 = vector.shape_cast %add3A_1341 : vector<16xf32> to vector<1x16xf32>
        tpu.vector_store %arg13[%swap3A_1342, %swap3A_1343], %swap3A_1346 {strides = array<i32>} : memref<32x768xf32, #tpu.memory_space<vmem>>, vector<1x16xf32>,
        %get3A_1347 = arith.index_cast %scan3A_1106 : i32 to index
        %get3A_1348 = arith.constant 384 : index
        %get3A_1349 = tpu.vector_load %arg12[%get3A_1347, %get3A_1348] {strides = array<i32>} : memref<32x768xf32, #tpu.memory_space<vmem>>, vector<1x16xf32>,
        %get3A_1350 = vector.shape_cast %get3A_1349 : vector<1x16xf32> to vector<16xf32>
        %add3A_1351 = arith.addf %get3A_1350, %get3A_707 : vector<16xf32>
        %swap3A_1352 = arith.index_cast %scan3A_1106 : i32 to index
        %swap3A_1353 = arith.constant 384 : index
        %swap3A_1354 = tpu.vector_load %arg13[%swap3A_1352, %swap3A_1353] {strides = array<i32>} : memref<32x768xf32, #tpu.memory_space<vmem>>, vector<1x16xf32>,
        %swap3A_1355 = vector.shape_cast %swap3A_1354 : vector<1x16xf32> to vector<16xf32>
        %swap3A_1356 = vector.shape_cast %add3A_1351 : vector<16xf32> to vector<1x16xf32>
        tpu.vector_store %arg13[%swap3A_1352, %swap3A_1353], %swap3A_1356 {strides = array<i32>} : memref<32x768xf32, #tpu.memory_space<vmem>>, vector<1x16xf32>,
        %get3A_1357 = arith.index_cast %scan3A_1106 : i32 to index
        %get3A_1358 = arith.constant 400 : index
        %get3A_1359 = tpu.vector_load %arg12[%get3A_1357, %get3A_1358] {strides = array<i32>} : memref<32x768xf32, #tpu.memory_space<vmem>>, vector<1x16xf32>,
        %get3A_1360 = vector.shape_cast %get3A_1359 : vector<1x16xf32> to vector<16xf32>
        %add3A_1361 = arith.addf %get3A_1360, %get3A_712 : vector<16xf32>
        %swap3A_1362 = arith.index_cast %scan3A_1106 : i32 to index
        %swap3A_1363 = arith.constant 400 : index
        %swap3A_1364 = tpu.vector_load %arg13[%swap3A_1362, %swap3A_1363] {strides = array<i32>} : memref<32x768xf32, #tpu.memory_space<vmem>>, vector<1x16xf32>,
        %swap3A_1365 = vector.shape_cast %swap3A_1364 : vector<1x16xf32> to vector<16xf32>
        %swap3A_1366 = vector.shape_cast %add3A_1361 : vector<16xf32> to vector<1x16xf32>
        tpu.vector_store %arg13[%swap3A_1362, %swap3A_1363], %swap3A_1366 {strides = array<i32>} : memref<32x768xf32, #tpu.memory_space<vmem>>, vector<1x16xf32>,
        %get3A_1367 = arith.index_cast %scan3A_1106 : i32 to index
        %get3A_1368 = arith.constant 416 : index
        %get3A_1369 = tpu.vector_load %arg12[%get3A_1367, %get3A_1368] {strides = array<i32>} : memref<32x768xf32, #tpu.memory_space<vmem>>, vector<1x16xf32>,
        %get3A_1370 = vector.shape_cast %get3A_1369 : vector<1x16xf32> to vector<16xf32>
        %add3A_1371 = arith.addf %get3A_1370, %get3A_717 : vector<16xf32>
        %swap3A_1372 = arith.index_cast %scan3A_1106 : i32 to index
        %swap3A_1373 = arith.constant 416 : index
        %swap3A_1374 = tpu.vector_load %arg13[%swap3A_1372, %swap3A_1373] {strides = array<i32>} : memref<32x768xf32, #tpu.memory_space<vmem>>, vector<1x16xf32>,
        %swap3A_1375 = vector.shape_cast %swap3A_1374 : vector<1x16xf32> to vector<16xf32>
        %swap3A_1376 = vector.shape_cast %add3A_1371 : vector<16xf32> to vector<1x16xf32>
        tpu.vector_store %arg13[%swap3A_1372, %swap3A_1373], %swap3A_1376 {strides = array<i32>} : memref<32x768xf32, #tpu.memory_space<vmem>>, vector<1x16xf32>,
        %get3A_1377 = arith.index_cast %scan3A_1106 : i32 to index
        %get3A_1378 = arith.constant 432 : index
        %get3A_1379 = tpu.vector_load %arg12[%get3A_1377, %get3A_1378] {strides = array<i32>} : memref<32x768xf32, #tpu.memory_space<vmem>>, vector<1x16xf32>,
        %get3A_1380 = vector.shape_cast %get3A_1379 : vector<1x16xf32> to vector<16xf32>
        %add3A_1381 = arith.addf %get3A_1380, %get3A_722 : vector<16xf32>
        %swap3A_1382 = arith.index_cast %scan3A_1106 : i32 to index
        %swap3A_1383 = arith.constant 432 : index
        %swap3A_1384 = tpu.vector_load %arg13[%swap3A_1382, %swap3A_1383] {strides = array<i32>} : memref<32x768xf32, #tpu.memory_space<vmem>>, vector<1x16xf32>,
        %swap3A_1385 = vector.shape_cast %swap3A_1384 : vector<1x16xf32> to vector<16xf32>
        %swap3A_1386 = vector.shape_cast %add3A_1381 : vector<16xf32> to vector<1x16xf32>
        tpu.vector_store %arg13[%swap3A_1382, %swap3A_1383], %swap3A_1386 {strides = array<i32>} : memref<32x768xf32, #tpu.memory_space<vmem>>, vector<1x16xf32>,
        %get3A_1387 = arith.index_cast %scan3A_1106 : i32 to index
        %get3A_1388 = arith.constant 448 : index
        %get3A_1389 = tpu.vector_load %arg12[%get3A_1387, %get3A_1388] {strides = array<i32>} : memref<32x768xf32, #tpu.memory_space<vmem>>, vector<1x16xf32>,
        %get3A_1390 = vector.shape_cast %get3A_1389 : vector<1x16xf32> to vector<16xf32>
        %add3A_1391 = arith.addf %get3A_1390, %get3A_727 : vector<16xf32>
        %swap3A_1392 = arith.index_cast %scan3A_1106 : i32 to index
        %swap3A_1393 = arith.constant 448 : index
        %swap3A_1394 = tpu.vector_load %arg13[%swap3A_1392, %swap3A_1393] {strides = array<i32>} : memref<32x768xf32, #tpu.memory_space<vmem>>, vector<1x16xf32>,
        %swap3A_1395 = vector.shape_cast %swap3A_1394 : vector<1x16xf32> to vector<16xf32>
        %swap3A_1396 = vector.shape_cast %add3A_1391 : vector<16xf32> to vector<1x16xf32>
        tpu.vector_store %arg13[%swap3A_1392, %swap3A_1393], %swap3A_1396 {strides = array<i32>} : memref<32x768xf32, #tpu.memory_space<vmem>>, vector<1x16xf32>,
        %get3A_1397 = arith.index_cast %scan3A_1106 : i32 to index
        %get3A_1398 = arith.constant 464 : index
        %get3A_1399 = tpu.vector_load %arg12[%get3A_1397, %get3A_1398] {strides = array<i32>} : memref<32x768xf32, #tpu.memory_space<vmem>>, vector<1x16xf32>,
        %get3A_1400 = vector.shape_cast %get3A_1399 : vector<1x16xf32> to vector<16xf32>
        %add3A_1401 = arith.addf %get3A_1400, %get3A_732 : vector<16xf32>
        %swap3A_1402 = arith.index_cast %scan3A_1106 : i32 to index
        %swap3A_1403 = arith.constant 464 : index
        %swap3A_1404 = tpu.vector_load %arg13[%swap3A_1402, %swap3A_1403] {strides = array<i32>} : memref<32x768xf32, #tpu.memory_space<vmem>>, vector<1x16xf32>,
        %swap3A_1405 = vector.shape_cast %swap3A_1404 : vector<1x16xf32> to vector<16xf32>
        %swap3A_1406 = vector.shape_cast %add3A_1401 : vector<16xf32> to vector<1x16xf32>
        tpu.vector_store %arg13[%swap3A_1402, %swap3A_1403], %swap3A_1406 {strides = array<i32>} : memref<32x768xf32, #tpu.memory_space<vmem>>, vector<1x16xf32>,
        %get3A_1407 = arith.index_cast %scan3A_1106 : i32 to index
        %get3A_1408 = arith.constant 480 : index
        %get3A_1409 = tpu.vector_load %arg12[%get3A_1407, %get3A_1408] {strides = array<i32>} : memref<32x768xf32, #tpu.memory_space<vmem>>, vector<1x16xf32>,
        %get3A_1410 = vector.shape_cast %get3A_1409 : vector<1x16xf32> to vector<16xf32>
        %add3A_1411 = arith.addf %get3A_1410, %get3A_737 : vector<16xf32>
        %swap3A_1412 = arith.index_cast %scan3A_1106 : i32 to index
        %swap3A_1413 = arith.constant 480 : index
        %swap3A_1414 = tpu.vector_load %arg13[%swap3A_1412, %swap3A_1413] {strides = array<i32>} : memref<32x768xf32, #tpu.memory_space<vmem>>, vector<1x16xf32>,
        %swap3A_1415 = vector.shape_cast %swap3A_1414 : vector<1x16xf32> to vector<16xf32>
        %swap3A_1416 = vector.shape_cast %add3A_1411 : vector<16xf32> to vector<1x16xf32>
        tpu.vector_store %arg13[%swap3A_1412, %swap3A_1413], %swap3A_1416 {strides = array<i32>} : memref<32x768xf32, #tpu.memory_space<vmem>>, vector<1x16xf32>,
        %get3A_1417 = arith.index_cast %scan3A_1106 : i32 to index
        %get3A_1418 = arith.constant 496 : index
        %get3A_1419 = tpu.vector_load %arg12[%get3A_1417, %get3A_1418] {strides = array<i32>} : memref<32x768xf32, #tpu.memory_space<vmem>>, vector<1x16xf32>,
        %get3A_1420 = vector.shape_cast %get3A_1419 : vector<1x16xf32> to vector<16xf32>
        %add3A_1421 = arith.addf %get3A_1420, %get3A_742 : vector<16xf32>
        %swap3A_1422 = arith.index_cast %scan3A_1106 : i32 to index
        %swap3A_1423 = arith.constant 496 : index
        %swap3A_1424 = tpu.vector_load %arg13[%swap3A_1422, %swap3A_1423] {strides = array<i32>} : memref<32x768xf32, #tpu.memory_space<vmem>>, vector<1x16xf32>,
        %swap3A_1425 = vector.shape_cast %swap3A_1424 : vector<1x16xf32> to vector<16xf32>
        %swap3A_1426 = vector.shape_cast %add3A_1421 : vector<16xf32> to vector<1x16xf32>
        tpu.vector_store %arg13[%swap3A_1422, %swap3A_1423], %swap3A_1426 {strides = array<i32>} : memref<32x768xf32, #tpu.memory_space<vmem>>, vector<1x16xf32>,
        %get3A_1427 = arith.index_cast %scan3A_1106 : i32 to index
        %get3A_1428 = arith.constant 512 : index
        %get3A_1429 = tpu.vector_load %arg12[%get3A_1427, %get3A_1428] {strides = array<i32>} : memref<32x768xf32, #tpu.memory_space<vmem>>, vector<1x16xf32>,
        %get3A_1430 = vector.shape_cast %get3A_1429 : vector<1x16xf32> to vector<16xf32>
        %add3A_1431 = arith.addf %get3A_1430, %get3A_747 : vector<16xf32>
        %swap3A_1432 = arith.index_cast %scan3A_1106 : i32 to index
        %swap3A_1433 = arith.constant 512 : index
        %swap3A_1434 = tpu.vector_load %arg13[%swap3A_1432, %swap3A_1433] {strides = array<i32>} : memref<32x768xf32, #tpu.memory_space<vmem>>, vector<1x16xf32>,
        %swap3A_1435 = vector.shape_cast %swap3A_1434 : vector<1x16xf32> to vector<16xf32>
        %swap3A_1436 = vector.shape_cast %add3A_1431 : vector<16xf32> to vector<1x16xf32>
        tpu.vector_store %arg13[%swap3A_1432, %swap3A_1433], %swap3A_1436 {strides = array<i32>} : memref<32x768xf32, #tpu.memory_space<vmem>>, vector<1x16xf32>,
        %get3A_1437 = arith.index_cast %scan3A_1106 : i32 to index
        %get3A_1438 = arith.constant 528 : index
        %get3A_1439 = tpu.vector_load %arg12[%get3A_1437, %get3A_1438] {strides = array<i32>} : memref<32x768xf32, #tpu.memory_space<vmem>>, vector<1x16xf32>,
        %get3A_1440 = vector.shape_cast %get3A_1439 : vector<1x16xf32> to vector<16xf32>
        %add3A_1441 = arith.addf %get3A_1440, %get3A_752 : vector<16xf32>
        %swap3A_1442 = arith.index_cast %scan3A_1106 : i32 to index
        %swap3A_1443 = arith.constant 528 : index
        %swap3A_1444 = tpu.vector_load %arg13[%swap3A_1442, %swap3A_1443] {strides = array<i32>} : memref<32x768xf32, #tpu.memory_space<vmem>>, vector<1x16xf32>,
        %swap3A_1445 = vector.shape_cast %swap3A_1444 : vector<1x16xf32> to vector<16xf32>
        %swap3A_1446 = vector.shape_cast %add3A_1441 : vector<16xf32> to vector<1x16xf32>
        tpu.vector_store %arg13[%swap3A_1442, %swap3A_1443], %swap3A_1446 {strides = array<i32>} : memref<32x768xf32, #tpu.memory_space<vmem>>, vector<1x16xf32>,
        %get3A_1447 = arith.index_cast %scan3A_1106 : i32 to index
        %get3A_1448 = arith.constant 544 : index
        %get3A_1449 = tpu.vector_load %arg12[%get3A_1447, %get3A_1448] {strides = array<i32>} : memref<32x768xf32, #tpu.memory_space<vmem>>, vector<1x16xf32>,
        %get3A_1450 = vector.shape_cast %get3A_1449 : vector<1x16xf32> to vector<16xf32>
        %add3A_1451 = arith.addf %get3A_1450, %get3A_757 : vector<16xf32>
        %swap3A_1452 = arith.index_cast %scan3A_1106 : i32 to index
        %swap3A_1453 = arith.constant 544 : index
        %swap3A_1454 = tpu.vector_load %arg13[%swap3A_1452, %swap3A_1453] {strides = array<i32>} : memref<32x768xf32, #tpu.memory_space<vmem>>, vector<1x16xf32>,
        %swap3A_1455 = vector.shape_cast %swap3A_1454 : vector<1x16xf32> to vector<16xf32>
        %swap3A_1456 = vector.shape_cast %add3A_1451 : vector<16xf32> to vector<1x16xf32>
        tpu.vector_store %arg13[%swap3A_1452, %swap3A_1453], %swap3A_1456 {strides = array<i32>} : memref<32x768xf32, #tpu.memory_space<vmem>>, vector<1x16xf32>,
        %get3A_1457 = arith.index_cast %scan3A_1106 : i32 to index
        %get3A_1458 = arith.constant 560 : index
        %get3A_1459 = tpu.vector_load %arg12[%get3A_1457, %get3A_1458] {strides = array<i32>} : memref<32x768xf32, #tpu.memory_space<vmem>>, vector<1x16xf32>,
        %get3A_1460 = vector.shape_cast %get3A_1459 : vector<1x16xf32> to vector<16xf32>
        %add3A_1461 = arith.addf %get3A_1460, %get3A_762 : vector<16xf32>
        %swap3A_1462 = arith.index_cast %scan3A_1106 : i32 to index
        %swap3A_1463 = arith.constant 560 : index
        %swap3A_1464 = tpu.vector_load %arg13[%swap3A_1462, %swap3A_1463] {strides = array<i32>} : memref<32x768xf32, #tpu.memory_space<vmem>>, vector<1x16xf32>,
        %swap3A_1465 = vector.shape_cast %swap3A_1464 : vector<1x16xf32> to vector<16xf32>
        %swap3A_1466 = vector.shape_cast %add3A_1461 : vector<16xf32> to vector<1x16xf32>
        tpu.vector_store %arg13[%swap3A_1462, %swap3A_1463], %swap3A_1466 {strides = array<i32>} : memref<32x768xf32, #tpu.memory_space<vmem>>, vector<1x16xf32>,
        %get3A_1467 = arith.index_cast %scan3A_1106 : i32 to index
        %get3A_1468 = arith.constant 576 : index
        %get3A_1469 = tpu.vector_load %arg12[%get3A_1467, %get3A_1468] {strides = array<i32>} : memref<32x768xf32, #tpu.memory_space<vmem>>, vector<1x16xf32>,
        %get3A_1470 = vector.shape_cast %get3A_1469 : vector<1x16xf32> to vector<16xf32>
        %add3A_1471 = arith.addf %get3A_1470, %get3A_767 : vector<16xf32>
        %swap3A_1472 = arith.index_cast %scan3A_1106 : i32 to index
        %swap3A_1473 = arith.constant 576 : index
        %swap3A_1474 = tpu.vector_load %arg13[%swap3A_1472, %swap3A_1473] {strides = array<i32>} : memref<32x768xf32, #tpu.memory_space<vmem>>, vector<1x16xf32>,
        %swap3A_1475 = vector.shape_cast %swap3A_1474 : vector<1x16xf32> to vector<16xf32>
        %swap3A_1476 = vector.shape_cast %add3A_1471 : vector<16xf32> to vector<1x16xf32>
        tpu.vector_store %arg13[%swap3A_1472, %swap3A_1473], %swap3A_1476 {strides = array<i32>} : memref<32x768xf32, #tpu.memory_space<vmem>>, vector<1x16xf32>,
        %get3A_1477 = arith.index_cast %scan3A_1106 : i32 to index
        %get3A_1478 = arith.constant 592 : index
        %get3A_1479 = tpu.vector_load %arg12[%get3A_1477, %get3A_1478] {strides = array<i32>} : memref<32x768xf32, #tpu.memory_space<vmem>>, vector<1x16xf32>,
        %get3A_1480 = vector.shape_cast %get3A_1479 : vector<1x16xf32> to vector<16xf32>
        %add3A_1481 = arith.addf %get3A_1480, %get3A_772 : vector<16xf32>
        %swap3A_1482 = arith.index_cast %scan3A_1106 : i32 to index
        %swap3A_1483 = arith.constant 592 : index
        %swap3A_1484 = tpu.vector_load %arg13[%swap3A_1482, %swap3A_1483] {strides = array<i32>} : memref<32x768xf32, #tpu.memory_space<vmem>>, vector<1x16xf32>,
        %swap3A_1485 = vector.shape_cast %swap3A_1484 : vector<1x16xf32> to vector<16xf32>
        %swap3A_1486 = vector.shape_cast %add3A_1481 : vector<16xf32> to vector<1x16xf32>
        tpu.vector_store %arg13[%swap3A_1482, %swap3A_1483], %swap3A_1486 {strides = array<i32>} : memref<32x768xf32, #tpu.memory_space<vmem>>, vector<1x16xf32>,
        %get3A_1487 = arith.index_cast %scan3A_1106 : i32 to index
        %get3A_1488 = arith.constant 608 : index
        %get3A_1489 = tpu.vector_load %arg12[%get3A_1487, %get3A_1488] {strides = array<i32>} : memref<32x768xf32, #tpu.memory_space<vmem>>, vector<1x16xf32>,
        %get3A_1490 = vector.shape_cast %get3A_1489 : vector<1x16xf32> to vector<16xf32>
        %add3A_1491 = arith.addf %get3A_1490, %get3A_777 : vector<16xf32>
        %swap3A_1492 = arith.index_cast %scan3A_1106 : i32 to index
        %swap3A_1493 = arith.constant 608 : index
        %swap3A_1494 = tpu.vector_load %arg13[%swap3A_1492, %swap3A_1493] {strides = array<i32>} : memref<32x768xf32, #tpu.memory_space<vmem>>, vector<1x16xf32>,
        %swap3A_1495 = vector.shape_cast %swap3A_1494 : vector<1x16xf32> to vector<16xf32>
        %swap3A_1496 = vector.shape_cast %add3A_1491 : vector<16xf32> to vector<1x16xf32>
        tpu.vector_store %arg13[%swap3A_1492, %swap3A_1493], %swap3A_1496 {strides = array<i32>} : memref<32x768xf32, #tpu.memory_space<vmem>>, vector<1x16xf32>,
        %get3A_1497 = arith.index_cast %scan3A_1106 : i32 to index
        %get3A_1498 = arith.constant 624 : index
        %get3A_1499 = tpu.vector_load %arg12[%get3A_1497, %get3A_1498] {strides = array<i32>} : memref<32x768xf32, #tpu.memory_space<vmem>>, vector<1x16xf32>,
        %get3A_1500 = vector.shape_cast %get3A_1499 : vector<1x16xf32> to vector<16xf32>
        %add3A_1501 = arith.addf %get3A_1500, %get3A_782 : vector<16xf32>
        %swap3A_1502 = arith.index_cast %scan3A_1106 : i32 to index
        %swap3A_1503 = arith.constant 624 : index
        %swap3A_1504 = tpu.vector_load %arg13[%swap3A_1502, %swap3A_1503] {strides = array<i32>} : memref<32x768xf32, #tpu.memory_space<vmem>>, vector<1x16xf32>,
        %swap3A_1505 = vector.shape_cast %swap3A_1504 : vector<1x16xf32> to vector<16xf32>
        %swap3A_1506 = vector.shape_cast %add3A_1501 : vector<16xf32> to vector<1x16xf32>
        tpu.vector_store %arg13[%swap3A_1502, %swap3A_1503], %swap3A_1506 {strides = array<i32>} : memref<32x768xf32, #tpu.memory_space<vmem>>, vector<1x16xf32>,
        %get3A_1507 = arith.index_cast %scan3A_1106 : i32 to index
        %get3A_1508 = arith.constant 640 : index
        %get3A_1509 = tpu.vector_load %arg12[%get3A_1507, %get3A_1508] {strides = array<i32>} : memref<32x768xf32, #tpu.memory_space<vmem>>, vector<1x16xf32>,
        %get3A_1510 = vector.shape_cast %get3A_1509 : vector<1x16xf32> to vector<16xf32>
        %add3A_1511 = arith.addf %get3A_1510, %get3A_787 : vector<16xf32>
        %swap3A_1512 = arith.index_cast %scan3A_1106 : i32 to index
        %swap3A_1513 = arith.constant 640 : index
        %swap3A_1514 = tpu.vector_load %arg13[%swap3A_1512, %swap3A_1513] {strides = array<i32>} : memref<32x768xf32, #tpu.memory_space<vmem>>, vector<1x16xf32>,
        %swap3A_1515 = vector.shape_cast %swap3A_1514 : vector<1x16xf32> to vector<16xf32>
        %swap3A_1516 = vector.shape_cast %add3A_1511 : vector<16xf32> to vector<1x16xf32>
        tpu.vector_store %arg13[%swap3A_1512, %swap3A_1513], %swap3A_1516 {strides = array<i32>} : memref<32x768xf32, #tpu.memory_space<vmem>>, vector<1x16xf32>,
        %get3A_1517 = arith.index_cast %scan3A_1106 : i32 to index
        %get3A_1518 = arith.constant 656 : index
        %get3A_1519 = tpu.vector_load %arg12[%get3A_1517, %get3A_1518] {strides = array<i32>} : memref<32x768xf32, #tpu.memory_space<vmem>>, vector<1x16xf32>,
        %get3A_1520 = vector.shape_cast %get3A_1519 : vector<1x16xf32> to vector<16xf32>
        %add3A_1521 = arith.addf %get3A_1520, %get3A_792 : vector<16xf32>
        %swap3A_1522 = arith.index_cast %scan3A_1106 : i32 to index
        %swap3A_1523 = arith.constant 656 : index
        %swap3A_1524 = tpu.vector_load %arg13[%swap3A_1522, %swap3A_1523] {strides = array<i32>} : memref<32x768xf32, #tpu.memory_space<vmem>>, vector<1x16xf32>,
        %swap3A_1525 = vector.shape_cast %swap3A_1524 : vector<1x16xf32> to vector<16xf32>
        %swap3A_1526 = vector.shape_cast %add3A_1521 : vector<16xf32> to vector<1x16xf32>
        tpu.vector_store %arg13[%swap3A_1522, %swap3A_1523], %swap3A_1526 {strides = array<i32>} : memref<32x768xf32, #tpu.memory_space<vmem>>, vector<1x16xf32>,
        %get3A_1527 = arith.index_cast %scan3A_1106 : i32 to index
        %get3A_1528 = arith.constant 672 : index
        %get3A_1529 = tpu.vector_load %arg12[%get3A_1527, %get3A_1528] {strides = array<i32>} : memref<32x768xf32, #tpu.memory_space<vmem>>, vector<1x16xf32>,
        %get3A_1530 = vector.shape_cast %get3A_1529 : vector<1x16xf32> to vector<16xf32>
        %add3A_1531 = arith.addf %get3A_1530, %get3A_797 : vector<16xf32>
        %swap3A_1532 = arith.index_cast %scan3A_1106 : i32 to index
        %swap3A_1533 = arith.constant 672 : index
        %swap3A_1534 = tpu.vector_load %arg13[%swap3A_1532, %swap3A_1533] {strides = array<i32>} : memref<32x768xf32, #tpu.memory_space<vmem>>, vector<1x16xf32>,
        %swap3A_1535 = vector.shape_cast %swap3A_1534 : vector<1x16xf32> to vector<16xf32>
        %swap3A_1536 = vector.shape_cast %add3A_1531 : vector<16xf32> to vector<1x16xf32>
        tpu.vector_store %arg13[%swap3A_1532, %swap3A_1533], %swap3A_1536 {strides = array<i32>} : memref<32x768xf32, #tpu.memory_space<vmem>>, vector<1x16xf32>,
        %get3A_1537 = arith.index_cast %scan3A_1106 : i32 to index
        %get3A_1538 = arith.constant 688 : index
        %get3A_1539 = tpu.vector_load %arg12[%get3A_1537, %get3A_1538] {strides = array<i32>} : memref<32x768xf32, #tpu.memory_space<vmem>>, vector<1x16xf32>,
        %get3A_1540 = vector.shape_cast %get3A_1539 : vector<1x16xf32> to vector<16xf32>
        %add3A_1541 = arith.addf %get3A_1540, %get3A_802 : vector<16xf32>
        %swap3A_1542 = arith.index_cast %scan3A_1106 : i32 to index
        %swap3A_1543 = arith.constant 688 : index
        %swap3A_1544 = tpu.vector_load %arg13[%swap3A_1542, %swap3A_1543] {strides = array<i32>} : memref<32x768xf32, #tpu.memory_space<vmem>>, vector<1x16xf32>,
        %swap3A_1545 = vector.shape_cast %swap3A_1544 : vector<1x16xf32> to vector<16xf32>
        %swap3A_1546 = vector.shape_cast %add3A_1541 : vector<16xf32> to vector<1x16xf32>
        tpu.vector_store %arg13[%swap3A_1542, %swap3A_1543], %swap3A_1546 {strides = array<i32>} : memref<32x768xf32, #tpu.memory_space<vmem>>, vector<1x16xf32>,
        %get3A_1547 = arith.index_cast %scan3A_1106 : i32 to index
        %get3A_1548 = arith.constant 704 : index
        %get3A_1549 = tpu.vector_load %arg12[%get3A_1547, %get3A_1548] {strides = array<i32>} : memref<32x768xf32, #tpu.memory_space<vmem>>, vector<1x16xf32>,
        %get3A_1550 = vector.shape_cast %get3A_1549 : vector<1x16xf32> to vector<16xf32>
        %add3A_1551 = arith.addf %get3A_1550, %get3A_807 : vector<16xf32>
        %swap3A_1552 = arith.index_cast %scan3A_1106 : i32 to index
        %swap3A_1553 = arith.constant 704 : index
        %swap3A_1554 = tpu.vector_load %arg13[%swap3A_1552, %swap3A_1553] {strides = array<i32>} : memref<32x768xf32, #tpu.memory_space<vmem>>, vector<1x16xf32>,
        %swap3A_1555 = vector.shape_cast %swap3A_1554 : vector<1x16xf32> to vector<16xf32>
        %swap3A_1556 = vector.shape_cast %add3A_1551 : vector<16xf32> to vector<1x16xf32>
        tpu.vector_store %arg13[%swap3A_1552, %swap3A_1553], %swap3A_1556 {strides = array<i32>} : memref<32x768xf32, #tpu.memory_space<vmem>>, vector<1x16xf32>,
        %get3A_1557 = arith.index_cast %scan3A_1106 : i32 to index
        %get3A_1558 = arith.constant 720 : index
        %get3A_1559 = tpu.vector_load %arg12[%get3A_1557, %get3A_1558] {strides = array<i32>} : memref<32x768xf32, #tpu.memory_space<vmem>>, vector<1x16xf32>,
        %get3A_1560 = vector.shape_cast %get3A_1559 : vector<1x16xf32> to vector<16xf32>
        %add3A_1561 = arith.addf %get3A_1560, %get3A_812 : vector<16xf32>
        %swap3A_1562 = arith.index_cast %scan3A_1106 : i32 to index
        %swap3A_1563 = arith.constant 720 : index
        %swap3A_1564 = tpu.vector_load %arg13[%swap3A_1562, %swap3A_1563] {strides = array<i32>} : memref<32x768xf32, #tpu.memory_space<vmem>>, vector<1x16xf32>,
        %swap3A_1565 = vector.shape_cast %swap3A_1564 : vector<1x16xf32> to vector<16xf32>
        %swap3A_1566 = vector.shape_cast %add3A_1561 : vector<16xf32> to vector<1x16xf32>
        tpu.vector_store %arg13[%swap3A_1562, %swap3A_1563], %swap3A_1566 {strides = array<i32>} : memref<32x768xf32, #tpu.memory_space<vmem>>, vector<1x16xf32>,
        %get3A_1567 = arith.index_cast %scan3A_1106 : i32 to index
        %get3A_1568 = arith.constant 736 : index
        %get3A_1569 = tpu.vector_load %arg12[%get3A_1567, %get3A_1568] {strides = array<i32>} : memref<32x768xf32, #tpu.memory_space<vmem>>, vector<1x16xf32>,
        %get3A_1570 = vector.shape_cast %get3A_1569 : vector<1x16xf32> to vector<16xf32>
        %add3A_1571 = arith.addf %get3A_1570, %get3A_817 : vector<16xf32>
        %swap3A_1572 = arith.index_cast %scan3A_1106 : i32 to index
        %swap3A_1573 = arith.constant 736 : index
        %swap3A_1574 = tpu.vector_load %arg13[%swap3A_1572, %swap3A_1573] {strides = array<i32>} : memref<32x768xf32, #tpu.memory_space<vmem>>, vector<1x16xf32>,
        %swap3A_1575 = vector.shape_cast %swap3A_1574 : vector<1x16xf32> to vector<16xf32>
        %swap3A_1576 = vector.shape_cast %add3A_1571 : vector<16xf32> to vector<1x16xf32>
        tpu.vector_store %arg13[%swap3A_1572, %swap3A_1573], %swap3A_1576 {strides = array<i32>} : memref<32x768xf32, #tpu.memory_space<vmem>>, vector<1x16xf32>,
        %get3A_1577 = arith.index_cast %scan3A_1106 : i32 to index
        %get3A_1578 = arith.constant 752 : index
        %get3A_1579 = tpu.vector_load %arg12[%get3A_1577, %get3A_1578] {strides = array<i32>} : memref<32x768xf32, #tpu.memory_space<vmem>>, vector<1x16xf32>,
        %get3A_1580 = vector.shape_cast %get3A_1579 : vector<1x16xf32> to vector<16xf32>
        %add3A_1581 = arith.addf %get3A_1580, %get3A_822 : vector<16xf32>
        %swap3A_1582 = arith.index_cast %scan3A_1106 : i32 to index
        %swap3A_1583 = arith.constant 752 : index
        %swap3A_1584 = tpu.vector_load %arg13[%swap3A_1582, %swap3A_1583] {strides = array<i32>} : memref<32x768xf32, #tpu.memory_space<vmem>>, vector<1x16xf32>,
        %swap3A_1585 = vector.shape_cast %swap3A_1584 : vector<1x16xf32> to vector<16xf32>
        %swap3A_1586 = vector.shape_cast %add3A_1581 : vector<16xf32> to vector<1x16xf32>
        tpu.vector_store %arg13[%swap3A_1582, %swap3A_1583], %swap3A_1586 {strides = array<i32>} : memref<32x768xf32, #tpu.memory_space<vmem>>, vector<1x16xf32>,
        %scan3A_1587 = arith.constant 0 : i32
        scf.yield %scan3A_1587 : i32
      }
      %scan3A_829 = arith.constant 32 : i32
      %add3A_830 = arith.constant 0 : i32
      %add3A_831 = arith.addi %add3A_4, %add3A_830 : i32
      %mul3A_832 = arith.constant 256 : i32
      %mul3A_833 = arith.muli %add3A_831, %mul3A_832 : i32
      %mul3A_834 = arith.constant 32 : i32
      %mul3A_835 = arith.muli %add3A_568, %mul3A_834 : i32
      %add3A_836 = arith.addi %mul3A_833, %mul3A_835 : i32
      %dma_start3A_837 = arith.constant 0 : i32
      %dma_start3A_838 = tpu.memref_slice %arg6[%add3A_836, %dma_start3A_837] : memref<65536x768xf32, #tpu.memory_space<hbm>> -> memref<32x768xf32, #tpu.memory_space<hbm>>
      %dma_start3A_839 = arith.constant 0 : i32
      %dma_start3A_840 = tpu.memref_slice %arg6[%add3A_836, %dma_start3A_839] : memref<65536x768xf32, #tpu.memory_space<hbm>> -> memref<32x768xf32, #tpu.memory_space<hbm>>
      tpu.enqueue_dma source(%arg13 : memref<32x768xf32, #tpu.memory_space<vmem>>) target(%dma_start3A_840 : memref<32x768xf32, #tpu.memory_space<hbm>>) target_semaphore(%arg17 : memref<!tpu.dma_semaphore, #tpu.memory_space<semaphore_mem>>)
      %dma_wait3A_841 = arith.constant 0 : i32
      %dma_wait3A_842 = arith.constant 0 : i32
      %dma_wait3A_843 = tpu.memref_slice %arg6[%dma_wait3A_841, %dma_wait3A_842] : memref<65536x768xf32, #tpu.memory_space<hbm>> -> memref<32x768xf32, #tpu.memory_space<hbm>>
      %dma_wait3A_844 = arith.constant 0 : i32
      %dma_wait3A_845 = arith.constant 0 : i32
      %dma_wait3A_846 = tpu.memref_slice %arg6[%dma_wait3A_844, %dma_wait3A_845] : memref<65536x768xf32, #tpu.memory_space<hbm>> -> memref<32x768xf32, #tpu.memory_space<hbm>>
      tpu.wait_dma2 semaphore(%arg18 : memref<!tpu.dma_semaphore, #tpu.memory_space<semaphore_mem>>) src(%arg14 : memref<32x768xf32, #tpu.memory_space<vmem>>) dst(%dma_wait3A_846 : memref<32x768xf32, #tpu.memory_space<hbm>>)
      %get3A_847 = arith.constant 1 : i32
      %get3A_848 = arith.index_cast %get3A_847 : i32 to index
      %get3A_849 = arith.constant 0 : index
      %get3A_850 = tpu.vector_load %arg10[%get3A_848, %get3A_849] {strides = array<i32>} : memref<8x768xf32, #tpu.memory_space<vmem>>, vector<1x16xf32>,
      %get3A_851 = vector.shape_cast %get3A_850 : vector<1x16xf32> to vector<16xf32>
      %get3A_852 = arith.constant 1 : i32
      %get3A_853 = arith.index_cast %get3A_852 : i32 to index
      %get3A_854 = arith.constant 16 : index
      %get3A_855 = tpu.vector_load %arg10[%get3A_853, %get3A_854] {strides = array<i32>} : memref<8x768xf32, #tpu.memory_space<vmem>>, vector<1x16xf32>,
      %get3A_856 = vector.shape_cast %get3A_855 : vector<1x16xf32> to vector<16xf32>
      %get3A_857 = arith.constant 1 : i32
      %get3A_858 = arith.index_cast %get3A_857 : i32 to index
      %get3A_859 = arith.constant 32 : index
      %get3A_860 = tpu.vector_load %arg10[%get3A_858, %get3A_859] {strides = array<i32>} : memref<8x768xf32, #tpu.memory_space<vmem>>, vector<1x16xf32>,
      %get3A_861 = vector.shape_cast %get3A_860 : vector<1x16xf32> to vector<16xf32>
      %get3A_862 = arith.constant 1 : i32
      %get3A_863 = arith.index_cast %get3A_862 : i32 to index
      %get3A_864 = arith.constant 48 : index
      %get3A_865 = tpu.vector_load %arg10[%get3A_863, %get3A_864] {strides = array<i32>} : memref<8x768xf32, #tpu.memory_space<vmem>>, vector<1x16xf32>,
      %get3A_866 = vector.shape_cast %get3A_865 : vector<1x16xf32> to vector<16xf32>
      %get3A_867 = arith.constant 1 : i32
      %get3A_868 = arith.index_cast %get3A_867 : i32 to index
      %get3A_869 = arith.constant 64 : index
      %get3A_870 = tpu.vector_load %arg10[%get3A_868, %get3A_869] {strides = array<i32>} : memref<8x768xf32, #tpu.memory_space<vmem>>, vector<1x16xf32>,
      %get3A_871 = vector.shape_cast %get3A_870 : vector<1x16xf32> to vector<16xf32>
      %get3A_872 = arith.constant 1 : i32
      %get3A_873 = arith.index_cast %get3A_872 : i32 to index
      %get3A_874 = arith.constant 80 : index
      %get3A_875 = tpu.vector_load %arg10[%get3A_873, %get3A_874] {strides = array<i32>} : memref<8x768xf32, #tpu.memory_space<vmem>>, vector<1x16xf32>,
      %get3A_876 = vector.shape_cast %get3A_875 : vector<1x16xf32> to vector<16xf32>
      %get3A_877 = arith.constant 1 : i32
      %get3A_878 = arith.index_cast %get3A_877 : i32 to index
      %get3A_879 = arith.constant 96 : index
      %get3A_880 = tpu.vector_load %arg10[%get3A_878, %get3A_879] {strides = array<i32>} : memref<8x768xf32, #tpu.memory_space<vmem>>, vector<1x16xf32>,
      %get3A_881 = vector.shape_cast %get3A_880 : vector<1x16xf32> to vector<16xf32>
      %get3A_882 = arith.constant 1 : i32
      %get3A_883 = arith.index_cast %get3A_882 : i32 to index
      %get3A_884 = arith.constant 112 : index
      %get3A_885 = tpu.vector_load %arg10[%get3A_883, %get3A_884] {strides = array<i32>} : memref<8x768xf32, #tpu.memory_space<vmem>>, vector<1x16xf32>,
      %get3A_886 = vector.shape_cast %get3A_885 : vector<1x16xf32> to vector<16xf32>
      %get3A_887 = arith.constant 1 : i32
      %get3A_888 = arith.index_cast %get3A_887 : i32 to index
      %get3A_889 = arith.constant 128 : index
      %get3A_890 = tpu.vector_load %arg10[%get3A_888, %get3A_889] {strides = array<i32>} : memref<8x768xf32, #tpu.memory_space<vmem>>, vector<1x16xf32>,
      %get3A_891 = vector.shape_cast %get3A_890 : vector<1x16xf32> to vector<16xf32>
      %get3A_892 = arith.constant 1 : i32
      %get3A_893 = arith.index_cast %get3A_892 : i32 to index
      %get3A_894 = arith.constant 144 : index
      %get3A_895 = tpu.vector_load %arg10[%get3A_893, %get3A_894] {strides = array<i32>} : memref<8x768xf32, #tpu.memory_space<vmem>>, vector<1x16xf32>,
      %get3A_896 = vector.shape_cast %get3A_895 : vector<1x16xf32> to vector<16xf32>
      %get3A_897 = arith.constant 1 : i32
      %get3A_898 = arith.index_cast %get3A_897 : i32 to index
      %get3A_899 = arith.constant 160 : index
      %get3A_900 = tpu.vector_load %arg10[%get3A_898, %get3A_899] {strides = array<i32>} : memref<8x768xf32, #tpu.memory_space<vmem>>, vector<1x16xf32>,
      %get3A_901 = vector.shape_cast %get3A_900 : vector<1x16xf32> to vector<16xf32>
      %get3A_902 = arith.constant 1 : i32
      %get3A_903 = arith.index_cast %get3A_902 : i32 to index
      %get3A_904 = arith.constant 176 : index
      %get3A_905 = tpu.vector_load %arg10[%get3A_903, %get3A_904] {strides = array<i32>} : memref<8x768xf32, #tpu.memory_space<vmem>>, vector<1x16xf32>,
      %get3A_906 = vector.shape_cast %get3A_905 : vector<1x16xf32> to vector<16xf32>
      %get3A_907 = arith.constant 1 : i32
      %get3A_908 = arith.index_cast %get3A_907 : i32 to index
      %get3A_909 = arith.constant 192 : index
      %get3A_910 = tpu.vector_load %arg10[%get3A_908, %get3A_909] {strides = array<i32>} : memref<8x768xf32, #tpu.memory_space<vmem>>, vector<1x16xf32>,
      %get3A_911 = vector.shape_cast %get3A_910 : vector<1x16xf32> to vector<16xf32>
      %get3A_912 = arith.constant 1 : i32
      %get3A_913 = arith.index_cast %get3A_912 : i32 to index
      %get3A_914 = arith.constant 208 : index
      %get3A_915 = tpu.vector_load %arg10[%get3A_913, %get3A_914] {strides = array<i32>} : memref<8x768xf32, #tpu.memory_space<vmem>>, vector<1x16xf32>,
      %get3A_916 = vector.shape_cast %get3A_915 : vector<1x16xf32> to vector<16xf32>
      %get3A_917 = arith.constant 1 : i32
      %get3A_918 = arith.index_cast %get3A_917 : i32 to index
      %get3A_919 = arith.constant 224 : index
      %get3A_920 = tpu.vector_load %arg10[%get3A_918, %get3A_919] {strides = array<i32>} : memref<8x768xf32, #tpu.memory_space<vmem>>, vector<1x16xf32>,
      %get3A_921 = vector.shape_cast %get3A_920 : vector<1x16xf32> to vector<16xf32>
      %get3A_922 = arith.constant 1 : i32
      %get3A_923 = arith.index_cast %get3A_922 : i32 to index
      %get3A_924 = arith.constant 240 : index
      %get3A_925 = tpu.vector_load %arg10[%get3A_923, %get3A_924] {strides = array<i32>} : memref<8x768xf32, #tpu.memory_space<vmem>>, vector<1x16xf32>,
      %get3A_926 = vector.shape_cast %get3A_925 : vector<1x16xf32> to vector<16xf32>
      %get3A_927 = arith.constant 1 : i32
      %get3A_928 = arith.index_cast %get3A_927 : i32 to index
      %get3A_929 = arith.constant 256 : index
      %get3A_930 = tpu.vector_load %arg10[%get3A_928, %get3A_929] {strides = array<i32>} : memref<8x768xf32, #tpu.memory_space<vmem>>, vector<1x16xf32>,
      %get3A_931 = vector.shape_cast %get3A_930 : vector<1x16xf32> to vector<16xf32>
      %get3A_932 = arith.constant 1 : i32
      %get3A_933 = arith.index_cast %get3A_932 : i32 to index
      %get3A_934 = arith.constant 272 : index
      %get3A_935 = tpu.vector_load %arg10[%get3A_933, %get3A_934] {strides = array<i32>} : memref<8x768xf32, #tpu.memory_space<vmem>>, vector<1x16xf32>,
      %get3A_936 = vector.shape_cast %get3A_935 : vector<1x16xf32> to vector<16xf32>
      %get3A_937 = arith.constant 1 : i32
      %get3A_938 = arith.index_cast %get3A_937 : i32 to index
      %get3A_939 = arith.constant 288 : index
      %get3A_940 = tpu.vector_load %arg10[%get3A_938, %get3A_939] {strides = array<i32>} : memref<8x768xf32, #tpu.memory_space<vmem>>, vector<1x16xf32>,
      %get3A_941 = vector.shape_cast %get3A_940 : vector<1x16xf32> to vector<16xf32>
      %get3A_942 = arith.constant 1 : i32
      %get3A_943 = arith.index_cast %get3A_942 : i32 to index
      %get3A_944 = arith.constant 304 : index
      %get3A_945 = tpu.vector_load %arg10[%get3A_943, %get3A_944] {strides = array<i32>} : memref<8x768xf32, #tpu.memory_space<vmem>>, vector<1x16xf32>,
      %get3A_946 = vector.shape_cast %get3A_945 : vector<1x16xf32> to vector<16xf32>
      %get3A_947 = arith.constant 1 : i32
      %get3A_948 = arith.index_cast %get3A_947 : i32 to index
      %get3A_949 = arith.constant 320 : index
      %get3A_950 = tpu.vector_load %arg10[%get3A_948, %get3A_949] {strides = array<i32>} : memref<8x768xf32, #tpu.memory_space<vmem>>, vector<1x16xf32>,
      %get3A_951 = vector.shape_cast %get3A_950 : vector<1x16xf32> to vector<16xf32>
      %get3A_952 = arith.constant 1 : i32
      %get3A_953 = arith.index_cast %get3A_952 : i32 to index
      %get3A_954 = arith.constant 336 : index
      %get3A_955 = tpu.vector_load %arg10[%get3A_953, %get3A_954] {strides = array<i32>} : memref<8x768xf32, #tpu.memory_space<vmem>>, vector<1x16xf32>,
      %get3A_956 = vector.shape_cast %get3A_955 : vector<1x16xf32> to vector<16xf32>
      %get3A_957 = arith.constant 1 : i32
      %get3A_958 = arith.index_cast %get3A_957 : i32 to index
      %get3A_959 = arith.constant 352 : index
      %get3A_960 = tpu.vector_load %arg10[%get3A_958, %get3A_959] {strides = array<i32>} : memref<8x768xf32, #tpu.memory_space<vmem>>, vector<1x16xf32>,
      %get3A_961 = vector.shape_cast %get3A_960 : vector<1x16xf32> to vector<16xf32>
      %get3A_962 = arith.constant 1 : i32
      %get3A_963 = arith.index_cast %get3A_962 : i32 to index
      %get3A_964 = arith.constant 368 : index
      %get3A_965 = tpu.vector_load %arg10[%get3A_963, %get3A_964] {strides = array<i32>} : memref<8x768xf32, #tpu.memory_space<vmem>>, vector<1x16xf32>,
      %get3A_966 = vector.shape_cast %get3A_965 : vector<1x16xf32> to vector<16xf32>
      %get3A_967 = arith.constant 1 : i32
      %get3A_968 = arith.index_cast %get3A_967 : i32 to index
      %get3A_969 = arith.constant 384 : index
      %get3A_970 = tpu.vector_load %arg10[%get3A_968, %get3A_969] {strides = array<i32>} : memref<8x768xf32, #tpu.memory_space<vmem>>, vector<1x16xf32>,
      %get3A_971 = vector.shape_cast %get3A_970 : vector<1x16xf32> to vector<16xf32>
      %get3A_972 = arith.constant 1 : i32
      %get3A_973 = arith.index_cast %get3A_972 : i32 to index
      %get3A_974 = arith.constant 400 : index
      %get3A_975 = tpu.vector_load %arg10[%get3A_973, %get3A_974] {strides = array<i32>} : memref<8x768xf32, #tpu.memory_space<vmem>>, vector<1x16xf32>,
      %get3A_976 = vector.shape_cast %get3A_975 : vector<1x16xf32> to vector<16xf32>
      %get3A_977 = arith.constant 1 : i32
      %get3A_978 = arith.index_cast %get3A_977 : i32 to index
      %get3A_979 = arith.constant 416 : index
      %get3A_980 = tpu.vector_load %arg10[%get3A_978, %get3A_979] {strides = array<i32>} : memref<8x768xf32, #tpu.memory_space<vmem>>, vector<1x16xf32>,
      %get3A_981 = vector.shape_cast %get3A_980 : vector<1x16xf32> to vector<16xf32>
      %get3A_982 = arith.constant 1 : i32
      %get3A_983 = arith.index_cast %get3A_982 : i32 to index
      %get3A_984 = arith.constant 432 : index
      %get3A_985 = tpu.vector_load %arg10[%get3A_983, %get3A_984] {strides = array<i32>} : memref<8x768xf32, #tpu.memory_space<vmem>>, vector<1x16xf32>,
      %get3A_986 = vector.shape_cast %get3A_985 : vector<1x16xf32> to vector<16xf32>
      %get3A_987 = arith.constant 1 : i32
      %get3A_988 = arith.index_cast %get3A_987 : i32 to index
      %get3A_989 = arith.constant 448 : index
      %get3A_990 = tpu.vector_load %arg10[%get3A_988, %get3A_989] {strides = array<i32>} : memref<8x768xf32, #tpu.memory_space<vmem>>, vector<1x16xf32>,
      %get3A_991 = vector.shape_cast %get3A_990 : vector<1x16xf32> to vector<16xf32>
      %get3A_992 = arith.constant 1 : i32
      %get3A_993 = arith.index_cast %get3A_992 : i32 to index
      %get3A_994 = arith.constant 464 : index
      %get3A_995 = tpu.vector_load %arg10[%get3A_993, %get3A_994] {strides = array<i32>} : memref<8x768xf32, #tpu.memory_space<vmem>>, vector<1x16xf32>,
      %get3A_996 = vector.shape_cast %get3A_995 : vector<1x16xf32> to vector<16xf32>
      %get3A_997 = arith.constant 1 : i32
      %get3A_998 = arith.index_cast %get3A_997 : i32 to index
      %get3A_999 = arith.constant 480 : index
      %get3A_1000 = tpu.vector_load %arg10[%get3A_998, %get3A_999] {strides = array<i32>} : memref<8x768xf32, #tpu.memory_space<vmem>>, vector<1x16xf32>,
      %get3A_1001 = vector.shape_cast %get3A_1000 : vector<1x16xf32> to vector<16xf32>
      %get3A_1002 = arith.constant 1 : i32
      %get3A_1003 = arith.index_cast %get3A_1002 : i32 to index
      %get3A_1004 = arith.constant 496 : index
      %get3A_1005 = tpu.vector_load %arg10[%get3A_1003, %get3A_1004] {strides = array<i32>} : memref<8x768xf32, #tpu.memory_space<vmem>>, vector<1x16xf32>,
      %get3A_1006 = vector.shape_cast %get3A_1005 : vector<1x16xf32> to vector<16xf32>
      %get3A_1007 = arith.constant 1 : i32
      %get3A_1008 = arith.index_cast %get3A_1007 : i32 to index
      %get3A_1009 = arith.constant 512 : index
      %get3A_1010 = tpu.vector_load %arg10[%get3A_1008, %get3A_1009] {strides = array<i32>} : memref<8x768xf32, #tpu.memory_space<vmem>>, vector<1x16xf32>,
      %get3A_1011 = vector.shape_cast %get3A_1010 : vector<1x16xf32> to vector<16xf32>
      %get3A_1012 = arith.constant 1 : i32
      %get3A_1013 = arith.index_cast %get3A_1012 : i32 to index
      %get3A_1014 = arith.constant 528 : index
      %get3A_1015 = tpu.vector_load %arg10[%get3A_1013, %get3A_1014] {strides = array<i32>} : memref<8x768xf32, #tpu.memory_space<vmem>>, vector<1x16xf32>,
      %get3A_1016 = vector.shape_cast %get3A_1015 : vector<1x16xf32> to vector<16xf32>
      %get3A_1017 = arith.constant 1 : i32
      %get3A_1018 = arith.index_cast %get3A_1017 : i32 to index
      %get3A_1019 = arith.constant 544 : index
      %get3A_1020 = tpu.vector_load %arg10[%get3A_1018, %get3A_1019] {strides = array<i32>} : memref<8x768xf32, #tpu.memory_space<vmem>>, vector<1x16xf32>,
      %get3A_1021 = vector.shape_cast %get3A_1020 : vector<1x16xf32> to vector<16xf32>
      %get3A_1022 = arith.constant 1 : i32
      %get3A_1023 = arith.index_cast %get3A_1022 : i32 to index
      %get3A_1024 = arith.constant 560 : index
      %get3A_1025 = tpu.vector_load %arg10[%get3A_1023, %get3A_1024] {strides = array<i32>} : memref<8x768xf32, #tpu.memory_space<vmem>>, vector<1x16xf32>,
      %get3A_1026 = vector.shape_cast %get3A_1025 : vector<1x16xf32> to vector<16xf32>
      %get3A_1027 = arith.constant 1 : i32
      %get3A_1028 = arith.index_cast %get3A_1027 : i32 to index
      %get3A_1029 = arith.constant 576 : index
      %get3A_1030 = tpu.vector_load %arg10[%get3A_1028, %get3A_1029] {strides = array<i32>} : memref<8x768xf32, #tpu.memory_space<vmem>>, vector<1x16xf32>,
      %get3A_1031 = vector.shape_cast %get3A_1030 : vector<1x16xf32> to vector<16xf32>
      %get3A_1032 = arith.constant 1 : i32
      %get3A_1033 = arith.index_cast %get3A_1032 : i32 to index
      %get3A_1034 = arith.constant 592 : index
      %get3A_1035 = tpu.vector_load %arg10[%get3A_1033, %get3A_1034] {strides = array<i32>} : memref<8x768xf32, #tpu.memory_space<vmem>>, vector<1x16xf32>,
      %get3A_1036 = vector.shape_cast %get3A_1035 : vector<1x16xf32> to vector<16xf32>
      %get3A_1037 = arith.constant 1 : i32
      %get3A_1038 = arith.index_cast %get3A_1037 : i32 to index
      %get3A_1039 = arith.constant 608 : index
      %get3A_1040 = tpu.vector_load %arg10[%get3A_1038, %get3A_1039] {strides = array<i32>} : memref<8x768xf32, #tpu.memory_space<vmem>>, vector<1x16xf32>,
      %get3A_1041 = vector.shape_cast %get3A_1040 : vector<1x16xf32> to vector<16xf32>
      %get3A_1042 = arith.constant 1 : i32
      %get3A_1043 = arith.index_cast %get3A_1042 : i32 to index
      %get3A_1044 = arith.constant 624 : index
      %get3A_1045 = tpu.vector_load %arg10[%get3A_1043, %get3A_1044] {strides = array<i32>} : memref<8x768xf32, #tpu.memory_space<vmem>>, vector<1x16xf32>,
      %get3A_1046 = vector.shape_cast %get3A_1045 : vector<1x16xf32> to vector<16xf32>
      %get3A_1047 = arith.constant 1 : i32
      %get3A_1048 = arith.index_cast %get3A_1047 : i32 to index
      %get3A_1049 = arith.constant 640 : index
      %get3A_1050 = tpu.vector_load %arg10[%get3A_1048, %get3A_1049] {strides = array<i32>} : memref<8x768xf32, #tpu.memory_space<vmem>>, vector<1x16xf32>,
      %get3A_1051 = vector.shape_cast %get3A_1050 : vector<1x16xf32> to vector<16xf32>
      %get3A_1052 = arith.constant 1 : i32
      %get3A_1053 = arith.index_cast %get3A_1052 : i32 to index
      %get3A_1054 = arith.constant 656 : index
      %get3A_1055 = tpu.vector_load %arg10[%get3A_1053, %get3A_1054] {strides = array<i32>} : memref<8x768xf32, #tpu.memory_space<vmem>>, vector<1x16xf32>,
      %get3A_1056 = vector.shape_cast %get3A_1055 : vector<1x16xf32> to vector<16xf32>
      %get3A_1057 = arith.constant 1 : i32
      %get3A_1058 = arith.index_cast %get3A_1057 : i32 to index
      %get3A_1059 = arith.constant 672 : index
      %get3A_1060 = tpu.vector_load %arg10[%get3A_1058, %get3A_1059] {strides = array<i32>} : memref<8x768xf32, #tpu.memory_space<vmem>>, vector<1x16xf32>,
      %get3A_1061 = vector.shape_cast %get3A_1060 : vector<1x16xf32> to vector<16xf32>
      %get3A_1062 = arith.constant 1 : i32
      %get3A_1063 = arith.index_cast %get3A_1062 : i32 to index
      %get3A_1064 = arith.constant 688 : index
      %get3A_1065 = tpu.vector_load %arg10[%get3A_1063, %get3A_1064] {strides = array<i32>} : memref<8x768xf32, #tpu.memory_space<vmem>>, vector<1x16xf32>,
      %get3A_1066 = vector.shape_cast %get3A_1065 : vector<1x16xf32> to vector<16xf32>
      %get3A_1067 = arith.constant 1 : i32
      %get3A_1068 = arith.index_cast %get3A_1067 : i32 to index
      %get3A_1069 = arith.constant 704 : index
      %get3A_1070 = tpu.vector_load %arg10[%get3A_1068, %get3A_1069] {strides = array<i32>} : memref<8x768xf32, #tpu.memory_space<vmem>>, vector<1x16xf32>,
      %get3A_1071 = vector.shape_cast %get3A_1070 : vector<1x16xf32> to vector<16xf32>
      %get3A_1072 = arith.constant 1 : i32
      %get3A_1073 = arith.index_cast %get3A_1072 : i32 to index
      %get3A_1074 = arith.constant 720 : index
      %get3A_1075 = tpu.vector_load %arg10[%get3A_1073, %get3A_1074] {strides = array<i32>} : memref<8x768xf32, #tpu.memory_space<vmem>>, vector<1x16xf32>,
      %get3A_1076 = vector.shape_cast %get3A_1075 : vector<1x16xf32> to vector<16xf32>
      %get3A_1077 = arith.constant 1 : i32
      %get3A_1078 = arith.index_cast %get3A_1077 : i32 to index
      %get3A_1079 = arith.constant 736 : index
      %get3A_1080 = tpu.vector_load %arg10[%get3A_1078, %get3A_1079] {strides = array<i32>} : memref<8x768xf32, #tpu.memory_space<vmem>>, vector<1x16xf32>,
      %get3A_1081 = vector.shape_cast %get3A_1080 : vector<1x16xf32> to vector<16xf32>
      %get3A_1082 = arith.constant 1 : i32
      %get3A_1083 = arith.index_cast %get3A_1082 : i32 to index
      %get3A_1084 = arith.constant 752 : index
      %get3A_1085 = tpu.vector_load %arg10[%get3A_1083, %get3A_1084] {strides = array<i32>} : memref<8x768xf32, #tpu.memory_space<vmem>>, vector<1x16xf32>,
      %get3A_1086 = vector.shape_cast %get3A_1085 : vector<1x16xf32> to vector<16xf32>
      %scan3A_1087 = arith.constant 0 : i32
      %scan3A_1088 = arith.constant 0 : i32
      %scan3A_1089 = arith.constant 32 : i32
      %scan3A_1090 = arith.addi %scan3A_1088, %scan3A_1089 : i32
      %scan3A_1091 = arith.constant 1 : i32
      %scan3A_1092 = scf.for %scan3A_1106 = %scan3A_1088 to %scan3A_1090 step %scan3A_1091 iter_args(%scan3A_1107 = %scan3A_1087) -> (i32)  : i32 {
        %get3A_1108 = arith.index_cast %scan3A_1106 : i32 to index
        %get3A_1109 = arith.constant 0 : index
        %get3A_1110 = tpu.vector_load %arg12[%get3A_1108, %get3A_1109] {strides = array<i32>} : memref<32x768xf32, #tpu.memory_space<vmem>>, vector<1x16xf32>,
        %get3A_1111 = vector.shape_cast %get3A_1110 : vector<1x16xf32> to vector<16xf32>
        %add3A_1112 = arith.addf %get3A_1111, %get3A_851 : vector<16xf32>
        %swap3A = arith.index_cast %scan3A_1106 : i32 to index
        %swap3A_1113 = arith.constant 0 : index
        %swap3A_1114 = tpu.vector_load %arg14[%swap3A, %swap3A_1113] {strides = array<i32>} : memref<32x768xf32, #tpu.memory_space<vmem>>, vector<1x16xf32>,
        %swap3A_1115 = vector.shape_cast %swap3A_1114 : vector<1x16xf32> to vector<16xf32>
        %swap3A_1116 = vector.shape_cast %add3A_1112 : vector<16xf32> to vector<1x16xf32>
        tpu.vector_store %arg14[%swap3A, %swap3A_1113], %swap3A_1116 {strides = array<i32>} : memref<32x768xf32, #tpu.memory_space<vmem>>, vector<1x16xf32>,
        %get3A_1117 = arith.index_cast %scan3A_1106 : i32 to index
        %get3A_1118 = arith.constant 16 : index
        %get3A_1119 = tpu.vector_load %arg12[%get3A_1117, %get3A_1118] {strides = array<i32>} : memref<32x768xf32, #tpu.memory_space<vmem>>, vector<1x16xf32>,
        %get3A_1120 = vector.shape_cast %get3A_1119 : vector<1x16xf32> to vector<16xf32>
        %add3A_1121 = arith.addf %get3A_1120, %get3A_856 : vector<16xf32>
        %swap3A_1122 = arith.index_cast %scan3A_1106 : i32 to index
        %swap3A_1123 = arith.constant 16 : index
        %swap3A_1124 = tpu.vector_load %arg14[%swap3A_1122, %swap3A_1123] {strides = array<i32>} : memref<32x768xf32, #tpu.memory_space<vmem>>, vector<1x16xf32>,
        %swap3A_1125 = vector.shape_cast %swap3A_1124 : vector<1x16xf32> to vector<16xf32>
        %swap3A_1126 = vector.shape_cast %add3A_1121 : vector<16xf32> to vector<1x16xf32>
        tpu.vector_store %arg14[%swap3A_1122, %swap3A_1123], %swap3A_1126 {strides = array<i32>} : memref<32x768xf32, #tpu.memory_space<vmem>>, vector<1x16xf32>,
        %get3A_1127 = arith.index_cast %scan3A_1106 : i32 to index
        %get3A_1128 = arith.constant 32 : index
        %get3A_1129 = tpu.vector_load %arg12[%get3A_1127, %get3A_1128] {strides = array<i32>} : memref<32x768xf32, #tpu.memory_space<vmem>>, vector<1x16xf32>,
        %get3A_1130 = vector.shape_cast %get3A_1129 : vector<1x16xf32> to vector<16xf32>
        %add3A_1131 = arith.addf %get3A_1130, %get3A_861 : vector<16xf32>
        %swap3A_1132 = arith.index_cast %scan3A_1106 : i32 to index
        %swap3A_1133 = arith.constant 32 : index
        %swap3A_1134 = tpu.vector_load %arg14[%swap3A_1132, %swap3A_1133] {strides = array<i32>} : memref<32x768xf32, #tpu.memory_space<vmem>>, vector<1x16xf32>,
        %swap3A_1135 = vector.shape_cast %swap3A_1134 : vector<1x16xf32> to vector<16xf32>
        %swap3A_1136 = vector.shape_cast %add3A_1131 : vector<16xf32> to vector<1x16xf32>
        tpu.vector_store %arg14[%swap3A_1132, %swap3A_1133], %swap3A_1136 {strides = array<i32>} : memref<32x768xf32, #tpu.memory_space<vmem>>, vector<1x16xf32>,
        %get3A_1137 = arith.index_cast %scan3A_1106 : i32 to index
        %get3A_1138 = arith.constant 48 : index
        %get3A_1139 = tpu.vector_load %arg12[%get3A_1137, %get3A_1138] {strides = array<i32>} : memref<32x768xf32, #tpu.memory_space<vmem>>, vector<1x16xf32>,
        %get3A_1140 = vector.shape_cast %get3A_1139 : vector<1x16xf32> to vector<16xf32>
        %add3A_1141 = arith.addf %get3A_1140, %get3A_866 : vector<16xf32>
        %swap3A_1142 = arith.index_cast %scan3A_1106 : i32 to index
        %swap3A_1143 = arith.constant 48 : index
        %swap3A_1144 = tpu.vector_load %arg14[%swap3A_1142, %swap3A_1143] {strides = array<i32>} : memref<32x768xf32, #tpu.memory_space<vmem>>, vector<1x16xf32>,
        %swap3A_1145 = vector.shape_cast %swap3A_1144 : vector<1x16xf32> to vector<16xf32>
        %swap3A_1146 = vector.shape_cast %add3A_1141 : vector<16xf32> to vector<1x16xf32>
        tpu.vector_store %arg14[%swap3A_1142, %swap3A_1143], %swap3A_1146 {strides = array<i32>} : memref<32x768xf32, #tpu.memory_space<vmem>>, vector<1x16xf32>,
        %get3A_1147 = arith.index_cast %scan3A_1106 : i32 to index
        %get3A_1148 = arith.constant 64 : index
        %get3A_1149 = tpu.vector_load %arg12[%get3A_1147, %get3A_1148] {strides = array<i32>} : memref<32x768xf32, #tpu.memory_space<vmem>>, vector<1x16xf32>,
        %get3A_1150 = vector.shape_cast %get3A_1149 : vector<1x16xf32> to vector<16xf32>
        %add3A_1151 = arith.addf %get3A_1150, %get3A_871 : vector<16xf32>
        %swap3A_1152 = arith.index_cast %scan3A_1106 : i32 to index
        %swap3A_1153 = arith.constant 64 : index
        %swap3A_1154 = tpu.vector_load %arg14[%swap3A_1152, %swap3A_1153] {strides = array<i32>} : memref<32x768xf32, #tpu.memory_space<vmem>>, vector<1x16xf32>,
        %swap3A_1155 = vector.shape_cast %swap3A_1154 : vector<1x16xf32> to vector<16xf32>
        %swap3A_1156 = vector.shape_cast %add3A_1151 : vector<16xf32> to vector<1x16xf32>
        tpu.vector_store %arg14[%swap3A_1152, %swap3A_1153], %swap3A_1156 {strides = array<i32>} : memref<32x768xf32, #tpu.memory_space<vmem>>, vector<1x16xf32>,
        %get3A_1157 = arith.index_cast %scan3A_1106 : i32 to index
        %get3A_1158 = arith.constant 80 : index
        %get3A_1159 = tpu.vector_load %arg12[%get3A_1157, %get3A_1158] {strides = array<i32>} : memref<32x768xf32, #tpu.memory_space<vmem>>, vector<1x16xf32>,
        %get3A_1160 = vector.shape_cast %get3A_1159 : vector<1x16xf32> to vector<16xf32>
        %add3A_1161 = arith.addf %get3A_1160, %get3A_876 : vector<16xf32>
        %swap3A_1162 = arith.index_cast %scan3A_1106 : i32 to index
        %swap3A_1163 = arith.constant 80 : index
        %swap3A_1164 = tpu.vector_load %arg14[%swap3A_1162, %swap3A_1163] {strides = array<i32>} : memref<32x768xf32, #tpu.memory_space<vmem>>, vector<1x16xf32>,
        %swap3A_1165 = vector.shape_cast %swap3A_1164 : vector<1x16xf32> to vector<16xf32>
        %swap3A_1166 = vector.shape_cast %add3A_1161 : vector<16xf32> to vector<1x16xf32>
        tpu.vector_store %arg14[%swap3A_1162, %swap3A_1163], %swap3A_1166 {strides = array<i32>} : memref<32x768xf32, #tpu.memory_space<vmem>>, vector<1x16xf32>,
        %get3A_1167 = arith.index_cast %scan3A_1106 : i32 to index
        %get3A_1168 = arith.constant 96 : index
        %get3A_1169 = tpu.vector_load %arg12[%get3A_1167, %get3A_1168] {strides = array<i32>} : memref<32x768xf32, #tpu.memory_space<vmem>>, vector<1x16xf32>,
        %get3A_1170 = vector.shape_cast %get3A_1169 : vector<1x16xf32> to vector<16xf32>
        %add3A_1171 = arith.addf %get3A_1170, %get3A_881 : vector<16xf32>
        %swap3A_1172 = arith.index_cast %scan3A_1106 : i32 to index
        %swap3A_1173 = arith.constant 96 : index
        %swap3A_1174 = tpu.vector_load %arg14[%swap3A_1172, %swap3A_1173] {strides = array<i32>} : memref<32x768xf32, #tpu.memory_space<vmem>>, vector<1x16xf32>,
        %swap3A_1175 = vector.shape_cast %swap3A_1174 : vector<1x16xf32> to vector<16xf32>
        %swap3A_1176 = vector.shape_cast %add3A_1171 : vector<16xf32> to vector<1x16xf32>
        tpu.vector_store %arg14[%swap3A_1172, %swap3A_1173], %swap3A_1176 {strides = array<i32>} : memref<32x768xf32, #tpu.memory_space<vmem>>, vector<1x16xf32>,
        %get3A_1177 = arith.index_cast %scan3A_1106 : i32 to index
        %get3A_1178 = arith.constant 112 : index
        %get3A_1179 = tpu.vector_load %arg12[%get3A_1177, %get3A_1178] {strides = array<i32>} : memref<32x768xf32, #tpu.memory_space<vmem>>, vector<1x16xf32>,
        %get3A_1180 = vector.shape_cast %get3A_1179 : vector<1x16xf32> to vector<16xf32>
        %add3A_1181 = arith.addf %get3A_1180, %get3A_886 : vector<16xf32>
        %swap3A_1182 = arith.index_cast %scan3A_1106 : i32 to index
        %swap3A_1183 = arith.constant 112 : index
        %swap3A_1184 = tpu.vector_load %arg14[%swap3A_1182, %swap3A_1183] {strides = array<i32>} : memref<32x768xf32, #tpu.memory_space<vmem>>, vector<1x16xf32>,
        %swap3A_1185 = vector.shape_cast %swap3A_1184 : vector<1x16xf32> to vector<16xf32>
        %swap3A_1186 = vector.shape_cast %add3A_1181 : vector<16xf32> to vector<1x16xf32>
        tpu.vector_store %arg14[%swap3A_1182, %swap3A_1183], %swap3A_1186 {strides = array<i32>} : memref<32x768xf32, #tpu.memory_space<vmem>>, vector<1x16xf32>,
        %get3A_1187 = arith.index_cast %scan3A_1106 : i32 to index
        %get3A_1188 = arith.constant 128 : index
        %get3A_1189 = tpu.vector_load %arg12[%get3A_1187, %get3A_1188] {strides = array<i32>} : memref<32x768xf32, #tpu.memory_space<vmem>>, vector<1x16xf32>,
        %get3A_1190 = vector.shape_cast %get3A_1189 : vector<1x16xf32> to vector<16xf32>
        %add3A_1191 = arith.addf %get3A_1190, %get3A_891 : vector<16xf32>
        %swap3A_1192 = arith.index_cast %scan3A_1106 : i32 to index
        %swap3A_1193 = arith.constant 128 : index
        %swap3A_1194 = tpu.vector_load %arg14[%swap3A_1192, %swap3A_1193] {strides = array<i32>} : memref<32x768xf32, #tpu.memory_space<vmem>>, vector<1x16xf32>,
        %swap3A_1195 = vector.shape_cast %swap3A_1194 : vector<1x16xf32> to vector<16xf32>
        %swap3A_1196 = vector.shape_cast %add3A_1191 : vector<16xf32> to vector<1x16xf32>
        tpu.vector_store %arg14[%swap3A_1192, %swap3A_1193], %swap3A_1196 {strides = array<i32>} : memref<32x768xf32, #tpu.memory_space<vmem>>, vector<1x16xf32>,
        %get3A_1197 = arith.index_cast %scan3A_1106 : i32 to index
        %get3A_1198 = arith.constant 144 : index
        %get3A_1199 = tpu.vector_load %arg12[%get3A_1197, %get3A_1198] {strides = array<i32>} : memref<32x768xf32, #tpu.memory_space<vmem>>, vector<1x16xf32>,
        %get3A_1200 = vector.shape_cast %get3A_1199 : vector<1x16xf32> to vector<16xf32>
        %add3A_1201 = arith.addf %get3A_1200, %get3A_896 : vector<16xf32>
        %swap3A_1202 = arith.index_cast %scan3A_1106 : i32 to index
        %swap3A_1203 = arith.constant 144 : index
        %swap3A_1204 = tpu.vector_load %arg14[%swap3A_1202, %swap3A_1203] {strides = array<i32>} : memref<32x768xf32, #tpu.memory_space<vmem>>, vector<1x16xf32>,
        %swap3A_1205 = vector.shape_cast %swap3A_1204 : vector<1x16xf32> to vector<16xf32>
        %swap3A_1206 = vector.shape_cast %add3A_1201 : vector<16xf32> to vector<1x16xf32>
        tpu.vector_store %arg14[%swap3A_1202, %swap3A_1203], %swap3A_1206 {strides = array<i32>} : memref<32x768xf32, #tpu.memory_space<vmem>>, vector<1x16xf32>,
        %get3A_1207 = arith.index_cast %scan3A_1106 : i32 to index
        %get3A_1208 = arith.constant 160 : index
        %get3A_1209 = tpu.vector_load %arg12[%get3A_1207, %get3A_1208] {strides = array<i32>} : memref<32x768xf32, #tpu.memory_space<vmem>>, vector<1x16xf32>,
        %get3A_1210 = vector.shape_cast %get3A_1209 : vector<1x16xf32> to vector<16xf32>
        %add3A_1211 = arith.addf %get3A_1210, %get3A_901 : vector<16xf32>
        %swap3A_1212 = arith.index_cast %scan3A_1106 : i32 to index
        %swap3A_1213 = arith.constant 160 : index
        %swap3A_1214 = tpu.vector_load %arg14[%swap3A_1212, %swap3A_1213] {strides = array<i32>} : memref<32x768xf32, #tpu.memory_space<vmem>>, vector<1x16xf32>,
        %swap3A_1215 = vector.shape_cast %swap3A_1214 : vector<1x16xf32> to vector<16xf32>
        %swap3A_1216 = vector.shape_cast %add3A_1211 : vector<16xf32> to vector<1x16xf32>
        tpu.vector_store %arg14[%swap3A_1212, %swap3A_1213], %swap3A_1216 {strides = array<i32>} : memref<32x768xf32, #tpu.memory_space<vmem>>, vector<1x16xf32>,
        %get3A_1217 = arith.index_cast %scan3A_1106 : i32 to index
        %get3A_1218 = arith.constant 176 : index
        %get3A_1219 = tpu.vector_load %arg12[%get3A_1217, %get3A_1218] {strides = array<i32>} : memref<32x768xf32, #tpu.memory_space<vmem>>, vector<1x16xf32>,
        %get3A_1220 = vector.shape_cast %get3A_1219 : vector<1x16xf32> to vector<16xf32>
        %add3A_1221 = arith.addf %get3A_1220, %get3A_906 : vector<16xf32>
        %swap3A_1222 = arith.index_cast %scan3A_1106 : i32 to index
        %swap3A_1223 = arith.constant 176 : index
        %swap3A_1224 = tpu.vector_load %arg14[%swap3A_1222, %swap3A_1223] {strides = array<i32>} : memref<32x768xf32, #tpu.memory_space<vmem>>, vector<1x16xf32>,
        %swap3A_1225 = vector.shape_cast %swap3A_1224 : vector<1x16xf32> to vector<16xf32>
        %swap3A_1226 = vector.shape_cast %add3A_1221 : vector<16xf32> to vector<1x16xf32>
        tpu.vector_store %arg14[%swap3A_1222, %swap3A_1223], %swap3A_1226 {strides = array<i32>} : memref<32x768xf32, #tpu.memory_space<vmem>>, vector<1x16xf32>,
        %get3A_1227 = arith.index_cast %scan3A_1106 : i32 to index
        %get3A_1228 = arith.constant 192 : index
        %get3A_1229 = tpu.vector_load %arg12[%get3A_1227, %get3A_1228] {strides = array<i32>} : memref<32x768xf32, #tpu.memory_space<vmem>>, vector<1x16xf32>,
        %get3A_1230 = vector.shape_cast %get3A_1229 : vector<1x16xf32> to vector<16xf32>
        %add3A_1231 = arith.addf %get3A_1230, %get3A_911 : vector<16xf32>
        %swap3A_1232 = arith.index_cast %scan3A_1106 : i32 to index
        %swap3A_1233 = arith.constant 192 : index
        %swap3A_1234 = tpu.vector_load %arg14[%swap3A_1232, %swap3A_1233] {strides = array<i32>} : memref<32x768xf32, #tpu.memory_space<vmem>>, vector<1x16xf32>,
        %swap3A_1235 = vector.shape_cast %swap3A_1234 : vector<1x16xf32> to vector<16xf32>
        %swap3A_1236 = vector.shape_cast %add3A_1231 : vector<16xf32> to vector<1x16xf32>
        tpu.vector_store %arg14[%swap3A_1232, %swap3A_1233], %swap3A_1236 {strides = array<i32>} : memref<32x768xf32, #tpu.memory_space<vmem>>, vector<1x16xf32>,
        %get3A_1237 = arith.index_cast %scan3A_1106 : i32 to index
        %get3A_1238 = arith.constant 208 : index
        %get3A_1239 = tpu.vector_load %arg12[%get3A_1237, %get3A_1238] {strides = array<i32>} : memref<32x768xf32, #tpu.memory_space<vmem>>, vector<1x16xf32>,
        %get3A_1240 = vector.shape_cast %get3A_1239 : vector<1x16xf32> to vector<16xf32>
        %add3A_1241 = arith.addf %get3A_1240, %get3A_916 : vector<16xf32>
        %swap3A_1242 = arith.index_cast %scan3A_1106 : i32 to index
        %swap3A_1243 = arith.constant 208 : index
        %swap3A_1244 = tpu.vector_load %arg14[%swap3A_1242, %swap3A_1243] {strides = array<i32>} : memref<32x768xf32, #tpu.memory_space<vmem>>, vector<1x16xf32>,
        %swap3A_1245 = vector.shape_cast %swap3A_1244 : vector<1x16xf32> to vector<16xf32>
        %swap3A_1246 = vector.shape_cast %add3A_1241 : vector<16xf32> to vector<1x16xf32>
        tpu.vector_store %arg14[%swap3A_1242, %swap3A_1243], %swap3A_1246 {strides = array<i32>} : memref<32x768xf32, #tpu.memory_space<vmem>>, vector<1x16xf32>,
        %get3A_1247 = arith.index_cast %scan3A_1106 : i32 to index
        %get3A_1248 = arith.constant 224 : index
        %get3A_1249 = tpu.vector_load %arg12[%get3A_1247, %get3A_1248] {strides = array<i32>} : memref<32x768xf32, #tpu.memory_space<vmem>>, vector<1x16xf32>,
        %get3A_1250 = vector.shape_cast %get3A_1249 : vector<1x16xf32> to vector<16xf32>
        %add3A_1251 = arith.addf %get3A_1250, %get3A_921 : vector<16xf32>
        %swap3A_1252 = arith.index_cast %scan3A_1106 : i32 to index
        %swap3A_1253 = arith.constant 224 : index
        %swap3A_1254 = tpu.vector_load %arg14[%swap3A_1252, %swap3A_1253] {strides = array<i32>} : memref<32x768xf32, #tpu.memory_space<vmem>>, vector<1x16xf32>,
        %swap3A_1255 = vector.shape_cast %swap3A_1254 : vector<1x16xf32> to vector<16xf32>
        %swap3A_1256 = vector.shape_cast %add3A_1251 : vector<16xf32> to vector<1x16xf32>
        tpu.vector_store %arg14[%swap3A_1252, %swap3A_1253], %swap3A_1256 {strides = array<i32>} : memref<32x768xf32, #tpu.memory_space<vmem>>, vector<1x16xf32>,
        %get3A_1257 = arith.index_cast %scan3A_1106 : i32 to index
        %get3A_1258 = arith.constant 240 : index
        %get3A_1259 = tpu.vector_load %arg12[%get3A_1257, %get3A_1258] {strides = array<i32>} : memref<32x768xf32, #tpu.memory_space<vmem>>, vector<1x16xf32>,
        %get3A_1260 = vector.shape_cast %get3A_1259 : vector<1x16xf32> to vector<16xf32>
        %add3A_1261 = arith.addf %get3A_1260, %get3A_926 : vector<16xf32>
        %swap3A_1262 = arith.index_cast %scan3A_1106 : i32 to index
        %swap3A_1263 = arith.constant 240 : index
        %swap3A_1264 = tpu.vector_load %arg14[%swap3A_1262, %swap3A_1263] {strides = array<i32>} : memref<32x768xf32, #tpu.memory_space<vmem>>, vector<1x16xf32>,
        %swap3A_1265 = vector.shape_cast %swap3A_1264 : vector<1x16xf32> to vector<16xf32>
        %swap3A_1266 = vector.shape_cast %add3A_1261 : vector<16xf32> to vector<1x16xf32>
        tpu.vector_store %arg14[%swap3A_1262, %swap3A_1263], %swap3A_1266 {strides = array<i32>} : memref<32x768xf32, #tpu.memory_space<vmem>>, vector<1x16xf32>,
        %get3A_1267 = arith.index_cast %scan3A_1106 : i32 to index
        %get3A_1268 = arith.constant 256 : index
        %get3A_1269 = tpu.vector_load %arg12[%get3A_1267, %get3A_1268] {strides = array<i32>} : memref<32x768xf32, #tpu.memory_space<vmem>>, vector<1x16xf32>,
        %get3A_1270 = vector.shape_cast %get3A_1269 : vector<1x16xf32> to vector<16xf32>
        %add3A_1271 = arith.addf %get3A_1270, %get3A_931 : vector<16xf32>
        %swap3A_1272 = arith.index_cast %scan3A_1106 : i32 to index
        %swap3A_1273 = arith.constant 256 : index
        %swap3A_1274 = tpu.vector_load %arg14[%swap3A_1272, %swap3A_1273] {strides = array<i32>} : memref<32x768xf32, #tpu.memory_space<vmem>>, vector<1x16xf32>,
        %swap3A_1275 = vector.shape_cast %swap3A_1274 : vector<1x16xf32> to vector<16xf32>
        %swap3A_1276 = vector.shape_cast %add3A_1271 : vector<16xf32> to vector<1x16xf32>
        tpu.vector_store %arg14[%swap3A_1272, %swap3A_1273], %swap3A_1276 {strides = array<i32>} : memref<32x768xf32, #tpu.memory_space<vmem>>, vector<1x16xf32>,
        %get3A_1277 = arith.index_cast %scan3A_1106 : i32 to index
        %get3A_1278 = arith.constant 272 : index
        %get3A_1279 = tpu.vector_load %arg12[%get3A_1277, %get3A_1278] {strides = array<i32>} : memref<32x768xf32, #tpu.memory_space<vmem>>, vector<1x16xf32>,
        %get3A_1280 = vector.shape_cast %get3A_1279 : vector<1x16xf32> to vector<16xf32>
        %add3A_1281 = arith.addf %get3A_1280, %get3A_936 : vector<16xf32>
        %swap3A_1282 = arith.index_cast %scan3A_1106 : i32 to index
        %swap3A_1283 = arith.constant 272 : index
        %swap3A_1284 = tpu.vector_load %arg14[%swap3A_1282, %swap3A_1283] {strides = array<i32>} : memref<32x768xf32, #tpu.memory_space<vmem>>, vector<1x16xf32>,
        %swap3A_1285 = vector.shape_cast %swap3A_1284 : vector<1x16xf32> to vector<16xf32>
        %swap3A_1286 = vector.shape_cast %add3A_1281 : vector<16xf32> to vector<1x16xf32>
        tpu.vector_store %arg14[%swap3A_1282, %swap3A_1283], %swap3A_1286 {strides = array<i32>} : memref<32x768xf32, #tpu.memory_space<vmem>>, vector<1x16xf32>,
        %get3A_1287 = arith.index_cast %scan3A_1106 : i32 to index
        %get3A_1288 = arith.constant 288 : index
        %get3A_1289 = tpu.vector_load %arg12[%get3A_1287, %get3A_1288] {strides = array<i32>} : memref<32x768xf32, #tpu.memory_space<vmem>>, vector<1x16xf32>,
        %get3A_1290 = vector.shape_cast %get3A_1289 : vector<1x16xf32> to vector<16xf32>
        %add3A_1291 = arith.addf %get3A_1290, %get3A_941 : vector<16xf32>
        %swap3A_1292 = arith.index_cast %scan3A_1106 : i32 to index
        %swap3A_1293 = arith.constant 288 : index
        %swap3A_1294 = tpu.vector_load %arg14[%swap3A_1292, %swap3A_1293] {strides = array<i32>} : memref<32x768xf32, #tpu.memory_space<vmem>>, vector<1x16xf32>,
        %swap3A_1295 = vector.shape_cast %swap3A_1294 : vector<1x16xf32> to vector<16xf32>
        %swap3A_1296 = vector.shape_cast %add3A_1291 : vector<16xf32> to vector<1x16xf32>
        tpu.vector_store %arg14[%swap3A_1292, %swap3A_1293], %swap3A_1296 {strides = array<i32>} : memref<32x768xf32, #tpu.memory_space<vmem>>, vector<1x16xf32>,
        %get3A_1297 = arith.index_cast %scan3A_1106 : i32 to index
        %get3A_1298 = arith.constant 304 : index
        %get3A_1299 = tpu.vector_load %arg12[%get3A_1297, %get3A_1298] {strides = array<i32>} : memref<32x768xf32, #tpu.memory_space<vmem>>, vector<1x16xf32>,
        %get3A_1300 = vector.shape_cast %get3A_1299 : vector<1x16xf32> to vector<16xf32>
        %add3A_1301 = arith.addf %get3A_1300, %get3A_946 : vector<16xf32>
        %swap3A_1302 = arith.index_cast %scan3A_1106 : i32 to index
        %swap3A_1303 = arith.constant 304 : index
        %swap3A_1304 = tpu.vector_load %arg14[%swap3A_1302, %swap3A_1303] {strides = array<i32>} : memref<32x768xf32, #tpu.memory_space<vmem>>, vector<1x16xf32>,
        %swap3A_1305 = vector.shape_cast %swap3A_1304 : vector<1x16xf32> to vector<16xf32>
        %swap3A_1306 = vector.shape_cast %add3A_1301 : vector<16xf32> to vector<1x16xf32>
        tpu.vector_store %arg14[%swap3A_1302, %swap3A_1303], %swap3A_1306 {strides = array<i32>} : memref<32x768xf32, #tpu.memory_space<vmem>>, vector<1x16xf32>,
        %get3A_1307 = arith.index_cast %scan3A_1106 : i32 to index
        %get3A_1308 = arith.constant 320 : index
        %get3A_1309 = tpu.vector_load %arg12[%get3A_1307, %get3A_1308] {strides = array<i32>} : memref<32x768xf32, #tpu.memory_space<vmem>>, vector<1x16xf32>,
        %get3A_1310 = vector.shape_cast %get3A_1309 : vector<1x16xf32> to vector<16xf32>
        %add3A_1311 = arith.addf %get3A_1310, %get3A_951 : vector<16xf32>
        %swap3A_1312 = arith.index_cast %scan3A_1106 : i32 to index
        %swap3A_1313 = arith.constant 320 : index
        %swap3A_1314 = tpu.vector_load %arg14[%swap3A_1312, %swap3A_1313] {strides = array<i32>} : memref<32x768xf32, #tpu.memory_space<vmem>>, vector<1x16xf32>,
        %swap3A_1315 = vector.shape_cast %swap3A_1314 : vector<1x16xf32> to vector<16xf32>
        %swap3A_1316 = vector.shape_cast %add3A_1311 : vector<16xf32> to vector<1x16xf32>
        tpu.vector_store %arg14[%swap3A_1312, %swap3A_1313], %swap3A_1316 {strides = array<i32>} : memref<32x768xf32, #tpu.memory_space<vmem>>, vector<1x16xf32>,
        %get3A_1317 = arith.index_cast %scan3A_1106 : i32 to index
        %get3A_1318 = arith.constant 336 : index
        %get3A_1319 = tpu.vector_load %arg12[%get3A_1317, %get3A_1318] {strides = array<i32>} : memref<32x768xf32, #tpu.memory_space<vmem>>, vector<1x16xf32>,
        %get3A_1320 = vector.shape_cast %get3A_1319 : vector<1x16xf32> to vector<16xf32>
        %add3A_1321 = arith.addf %get3A_1320, %get3A_956 : vector<16xf32>
        %swap3A_1322 = arith.index_cast %scan3A_1106 : i32 to index
        %swap3A_1323 = arith.constant 336 : index
        %swap3A_1324 = tpu.vector_load %arg14[%swap3A_1322, %swap3A_1323] {strides = array<i32>} : memref<32x768xf32, #tpu.memory_space<vmem>>, vector<1x16xf32>,
        %swap3A_1325 = vector.shape_cast %swap3A_1324 : vector<1x16xf32> to vector<16xf32>
        %swap3A_1326 = vector.shape_cast %add3A_1321 : vector<16xf32> to vector<1x16xf32>
        tpu.vector_store %arg14[%swap3A_1322, %swap3A_1323], %swap3A_1326 {strides = array<i32>} : memref<32x768xf32, #tpu.memory_space<vmem>>, vector<1x16xf32>,
        %get3A_1327 = arith.index_cast %scan3A_1106 : i32 to index
        %get3A_1328 = arith.constant 352 : index
        %get3A_1329 = tpu.vector_load %arg12[%get3A_1327, %get3A_1328] {strides = array<i32>} : memref<32x768xf32, #tpu.memory_space<vmem>>, vector<1x16xf32>,
        %get3A_1330 = vector.shape_cast %get3A_1329 : vector<1x16xf32> to vector<16xf32>
        %add3A_1331 = arith.addf %get3A_1330, %get3A_961 : vector<16xf32>
        %swap3A_1332 = arith.index_cast %scan3A_1106 : i32 to index
        %swap3A_1333 = arith.constant 352 : index
        %swap3A_1334 = tpu.vector_load %arg14[%swap3A_1332, %swap3A_1333] {strides = array<i32>} : memref<32x768xf32, #tpu.memory_space<vmem>>, vector<1x16xf32>,
        %swap3A_1335 = vector.shape_cast %swap3A_1334 : vector<1x16xf32> to vector<16xf32>
        %swap3A_1336 = vector.shape_cast %add3A_1331 : vector<16xf32> to vector<1x16xf32>
        tpu.vector_store %arg14[%swap3A_1332, %swap3A_1333], %swap3A_1336 {strides = array<i32>} : memref<32x768xf32, #tpu.memory_space<vmem>>, vector<1x16xf32>,
        %get3A_1337 = arith.index_cast %scan3A_1106 : i32 to index
        %get3A_1338 = arith.constant 368 : index
        %get3A_1339 = tpu.vector_load %arg12[%get3A_1337, %get3A_1338] {strides = array<i32>} : memref<32x768xf32, #tpu.memory_space<vmem>>, vector<1x16xf32>,
        %get3A_1340 = vector.shape_cast %get3A_1339 : vector<1x16xf32> to vector<16xf32>
        %add3A_1341 = arith.addf %get3A_1340, %get3A_966 : vector<16xf32>
        %swap3A_1342 = arith.index_cast %scan3A_1106 : i32 to index
        %swap3A_1343 = arith.constant 368 : index
        %swap3A_1344 = tpu.vector_load %arg14[%swap3A_1342, %swap3A_1343] {strides = array<i32>} : memref<32x768xf32, #tpu.memory_space<vmem>>, vector<1x16xf32>,
        %swap3A_1345 = vector.shape_cast %swap3A_1344 : vector<1x16xf32> to vector<16xf32>
        %swap3A_1346 = vector.shape_cast %add3A_1341 : vector<16xf32> to vector<1x16xf32>
        tpu.vector_store %arg14[%swap3A_1342, %swap3A_1343], %swap3A_1346 {strides = array<i32>} : memref<32x768xf32, #tpu.memory_space<vmem>>, vector<1x16xf32>,
        %get3A_1347 = arith.index_cast %scan3A_1106 : i32 to index
        %get3A_1348 = arith.constant 384 : index
        %get3A_1349 = tpu.vector_load %arg12[%get3A_1347, %get3A_1348] {strides = array<i32>} : memref<32x768xf32, #tpu.memory_space<vmem>>, vector<1x16xf32>,
        %get3A_1350 = vector.shape_cast %get3A_1349 : vector<1x16xf32> to vector<16xf32>
        %add3A_1351 = arith.addf %get3A_1350, %get3A_971 : vector<16xf32>
        %swap3A_1352 = arith.index_cast %scan3A_1106 : i32 to index
        %swap3A_1353 = arith.constant 384 : index
        %swap3A_1354 = tpu.vector_load %arg14[%swap3A_1352, %swap3A_1353] {strides = array<i32>} : memref<32x768xf32, #tpu.memory_space<vmem>>, vector<1x16xf32>,
        %swap3A_1355 = vector.shape_cast %swap3A_1354 : vector<1x16xf32> to vector<16xf32>
        %swap3A_1356 = vector.shape_cast %add3A_1351 : vector<16xf32> to vector<1x16xf32>
        tpu.vector_store %arg14[%swap3A_1352, %swap3A_1353], %swap3A_1356 {strides = array<i32>} : memref<32x768xf32, #tpu.memory_space<vmem>>, vector<1x16xf32>,
        %get3A_1357 = arith.index_cast %scan3A_1106 : i32 to index
        %get3A_1358 = arith.constant 400 : index
        %get3A_1359 = tpu.vector_load %arg12[%get3A_1357, %get3A_1358] {strides = array<i32>} : memref<32x768xf32, #tpu.memory_space<vmem>>, vector<1x16xf32>,
        %get3A_1360 = vector.shape_cast %get3A_1359 : vector<1x16xf32> to vector<16xf32>
        %add3A_1361 = arith.addf %get3A_1360, %get3A_976 : vector<16xf32>
        %swap3A_1362 = arith.index_cast %scan3A_1106 : i32 to index
        %swap3A_1363 = arith.constant 400 : index
        %swap3A_1364 = tpu.vector_load %arg14[%swap3A_1362, %swap3A_1363] {strides = array<i32>} : memref<32x768xf32, #tpu.memory_space<vmem>>, vector<1x16xf32>,
        %swap3A_1365 = vector.shape_cast %swap3A_1364 : vector<1x16xf32> to vector<16xf32>
        %swap3A_1366 = vector.shape_cast %add3A_1361 : vector<16xf32> to vector<1x16xf32>
        tpu.vector_store %arg14[%swap3A_1362, %swap3A_1363], %swap3A_1366 {strides = array<i32>} : memref<32x768xf32, #tpu.memory_space<vmem>>, vector<1x16xf32>,
        %get3A_1367 = arith.index_cast %scan3A_1106 : i32 to index
        %get3A_1368 = arith.constant 416 : index
        %get3A_1369 = tpu.vector_load %arg12[%get3A_1367, %get3A_1368] {strides = array<i32>} : memref<32x768xf32, #tpu.memory_space<vmem>>, vector<1x16xf32>,
        %get3A_1370 = vector.shape_cast %get3A_1369 : vector<1x16xf32> to vector<16xf32>
        %add3A_1371 = arith.addf %get3A_1370, %get3A_981 : vector<16xf32>
        %swap3A_1372 = arith.index_cast %scan3A_1106 : i32 to index
        %swap3A_1373 = arith.constant 416 : index
        %swap3A_1374 = tpu.vector_load %arg14[%swap3A_1372, %swap3A_1373] {strides = array<i32>} : memref<32x768xf32, #tpu.memory_space<vmem>>, vector<1x16xf32>,
        %swap3A_1375 = vector.shape_cast %swap3A_1374 : vector<1x16xf32> to vector<16xf32>
        %swap3A_1376 = vector.shape_cast %add3A_1371 : vector<16xf32> to vector<1x16xf32>
        tpu.vector_store %arg14[%swap3A_1372, %swap3A_1373], %swap3A_1376 {strides = array<i32>} : memref<32x768xf32, #tpu.memory_space<vmem>>, vector<1x16xf32>,
        %get3A_1377 = arith.index_cast %scan3A_1106 : i32 to index
        %get3A_1378 = arith.constant 432 : index
        %get3A_1379 = tpu.vector_load %arg12[%get3A_1377, %get3A_1378] {strides = array<i32>} : memref<32x768xf32, #tpu.memory_space<vmem>>, vector<1x16xf32>,
        %get3A_1380 = vector.shape_cast %get3A_1379 : vector<1x16xf32> to vector<16xf32>
        %add3A_1381 = arith.addf %get3A_1380, %get3A_986 : vector<16xf32>
        %swap3A_1382 = arith.index_cast %scan3A_1106 : i32 to index
        %swap3A_1383 = arith.constant 432 : index
        %swap3A_1384 = tpu.vector_load %arg14[%swap3A_1382, %swap3A_1383] {strides = array<i32>} : memref<32x768xf32, #tpu.memory_space<vmem>>, vector<1x16xf32>,
        %swap3A_1385 = vector.shape_cast %swap3A_1384 : vector<1x16xf32> to vector<16xf32>
        %swap3A_1386 = vector.shape_cast %add3A_1381 : vector<16xf32> to vector<1x16xf32>
        tpu.vector_store %arg14[%swap3A_1382, %swap3A_1383], %swap3A_1386 {strides = array<i32>} : memref<32x768xf32, #tpu.memory_space<vmem>>, vector<1x16xf32>,
        %get3A_1387 = arith.index_cast %scan3A_1106 : i32 to index
        %get3A_1388 = arith.constant 448 : index
        %get3A_1389 = tpu.vector_load %arg12[%get3A_1387, %get3A_1388] {strides = array<i32>} : memref<32x768xf32, #tpu.memory_space<vmem>>, vector<1x16xf32>,
        %get3A_1390 = vector.shape_cast %get3A_1389 : vector<1x16xf32> to vector<16xf32>
        %add3A_1391 = arith.addf %get3A_1390, %get3A_991 : vector<16xf32>
        %swap3A_1392 = arith.index_cast %scan3A_1106 : i32 to index
        %swap3A_1393 = arith.constant 448 : index
        %swap3A_1394 = tpu.vector_load %arg14[%swap3A_1392, %swap3A_1393] {strides = array<i32>} : memref<32x768xf32, #tpu.memory_space<vmem>>, vector<1x16xf32>,
        %swap3A_1395 = vector.shape_cast %swap3A_1394 : vector<1x16xf32> to vector<16xf32>
        %swap3A_1396 = vector.shape_cast %add3A_1391 : vector<16xf32> to vector<1x16xf32>
        tpu.vector_store %arg14[%swap3A_1392, %swap3A_1393], %swap3A_1396 {strides = array<i32>} : memref<32x768xf32, #tpu.memory_space<vmem>>, vector<1x16xf32>,
        %get3A_1397 = arith.index_cast %scan3A_1106 : i32 to index
        %get3A_1398 = arith.constant 464 : index
        %get3A_1399 = tpu.vector_load %arg12[%get3A_1397, %get3A_1398] {strides = array<i32>} : memref<32x768xf32, #tpu.memory_space<vmem>>, vector<1x16xf32>,
        %get3A_1400 = vector.shape_cast %get3A_1399 : vector<1x16xf32> to vector<16xf32>
        %add3A_1401 = arith.addf %get3A_1400, %get3A_996 : vector<16xf32>
        %swap3A_1402 = arith.index_cast %scan3A_1106 : i32 to index
        %swap3A_1403 = arith.constant 464 : index
        %swap3A_1404 = tpu.vector_load %arg14[%swap3A_1402, %swap3A_1403] {strides = array<i32>} : memref<32x768xf32, #tpu.memory_space<vmem>>, vector<1x16xf32>,
        %swap3A_1405 = vector.shape_cast %swap3A_1404 : vector<1x16xf32> to vector<16xf32>
        %swap3A_1406 = vector.shape_cast %add3A_1401 : vector<16xf32> to vector<1x16xf32>
        tpu.vector_store %arg14[%swap3A_1402, %swap3A_1403], %swap3A_1406 {strides = array<i32>} : memref<32x768xf32, #tpu.memory_space<vmem>>, vector<1x16xf32>,
        %get3A_1407 = arith.index_cast %scan3A_1106 : i32 to index
        %get3A_1408 = arith.constant 480 : index
        %get3A_1409 = tpu.vector_load %arg12[%get3A_1407, %get3A_1408] {strides = array<i32>} : memref<32x768xf32, #tpu.memory_space<vmem>>, vector<1x16xf32>,
        %get3A_1410 = vector.shape_cast %get3A_1409 : vector<1x16xf32> to vector<16xf32>
        %add3A_1411 = arith.addf %get3A_1410, %get3A_1001 : vector<16xf32>
        %swap3A_1412 = arith.index_cast %scan3A_1106 : i32 to index
        %swap3A_1413 = arith.constant 480 : index
        %swap3A_1414 = tpu.vector_load %arg14[%swap3A_1412, %swap3A_1413] {strides = array<i32>} : memref<32x768xf32, #tpu.memory_space<vmem>>, vector<1x16xf32>,
        %swap3A_1415 = vector.shape_cast %swap3A_1414 : vector<1x16xf32> to vector<16xf32>
        %swap3A_1416 = vector.shape_cast %add3A_1411 : vector<16xf32> to vector<1x16xf32>
        tpu.vector_store %arg14[%swap3A_1412, %swap3A_1413], %swap3A_1416 {strides = array<i32>} : memref<32x768xf32, #tpu.memory_space<vmem>>, vector<1x16xf32>,
        %get3A_1417 = arith.index_cast %scan3A_1106 : i32 to index
        %get3A_1418 = arith.constant 496 : index
        %get3A_1419 = tpu.vector_load %arg12[%get3A_1417, %get3A_1418] {strides = array<i32>} : memref<32x768xf32, #tpu.memory_space<vmem>>, vector<1x16xf32>,
        %get3A_1420 = vector.shape_cast %get3A_1419 : vector<1x16xf32> to vector<16xf32>
        %add3A_1421 = arith.addf %get3A_1420, %get3A_1006 : vector<16xf32>
        %swap3A_1422 = arith.index_cast %scan3A_1106 : i32 to index
        %swap3A_1423 = arith.constant 496 : index
        %swap3A_1424 = tpu.vector_load %arg14[%swap3A_1422, %swap3A_1423] {strides = array<i32>} : memref<32x768xf32, #tpu.memory_space<vmem>>, vector<1x16xf32>,
        %swap3A_1425 = vector.shape_cast %swap3A_1424 : vector<1x16xf32> to vector<16xf32>
        %swap3A_1426 = vector.shape_cast %add3A_1421 : vector<16xf32> to vector<1x16xf32>
        tpu.vector_store %arg14[%swap3A_1422, %swap3A_1423], %swap3A_1426 {strides = array<i32>} : memref<32x768xf32, #tpu.memory_space<vmem>>, vector<1x16xf32>,
        %get3A_1427 = arith.index_cast %scan3A_1106 : i32 to index
        %get3A_1428 = arith.constant 512 : index
        %get3A_1429 = tpu.vector_load %arg12[%get3A_1427, %get3A_1428] {strides = array<i32>} : memref<32x768xf32, #tpu.memory_space<vmem>>, vector<1x16xf32>,
        %get3A_1430 = vector.shape_cast %get3A_1429 : vector<1x16xf32> to vector<16xf32>
        %add3A_1431 = arith.addf %get3A_1430, %get3A_1011 : vector<16xf32>
        %swap3A_1432 = arith.index_cast %scan3A_1106 : i32 to index
        %swap3A_1433 = arith.constant 512 : index
        %swap3A_1434 = tpu.vector_load %arg14[%swap3A_1432, %swap3A_1433] {strides = array<i32>} : memref<32x768xf32, #tpu.memory_space<vmem>>, vector<1x16xf32>,
        %swap3A_1435 = vector.shape_cast %swap3A_1434 : vector<1x16xf32> to vector<16xf32>
        %swap3A_1436 = vector.shape_cast %add3A_1431 : vector<16xf32> to vector<1x16xf32>
        tpu.vector_store %arg14[%swap3A_1432, %swap3A_1433], %swap3A_1436 {strides = array<i32>} : memref<32x768xf32, #tpu.memory_space<vmem>>, vector<1x16xf32>,
        %get3A_1437 = arith.index_cast %scan3A_1106 : i32 to index
        %get3A_1438 = arith.constant 528 : index
        %get3A_1439 = tpu.vector_load %arg12[%get3A_1437, %get3A_1438] {strides = array<i32>} : memref<32x768xf32, #tpu.memory_space<vmem>>, vector<1x16xf32>,
        %get3A_1440 = vector.shape_cast %get3A_1439 : vector<1x16xf32> to vector<16xf32>
        %add3A_1441 = arith.addf %get3A_1440, %get3A_1016 : vector<16xf32>
        %swap3A_1442 = arith.index_cast %scan3A_1106 : i32 to index
        %swap3A_1443 = arith.constant 528 : index
        %swap3A_1444 = tpu.vector_load %arg14[%swap3A_1442, %swap3A_1443] {strides = array<i32>} : memref<32x768xf32, #tpu.memory_space<vmem>>, vector<1x16xf32>,
        %swap3A_1445 = vector.shape_cast %swap3A_1444 : vector<1x16xf32> to vector<16xf32>
        %swap3A_1446 = vector.shape_cast %add3A_1441 : vector<16xf32> to vector<1x16xf32>
        tpu.vector_store %arg14[%swap3A_1442, %swap3A_1443], %swap3A_1446 {strides = array<i32>} : memref<32x768xf32, #tpu.memory_space<vmem>>, vector<1x16xf32>,
        %get3A_1447 = arith.index_cast %scan3A_1106 : i32 to index
        %get3A_1448 = arith.constant 544 : index
        %get3A_1449 = tpu.vector_load %arg12[%get3A_1447, %get3A_1448] {strides = array<i32>} : memref<32x768xf32, #tpu.memory_space<vmem>>, vector<1x16xf32>,
        %get3A_1450 = vector.shape_cast %get3A_1449 : vector<1x16xf32> to vector<16xf32>
        %add3A_1451 = arith.addf %get3A_1450, %get3A_1021 : vector<16xf32>
        %swap3A_1452 = arith.index_cast %scan3A_1106 : i32 to index
        %swap3A_1453 = arith.constant 544 : index
        %swap3A_1454 = tpu.vector_load %arg14[%swap3A_1452, %swap3A_1453] {strides = array<i32>} : memref<32x768xf32, #tpu.memory_space<vmem>>, vector<1x16xf32>,
        %swap3A_1455 = vector.shape_cast %swap3A_1454 : vector<1x16xf32> to vector<16xf32>
        %swap3A_1456 = vector.shape_cast %add3A_1451 : vector<16xf32> to vector<1x16xf32>
        tpu.vector_store %arg14[%swap3A_1452, %swap3A_1453], %swap3A_1456 {strides = array<i32>} : memref<32x768xf32, #tpu.memory_space<vmem>>, vector<1x16xf32>,
        %get3A_1457 = arith.index_cast %scan3A_1106 : i32 to index
        %get3A_1458 = arith.constant 560 : index
        %get3A_1459 = tpu.vector_load %arg12[%get3A_1457, %get3A_1458] {strides = array<i32>} : memref<32x768xf32, #tpu.memory_space<vmem>>, vector<1x16xf32>,
        %get3A_1460 = vector.shape_cast %get3A_1459 : vector<1x16xf32> to vector<16xf32>
        %add3A_1461 = arith.addf %get3A_1460, %get3A_1026 : vector<16xf32>
        %swap3A_1462 = arith.index_cast %scan3A_1106 : i32 to index
        %swap3A_1463 = arith.constant 560 : index
        %swap3A_1464 = tpu.vector_load %arg14[%swap3A_1462, %swap3A_1463] {strides = array<i32>} : memref<32x768xf32, #tpu.memory_space<vmem>>, vector<1x16xf32>,
        %swap3A_1465 = vector.shape_cast %swap3A_1464 : vector<1x16xf32> to vector<16xf32>
        %swap3A_1466 = vector.shape_cast %add3A_1461 : vector<16xf32> to vector<1x16xf32>
        tpu.vector_store %arg14[%swap3A_1462, %swap3A_1463], %swap3A_1466 {strides = array<i32>} : memref<32x768xf32, #tpu.memory_space<vmem>>, vector<1x16xf32>,
        %get3A_1467 = arith.index_cast %scan3A_1106 : i32 to index
        %get3A_1468 = arith.constant 576 : index
        %get3A_1469 = tpu.vector_load %arg12[%get3A_1467, %get3A_1468] {strides = array<i32>} : memref<32x768xf32, #tpu.memory_space<vmem>>, vector<1x16xf32>,
        %get3A_1470 = vector.shape_cast %get3A_1469 : vector<1x16xf32> to vector<16xf32>
        %add3A_1471 = arith.addf %get3A_1470, %get3A_1031 : vector<16xf32>
        %swap3A_1472 = arith.index_cast %scan3A_1106 : i32 to index
        %swap3A_1473 = arith.constant 576 : index
        %swap3A_1474 = tpu.vector_load %arg14[%swap3A_1472, %swap3A_1473] {strides = array<i32>} : memref<32x768xf32, #tpu.memory_space<vmem>>, vector<1x16xf32>,
        %swap3A_1475 = vector.shape_cast %swap3A_1474 : vector<1x16xf32> to vector<16xf32>
        %swap3A_1476 = vector.shape_cast %add3A_1471 : vector<16xf32> to vector<1x16xf32>
        tpu.vector_store %arg14[%swap3A_1472, %swap3A_1473], %swap3A_1476 {strides = array<i32>} : memref<32x768xf32, #tpu.memory_space<vmem>>, vector<1x16xf32>,
        %get3A_1477 = arith.index_cast %scan3A_1106 : i32 to index
        %get3A_1478 = arith.constant 592 : index
        %get3A_1479 = tpu.vector_load %arg12[%get3A_1477, %get3A_1478] {strides = array<i32>} : memref<32x768xf32, #tpu.memory_space<vmem>>, vector<1x16xf32>,
        %get3A_1480 = vector.shape_cast %get3A_1479 : vector<1x16xf32> to vector<16xf32>
        %add3A_1481 = arith.addf %get3A_1480, %get3A_1036 : vector<16xf32>
        %swap3A_1482 = arith.index_cast %scan3A_1106 : i32 to index
        %swap3A_1483 = arith.constant 592 : index
        %swap3A_1484 = tpu.vector_load %arg14[%swap3A_1482, %swap3A_1483] {strides = array<i32>} : memref<32x768xf32, #tpu.memory_space<vmem>>, vector<1x16xf32>,
        %swap3A_1485 = vector.shape_cast %swap3A_1484 : vector<1x16xf32> to vector<16xf32>
        %swap3A_1486 = vector.shape_cast %add3A_1481 : vector<16xf32> to vector<1x16xf32>
        tpu.vector_store %arg14[%swap3A_1482, %swap3A_1483], %swap3A_1486 {strides = array<i32>} : memref<32x768xf32, #tpu.memory_space<vmem>>, vector<1x16xf32>,
        %get3A_1487 = arith.index_cast %scan3A_1106 : i32 to index
        %get3A_1488 = arith.constant 608 : index
        %get3A_1489 = tpu.vector_load %arg12[%get3A_1487, %get3A_1488] {strides = array<i32>} : memref<32x768xf32, #tpu.memory_space<vmem>>, vector<1x16xf32>,
        %get3A_1490 = vector.shape_cast %get3A_1489 : vector<1x16xf32> to vector<16xf32>
        %add3A_1491 = arith.addf %get3A_1490, %get3A_1041 : vector<16xf32>
        %swap3A_1492 = arith.index_cast %scan3A_1106 : i32 to index
        %swap3A_1493 = arith.constant 608 : index
        %swap3A_1494 = tpu.vector_load %arg14[%swap3A_1492, %swap3A_1493] {strides = array<i32>} : memref<32x768xf32, #tpu.memory_space<vmem>>, vector<1x16xf32>,
        %swap3A_1495 = vector.shape_cast %swap3A_1494 : vector<1x16xf32> to vector<16xf32>
        %swap3A_1496 = vector.shape_cast %add3A_1491 : vector<16xf32> to vector<1x16xf32>
        tpu.vector_store %arg14[%swap3A_1492, %swap3A_1493], %swap3A_1496 {strides = array<i32>} : memref<32x768xf32, #tpu.memory_space<vmem>>, vector<1x16xf32>,
        %get3A_1497 = arith.index_cast %scan3A_1106 : i32 to index
        %get3A_1498 = arith.constant 624 : index
        %get3A_1499 = tpu.vector_load %arg12[%get3A_1497, %get3A_1498] {strides = array<i32>} : memref<32x768xf32, #tpu.memory_space<vmem>>, vector<1x16xf32>,
        %get3A_1500 = vector.shape_cast %get3A_1499 : vector<1x16xf32> to vector<16xf32>
        %add3A_1501 = arith.addf %get3A_1500, %get3A_1046 : vector<16xf32>
        %swap3A_1502 = arith.index_cast %scan3A_1106 : i32 to index
        %swap3A_1503 = arith.constant 624 : index
        %swap3A_1504 = tpu.vector_load %arg14[%swap3A_1502, %swap3A_1503] {strides = array<i32>} : memref<32x768xf32, #tpu.memory_space<vmem>>, vector<1x16xf32>,
        %swap3A_1505 = vector.shape_cast %swap3A_1504 : vector<1x16xf32> to vector<16xf32>
        %swap3A_1506 = vector.shape_cast %add3A_1501 : vector<16xf32> to vector<1x16xf32>
        tpu.vector_store %arg14[%swap3A_1502, %swap3A_1503], %swap3A_1506 {strides = array<i32>} : memref<32x768xf32, #tpu.memory_space<vmem>>, vector<1x16xf32>,
        %get3A_1507 = arith.index_cast %scan3A_1106 : i32 to index
        %get3A_1508 = arith.constant 640 : index
        %get3A_1509 = tpu.vector_load %arg12[%get3A_1507, %get3A_1508] {strides = array<i32>} : memref<32x768xf32, #tpu.memory_space<vmem>>, vector<1x16xf32>,
        %get3A_1510 = vector.shape_cast %get3A_1509 : vector<1x16xf32> to vector<16xf32>
        %add3A_1511 = arith.addf %get3A_1510, %get3A_1051 : vector<16xf32>
        %swap3A_1512 = arith.index_cast %scan3A_1106 : i32 to index
        %swap3A_1513 = arith.constant 640 : index
        %swap3A_1514 = tpu.vector_load %arg14[%swap3A_1512, %swap3A_1513] {strides = array<i32>} : memref<32x768xf32, #tpu.memory_space<vmem>>, vector<1x16xf32>,
        %swap3A_1515 = vector.shape_cast %swap3A_1514 : vector<1x16xf32> to vector<16xf32>
        %swap3A_1516 = vector.shape_cast %add3A_1511 : vector<16xf32> to vector<1x16xf32>
        tpu.vector_store %arg14[%swap3A_1512, %swap3A_1513], %swap3A_1516 {strides = array<i32>} : memref<32x768xf32, #tpu.memory_space<vmem>>, vector<1x16xf32>,
        %get3A_1517 = arith.index_cast %scan3A_1106 : i32 to index
        %get3A_1518 = arith.constant 656 : index
        %get3A_1519 = tpu.vector_load %arg12[%get3A_1517, %get3A_1518] {strides = array<i32>} : memref<32x768xf32, #tpu.memory_space<vmem>>, vector<1x16xf32>,
        %get3A_1520 = vector.shape_cast %get3A_1519 : vector<1x16xf32> to vector<16xf32>
        %add3A_1521 = arith.addf %get3A_1520, %get3A_1056 : vector<16xf32>
        %swap3A_1522 = arith.index_cast %scan3A_1106 : i32 to index
        %swap3A_1523 = arith.constant 656 : index
        %swap3A_1524 = tpu.vector_load %arg14[%swap3A_1522, %swap3A_1523] {strides = array<i32>} : memref<32x768xf32, #tpu.memory_space<vmem>>, vector<1x16xf32>,
        %swap3A_1525 = vector.shape_cast %swap3A_1524 : vector<1x16xf32> to vector<16xf32>
        %swap3A_1526 = vector.shape_cast %add3A_1521 : vector<16xf32> to vector<1x16xf32>
        tpu.vector_store %arg14[%swap3A_1522, %swap3A_1523], %swap3A_1526 {strides = array<i32>} : memref<32x768xf32, #tpu.memory_space<vmem>>, vector<1x16xf32>,
        %get3A_1527 = arith.index_cast %scan3A_1106 : i32 to index
        %get3A_1528 = arith.constant 672 : index
        %get3A_1529 = tpu.vector_load %arg12[%get3A_1527, %get3A_1528] {strides = array<i32>} : memref<32x768xf32, #tpu.memory_space<vmem>>, vector<1x16xf32>,
        %get3A_1530 = vector.shape_cast %get3A_1529 : vector<1x16xf32> to vector<16xf32>
        %add3A_1531 = arith.addf %get3A_1530, %get3A_1061 : vector<16xf32>
        %swap3A_1532 = arith.index_cast %scan3A_1106 : i32 to index
        %swap3A_1533 = arith.constant 672 : index
        %swap3A_1534 = tpu.vector_load %arg14[%swap3A_1532, %swap3A_1533] {strides = array<i32>} : memref<32x768xf32, #tpu.memory_space<vmem>>, vector<1x16xf32>,
        %swap3A_1535 = vector.shape_cast %swap3A_1534 : vector<1x16xf32> to vector<16xf32>
        %swap3A_1536 = vector.shape_cast %add3A_1531 : vector<16xf32> to vector<1x16xf32>
        tpu.vector_store %arg14[%swap3A_1532, %swap3A_1533], %swap3A_1536 {strides = array<i32>} : memref<32x768xf32, #tpu.memory_space<vmem>>, vector<1x16xf32>,
        %get3A_1537 = arith.index_cast %scan3A_1106 : i32 to index
        %get3A_1538 = arith.constant 688 : index
        %get3A_1539 = tpu.vector_load %arg12[%get3A_1537, %get3A_1538] {strides = array<i32>} : memref<32x768xf32, #tpu.memory_space<vmem>>, vector<1x16xf32>,
        %get3A_1540 = vector.shape_cast %get3A_1539 : vector<1x16xf32> to vector<16xf32>
        %add3A_1541 = arith.addf %get3A_1540, %get3A_1066 : vector<16xf32>
        %swap3A_1542 = arith.index_cast %scan3A_1106 : i32 to index
        %swap3A_1543 = arith.constant 688 : index
        %swap3A_1544 = tpu.vector_load %arg14[%swap3A_1542, %swap3A_1543] {strides = array<i32>} : memref<32x768xf32, #tpu.memory_space<vmem>>, vector<1x16xf32>,
        %swap3A_1545 = vector.shape_cast %swap3A_1544 : vector<1x16xf32> to vector<16xf32>
        %swap3A_1546 = vector.shape_cast %add3A_1541 : vector<16xf32> to vector<1x16xf32>
        tpu.vector_store %arg14[%swap3A_1542, %swap3A_1543], %swap3A_1546 {strides = array<i32>} : memref<32x768xf32, #tpu.memory_space<vmem>>, vector<1x16xf32>,
        %get3A_1547 = arith.index_cast %scan3A_1106 : i32 to index
        %get3A_1548 = arith.constant 704 : index
        %get3A_1549 = tpu.vector_load %arg12[%get3A_1547, %get3A_1548] {strides = array<i32>} : memref<32x768xf32, #tpu.memory_space<vmem>>, vector<1x16xf32>,
        %get3A_1550 = vector.shape_cast %get3A_1549 : vector<1x16xf32> to vector<16xf32>
        %add3A_1551 = arith.addf %get3A_1550, %get3A_1071 : vector<16xf32>
        %swap3A_1552 = arith.index_cast %scan3A_1106 : i32 to index
        %swap3A_1553 = arith.constant 704 : index
        %swap3A_1554 = tpu.vector_load %arg14[%swap3A_1552, %swap3A_1553] {strides = array<i32>} : memref<32x768xf32, #tpu.memory_space<vmem>>, vector<1x16xf32>,
        %swap3A_1555 = vector.shape_cast %swap3A_1554 : vector<1x16xf32> to vector<16xf32>
        %swap3A_1556 = vector.shape_cast %add3A_1551 : vector<16xf32> to vector<1x16xf32>
        tpu.vector_store %arg14[%swap3A_1552, %swap3A_1553], %swap3A_1556 {strides = array<i32>} : memref<32x768xf32, #tpu.memory_space<vmem>>, vector<1x16xf32>,
        %get3A_1557 = arith.index_cast %scan3A_1106 : i32 to index
        %get3A_1558 = arith.constant 720 : index
        %get3A_1559 = tpu.vector_load %arg12[%get3A_1557, %get3A_1558] {strides = array<i32>} : memref<32x768xf32, #tpu.memory_space<vmem>>, vector<1x16xf32>,
        %get3A_1560 = vector.shape_cast %get3A_1559 : vector<1x16xf32> to vector<16xf32>
        %add3A_1561 = arith.addf %get3A_1560, %get3A_1076 : vector<16xf32>
        %swap3A_1562 = arith.index_cast %scan3A_1106 : i32 to index
        %swap3A_1563 = arith.constant 720 : index
        %swap3A_1564 = tpu.vector_load %arg14[%swap3A_1562, %swap3A_1563] {strides = array<i32>} : memref<32x768xf32, #tpu.memory_space<vmem>>, vector<1x16xf32>,
        %swap3A_1565 = vector.shape_cast %swap3A_1564 : vector<1x16xf32> to vector<16xf32>
        %swap3A_1566 = vector.shape_cast %add3A_1561 : vector<16xf32> to vector<1x16xf32>
        tpu.vector_store %arg14[%swap3A_1562, %swap3A_1563], %swap3A_1566 {strides = array<i32>} : memref<32x768xf32, #tpu.memory_space<vmem>>, vector<1x16xf32>,
        %get3A_1567 = arith.index_cast %scan3A_1106 : i32 to index
        %get3A_1568 = arith.constant 736 : index
        %get3A_1569 = tpu.vector_load %arg12[%get3A_1567, %get3A_1568] {strides = array<i32>} : memref<32x768xf32, #tpu.memory_space<vmem>>, vector<1x16xf32>,
        %get3A_1570 = vector.shape_cast %get3A_1569 : vector<1x16xf32> to vector<16xf32>
        %add3A_1571 = arith.addf %get3A_1570, %get3A_1081 : vector<16xf32>
        %swap3A_1572 = arith.index_cast %scan3A_1106 : i32 to index
        %swap3A_1573 = arith.constant 736 : index
        %swap3A_1574 = tpu.vector_load %arg14[%swap3A_1572, %swap3A_1573] {strides = array<i32>} : memref<32x768xf32, #tpu.memory_space<vmem>>, vector<1x16xf32>,
        %swap3A_1575 = vector.shape_cast %swap3A_1574 : vector<1x16xf32> to vector<16xf32>
        %swap3A_1576 = vector.shape_cast %add3A_1571 : vector<16xf32> to vector<1x16xf32>
        tpu.vector_store %arg14[%swap3A_1572, %swap3A_1573], %swap3A_1576 {strides = array<i32>} : memref<32x768xf32, #tpu.memory_space<vmem>>, vector<1x16xf32>,
        %get3A_1577 = arith.index_cast %scan3A_1106 : i32 to index
        %get3A_1578 = arith.constant 752 : index
        %get3A_1579 = tpu.vector_load %arg12[%get3A_1577, %get3A_1578] {strides = array<i32>} : memref<32x768xf32, #tpu.memory_space<vmem>>, vector<1x16xf32>,
        %get3A_1580 = vector.shape_cast %get3A_1579 : vector<1x16xf32> to vector<16xf32>
        %add3A_1581 = arith.addf %get3A_1580, %get3A_1086 : vector<16xf32>
        %swap3A_1582 = arith.index_cast %scan3A_1106 : i32 to index
        %swap3A_1583 = arith.constant 752 : index
        %swap3A_1584 = tpu.vector_load %arg14[%swap3A_1582, %swap3A_1583] {strides = array<i32>} : memref<32x768xf32, #tpu.memory_space<vmem>>, vector<1x16xf32>,
        %swap3A_1585 = vector.shape_cast %swap3A_1584 : vector<1x16xf32> to vector<16xf32>
        %swap3A_1586 = vector.shape_cast %add3A_1581 : vector<16xf32> to vector<1x16xf32>
        tpu.vector_store %arg14[%swap3A_1582, %swap3A_1583], %swap3A_1586 {strides = array<i32>} : memref<32x768xf32, #tpu.memory_space<vmem>>, vector<1x16xf32>,
        %scan3A_1587 = arith.constant 0 : i32
        scf.yield %scan3A_1587 : i32
      }
      %scan3A_1093 = arith.constant 32 : i32
      %add3A_1094 = arith.constant 1 : i32
      %add3A_1095 = arith.addi %add3A_4, %add3A_1094 : i32
      %mul3A_1096 = arith.constant 256 : i32
      %mul3A_1097 = arith.muli %add3A_1095, %mul3A_1096 : i32
      %mul3A_1098 = arith.constant 32 : i32
      %mul3A_1099 = arith.muli %add3A_568, %mul3A_1098 : i32
      %add3A_1100 = arith.addi %mul3A_1097, %mul3A_1099 : i32
      %dma_start3A_1101 = arith.constant 0 : i32
      %dma_start3A_1102 = tpu.memref_slice %arg6[%add3A_1100, %dma_start3A_1101] : memref<65536x768xf32, #tpu.memory_space<hbm>> -> memref<32x768xf32, #tpu.memory_space<hbm>>
      %dma_start3A_1103 = arith.constant 0 : i32
      %dma_start3A_1104 = tpu.memref_slice %arg6[%add3A_1100, %dma_start3A_1103] : memref<65536x768xf32, #tpu.memory_space<hbm>> -> memref<32x768xf32, #tpu.memory_space<hbm>>
      tpu.enqueue_dma source(%arg14 : memref<32x768xf32, #tpu.memory_space<vmem>>) target(%dma_start3A_1104 : memref<32x768xf32, #tpu.memory_space<hbm>>) target_semaphore(%arg18 : memref<!tpu.dma_semaphore, #tpu.memory_space<semaphore_mem>>)
      %scan3A_1105 = arith.constant 0 : i32
      scf.yield %scan3A_1105 : i32
    }
    %scan3A_17 = arith.constant 4 : i32
    %dma_wait3A_18 = arith.constant 0 : i32
    %dma_wait3A_19 = arith.constant 0 : i32
    %dma_wait3A_20 = tpu.memref_slice %arg6[%dma_wait3A_18, %dma_wait3A_19] : memref<65536x768xf32, #tpu.memory_space<hbm>> -> memref<32x768xf32, #tpu.memory_space<hbm>>
    %dma_wait3A_21 = arith.constant 0 : i32
    %dma_wait3A_22 = arith.constant 0 : i32
    %dma_wait3A_23 = tpu.memref_slice %arg6[%dma_wait3A_21, %dma_wait3A_22] : memref<65536x768xf32, #tpu.memory_space<hbm>> -> memref<32x768xf32, #tpu.memory_space<hbm>>
    tpu.wait_dma2 semaphore(%arg17 : memref<!tpu.dma_semaphore, #tpu.memory_space<semaphore_mem>>) src(%arg13 : memref<32x768xf32, #tpu.memory_space<vmem>>) dst(%dma_wait3A_23 : memref<32x768xf32, #tpu.memory_space<hbm>>)
    %dma_wait3A_24 = arith.constant 0 : i32
    %dma_wait3A_25 = arith.constant 0 : i32
    %dma_wait3A_26 = tpu.memref_slice %arg6[%dma_wait3A_24, %dma_wait3A_25] : memref<65536x768xf32, #tpu.memory_space<hbm>> -> memref<32x768xf32, #tpu.memory_space<hbm>>
    %dma_wait3A_27 = arith.constant 0 : i32
    %dma_wait3A_28 = arith.constant 0 : i32
    %dma_wait3A_29 = tpu.memref_slice %arg6[%dma_wait3A_27, %dma_wait3A_28] : memref<65536x768xf32, #tpu.memory_space<hbm>> -> memref<32x768xf32, #tpu.memory_space<hbm>>
    tpu.wait_dma2 semaphore(%arg18 : memref<!tpu.dma_semaphore, #tpu.memory_space<semaphore_mem>>) src(%arg14 : memref<32x768xf32, #tpu.memory_space<vmem>>) dst(%dma_wait3A_29 : memref<32x768xf32, #tpu.memory_space<hbm>>)
    return
  }
}

module attributes {stable_mosaic.version = 14 : i64} {
  func.func @_tc_body(%arg0: i32, %arg1: memref<256xi32, #tpu.memory_space<smem>>, %arg2: memref<2xi32, #tpu.memory_space<smem>>, %arg3: memref<65536x768xf32, #tpu.memory_space<any>>, %arg4: memref<1x1x768xf32, #tpu.memory_space<vmem>>, %arg5: memref<256x768xf32, #tpu.memory_space<vmem>>, %arg6: memref<1x1x768xf32, #tpu.memory_space<vmem>>, %arg7: memref<256x768xf32, #tpu.memory_space<vmem>>) attributes {dimension_semantics = [#tpu.dimension_semantics<arbitrary>], iteration_bounds = array<i64: 192>, scalar_prefetch = 2 : i64, scratch_operands = 0 : i64, tpu.core_type = #tpu.core_type<tc>, window_params = [{}, {transform_indices = @transform_1, window_bounds = array<i64: 1, 1, 768>}, {transform_indices = @transform_2, window_bounds = array<i64: 256, 768>}, {transform_indices = @transform_3, window_bounds = array<i64: 1, 1, 768>}, {transform_indices = @transform_4, window_bounds = array<i64: 256, 768>}]} {
    %get3A = arith.constant 1 : index
    %get3A_0 = memref.load %arg2[%get3A] : memref<2xi32, #tpu.memory_space<smem>>
    %iota3A = tpu.iota {dimensions = array<i32: 0>} : vector<256x1xi32>
    %ge3A = vector.broadcast %get3A_0 : i32 to vector<256x1xi32>
    %ge3A_1 = arith.cmpi sge, %iota3A, %ge3A : vector<256x1xi32>
    %get3A_2 = arith.constant 0 : index
    %get3A_3 = arith.constant 0 : index
    %get3A_4 = arith.constant 0 : index
    %get3A_5 = vector.load %arg6[%get3A_2, %get3A_3, %get3A_4] : memref<1x1x768xf32, #tpu.memory_space<vmem>>, vector<1x1x768xf32>
    %get3A_6 = vector.shape_cast %get3A_5 : vector<1x1x768xf32> to vector<1x768xf32>
    %get3A_7 = arith.constant 0 : index
    %get3A_8 = arith.constant 0 : index
    %get3A_9 = vector.load %arg5[%get3A_7, %get3A_8] : memref<256x768xf32, #tpu.memory_space<vmem>>, vector<256x768xf32>
    %broadcast_in_dim3A = vector.shape_cast %ge3A_1 : vector<256x1xi1> to vector<256x1xi1>
    %broadcast_in_dim3A_10 = vector.broadcast %broadcast_in_dim3A : vector<256x1xi1> to vector<256x768xi1>
    %broadcast_in_dim3A_11 = vector.shape_cast %get3A_6 : vector<1x768xf32> to vector<1x768xf32>
    %broadcast_in_dim3A_12 = vector.broadcast %broadcast_in_dim3A_11 : vector<1x768xf32> to vector<256x768xf32>
    %select_n3A = arith.select %broadcast_in_dim3A_10, %broadcast_in_dim3A_12, %get3A_9 : vector<256x768xi1>, vector<256x768xf32>
    %get3A_13 = arith.constant 0 : index
    %get3A_14 = arith.constant 0 : index
    %get3A_15 = arith.constant 0 : index
    %get3A_16 = vector.load %arg4[%get3A_13, %get3A_14, %get3A_15] : memref<1x1x768xf32, #tpu.memory_space<vmem>>, vector<1x1x768xf32>
    %get3A_17 = vector.shape_cast %get3A_16 : vector<1x1x768xf32> to vector<1x768xf32>
    %add3A = vector.broadcast %get3A_17 : vector<1x768xf32> to vector<256x768xf32>
    %add3A_18 = arith.addf %select_n3A, %add3A : vector<256x768xf32>
    %swap3A = arith.constant 0 : index
    %swap3A_19 = arith.constant 0 : index
    %swap3A_20 = vector.load %arg7[%swap3A, %swap3A_19] : memref<256x768xf32, #tpu.memory_space<vmem>>, vector<256x768xf32>
    tpu.vector_store %arg7[%swap3A, %swap3A_19], %add3A_18 {strides = array<i32>} : memref<256x768xf32, #tpu.memory_space<vmem>>, vector<256x768xf32>,
    return
  }
  func.func @transform_1(%arg0: i32, %arg1: memref<256xi32, #tpu.memory_space<smem>>, %arg2: memref<2xi32, #tpu.memory_space<smem>>) -> (i32, i32, i32) {
    %get3A = arith.index_cast %arg0 : i32 to index
    %get3A_0 = memref.load %arg1[%get3A] : memref<256xi32, #tpu.memory_space<smem>>
    %c0_i32 = arith.constant 0 : i32
    %c0_i32_1 = arith.constant 0 : i32
    %c0_i32_2 = arith.constant 0 : i32
    return %get3A_0, %c0_i32, %c0_i32_1 : i32, i32, i32
  }
  func.func @transform_2(%arg0: i32, %arg1: memref<256xi32, #tpu.memory_space<smem>>, %arg2: memref<2xi32, #tpu.memory_space<smem>>) -> (i32, i32) {
    %c0_i32 = arith.constant 0 : i32
    %c0_i32_0 = arith.constant 0 : i32
    %c0_i32_1 = arith.constant 0 : i32
    return %c0_i32, %c0_i32_0 : i32, i32
  }
  func.func @transform_3(%arg0: i32, %arg1: memref<256xi32, #tpu.memory_space<smem>>, %arg2: memref<2xi32, #tpu.memory_space<smem>>) -> (i32, i32, i32) {
    %get3A = arith.constant 1 : index
    %get3A_0 = memref.load %arg2[%get3A] : memref<2xi32, #tpu.memory_space<smem>>
    %sub3A = arith.constant 1 : i32
    %sub3A_1 = arith.subi %get3A_0, %sub3A : i32
    %c0_i32 = arith.constant 0 : i32
    %c0_i32_2 = arith.constant 0 : i32
    %c0_i32_3 = arith.constant 0 : i32
    return %sub3A_1, %c0_i32, %c0_i32_2 : i32, i32, i32
  }
  func.func @transform_4(%arg0: i32, %arg1: memref<256xi32, #tpu.memory_space<smem>>, %arg2: memref<2xi32, #tpu.memory_space<smem>>) -> (i32, i32) {
    %c0_i32 = arith.constant 0 : i32
    %c0_i32_0 = arith.constant 0 : i32
    return %arg0, %c0_i32 : i32, i32
  }
}

</mosaic_0001>

<sc_bundles>
// kernel: kernel.4.cloned.1.call-start
scs
__scs_entry_jumppad:
0x0: {  	(pc) =	sbr.rel $0x88, $3  }
0x1: {  	(tag) =	ssettag $0x0;
	lr =	simm.s32 $0x1  }
0x2: {  	[smem:$0x3F9D] =	sst lr;
	_ =	strace $0xD0000000  }
0x3: {  	_ = 	snop  }
0x4: {  	_ = 	snop  }
0x5: {  	_ = 	snop  }
0x6: {  	_ = 	snop  }
0x7: {  	_ = 	snop  }
__scs_overlays_trampoline_lowered:
0x8: {  	[smem:$0x3FAC] =	sst s0  }
0x9: {  	[smem:$0x3FAD] =	sst s1  }
0xa: {  	[smem:$0x3FAE] =	sst s2  }
0xb: {  	[smem:$0x3FAF] =	sst s3  }
0xc: {  	[smem:$0x3FB0] =	sst s4  }
0xd: {  	[smem:$0x3FB1] =	sst s5  }
0xe: {  	[smem:$0x3FB2] =	sst s6  }
0xf: {  	[smem:$0x3FB3] =	sst s7  }
0x10: {  	[smem:$0x3FB4] =	sst s8  }
0x11: {  	[smem:$0x3FB5] =	sst s9;
	s0 =	simm.s32 @!p0 $0x0  }
0x12: {  	s1 =	sld [smem:$0x3F9B];
	s0 =	simm.s32 @p0 $0x1  }
0x13: {  	[smem:$0x3FB6] =	sst s0;
	s0 =	simm.s32 @!p1 $0x0  }
0x14: {  	s2 =	sld [smem:$0x3F9A];
	s0 =	simm.s32 @p1 $0x1  }
0x15: {  	[smem:$0x3FB7] =	sst s0;
	s0 =	simm.s32 @!p2 $0x0  }
0x16: {  	s3 =	sld [smem:$0x3FDB];
	s0 =	simm.s32 @p2 $0x1  }
0x17: {  	s4 =	simm.s32 $0x1BF5;
	[smem:$0x3FB9] =	sst s0  }
0x18: {  	s0 =	sld [smem:$0x3F9C];
	_ =	swait.ge [sflag:s4], $0x0  }
0x19: {  	s7 =	sld [smem:$0x3F9D]  }
0x1a: {  	s8 =	sadd.s32 $0xFFFFE003, lr  }
0x1b: {  	s9 =	sadd.s32 $0xFFFFFEF7, lr;
	s5 =	simm.s32 $0xFFFFFFFF;
	p2 =	slt.u32 s8, $0xFFFFF086  }
0x1c: {  	p1 =	slt.u32 s9, $0xF7A;
	s5 =	simm.s32 @!p2 $0x0  }
0x1d: {  	s5 =	simm.s32 @p1 $0x1;
	p0 =	seq.s32 s7, s2  }
0x1e: {  	s7 =	smul.u32 @!p0 $0xF7A, s2;
	p2 =	seq.s32 @!p0 s5, $0x0  }
0x1f: {  	s9 =	smul.u32 $0xF7A, s1;
	s8 =	simm.s32 @!p0 $0x1BF5;
	p2 =	por !p2, p0  }
0x20: {  	[sflag:s8] =	ssyncset.s32 @!p0 $0xFFFFF086;
	s6 =	sadd.s32 @!p0 s3, s7;
	s7 =	simm.s32 @!p0 $0x108  }
0x21: {  	s3 =	sadd.s32 s3, s9;
	s6 =	sadd.s32 @!p0 $0x88, s6;
	s7 =	simm.s32 @p2 $0x1082  }
0x22: {  	[simem:s7], [sflag:s8] =	dma.local @!p0 [hbm:s6], $0xF7A  }
0x23: {  	s9 =	sor.u32 $0xD0000000, s2;
	s6 =	simm.s32 $0x108;
	_ =	swait.ge @!p0 [sflag:s8], $0x0  }
0x24: {  	s3 =	sadd.s32 $0x88, s3;
	s6 =	simm.s32 @!p1 $0x1082;
	[sflag:s4] =	ssyncset.s32 $0xFFFFF086  }
0x25: {  	[simem:s6], [sflag:s4] =	dma.local [hbm:s3], $0xF7A  }
0x26: {  	[smem:$0x3F9D] =	sst s1;
	(tag) =	ssettag s2;
	_ =	strace s9  }
0x27: {  	s1 =	sld [smem:$0x3FAD]  }
0x28: {  	s2 =	sld [smem:$0x3FAE]  }
0x29: {  	s4 =	sld [smem:$0x3FB0]  }
0x2a: {  	p0 =	seq.s32 s5, $0x0;
	s5 =	sld [smem:$0x3FB1]  }
0x2b: {  	s6 =	sld [smem:$0x3FB2]  }
0x2c: {  	s7 =	sld [smem:$0x3FB3]  }
0x2d: {  	s3 =	simm.s32 $0x108;
	s8 =	sld [smem:$0x3FB4]  }
0x2e: {  	s3 =	simm.s32 @!p0 $0x1082;
	s9 =	sld [smem:$0x3FB5]  }
0x2f: {  	lr =	sadd.s32 s0, s3;
	s0 =	sld [smem:$0x3FAC]  }
0x30: {  	s3 =	sld [smem:$0x3FAF]  }
0x31: {  	[smem:$0x3FB8] =	sst s10  }
0x32: {  	s10 =	sld [smem:$0x3FB6];
	_ =	sdelay $0x3  }
0x33: {  	p0 =	seq.s32 s10, $0x1;
	s10 =	sld [smem:$0x3FB8];
	_ =	sdelay $0x3  }
0x34: {  	[smem:$0x3FB8] =	sst s10  }
0x35: {  	s10 =	sld [smem:$0x3FB7];
	_ =	sdelay $0x3  }
0x36: {  	p1 =	seq.s32 s10, $0x1;
	s10 =	sld [smem:$0x3FB8];
	_ =	sdelay $0x3  }
0x37: {  	[smem:$0x3FB8] =	sst s10  }
0x38: {  	s10 =	sld [smem:$0x3FB9]  }
0x39: {  	_ = 	snop;
	(pc) =	sbr.ind lr, $3  }
0x3a: {  	_ = 	snop  }
0x3b: {  	_ = 	snop  }
0x3c: {  	p2 =	seq.s32 s10, $0x1;
	s10 =	sld [smem:$0x3FB8]  }
0x3d: {  	_ =	shalt  }
0x3e: {  	_ =	shalt  }
0x3f: {  	_ =	shalt  }
0x40: {  	_ =	shalt  }
0x41: {  	_ =	shalt  }
0x42: {  	_ =	shalt  }
0x43: {  	_ =	shalt  }
0x44: {  	_ =	shalt  }
0x45: {  	_ =	shalt  }
0x46: {  	_ =	shalt  }
0x47: {  	_ =	shalt  }
0x48: {  	_ =	shalt  }
0x49: {  	_ =	shalt  }
0x4a: {  	_ =	shalt  }
0x4b: {  	_ =	shalt  }
0x4c: {  	_ =	shalt  }
0x4d: {  	_ =	shalt  }
0x4e: {  	_ =	shalt  }
0x4f: {  	_ =	shalt  }
0x50: {  	_ =	shalt  }
0x51: {  	_ =	shalt  }
0x52: {  	_ =	shalt  }
0x53: {  	_ =	shalt  }
0x54: {  	_ =	shalt  }
0x55: {  	_ =	shalt  }
0x56: {  	_ =	shalt  }
0x57: {  	_ =	shalt  }
0x58: {  	_ =	shalt  }
0x59: {  	_ =	shalt  }
0x5a: {  	_ =	shalt  }
0x5b: {  	_ =	shalt  }
0x5c: {  	_ =	shalt  }
0x5d: {  	_ =	shalt  }
0x5e: {  	_ =	shalt  }
0x5f: {  	_ =	shalt  }
0x60: {  	_ =	shalt  }
0x61: {  	_ =	shalt  }
0x62: {  	_ =	shalt  }
0x63: {  	_ =	shalt  }
0x64: {  	_ =	shalt  }
0x65: {  	_ =	shalt  }
0x66: {  	_ =	shalt  }
0x67: {  	_ =	shalt  }
0x68: {  	_ =	shalt  }
0x69: {  	_ =	shalt  }
0x6a: {  	_ =	shalt  }
0x6b: {  	_ =	shalt  }
0x6c: {  	_ =	shalt  }
0x6d: {  	_ =	shalt  }
0x6e: {  	_ =	shalt  }
0x6f: {  	_ =	shalt  }
0x70: {  	_ =	shalt  }
0x71: {  	_ =	shalt  }
0x72: {  	_ =	shalt  }
0x73: {  	_ =	shalt  }
0x74: {  	_ =	shalt  }
0x75: {  	_ =	shalt  }
0x76: {  	_ =	shalt  }
0x77: {  	_ =	shalt  }
0x78: {  	_ =	shalt  }
0x79: {  	_ =	shalt  }
0x7a: {  	_ =	shalt  }
0x7b: {  	_ =	shalt  }
0x7c: {  	_ =	shalt  }
0x7d: {  	_ =	shalt  }
0x7e: {  	_ =	shalt  }
0x7f: {  	_ =	shalt  }
0x80: {  	_ =	shalt  }
0x81: {  	_ =	shalt  }
0x82: {  	_ =	shalt  }
0x83: {  	_ =	shalt  }
0x84: {  	_ =	shalt  }
0x85: {  	_ =	shalt  }
0x86: {  	_ =	shalt  }
0x87: {  	_ =	shalt  }
.Lfunc_end0:
.L_simem_size_0:
called_computation_lowered:
.L_overlay_start_0:
0x88: {  	s2 =	sld [smem:$0x3FD9]  }
0x89: {  	s3 =	sld [smem:$0x3FFE];
	_ =	sdelay $0x1  }
0x8a: {  	s1 =	srdreg.scid  }
0x8b: {  	s0 =	sand.u32 $0x1, s1  }
0x8c: {  	s17 =	sshll.u32 s0, $0xA;
	s2 =	sadd.s32 s3, s2  }
0x8d: {  	s2 =	sadd.s32 s2, s17  }
0x8e: {  	[smem:$0x3FC4] =	sst s2  }
0x8f: {  	_ = 	snop  }
0x90: {  	s2 =	sld [smem:$0x3FC7]  }
0x91: {  	s18 =	sld [smem:$0x3FC6]  }
0x92: {  	s4 =	sld [smem:$0x3FD0];
	(tm) =	ssettm $0x1  }
0x93: {  	s5 =	sld [smem:$0x3FFB];
	_ =	sdelay $0x3  }
0x94: {  	_ =	strace s5  }
0x95: {  	s5 =	sld [smem:$0x3FFC];
	_ =	sdelay $0x3  }
0x96: {  	_ =	strace s5  }
0x97: {  	s5 =	sld [smem:$0x3FFD];
	_ =	sdelay $0x3  }
0x98: {  	_ =	strace s5  }
0x99: {  	_ =	strace $0x8FFFFFFF  }
0x9a: {  	s19 =	sld [smem:$0x3FDB];
	_ =	sdelay $0x1  }
0x9b: {  	s6 =	simm.s32 $_scs_section_size  }
0x9c: {  	s7 =	simm.s32 $_size__tile_overlayer_lowered;
	s8 =	simm.s32 $_tile_overlayer_lowered  }
0x9d: {  	s22 =	simm.s32 $0x1BFF;
	s21 =	sshll.u32 s8, $0x1;
	s5 =	sadd.s32 s6, s19  }
0x9e: {  	s9 =	simm.s32 $0x0;
	s20 =	sshll.u32 s7, $0x1;
	s7 =	sadd.s32 s21, s5  }
0x9f: {  	[timem:s9], [sflag:s22] =	dma.local [hbm:s7], s20  }
0xa0: {  	_ =	swait.ge [sflag:s22], s20  }
0xa1: {  	s6 =	ssub.s32 $0x0, s20;
	[sflag:s22] =	ssyncset.done $0x0  }
0xa2: {  	[sflag:s22] =	ssyncadd.s32 s6;
	_ =	sdelay $0x1  }
0xa3: {  	s23 =	simm.s32 $0x1B8B  }
0xa4: {  	_ =	swait.ge [sflag:s23], $0x1  }
0xa5: {  	[sflag:s23] =	ssyncset.done $0x0  }
0xa6: {  	s25 =	simm.s32 $0x1B8E;
	s24 =	sld [smem:$0x3FFE];
	[sflag:s23] =	ssyncadd.s32 $0xFFFFFFFF  }
0xa7: {  	s26 =	simm.s32 $execute0_lowered;
	[smem:$0x3FD2] =	sst s25  }
0xa8: {  	s7 =	sshll.u32 s26, $0x1;
	_ =	strace $0x80000046;
	[dreg:$0x1] =	wrdreg $0xFFFFFFFF  }
0xa9: {  	s28 =	simm.s32 $_size_execute0_lowered;
	s5 =	sadd.s32 s5, s7;
	[dreg:$0x0] =	wrdreg $0x0  }
0xaa: {  	s7 =	sshll.u32 s28, $0x1;
	[dreg:$0x2] =	wrdreg s5  }
0xab: {  	[dreg:$0x3] =	wrdreg s7  }
0xac: {  	[dreg:$0x4] =	wrdreg $0xC0  }
0xad: {  	_ =	task [dreg:s9], $0x5FFFF  }
0xae: {  	[dreg:$0x1] =	wrdreg $0xFFFFFFFF  }
0xaf: {  	[dreg:$0x0] =	wrdreg $0x60  }
0xb0: {  	[dreg:$0x2] =	wrdreg s24  }
0xb1: {  	[dreg:$0x3] =	wrdreg s2  }
0xb2: {  	[dreg:$0x4] =	wrdreg s18  }
0xb3: {  	[dreg:$0x5] =	wrdreg s4  }
0xb4: {  	[dreg:$0x6] =	wrdreg $0x9  }
0xb5: {  	_ =	task.clear_ibuf [dreg:s9], $0x7FFFF;
	_ =	strace $0x90000046  }
0xb6: {  	s29 =	simm.s32 $0x9;
	_ =	strace $0x80000048  }
0xb7: {  	_ =	swait.ge [sflag:s29], $0x1  }
0xb8: {  	[sflag:s29] =	ssyncadd.s32 $0xFFFFFFFF  }
0xb9: {  	_ =	strace $0x90000048  }
0xba: {  	_ =	sfence  }
0xbb: {  	s30 =	sld [smem:$0x0];
	_ =	sdelay $0x2  }
0xbc: {  	s31 =	sshll.u32 s1, $0xD;
	s1 =	sshrl.u32 s1, $0x2  }
0xbd: {  	s3 =	sand.u32 $0x4000, s31;
	s1 =	sadd.s32 s1, s30  }
0xbe: {  	s0 =	sor.u32 s3, s0;
	s1 =	sshll.u32 s1, $0x11  }
0xbf: {  	s0 =	sor.u32 s1, s0  }
0xc0: {  	s0 =	sadd.s32 $0x8F2B, s0  }
0xc1: {  	[sflag:s0] =	ssyncadd.remote.s32 $0x1  }
0xc2: {  	_ =	sfence.sel $0xFFFF  }
0xc3: {  	[dreg:$0x0] =	wrdreg $0xFFFFFFFF;
	(pc) =	sbr.abs _section_cstart, $3  }
0xc4: {  	[dreg:$0x1] =	wrdreg $0xFFFFFFFF  }
0xc5: {  	_ =	task.clear_ibuf [dreg:s9], $0x2FFFF;
	_ =	strace $0x9FFFFFFF  }
0xc6: {  	(tm) =	ssettm $0x7FFFFFFF  }
0xc7: {  	_ =	shalt  }
tec
execute0_lowered:
.L_overlay_start_1:
0x0: {  	(tag) =	ssettag $0x1  }
0x1: {  	s0 =	rddreg [dreg:$0x0]  }
0x2: {  	s8 =	rddreg [dreg:$0x1]  }
0x3: {  	s3 =	rddreg [dreg:$0x2]  }
0x4: {  	s4 =	rddreg [dreg:$0x3]  }
0x5: {  	s1 =	srdreg.scid;
	s2 =	stileid.u32  }
0x6: {  	s5 =	simm.s32 $0x0;
	s17 =	simm.s32 $0x5;
	s20 =	simm.s32 $0x2  }
0x7: {  	s28 =	simm.s32 $0xA180;
	s29 =	simm.s32 $0xA980;
	s30 =	simm.s32 $0xB180  }
0x8: {  	s31 =	simm.s32 $0xB980;
	s18 =	simm.s32 $0xD180;
	s16 =	simm.s32 $0x0  }
0x9: {  	s1 =	sand.u32 $0x1, s1;
	s2 =	sshll.u32 s2, $0x1;
	[smem:$0x7FF] =	sst s5  }
0xa: {  	s9 =	sadd.s32 $0xC00, s0;
	s24 =	sadd.s32 $0x100, s8;
	s25 =	sadd.s32 $0x200, s8  }
0xb: {  	s10 =	sadd.s32 $0x100, s3;
	s11 =	sadd.s32 $0x200, s3;
	s12 =	sadd.s32 $0xC04, s0  }
0xc: {  	s15 =	sadd.s32 $0xC08, s0;
	_ =	strace $0x80000047;
	[dreg:$0x5] =	wrdreg s9  }
0xd: {  	s8 =	simm.s32 $0x4;
	s2 =	sor.u32 s1, s2;
	[dreg:$0x7] =	wrdreg s24  }
0xe: {  	s1 =	ssub.s32 $0x2, s1;
	[dreg:$0x8] =	wrdreg s25;
	s6 =	sshll.u32 s2, $0x4  }
0xf: {  	s7 =	sshrl.u32 s1, $0x1;
	s2 =	sshll.u32 s2, $0x9;
	s6 =	sadd.s32 s6, s0  }
0x10: {  	s1 =	ssub.s32 s1, s7;
	s13 =	sor.u32 $0xC000, s2;
	s14 =	sor.u32 $0xC100, s2  }
0x11: {  	v2 =	vlaneseq.u32;
	s0 =	simm.s32 $0xC180;
	s2 =	simm.s32 $0xC980;
	s6 =	sadd.s32 $0xE00, s6  }
0x12: {  	vm0 =	vmmov $0xffff;
	v1 =	vshrl.u32 v2, $0x3;
	s7 =	simm.s32 $0x3;
	s26 =	smax.u32 s1, $0x1;
	[dreg:$0x6] =	wrdreg s6  }
0x13: {  	v0 =	vand.u32 $0x7, v2;
	v2 =	vor.u32 $0x8, v2;
	v1 =	vmul.u32 $0x8, v1;
	s1 =	simm.s32 $0xD980;
	[dreg:$0x9] =	wrdreg s26;
	s6 =	simm.s32 $0x13980  }
.LBB2_1:
0x14: {  	[dreg:$0xa] =	wrdreg s16  }
0x15: {  	s9 =	rddreg [dreg:$0x6]  }
0x16: {  	[tilespmem:s5], [sflag:$0x5] =	stream.linear.gather [hbm4b:s9+s5], $0x80, $0x38;
	[tilespmem:$0x19980] =	vst v63  }
0x17: {  	_ =	swait.ge [sflag:s17], $0x80  }
0x18: {  	[sflag:s17] =	ssyncset.done $0x0  }
0x19: {  	[sflag:s17] =	ssyncadd.s32 $0xFFFFFF80  }
0x1a: {  	v3 =	vld.msk [tilespmem:$0x0], $0xff;
	_ =	sdelay $0x4  }
0x1b: {  	v4 =	vshrl.u32 v3, $0x3  }
0x1c: {  	v4 =	vmul.u32 $0x30, v4  }
0x1d: {  	v3 =	vand.u32 $0x7, v3  }
0x1e: {  	v3 =	vor.u32 v3, v4  }
0x1f: {  	v3 =	vperm.xlane v3, v0;
	_ =	sdelay $0x1  }
0x20: {  	v3 =	vadd.s32 v1, v3;
	_ =	sdelay $0x3  }
0x21: {  	s22 =	simm.s32 $0x180;
	s21 =	rddreg [dreg:$0x1]  }
0x22: {  	[tilespmem:s22], [sflag:$0x1] =	stream.indirect_vreg.gather [hbm4b:s21+s5], $0x80, v3, vm0, $0xb8;
	[tilespmem:$0x19980] =	vst v63  }
0x23: {  	s24 =	simm.s32 $0x980;
	s23 =	rddreg [dreg:$0x7]  }
0x24: {  	[tilespmem:s24], [sflag:$0x1] =	stream.indirect_vreg.gather [hbm4b:s23+s5], $0x80, v3, vm0, $0xb8;
	[tilespmem:$0x19980] =	vst v63  }
0x25: {  	s26 =	simm.s32 $0x1180;
	s25 =	rddreg [dreg:$0x8]  }
0x26: {  	[tilespmem:s26], [sflag:$0x1] =	stream.indirect_vreg.gather [hbm4b:s25+s5], $0x80, v3, vm0, $0xb8;
	[tilespmem:$0x19980] =	vst v63  }
0x27: {  	s19 =	rddreg [dreg:$0x5];
	s21 =	simm.s32 $0x80  }
0x28: {  	[tilespmem:s21], [sflag:$0x5] =	stream.linear.gather [hbm4b:s19+s5], $0x20, $0x38;
	[tilespmem:$0x19980] =	vst v63  }
0x29: {  	_ =	swait.ge [sflag:s17], $0x20  }
0x2a: {  	[sflag:s17] =	ssyncset.done $0x0  }
0x2b: {  	[sflag:s17] =	ssyncadd.s32 $0xFFFFFFE0  }
0x2c: {  	v3 =	vld [tilespmem:$0x80];
	_ =	sdelay $0x4  }
0x2d: {  	v62 =	vshrl.u32 v3, $0x3  }
0x2e: {  	v4 =	vmul.u32 $0x30, v62  }
0x2f: {  	v3 =	vand.u32 $0x7, v3  }
0x30: {  	v3 =	vor.u32 v3, v4  }
0x31: {  	v4 =	vperm.xlane v3, v0;
	_ =	sdelay $0x1  }
0x32: {  	v4 =	vadd.s32 v1, v4;
	_ =	sdelay $0x3  }
0x33: {  	s22 =	simm.s32 $0x1980;
	v3 =	vperm.xlane v3, v2  }
0x34: {  	[tilespmem:s22], [sflag:$0x2] =	stream.indirect_vreg.gather [hbm4b:s3+s5], $0x80, v4, vm0, $0xb8;
	[tilespmem:$0x19980] =	vst v63  }
0x35: {  	s23 =	simm.s32 $0x2180;
	v3 =	vadd.s32 v1, v3  }
0x36: {  	[tilespmem:s23], [sflag:$0x2] =	stream.indirect_vreg.gather [hbm4b:s10+s5], $0x80, v4, vm0, $0xb8;
	[tilespmem:$0x19980] =	vst v63  }
0x37: {  	s24 =	simm.s32 $0x2980  }
0x38: {  	[tilespmem:s24], [sflag:$0x2] =	stream.indirect_vreg.gather [hbm4b:s11+s5], $0x80, v4, vm0, $0xb8;
	[tilespmem:$0x19980] =	vst v63  }
0x39: {  	s25 =	simm.s32 $0x3180  }
0x3a: {  	[tilespmem:s25], [sflag:$0x2] =	stream.indirect_vreg.gather [hbm4b:s3+s5], $0x80, v3, vm0, $0xb8;
	[tilespmem:$0x19980] =	vst v63  }
0x3b: {  	s26 =	simm.s32 $0x3980  }
0x3c: {  	[tilespmem:s26], [sflag:$0x2] =	stream.indirect_vreg.gather [hbm4b:s10+s5], $0x80, v3, vm0, $0xb8;
	[tilespmem:$0x19980] =	vst v63  }
0x3d: {  	s16 =	simm.s32 $0x4180  }
0x3e: {  	[tilespmem:s16], [sflag:$0x2] =	stream.indirect_vreg.gather [hbm4b:s11+s5], $0x80, v3, vm0, $0xb8;
	[tilespmem:$0x19980] =	vst v63  }
0x3f: {  	v3 =	vld [tilespmem:$0x90];
	_ =	sdelay $0x4  }
0x40: {  	v63 =	vshrl.u32 v3, $0x3  }
0x41: {  	v4 =	vmul.u32 $0x30, v63  }
0x42: {  	v3 =	vand.u32 $0x7, v3  }
0x43: {  	v3 =	vor.u32 v3, v4  }
0x44: {  	v4 =	vperm.xlane v3, v0;
	_ =	sdelay $0x1  }
0x45: {  	v4 =	vadd.s32 v1, v4;
	_ =	sdelay $0x3  }
0x46: {  	s19 =	simm.s32 $0x4980;
	v3 =	vperm.xlane v3, v2  }
0x47: {  	[tilespmem:s19], [sflag:$0x2] =	stream.indirect_vreg.gather [hbm4b:s3+s5], $0x80, v4, vm0, $0xb8;
	[tilespmem:$0x19980] =	vst v63  }
0x48: {  	s21 =	simm.s32 $0x5180;
	v3 =	vadd.s32 v1, v3  }
0x49: {  	[tilespmem:s21], [sflag:$0x2] =	stream.indirect_vreg.gather [hbm4b:s10+s5], $0x80, v4, vm0, $0xb8;
	[tilespmem:$0x19980] =	vst v63  }
0x4a: {  	s22 =	simm.s32 $0x5980  }
0x4b: {  	[tilespmem:s22], [sflag:$0x2] =	stream.indirect_vreg.gather [hbm4b:s11+s5], $0x80, v4, vm0, $0xb8;
	[tilespmem:$0x19980] =	vst v63  }
0x4c: {  	s23 =	simm.s32 $0x6180  }
0x4d: {  	[tilespmem:s23], [sflag:$0x2] =	stream.indirect_vreg.gather [hbm4b:s3+s5], $0x80, v3, vm0, $0xb8;
	[tilespmem:$0x19980] =	vst v63  }
0x4e: {  	s24 =	simm.s32 $0x6980  }
0x4f: {  	[tilespmem:s24], [sflag:$0x2] =	stream.indirect_vreg.gather [hbm4b:s10+s5], $0x80, v3, vm0, $0xb8;
	[tilespmem:$0x19980] =	vst v63  }
0x50: {  	s25 =	simm.s32 $0x7180;
	s26 =	simm.s32 $0x1  }
0x51: {  	[tilespmem:s25], [sflag:$0x2] =	stream.indirect_vreg.gather [hbm4b:s11+s5], $0x80, v3, vm0, $0xb8;
	[tilespmem:$0x19980] =	vst v63  }
0x52: {  	_ =	swait.ge [sflag:s26], $0x1800  }
0x53: {  	[sflag:s26] =	ssyncset.done $0x0  }
0x54: {  	s16 =	simm.s32 $0x0;
	[sflag:s26] =	ssyncadd.s32 $0xFFFFE800  }
.LBB2_2:
0x55: {  	_ =	swait.ge [sflag:s20], $0x6000  }
0x56: {  	s19 =	sshll.u32 s16, $0x3;
	[sflag:s20] =	ssyncset.done $0x0  }
0x57: {  	s21 =	simm.s32 $0x100;
	s9 =	sadd.s32 s19, s12;
	[sflag:s20] =	ssyncadd.s32 $0xFFFFA000  }
0x58: {  	[tilespmem:s21], [sflag:$0x5] =	stream.linear.gather [hbm4b:s9+s5], $0x20, $0x38;
	[tilespmem:$0x19980] =	vst v63  }
0x59: {  	_ =	swait.ge [sflag:s17], $0x20  }
0x5a: {  	[sflag:s17] =	ssyncset.done $0x0  }
0x5b: {  	[sflag:s17] =	ssyncadd.s32 $0xFFFFFFE0  }
0x5c: {  	v3 =	vld [tilespmem:$0x100];
	_ =	sdelay $0x4  }
0x5d: {  	v4 =	vshrl.u32 v3, $0x3  }
0x5e: {  	v4 =	vmul.u32 $0x30, v4  }
0x5f: {  	v3 =	vand.u32 $0x7, v3  }
0x60: {  	v3 =	vor.u32 v3, v4  }
0x61: {  	v4 =	vperm.xlane v3, v0;
	_ =	sdelay $0x1  }
0x62: {  	v4 =	vadd.s32 v1, v4;
	_ =	sdelay $0x3  }
0x63: {  	s26 =	simm.s32 $0x7980;
	v3 =	vperm.xlane v3, v2  }
0x64: {  	[tilespmem:s26], [sflag:$0x2] =	stream.indirect_vreg.gather [hbm4b:s3+s5], $0x80, v4, vm0, $0xb8;
	[tilespmem:$0x19980] =	vst v63  }
0x65: {  	s21 =	simm.s32 $0x8180;
	v3 =	vadd.s32 v1, v3  }
0x66: {  	[tilespmem:s21], [sflag:$0x2] =	stream.indirect_vreg.gather [hbm4b:s10+s5], $0x80, v4, vm0, $0xb8;
	[tilespmem:$0x19980] =	vst v63  }
0x67: {  	s22 =	simm.s32 $0x8980  }
0x68: {  	[tilespmem:s22], [sflag:$0x2] =	stream.indirect_vreg.gather [hbm4b:s11+s5], $0x80, v4, vm0, $0xb8;
	[tilespmem:$0x19980] =	vst v63  }
0x69: {  	s23 =	simm.s32 $0x9180  }
0x6a: {  	[tilespmem:s23], [sflag:$0x2] =	stream.indirect_vreg.gather [hbm4b:s3+s5], $0x80, v3, vm0, $0xb8;
	[tilespmem:$0x19980] =	vst v63  }
0x6b: {  	s24 =	simm.s32 $0x9980  }
0x6c: {  	[tilespmem:s24], [sflag:$0x2] =	stream.indirect_vreg.gather [hbm4b:s10+s5], $0x80, v3, vm0, $0xb8;
	[tilespmem:$0x19980] =	vst v63  }
0x6d: {  	_ = 	snop  }
0x6e: {  	[tilespmem:s28], [sflag:$0x2] =	stream.indirect_vreg.gather [hbm4b:s11+s5], $0x80, v3, vm0, $0xb8;
	[tilespmem:$0x19980] =	vst v63  }
0x6f: {  	v3 =	vld [tilespmem:$0x110];
	_ =	sdelay $0x4  }
0x70: {  	v4 =	vshrl.u32 v3, $0x3  }
0x71: {  	v4 =	vmul.u32 $0x30, v4  }
0x72: {  	v3 =	vand.u32 $0x7, v3  }
0x73: {  	v3 =	vor.u32 v3, v4  }
0x74: {  	v4 =	vperm.xlane v3, v0;
	_ =	sdelay $0x1  }
0x75: {  	v4 =	vadd.s32 v1, v4;
	_ =	sdelay $0x3  }
0x76: {  	v3 =	vperm.xlane v3, v2  }
0x77: {  	[tilespmem:s29], [sflag:$0x2] =	stream.indirect_vreg.gather [hbm4b:s3+s5], $0x80, v4, vm0, $0xb8;
	[tilespmem:$0x19980] =	vst v63  }
0x78: {  	v3 =	vadd.s32 v1, v3  }
0x79: {  	[tilespmem:s30], [sflag:$0x2] =	stream.indirect_vreg.gather [hbm4b:s10+s5], $0x80, v4, vm0, $0xb8;
	[tilespmem:$0x19980] =	vst v63  }
0x7a: {  	_ = 	snop  }
0x7b: {  	[tilespmem:s31], [sflag:$0x2] =	stream.indirect_vreg.gather [hbm4b:s11+s5], $0x80, v4, vm0, $0xb8;
	[tilespmem:$0x19980] =	vst v63  }
0x7c: {  	_ = 	snop  }
0x7d: {  	[tilespmem:s0], [sflag:$0x2] =	stream.indirect_vreg.gather [hbm4b:s3+s5], $0x80, v3, vm0, $0xb8;
	[tilespmem:$0x19980] =	vst v63  }
0x7e: {  	p0 =	seq.s32 s16, $0x0  }
0x7f: {  	[tilespmem:s2], [sflag:$0x2] =	stream.indirect_vreg.gather [hbm4b:s10+s5], $0x80, v3, vm0, $0xb8;
	[tilespmem:$0x19980] =	vst v63  }
0x80: {  	s9 =	simm.s32 @!p0 $0x3  }
0x81: {  	[tilespmem:s18], [sflag:$0x2] =	stream.indirect_vreg.gather [hbm4b:s11+s5], $0x80, v3, vm0, $0xb8;
	[tilespmem:$0x19980] =	vst v63  }
0x82: {  	_ =	swait.ge @!p0 [sflag:s9], $0x6000  }
0x83: {  	[sflag:s9] =	ssyncset.done @!p0 $0x0  }
0x84: {  	[sflag:s9] =	ssyncadd.s32 @!p0 $0xFFFFA000  }
0x85: {  	v49 =	vld [tilespmem:$0x180]  }
0x86: {  	v48 =	vld [tilespmem:$0x190]  }
0x87: {  	v47 =	vld [tilespmem:$0x1A0]  }
0x88: {  	v46 =	vld [tilespmem:$0x1B0]  }
0x89: {  	v45 =	vld [tilespmem:$0x1C0]  }
0x8a: {  	v44 =	vld [tilespmem:$0x1D0]  }
0x8b: {  	v43 =	vld [tilespmem:$0x1E0]  }
0x8c: {  	v42 =	vld [tilespmem:$0x1F0]  }
0x8d: {  	v41 =	vld [tilespmem:$0x580]  }
0x8e: {  	v40 =	vld [tilespmem:$0x590]  }
0x8f: {  	v39 =	vld [tilespmem:$0x5A0]  }
0x90: {  	v38 =	vld [tilespmem:$0x5B0]  }
0x91: {  	v37 =	vld [tilespmem:$0x5C0]  }
0x92: {  	v36 =	vld [tilespmem:$0x5D0]  }
0x93: {  	v35 =	vld [tilespmem:$0x5E0]  }
0x94: {  	v34 =	vld [tilespmem:$0x5F0]  }
0x95: {  	v33 =	vld [tilespmem:$0x980]  }
0x96: {  	v32 =	vld [tilespmem:$0x990]  }
0x97: {  	v31 =	vld [tilespmem:$0x9A0]  }
0x98: {  	v30 =	vld [tilespmem:$0x9B0]  }
0x99: {  	v29 =	vld [tilespmem:$0x9C0]  }
0x9a: {  	v28 =	vld [tilespmem:$0x9D0]  }
0x9b: {  	v27 =	vld [tilespmem:$0x9E0]  }
0x9c: {  	v26 =	vld [tilespmem:$0x9F0]  }
0x9d: {  	v25 =	vld [tilespmem:$0xD80]  }
0x9e: {  	v24 =	vld [tilespmem:$0xD90]  }
0x9f: {  	v23 =	vld [tilespmem:$0xDA0]  }
0xa0: {  	v22 =	vld [tilespmem:$0xDB0]  }
0xa1: {  	v21 =	vld [tilespmem:$0xDC0]  }
0xa2: {  	v20 =	vld [tilespmem:$0xDD0]  }
0xa3: {  	v19 =	vld [tilespmem:$0xDE0]  }
0xa4: {  	v18 =	vld [tilespmem:$0xDF0]  }
0xa5: {  	v17 =	vld [tilespmem:$0x1180]  }
0xa6: {  	v16 =	vld [tilespmem:$0x1190]  }
0xa7: {  	v15 =	vld [tilespmem:$0x11A0]  }
0xa8: {  	v14 =	vld [tilespmem:$0x11B0]  }
0xa9: {  	v13 =	vld [tilespmem:$0x11C0]  }
0xaa: {  	v12 =	vld [tilespmem:$0x11D0]  }
0xab: {  	v11 =	vld [tilespmem:$0x11E0]  }
0xac: {  	v10 =	vld [tilespmem:$0x11F0]  }
0xad: {  	v9 =	vld [tilespmem:$0x1580]  }
0xae: {  	v8 =	vld [tilespmem:$0x1590]  }
0xaf: {  	v7 =	vld [tilespmem:$0x15A0]  }
0xb0: {  	v6 =	vld [tilespmem:$0x15B0]  }
0xb1: {  	s25 =	simm.s32 $0x0;
	v5 =	vld [tilespmem:$0x15C0]  }
0xb2: {  	s22 =	simm.s32 $0x0;
	s9 =	smul.u32 $0x1800, s25;
	v3 =	vld [tilespmem:$0x15D0]  }
0xb3: {  	s26 =	sand.u32 $0x380, s22;
	v4 =	vld [tilespmem:$0x15E0]  }
0xb4: {  	v50 =	vld [tilespmem:$0x15F0];
	s21 =	sor.u32 s26, s9  }
0xb5: {  	v51 =	vld [tilespmem:s21+$0x2DF0]  }
0xb6: {  	v52 =	vld [tilespmem:s21+$0x1980]  }
0xb7: {  	v53 =	vld [tilespmem:s21+$0x1990]  }
0xb8: {  	v54 =	vld [tilespmem:s21+$0x19A0]  }
0xb9: {  	v55 =	vld [tilespmem:s21+$0x19B0]  }
0xba: {  	v56 =	vld [tilespmem:s21+$0x19C0];
	v51 =	vadd.f32 v51, v50  }
0xbb: {  	v57 =	vld [tilespmem:s21+$0x19D0];
	v52 =	vadd.f32 v52, v49  }
0xbc: {  	v58 =	vld [tilespmem:s21+$0x19E0];
	v62 =	vadd.f32 v53, v48;
	[tilespmem:s21+$0xEDF0] =	vst v51  }
0xbd: {  	v63 =	vadd.f32 v54, v47;
	v53 =	vld [tilespmem:s21+$0x1D90];
	[tilespmem:s21+$0xD980] =	vst v52  }
0xbe: {  	v59 =	vadd.f32 v55, v46;
	v54 =	vld [tilespmem:s21+$0x1DA0];
	[tilespmem:s21+$0xD990] =	vst v62  }
0xbf: {  	v60 =	vadd.f32 v56, v45;
	v55 =	vld [tilespmem:s21+$0x1DB0];
	[tilespmem:s21+$0xD9A0] =	vst v63  }
0xc0: {  	v61 =	vadd.f32 v57, v44;
	v52 =	vld [tilespmem:s21+$0x19F0];
	[tilespmem:s21+$0xD9B0] =	vst v59  }
0xc1: {  	v51 =	vld [tilespmem:s21+$0x1D80];
	[tilespmem:s21+$0xD9C0] =	vst v60;
	v62 =	vadd.f32 v58, v43  }
0xc2: {  	[tilespmem:s21+$0xD9D0] =	vst v61;
	v63 =	vld [tilespmem:s21+$0x1DC0];
	v53 =	vadd.f32 v53, v40  }
0xc3: {  	v60 =	vld [tilespmem:s21+$0x1DD0];
	[tilespmem:s21+$0xD9E0] =	vst v62;
	v54 =	vadd.f32 v54, v39  }
0xc4: {  	v61 =	vld [tilespmem:s21+$0x1DE0];
	v55 =	vadd.f32 v55, v38;
	[tilespmem:s21+$0xDD90] =	vst v53  }
0xc5: {  	v62 =	vld [tilespmem:s21+$0x2190];
	v52 =	vadd.f32 v52, v42;
	[tilespmem:s21+$0xDDA0] =	vst v54  }
0xc6: {  	v51 =	vadd.f32 v51, v41;
	v53 =	vld [tilespmem:s21+$0x2180];
	[tilespmem:s21+$0xDDB0] =	vst v55  }
0xc7: {  	v56 =	vadd.f32 v63, v37;
	v63 =	vld [tilespmem:s21+$0x21A0];
	[tilespmem:s21+$0xD9F0] =	vst v52  }
0xc8: {  	v57 =	vadd.f32 v60, v36;
	v60 =	vld [tilespmem:s21+$0x21B0];
	[tilespmem:s21+$0xDD80] =	vst v51  }
0xc9: {  	v51 =	vld [tilespmem:s21+$0x1DF0];
	[tilespmem:s21+$0xDDC0] =	vst v56;
	v52 =	vadd.f32 v61, v35  }
0xca: {  	[tilespmem:s21+$0xDDD0] =	vst v57;
	v61 =	vld [tilespmem:s21+$0x21C0];
	v54 =	vadd.f32 v62, v32  }
0xcb: {  	v62 =	vld [tilespmem:s21+$0x21F0];
	[tilespmem:s21+$0xDDE0] =	vst v52;
	v53 =	vadd.f32 v53, v33  }
0xcc: {  	v52 =	vld [tilespmem:s21+$0x21D0];
	[tilespmem:s21+$0xE190] =	vst v54;
	v55 =	vadd.f32 v63, v31  }
0xcd: {  	v63 =	vld [tilespmem:s21+$0x2580];
	v56 =	vadd.f32 v60, v30;
	[tilespmem:s21+$0xE180] =	vst v53  }
0xce: {  	v60 =	vld [tilespmem:s21+$0x2590];
	v51 =	vadd.f32 v51, v34;
	[tilespmem:s21+$0xE1A0] =	vst v55  }
0xcf: {  	v57 =	vadd.f32 v61, v29;
	[tilespmem:s21+$0xE1B0] =	vst v56;
	v61 =	vld [tilespmem:s21+$0x25A0]  }
0xd0: {  	v53 =	vadd.f32 v62, v26;
	[tilespmem:s21+$0xDDF0] =	vst v51;
	v51 =	vld [tilespmem:s21+$0x21E0]  }
0xd1: {  	v52 =	vadd.f32 v52, v28;
	[tilespmem:s21+$0xE1C0] =	vst v57;
	v57 =	vld [tilespmem:s21+$0x25B0]  }
0xd2: {  	[tilespmem:s21+$0xE1F0] =	vst v53;
	v54 =	vadd.f32 v63, v25;
	v63 =	vld [tilespmem:s21+$0x25E0]  }
0xd3: {  	v55 =	vadd.f32 v60, v24;
	v60 =	vld [tilespmem:s21+$0x25F0];
	[tilespmem:s21+$0xE1D0] =	vst v52  }
0xd4: {  	v52 =	vld [tilespmem:s21+$0x25C0];
	[tilespmem:s21+$0xE580] =	vst v54;
	v56 =	vadd.f32 v61, v23  }
0xd5: {  	v62 =	vld [tilespmem:s21+$0x25D0];
	[tilespmem:s21+$0xE590] =	vst v55;
	v51 =	vadd.f32 v51, v27  }
0xd6: {  	v61 =	vld [tilespmem:s21+$0x2980];
	v57 =	vadd.f32 v57, v22;
	[tilespmem:s21+$0xE5A0] =	vst v56  }
0xd7: {  	v56 =	vld [tilespmem:s21+$0x2990];
	v53 =	vadd.f32 v63, v19;
	[tilespmem:s21+$0xE1E0] =	vst v51  }
0xd8: {  	v63 =	vld [tilespmem:s21+$0x29C0];
	v54 =	vadd.f32 v60, v18;
	[tilespmem:s21+$0xE5B0] =	vst v57  }
0xd9: {  	v52 =	vadd.f32 v52, v21;
	v57 =	vld [tilespmem:s21+$0x29A0];
	[tilespmem:s21+$0xE5E0] =	vst v53  }
0xda: {  	v51 =	vadd.f32 v62, v20;
	v62 =	vld [tilespmem:s21+$0x29B0];
	[tilespmem:s21+$0xE5F0] =	vst v54  }
0xdb: {  	v58 =	vld [tilespmem:s21+$0x29D0];
	v60 =	vadd.f32 v61, v17;
	[tilespmem:s21+$0xE5C0] =	vst v52  }
0xdc: {  	v61 =	vld [tilespmem:s21+$0x29E0];
	[tilespmem:s21+$0xE5D0] =	vst v51;
	v56 =	vadd.f32 v56, v16  }
0xdd: {  	v55 =	vld [tilespmem:s21+$0x29F0];
	[tilespmem:s21+$0xE980] =	vst v60;
	v63 =	vadd.f32 v63, v13  }
0xde: {  	v53 =	vld [tilespmem:s21+$0x2D80];
	v57 =	vadd.f32 v57, v15;
	[tilespmem:s21+$0xE990] =	vst v56  }
0xdf: {  	v52 =	vld [tilespmem:s21+$0x2D90];
	v62 =	vadd.f32 v62, v14;
	[tilespmem:s21+$0xE9C0] =	vst v63  }
0xe0: {  	v51 =	vld [tilespmem:s21+$0x2DA0];
	v56 =	vadd.f32 v58, v12;
	[tilespmem:s21+$0xE9A0] =	vst v57  }
0xe1: {  	s23 =	simm.s32 $0x2;
	s24 =	simm.s32 $0x0;
	s9 =	sshll.u32 s16, $0x1;
	v54 =	vld [tilespmem:s21+$0x2DB0];
	[tilespmem:s21+$0xE9B0] =	vst v62;
	v57 =	vadd.f32 v61, v11  }
.LBB2_3:
0xe2: {  	p1 =	sne.s32 s23, $0x1F;
	s24 =	smul.u32 $0x1800, s24;
	[tilespmem:s21+$0xE9D0] =	vst v56;
	v55 =	vadd.f32 v55, v10;
	v56 =	vld [tilespmem:s21+$0x2DC0];
	s22 =	sadd.s32 $0x80, s22  }
0xe3: {  	s25 =	sand.u32 $0x380, s22;
	[tilespmem:s21+$0xE9E0] =	vst v57;
	v53 =	vadd.f32 v53, v9;
	v57 =	vld [tilespmem:s21+$0x2DD0]  }
0xe4: {  	s24 =	sor.u32 s25, s24;
	[tilespmem:s21+$0xE9F0] =	vst v55;
	v52 =	vadd.f32 v52, v8;
	v55 =	vld [tilespmem:s21+$0x2DE0]  }
0xe5: {  	v58 =	vld [tilespmem:s24+$0x2DF0];
	[tilespmem:s21+$0xED80] =	vst v53;
	v51 =	vadd.f32 v51, v7  }
0xe6: {  	v53 =	vld [tilespmem:s24+$0x1980];
	[tilespmem:s21+$0xED90] =	vst v52;
	v52 =	vadd.f32 v54, v6  }
0xe7: {  	v54 =	vld [tilespmem:s24+$0x1990];
	[tilespmem:s21+$0xEDA0] =	vst v51;
	v51 =	vadd.f32 v56, v5  }
0xe8: {  	v56 =	vld [tilespmem:s24+$0x19A0];
	[tilespmem:s21+$0xEDB0] =	vst v52;
	v52 =	vadd.f32 v57, v3  }
0xe9: {  	v57 =	vld [tilespmem:s24+$0x19B0];
	[tilespmem:s21+$0xEDC0] =	vst v51;
	v51 =	vadd.f32 v55, v4  }
0xea: {  	v55 =	vld [tilespmem:s24+$0x19C0];
	v58 =	vadd.f32 v58, v50;
	[tilespmem:s21+$0xEDD0] =	vst v52  }
0xeb: {  	v52 =	vadd.f32 v53, v49;
	v53 =	vld [tilespmem:s24+$0x19D0];
	[tilespmem:s21+$0xEDE0] =	vst v51;
	s21 =	smov.u32 s24  }
0xec: {  	v51 =	vadd.f32 v54, v48;
	v54 =	vld [tilespmem:s21+$0x19E0];
	[tilespmem:s21+$0xEDF0] =	vst v58  }
0xed: {  	[tilespmem:s21+$0xD980] =	vst v52;
	v52 =	vadd.f32 v56, v47;
	v56 =	vld [tilespmem:s21+$0x19F0]  }
0xee: {  	[tilespmem:s21+$0xD990] =	vst v51;
	v51 =	vadd.f32 v57, v46;
	v57 =	vld [tilespmem:s21+$0x1D80]  }
0xef: {  	[tilespmem:s21+$0xD9A0] =	vst v52;
	v52 =	vadd.f32 v55, v45;
	v55 =	vld [tilespmem:s21+$0x1D90]  }
0xf0: {  	[tilespmem:s21+$0xD9B0] =	vst v51;
	v51 =	vadd.f32 v53, v44;
	v53 =	vld [tilespmem:s21+$0x1DA0]  }
0xf1: {  	[tilespmem:s21+$0xD9C0] =	vst v52;
	v52 =	vadd.f32 v54, v43;
	v54 =	vld [tilespmem:s21+$0x1DB0]  }
0xf2: {  	[tilespmem:s21+$0xD9D0] =	vst v51;
	v51 =	vadd.f32 v56, v42;
	v56 =	vld [tilespmem:s21+$0x1DC0]  }
0xf3: {  	[tilespmem:s21+$0xD9E0] =	vst v52;
	v52 =	vadd.f32 v57, v41;
	v57 =	vld [tilespmem:s21+$0x1DD0]  }
0xf4: {  	[tilespmem:s21+$0xD9F0] =	vst v51;
	v51 =	vadd.f32 v55, v40;
	v55 =	vld [tilespmem:s21+$0x1DE0]  }
0xf5: {  	[tilespmem:s21+$0xDD80] =	vst v52;
	v52 =	vadd.f32 v53, v39;
	v53 =	vld [tilespmem:s21+$0x1DF0]  }
0xf6: {  	[tilespmem:s21+$0xDD90] =	vst v51;
	v51 =	vadd.f32 v54, v38;
	v54 =	vld [tilespmem:s21+$0x2180]  }
0xf7: {  	[tilespmem:s21+$0xDDA0] =	vst v52;
	v52 =	vadd.f32 v56, v37;
	v56 =	vld [tilespmem:s21+$0x2190]  }
0xf8: {  	[tilespmem:s21+$0xDDB0] =	vst v51;
	v51 =	vadd.f32 v57, v36;
	v57 =	vld [tilespmem:s21+$0x21A0]  }
0xf9: {  	[tilespmem:s21+$0xDDC0] =	vst v52;
	v52 =	vadd.f32 v55, v35;
	v55 =	vld [tilespmem:s21+$0x21B0]  }
0xfa: {  	[tilespmem:s21+$0xDDD0] =	vst v51;
	v51 =	vadd.f32 v53, v34;
	v53 =	vld [tilespmem:s21+$0x21C0]  }
0xfb: {  	[tilespmem:s21+$0xDDE0] =	vst v52;
	v52 =	vadd.f32 v54, v33;
	v54 =	vld [tilespmem:s21+$0x21D0]  }
0xfc: {  	[tilespmem:s21+$0xDDF0] =	vst v51;
	v51 =	vadd.f32 v56, v32;
	v56 =	vld [tilespmem:s21+$0x21E0]  }
0xfd: {  	[tilespmem:s21+$0xE180] =	vst v52;
	v52 =	vadd.f32 v57, v31;
	v57 =	vld [tilespmem:s21+$0x21F0]  }
0xfe: {  	[tilespmem:s21+$0xE190] =	vst v51;
	v51 =	vadd.f32 v55, v30;
	v55 =	vld [tilespmem:s21+$0x2580]  }
0xff: {  	[tilespmem:s21+$0xE1A0] =	vst v52;
	v52 =	vadd.f32 v53, v29;
	v53 =	vld [tilespmem:s21+$0x2590]  }
0x100: {  	[tilespmem:s21+$0xE1B0] =	vst v51;
	v51 =	vadd.f32 v54, v28;
	v54 =	vld [tilespmem:s21+$0x25A0]  }
0x101: {  	[tilespmem:s21+$0xE1C0] =	vst v52;
	v52 =	vadd.f32 v56, v27;
	v56 =	vld [tilespmem:s21+$0x25B0]  }
0x102: {  	[tilespmem:s21+$0xE1D0] =	vst v51;
	v51 =	vadd.f32 v57, v26;
	v57 =	vld [tilespmem:s21+$0x25C0]  }
0x103: {  	[tilespmem:s21+$0xE1E0] =	vst v52;
	v52 =	vadd.f32 v55, v25;
	v55 =	vld [tilespmem:s21+$0x25D0]  }
0x104: {  	[tilespmem:s21+$0xE1F0] =	vst v51;
	v51 =	vadd.f32 v53, v24;
	v53 =	vld [tilespmem:s21+$0x25E0]  }
0x105: {  	[tilespmem:s21+$0xE580] =	vst v52;
	v52 =	vadd.f32 v54, v23;
	v54 =	vld [tilespmem:s21+$0x25F0]  }
0x106: {  	[tilespmem:s21+$0xE590] =	vst v51;
	v51 =	vadd.f32 v56, v22;
	v56 =	vld [tilespmem:s21+$0x2980]  }
0x107: {  	[tilespmem:s21+$0xE5A0] =	vst v52;
	v52 =	vadd.f32 v57, v21;
	v57 =	vld [tilespmem:s21+$0x2990]  }
0x108: {  	[tilespmem:s21+$0xE5B0] =	vst v51;
	v51 =	vadd.f32 v55, v20;
	v55 =	vld [tilespmem:s21+$0x29A0]  }
0x109: {  	[tilespmem:s21+$0xE5C0] =	vst v52;
	v52 =	vadd.f32 v53, v19;
	v53 =	vld [tilespmem:s21+$0x29B0]  }
0x10a: {  	[tilespmem:s21+$0xE5D0] =	vst v51;
	v51 =	vadd.f32 v54, v18;
	v54 =	vld [tilespmem:s21+$0x29C0]  }
0x10b: {  	[tilespmem:s21+$0xE5E0] =	vst v52;
	v52 =	vadd.f32 v56, v17;
	v56 =	vld [tilespmem:s21+$0x29D0]  }
0x10c: {  	[tilespmem:s21+$0xE5F0] =	vst v51;
	v51 =	vadd.f32 v57, v16;
	v57 =	vld [tilespmem:s21+$0x29E0]  }
.Ltmp0:
0x10d: {  	[tilespmem:s21+$0xE980] =	vst v52;
	v52 =	vadd.f32 v55, v15;
	v55 =	vld [tilespmem:s21+$0x29F0];
	(pc) =	sbr.rel @p1 .LBB2_3-.Ltmp0, $4  }
0x10e: {  	[tilespmem:s21+$0xE990] =	vst v51;
	v51 =	vadd.f32 v53, v14;
	v53 =	vld [tilespmem:s21+$0x2D80]  }
0x10f: {  	[tilespmem:s21+$0xE9A0] =	vst v52;
	v54 =	vadd.f32 v54, v13;
	v52 =	vld [tilespmem:s21+$0x2D90]  }
0x110: {  	[tilespmem:s21+$0xE9B0] =	vst v51;
	v56 =	vadd.f32 v56, v12;
	v51 =	vld [tilespmem:s21+$0x2DA0]  }
0x111: {  	s24 =	sshrl.u32 s23, $0x3;
	s23 =	sadd.s32 $0x1, s23;
	[tilespmem:s21+$0xE9C0] =	vst v54;
	v57 =	vadd.f32 v57, v11;
	v54 =	vld [tilespmem:s21+$0x2DB0]  }
0x112: {  	[tilespmem:s21+$0xE9D0] =	vst v56;
	v60 =	vld [tilespmem:s21+$0x2DC0];
	v55 =	vadd.f32 v55, v10;
	s23 =	smul.u32 $0x1800, s24;
	s22 =	sadd.s32 $0x80, s22  }
0x113: {  	v61 =	vld [tilespmem:s21+$0x2DD0];
	[tilespmem:s21+$0xE9E0] =	vst v57;
	s22 =	sand.u32 $0x380, s22;
	v53 =	vadd.f32 v53, v9  }
0x114: {  	v62 =	vld [tilespmem:s21+$0x2DE0];
	[tilespmem:s21+$0xE9F0] =	vst v55;
	s22 =	sor.u32 s22, s23;
	v52 =	vadd.f32 v52, v8  }
0x115: {  	v58 =	vld [tilespmem:s22+$0x2DF0];
	[tilespmem:s21+$0xED80] =	vst v53;
	v51 =	vadd.f32 v51, v7  }
0x116: {  	v53 =	vld [tilespmem:s22+$0x1980];
	[tilespmem:s21+$0xED90] =	vst v52;
	v54 =	vadd.f32 v54, v6  }
0x117: {  	v52 =	vld [tilespmem:s22+$0x1990];
	[tilespmem:s21+$0xEDA0] =	vst v51;
	v56 =	vadd.f32 v60, v5  }
0x118: {  	v57 =	vadd.f32 v61, v3;
	v51 =	vld [tilespmem:s22+$0x19A0];
	[tilespmem:s21+$0xEDB0] =	vst v54  }
0x119: {  	v55 =	vadd.f32 v62, v4;
	v54 =	vld [tilespmem:s22+$0x19B0];
	[tilespmem:s21+$0xEDC0] =	vst v56  }
0x11a: {  	v56 =	vld [tilespmem:s22+$0x19C0];
	[tilespmem:s21+$0xEDD0] =	vst v57;
	v50 =	vadd.f32 v58, v50  }
0x11b: {  	v57 =	vld [tilespmem:s22+$0x19D0];
	v49 =	vadd.f32 v53, v49;
	[tilespmem:s21+$0xEDE0] =	vst v55  }
0x11c: {  	v48 =	vadd.f32 v52, v48;
	v63 =	vld [tilespmem:s22+$0x19E0];
	[tilespmem:s22+$0xEDF0] =	vst v50  }
0x11d: {  	v58 =	vld [tilespmem:s22+$0x19F0];
	[tilespmem:s22+$0xD980] =	vst v49;
	v47 =	vadd.f32 v51, v47  }
0x11e: {  	v59 =	vld [tilespmem:s22+$0x1D80];
	[tilespmem:s22+$0xD990] =	vst v48;
	v46 =	vadd.f32 v54, v46  }
0x11f: {  	v60 =	vld [tilespmem:s22+$0x1D90];
	[tilespmem:s22+$0xD9A0] =	vst v47;
	v45 =	vadd.f32 v56, v45  }
0x120: {  	v61 =	vld [tilespmem:s22+$0x1DA0];
	[tilespmem:s22+$0xD9B0] =	vst v46;
	v44 =	vadd.f32 v57, v44  }
0x121: {  	v62 =	vld [tilespmem:s22+$0x1DB0];
	[tilespmem:s22+$0xD9C0] =	vst v45;
	v43 =	vadd.f32 v63, v43  }
0x122: {  	v50 =	vld [tilespmem:s22+$0x1DE0];
	v42 =	vadd.f32 v58, v42;
	[tilespmem:s22+$0xD9D0] =	vst v44  }
0x123: {  	v52 =	vld [tilespmem:s22+$0x2180];
	v41 =	vadd.f32 v59, v41;
	[tilespmem:s22+$0xD9E0] =	vst v43  }
0x124: {  	v53 =	vld [tilespmem:s22+$0x2190];
	v40 =	vadd.f32 v60, v40;
	[tilespmem:s22+$0xD9F0] =	vst v42  }
0x125: {  	v55 =	vld [tilespmem:s22+$0x21B0];
	v39 =	vadd.f32 v61, v39;
	[tilespmem:s22+$0xDD80] =	vst v41  }
0x126: {  	v49 =	vld [tilespmem:s22+$0x1DD0];
	v38 =	vadd.f32 v62, v38;
	[tilespmem:s22+$0xDD90] =	vst v40  }
0x127: {  	v51 =	vld [tilespmem:s22+$0x1DF0];
	v35 =	vadd.f32 v50, v35;
	[tilespmem:s22+$0xDDA0] =	vst v39  }
0x128: {  	v54 =	vld [tilespmem:s22+$0x21A0];
	v33 =	vadd.f32 v52, v33;
	[tilespmem:s22+$0xDDB0] =	vst v38  }
0x129: {  	v56 =	vld [tilespmem:s22+$0x21C0];
	v32 =	vadd.f32 v53, v32;
	[tilespmem:s22+$0xDDE0] =	vst v35  }
0x12a: {  	v57 =	vld [tilespmem:s22+$0x21D0];
	v30 =	vadd.f32 v55, v30;
	[tilespmem:s22+$0xE180] =	vst v33  }
0x12b: {  	v63 =	vld [tilespmem:s22+$0x1DC0];
	v36 =	vadd.f32 v49, v36;
	[tilespmem:s22+$0xE190] =	vst v32  }
0x12c: {  	v58 =	vld [tilespmem:s22+$0x21E0];
	v34 =	vadd.f32 v51, v34;
	[tilespmem:s22+$0xE1B0] =	vst v30  }
0x12d: {  	v59 =	vld [tilespmem:s22+$0x21F0];
	v31 =	vadd.f32 v54, v31;
	[tilespmem:s22+$0xDDD0] =	vst v36  }
0x12e: {  	v60 =	vld [tilespmem:s22+$0x2580];
	[tilespmem:s22+$0xDDF0] =	vst v34;
	v29 =	vadd.f32 v56, v29  }
0x12f: {  	[tilespmem:s22+$0xE1A0] =	vst v31;
	v31 =	vld [tilespmem:s22+$0x2590];
	v28 =	vadd.f32 v57, v28  }
0x130: {  	v30 =	vld [tilespmem:s22+$0x25A0];
	v37 =	vadd.f32 v63, v37;
	[tilespmem:s22+$0xE1C0] =	vst v29  }
0x131: {  	v27 =	vadd.f32 v58, v27;
	v29 =	vld [tilespmem:s22+$0x25B0];
	[tilespmem:s22+$0xE1D0] =	vst v28  }
0x132: {  	v26 =	vadd.f32 v59, v26;
	v28 =	vld [tilespmem:s22+$0x25C0];
	[tilespmem:s22+$0xDDC0] =	vst v37  }
0x133: {  	v25 =	vadd.f32 v60, v25;
	[tilespmem:s22+$0xE1E0] =	vst v27;
	v27 =	vld [tilespmem:s22+$0x25D0]  }
0x134: {  	[tilespmem:s22+$0xE1F0] =	vst v26;
	v26 =	vld [tilespmem:s22+$0x25E0];
	v24 =	vadd.f32 v31, v24  }
0x135: {  	[tilespmem:s22+$0xE580] =	vst v25;
	v23 =	vadd.f32 v30, v23;
	v25 =	vld [tilespmem:s22+$0x25F0]  }
0x136: {  	v22 =	vadd.f32 v29, v22;
	[tilespmem:s22+$0xE590] =	vst v24;
	v24 =	vld [tilespmem:s22+$0x2980]  }
0x137: {  	[tilespmem:s22+$0xE5A0] =	vst v23;
	v23 =	vld [tilespmem:s22+$0x2990];
	v21 =	vadd.f32 v28, v21  }
0x138: {  	[tilespmem:s22+$0xE5B0] =	vst v22;
	v20 =	vadd.f32 v27, v20;
	v22 =	vld [tilespmem:s22+$0x29A0]  }
0x139: {  	v19 =	vadd.f32 v26, v19;
	[tilespmem:s22+$0xE5C0] =	vst v21;
	v21 =	vld [tilespmem:s22+$0x29B0]  }
0x13a: {  	v18 =	vadd.f32 v25, v18;
	[tilespmem:s22+$0xE5D0] =	vst v20;
	v20 =	vld [tilespmem:s22+$0x29C0]  }
0x13b: {  	[tilespmem:s22+$0xE5E0] =	vst v19;
	v19 =	vld [tilespmem:s22+$0x29D0];
	v17 =	vadd.f32 v24, v17  }
0x13c: {  	[tilespmem:s22+$0xE5F0] =	vst v18;
	v16 =	vadd.f32 v23, v16;
	v18 =	vld [tilespmem:s22+$0x29E0]  }
0x13d: {  	v15 =	vadd.f32 v22, v15;
	[tilespmem:s22+$0xE980] =	vst v17;
	v17 =	vld [tilespmem:s22+$0x29F0]  }
0x13e: {  	[tilespmem:s22+$0xE990] =	vst v16;
	v16 =	vld [tilespmem:s22+$0x2D80];
	v14 =	vadd.f32 v21, v14  }
0x13f: {  	[tilespmem:s22+$0xE9A0] =	vst v15;
	v13 =	vadd.f32 v20, v13;
	v15 =	vld [tilespmem:s22+$0x2D90]  }
0x140: {  	v12 =	vadd.f32 v19, v12;
	[tilespmem:s22+$0xE9B0] =	vst v14;
	v14 =	vld [tilespmem:s22+$0x2DA0]  }
0x141: {  	v11 =	vadd.f32 v18, v11;
	[tilespmem:s22+$0xE9C0] =	vst v13;
	v13 =	vld [tilespmem:s22+$0x2DB0]  }
0x142: {  	[tilespmem:s22+$0xE9D0] =	vst v12;
	v12 =	vld [tilespmem:s22+$0x2DC0];
	v10 =	vadd.f32 v17, v10  }
0x143: {  	[tilespmem:s22+$0xE9E0] =	vst v11;
	v9 =	vadd.f32 v16, v9;
	v11 =	vld [tilespmem:s22+$0x2DD0]  }
0x144: {  	v8 =	vadd.f32 v15, v8;
	[tilespmem:s22+$0xE9F0] =	vst v10;
	v10 =	vld [tilespmem:s22+$0x2DE0]  }
0x145: {  	[tilespmem:s22+$0xED80] =	vst v9;
	v7 =	vadd.f32 v14, v7  }
0x146: {  	s21 =	sshll.u32 s16, $0x6;
	[tilespmem:s22+$0xED90] =	vst v8;
	v6 =	vadd.f32 v13, v6  }
0x147: {  	s26 =	sor.u32 s13, s21;
	v5 =	vadd.f32 v12, v5;
	[tilespmem:s22+$0xEDA0] =	vst v7  }
0x148: {  	s23 =	sshrl.u32 s26, $0x3;
	v3 =	vadd.f32 v11, v3;
	[tilespmem:s22+$0xEDB0] =	vst v6  }
0x149: {  	s23 =	smul.u32 $0x300, s23;
	[tilespmem:s22+$0xEDC0] =	vst v5;
	v4 =	vadd.f32 v10, v4  }
0x14a: {  	[tilespmem:s22+$0xEDD0] =	vst v3  }
0x14b: {  	s24 =	sadd.s32 s4, s23;
	[tilespmem:s22+$0xEDE0] =	vst v4;
	s22 =	simm.s32 @!p0 $0x4  }
0x14c: {  	[hbm4b:s24+s5] =	stream.linear.scatter [tilespmem:s1], [sflag:$0x3], $0x6000, $0x38;
	[tilespmem:$0x19980] =	vst v63  }
0x14d: {  	_ =	swait.ge @!p0 [sflag:s22], $0x6000  }
0x14e: {  	[sflag:s22] =	ssyncset.done @!p0 $0x0  }
0x14f: {  	[sflag:s22] =	ssyncadd.s32 @!p0 $0xFFFFA000  }
0x150: {  	v49 =	vld [tilespmem:$0x200]  }
0x151: {  	v48 =	vld [tilespmem:$0x210]  }
0x152: {  	v47 =	vld [tilespmem:$0x220]  }
0x153: {  	v46 =	vld [tilespmem:$0x230]  }
0x154: {  	v45 =	vld [tilespmem:$0x240]  }
0x155: {  	v44 =	vld [tilespmem:$0x250]  }
0x156: {  	v43 =	vld [tilespmem:$0x260]  }
0x157: {  	v42 =	vld [tilespmem:$0x270]  }
0x158: {  	v41 =	vld [tilespmem:$0x600]  }
0x159: {  	v40 =	vld [tilespmem:$0x610]  }
0x15a: {  	v39 =	vld [tilespmem:$0x620]  }
0x15b: {  	v38 =	vld [tilespmem:$0x630]  }
0x15c: {  	v37 =	vld [tilespmem:$0x640]  }
0x15d: {  	v36 =	vld [tilespmem:$0x650]  }
0x15e: {  	v35 =	vld [tilespmem:$0x660]  }
0x15f: {  	v34 =	vld [tilespmem:$0x670]  }
0x160: {  	v33 =	vld [tilespmem:$0xA00]  }
0x161: {  	v32 =	vld [tilespmem:$0xA10]  }
0x162: {  	v31 =	vld [tilespmem:$0xA20]  }
0x163: {  	v30 =	vld [tilespmem:$0xA30]  }
0x164: {  	v29 =	vld [tilespmem:$0xA40]  }
0x165: {  	v28 =	vld [tilespmem:$0xA50]  }
0x166: {  	v27 =	vld [tilespmem:$0xA60]  }
0x167: {  	v26 =	vld [tilespmem:$0xA70]  }
0x168: {  	v25 =	vld [tilespmem:$0xE00]  }
0x169: {  	v24 =	vld [tilespmem:$0xE10]  }
0x16a: {  	v23 =	vld [tilespmem:$0xE20]  }
0x16b: {  	v22 =	vld [tilespmem:$0xE30]  }
0x16c: {  	v21 =	vld [tilespmem:$0xE40]  }
0x16d: {  	v20 =	vld [tilespmem:$0xE50]  }
0x16e: {  	v19 =	vld [tilespmem:$0xE60]  }
0x16f: {  	v18 =	vld [tilespmem:$0xE70]  }
0x170: {  	v17 =	vld [tilespmem:$0x1200]  }
0x171: {  	v16 =	vld [tilespmem:$0x1210]  }
0x172: {  	v15 =	vld [tilespmem:$0x1220]  }
0x173: {  	v14 =	vld [tilespmem:$0x1230]  }
0x174: {  	v13 =	vld [tilespmem:$0x1240]  }
0x175: {  	v12 =	vld [tilespmem:$0x1250]  }
0x176: {  	v11 =	vld [tilespmem:$0x1260]  }
0x177: {  	v10 =	vld [tilespmem:$0x1270]  }
0x178: {  	v9 =	vld [tilespmem:$0x1600]  }
0x179: {  	v8 =	vld [tilespmem:$0x1610]  }
0x17a: {  	v7 =	vld [tilespmem:$0x1620]  }
0x17b: {  	v6 =	vld [tilespmem:$0x1630]  }
0x17c: {  	s25 =	simm.s32 $0x0;
	v5 =	vld [tilespmem:$0x1640]  }
0x17d: {  	s23 =	simm.s32 $0x0;
	s22 =	smul.u32 $0x1800, s25;
	v3 =	vld [tilespmem:$0x1650]  }
0x17e: {  	s26 =	sand.u32 $0x380, s23;
	v4 =	vld [tilespmem:$0x1660]  }
0x17f: {  	v50 =	vld [tilespmem:$0x1670];
	s22 =	sor.u32 s26, s22  }
0x180: {  	v61 =	vld [tilespmem:s22+$0x2DF0]  }
0x181: {  	v52 =	vld [tilespmem:s22+$0x1980]  }
0x182: {  	v62 =	vld [tilespmem:s22+$0x1990]  }
0x183: {  	v63 =	vld [tilespmem:s22+$0x19A0]  }
0x184: {  	v55 =	vld [tilespmem:s22+$0x19B0]  }
0x185: {  	v60 =	vld [tilespmem:s22+$0x19C0]  }
0x186: {  	v58 =	vld [tilespmem:s22+$0x19E0];
	v51 =	vadd.f32 v61, v50  }
0x187: {  	v53 =	vld [tilespmem:s22+$0x1D90];
	v52 =	vadd.f32 v52, v49  }
0x188: {  	v54 =	vld [tilespmem:s22+$0x1DA0];
	v62 =	vadd.f32 v62, v48;
	[tilespmem:s22+$0x14DF0] =	vst v51  }
0x189: {  	v61 =	vld [tilespmem:s22+$0x19D0];
	v63 =	vadd.f32 v63, v47;
	[tilespmem:s22+$0x13980] =	vst v52  }
0x18a: {  	v59 =	vadd.f32 v55, v46;
	v55 =	vld [tilespmem:s22+$0x1DB0];
	[tilespmem:s22+$0x13990] =	vst v62  }
0x18b: {  	v60 =	vadd.f32 v60, v45;
	v52 =	vld [tilespmem:s22+$0x19F0];
	[tilespmem:s22+$0x139A0] =	vst v63  }
0x18c: {  	v53 =	vadd.f32 v53, v40;
	v51 =	vld [tilespmem:s22+$0x1D80];
	[tilespmem:s22+$0x139B0] =	vst v59  }
0x18d: {  	v54 =	vadd.f32 v54, v39;
	[tilespmem:s22+$0x139C0] =	vst v60;
	v63 =	vld [tilespmem:s22+$0x1DC0]  }
0x18e: {  	v62 =	vadd.f32 v58, v43;
	v60 =	vld [tilespmem:s22+$0x1DD0];
	[tilespmem:s22+$0x13D90] =	vst v53  }
0x18f: {  	v53 =	vld [tilespmem:s22+$0x2180];
	[tilespmem:s22+$0x13DA0] =	vst v54;
	v61 =	vadd.f32 v61, v44  }
0x190: {  	[tilespmem:s22+$0x139E0] =	vst v62;
	v62 =	vld [tilespmem:s22+$0x2190];
	v55 =	vadd.f32 v55, v38  }
0x191: {  	[tilespmem:s22+$0x139D0] =	vst v61;
	v52 =	vadd.f32 v52, v42;
	v61 =	vld [tilespmem:s22+$0x1DE0]  }
0x192: {  	v51 =	vadd.f32 v51, v41;
	v56 =	vadd.f32 v63, v37;
	[tilespmem:s22+$0x13DB0] =	vst v55;
	v63 =	vld [tilespmem:s22+$0x21A0]  }
0x193: {  	v57 =	vadd.f32 v60, v36;
	v60 =	vld [tilespmem:s22+$0x21B0];
	[tilespmem:s22+$0x139F0] =	vst v52  }
0x194: {  	[tilespmem:s22+$0x13D80] =	vst v51;
	v51 =	vld [tilespmem:s22+$0x1DF0]  }
0x195: {  	v53 =	vadd.f32 v53, v33;
	[tilespmem:s22+$0x13DC0] =	vst v56;
	v54 =	vadd.f32 v62, v32;
	v62 =	vld [tilespmem:s22+$0x21F0]  }
0x196: {  	[tilespmem:s22+$0x13DD0] =	vst v57;
	v52 =	vadd.f32 v61, v35;
	v61 =	vld [tilespmem:s22+$0x21C0]  }
0x197: {  	[tilespmem:s22+$0x14180] =	vst v53;
	v55 =	vadd.f32 v63, v31;
	v63 =	vld [tilespmem:s22+$0x2580]  }
0x198: {  	[tilespmem:s22+$0x14190] =	vst v54;
	v56 =	vadd.f32 v60, v30;
	v60 =	vld [tilespmem:s22+$0x2590]  }
0x199: {  	v51 =	vadd.f32 v51, v34;
	[tilespmem:s22+$0x13DE0] =	vst v52;
	v52 =	vld [tilespmem:s22+$0x21D0]  }
0x19a: {  	[tilespmem:s22+$0x141A0] =	vst v55;
	v53 =	vadd.f32 v62, v26;
	v62 =	vld [tilespmem:s22+$0x25D0]  }
0x19b: {  	[tilespmem:s22+$0x13DF0] =	vst v51;
	v51 =	vld [tilespmem:s22+$0x21E0]  }
0x19c: {  	[tilespmem:s22+$0x141B0] =	vst v56;
	v57 =	vadd.f32 v61, v29;
	v61 =	vld [tilespmem:s22+$0x25A0]  }
0x19d: {  	[tilespmem:s22+$0x141F0] =	vst v53;
	v54 =	vadd.f32 v63, v25;
	v63 =	vld [tilespmem:s22+$0x25E0]  }
0x19e: {  	v55 =	vadd.f32 v60, v24;
	v60 =	vld [tilespmem:s22+$0x25F0];
	[tilespmem:s22+$0x141C0] =	vst v57  }
0x19f: {  	v52 =	vadd.f32 v52, v28;
	v57 =	vld [tilespmem:s22+$0x25B0];
	[tilespmem:s22+$0x14580] =	vst v54  }
0x1a0: {  	[tilespmem:s22+$0x14590] =	vst v55;
	v51 =	vadd.f32 v51, v27  }
0x1a1: {  	[tilespmem:s22+$0x141D0] =	vst v52;
	v52 =	vld [tilespmem:s22+$0x25C0];
	v56 =	vadd.f32 v61, v23  }
0x1a2: {  	v61 =	vld [tilespmem:s22+$0x2980];
	v53 =	vadd.f32 v63, v19;
	[tilespmem:s22+$0x141E0] =	vst v51  }
0x1a3: {  	v63 =	vld [tilespmem:s22+$0x29C0];
	v54 =	vadd.f32 v60, v18;
	[tilespmem:s22+$0x145A0] =	vst v56  }
0x1a4: {  	v51 =	vadd.f32 v62, v20;
	v62 =	vld [tilespmem:s22+$0x29B0];
	v57 =	vadd.f32 v57, v22;
	[tilespmem:s22+$0x145E0] =	vst v53  }
0x1a5: {  	v56 =	vld [tilespmem:s22+$0x2990];
	[tilespmem:s22+$0x145F0] =	vst v54  }
0x1a6: {  	v52 =	vadd.f32 v52, v21;
	[tilespmem:s22+$0x145B0] =	vst v57;
	v57 =	vld [tilespmem:s22+$0x29A0]  }
0x1a7: {  	v58 =	vld [tilespmem:s22+$0x29D0];
	[tilespmem:s22+$0x145D0] =	vst v51;
	v60 =	vadd.f32 v61, v17  }
0x1a8: {  	v61 =	vld [tilespmem:s22+$0x29E0];
	v63 =	vadd.f32 v63, v13;
	[tilespmem:s22+$0x145C0] =	vst v52  }
0x1a9: {  	v55 =	vld [tilespmem:s22+$0x29F0];
	v62 =	vadd.f32 v62, v14;
	[tilespmem:s22+$0x14980] =	vst v60  }
0x1aa: {  	v53 =	vld [tilespmem:s22+$0x2D80];
	v56 =	vadd.f32 v56, v16;
	[tilespmem:s22+$0x149C0] =	vst v63  }
0x1ab: {  	v52 =	vld [tilespmem:s22+$0x2D90];
	[tilespmem:s22+$0x149B0] =	vst v62;
	v57 =	vadd.f32 v57, v15  }
0x1ac: {  	v51 =	vld [tilespmem:s22+$0x2DA0];
	[tilespmem:s22+$0x14990] =	vst v56;
	v56 =	vadd.f32 v58, v12  }
0x1ad: {  	s24 =	simm.s32 $0x2;
	s25 =	simm.s32 $0x0;
	v54 =	vld [tilespmem:s22+$0x2DB0];
	[tilespmem:s22+$0x149A0] =	vst v57;
	v57 =	vadd.f32 v61, v11  }
.LBB2_5:
0x1ae: {  	p0 =	sne.s32 s24, $0x1F;
	s25 =	smul.u32 $0x1800, s25;
	[tilespmem:s22+$0x149D0] =	vst v56;
	v55 =	vadd.f32 v55, v10;
	v56 =	vld [tilespmem:s22+$0x2DC0];
	s23 =	sadd.s32 $0x80, s23  }
0x1af: {  	s26 =	sand.u32 $0x380, s23;
	[tilespmem:s22+$0x149E0] =	vst v57;
	v53 =	vadd.f32 v53, v9;
	v57 =	vld [tilespmem:s22+$0x2DD0]  }
0x1b0: {  	s25 =	sor.u32 s26, s25;
	[tilespmem:s22+$0x149F0] =	vst v55;
	v52 =	vadd.f32 v52, v8;
	v55 =	vld [tilespmem:s22+$0x2DE0]  }
0x1b1: {  	v58 =	vld [tilespmem:s25+$0x2DF0];
	[tilespmem:s22+$0x14D80] =	vst v53;
	v51 =	vadd.f32 v51, v7  }
0x1b2: {  	v53 =	vld [tilespmem:s25+$0x1980];
	[tilespmem:s22+$0x14D90] =	vst v52;
	v52 =	vadd.f32 v54, v6  }
0x1b3: {  	v54 =	vld [tilespmem:s25+$0x1990];
	[tilespmem:s22+$0x14DA0] =	vst v51;
	v51 =	vadd.f32 v56, v5  }
0x1b4: {  	v56 =	vld [tilespmem:s25+$0x19A0];
	[tilespmem:s22+$0x14DB0] =	vst v52;
	v52 =	vadd.f32 v57, v3  }
0x1b5: {  	v57 =	vld [tilespmem:s25+$0x19B0];
	[tilespmem:s22+$0x14DC0] =	vst v51;
	v51 =	vadd.f32 v55, v4  }
0x1b6: {  	v55 =	vld [tilespmem:s25+$0x19C0];
	v58 =	vadd.f32 v58, v50;
	[tilespmem:s22+$0x14DD0] =	vst v52  }
0x1b7: {  	v52 =	vadd.f32 v53, v49;
	v53 =	vld [tilespmem:s25+$0x19D0];
	[tilespmem:s22+$0x14DE0] =	vst v51;
	s22 =	smov.u32 s25  }
0x1b8: {  	v51 =	vadd.f32 v54, v48;
	v54 =	vld [tilespmem:s22+$0x19E0];
	[tilespmem:s22+$0x14DF0] =	vst v58  }
0x1b9: {  	[tilespmem:s22+$0x13980] =	vst v52;
	v52 =	vadd.f32 v56, v47;
	v56 =	vld [tilespmem:s22+$0x19F0]  }
0x1ba: {  	[tilespmem:s22+$0x13990] =	vst v51;
	v51 =	vadd.f32 v57, v46;
	v57 =	vld [tilespmem:s22+$0x1D80]  }
0x1bb: {  	[tilespmem:s22+$0x139A0] =	vst v52;
	v52 =	vadd.f32 v55, v45;
	v55 =	vld [tilespmem:s22+$0x1D90]  }
0x1bc: {  	[tilespmem:s22+$0x139B0] =	vst v51;
	v51 =	vadd.f32 v53, v44;
	v53 =	vld [tilespmem:s22+$0x1DA0]  }
0x1bd: {  	[tilespmem:s22+$0x139C0] =	vst v52;
	v52 =	vadd.f32 v54, v43;
	v54 =	vld [tilespmem:s22+$0x1DB0]  }
0x1be: {  	[tilespmem:s22+$0x139D0] =	vst v51;
	v51 =	vadd.f32 v56, v42;
	v56 =	vld [tilespmem:s22+$0x1DC0]  }
0x1bf: {  	[tilespmem:s22+$0x139E0] =	vst v52;
	v52 =	vadd.f32 v57, v41;
	v57 =	vld [tilespmem:s22+$0x1DD0]  }
0x1c0: {  	[tilespmem:s22+$0x139F0] =	vst v51;
	v51 =	vadd.f32 v55, v40;
	v55 =	vld [tilespmem:s22+$0x1DE0]  }
0x1c1: {  	[tilespmem:s22+$0x13D80] =	vst v52;
	v52 =	vadd.f32 v53, v39;
	v53 =	vld [tilespmem:s22+$0x1DF0]  }
0x1c2: {  	[tilespmem:s22+$0x13D90] =	vst v51;
	v51 =	vadd.f32 v54, v38;
	v54 =	vld [tilespmem:s22+$0x2180]  }
0x1c3: {  	[tilespmem:s22+$0x13DA0] =	vst v52;
	v52 =	vadd.f32 v56, v37;
	v56 =	vld [tilespmem:s22+$0x2190]  }
0x1c4: {  	[tilespmem:s22+$0x13DB0] =	vst v51;
	v51 =	vadd.f32 v57, v36;
	v57 =	vld [tilespmem:s22+$0x21A0]  }
0x1c5: {  	[tilespmem:s22+$0x13DC0] =	vst v52;
	v52 =	vadd.f32 v55, v35;
	v55 =	vld [tilespmem:s22+$0x21B0]  }
0x1c6: {  	[tilespmem:s22+$0x13DD0] =	vst v51;
	v51 =	vadd.f32 v53, v34;
	v53 =	vld [tilespmem:s22+$0x21C0]  }
0x1c7: {  	[tilespmem:s22+$0x13DE0] =	vst v52;
	v52 =	vadd.f32 v54, v33;
	v54 =	vld [tilespmem:s22+$0x21D0]  }
0x1c8: {  	[tilespmem:s22+$0x13DF0] =	vst v51;
	v51 =	vadd.f32 v56, v32;
	v56 =	vld [tilespmem:s22+$0x21E0]  }
0x1c9: {  	[tilespmem:s22+$0x14180] =	vst v52;
	v52 =	vadd.f32 v57, v31;
	v57 =	vld [tilespmem:s22+$0x21F0]  }
0x1ca: {  	[tilespmem:s22+$0x14190] =	vst v51;
	v51 =	vadd.f32 v55, v30;
	v55 =	vld [tilespmem:s22+$0x2580]  }
0x1cb: {  	[tilespmem:s22+$0x141A0] =	vst v52;
	v52 =	vadd.f32 v53, v29;
	v53 =	vld [tilespmem:s22+$0x2590]  }
0x1cc: {  	[tilespmem:s22+$0x141B0] =	vst v51;
	v51 =	vadd.f32 v54, v28;
	v54 =	vld [tilespmem:s22+$0x25A0]  }
0x1cd: {  	[tilespmem:s22+$0x141C0] =	vst v52;
	v52 =	vadd.f32 v56, v27;
	v56 =	vld [tilespmem:s22+$0x25B0]  }
0x1ce: {  	[tilespmem:s22+$0x141D0] =	vst v51;
	v51 =	vadd.f32 v57, v26;
	v57 =	vld [tilespmem:s22+$0x25C0]  }
0x1cf: {  	[tilespmem:s22+$0x141E0] =	vst v52;
	v52 =	vadd.f32 v55, v25;
	v55 =	vld [tilespmem:s22+$0x25D0]  }
0x1d0: {  	[tilespmem:s22+$0x141F0] =	vst v51;
	v51 =	vadd.f32 v53, v24;
	v53 =	vld [tilespmem:s22+$0x25E0]  }
0x1d1: {  	[tilespmem:s22+$0x14580] =	vst v52;
	v52 =	vadd.f32 v54, v23;
	v54 =	vld [tilespmem:s22+$0x25F0]  }
0x1d2: {  	[tilespmem:s22+$0x14590] =	vst v51;
	v51 =	vadd.f32 v56, v22;
	v56 =	vld [tilespmem:s22+$0x2980]  }
0x1d3: {  	[tilespmem:s22+$0x145A0] =	vst v52;
	v52 =	vadd.f32 v57, v21;
	v57 =	vld [tilespmem:s22+$0x2990]  }
0x1d4: {  	[tilespmem:s22+$0x145B0] =	vst v51;
	v51 =	vadd.f32 v55, v20;
	v55 =	vld [tilespmem:s22+$0x29A0]  }
0x1d5: {  	[tilespmem:s22+$0x145C0] =	vst v52;
	v52 =	vadd.f32 v53, v19;
	v53 =	vld [tilespmem:s22+$0x29B0]  }
0x1d6: {  	[tilespmem:s22+$0x145D0] =	vst v51;
	v51 =	vadd.f32 v54, v18;
	v54 =	vld [tilespmem:s22+$0x29C0]  }
0x1d7: {  	[tilespmem:s22+$0x145E0] =	vst v52;
	v52 =	vadd.f32 v56, v17;
	v56 =	vld [tilespmem:s22+$0x29D0]  }
0x1d8: {  	[tilespmem:s22+$0x145F0] =	vst v51;
	v51 =	vadd.f32 v57, v16;
	v57 =	vld [tilespmem:s22+$0x29E0]  }
.Ltmp1:
0x1d9: {  	[tilespmem:s22+$0x14980] =	vst v52;
	v52 =	vadd.f32 v55, v15;
	v55 =	vld [tilespmem:s22+$0x29F0];
	(pc) =	sbr.rel @p0 .LBB2_5-.Ltmp1, $4  }
0x1da: {  	[tilespmem:s22+$0x14990] =	vst v51;
	v51 =	vadd.f32 v53, v14;
	v53 =	vld [tilespmem:s22+$0x2D80]  }
0x1db: {  	[tilespmem:s22+$0x149A0] =	vst v52;
	v54 =	vadd.f32 v54, v13;
	v52 =	vld [tilespmem:s22+$0x2D90]  }
0x1dc: {  	[tilespmem:s22+$0x149B0] =	vst v51;
	v56 =	vadd.f32 v56, v12;
	v51 =	vld [tilespmem:s22+$0x2DA0]  }
0x1dd: {  	s25 =	sshrl.u32 s24, $0x3;
	s24 =	sadd.s32 $0x1, s24;
	[tilespmem:s22+$0x149C0] =	vst v54;
	v57 =	vadd.f32 v57, v11;
	v54 =	vld [tilespmem:s22+$0x2DB0]  }
0x1de: {  	[tilespmem:s22+$0x149D0] =	vst v56;
	v60 =	vld [tilespmem:s22+$0x2DC0];
	v55 =	vadd.f32 v55, v10;
	s24 =	smul.u32 $0x1800, s25;
	s23 =	sadd.s32 $0x80, s23  }
0x1df: {  	v61 =	vld [tilespmem:s22+$0x2DD0];
	[tilespmem:s22+$0x149E0] =	vst v57;
	s23 =	sand.u32 $0x380, s23;
	v53 =	vadd.f32 v53, v9  }
0x1e0: {  	v62 =	vld [tilespmem:s22+$0x2DE0];
	[tilespmem:s22+$0x149F0] =	vst v55;
	s23 =	sor.u32 s23, s24;
	v52 =	vadd.f32 v52, v8  }
0x1e1: {  	v58 =	vld [tilespmem:s23+$0x2DF0];
	[tilespmem:s22+$0x14D80] =	vst v53;
	v51 =	vadd.f32 v51, v7  }
0x1e2: {  	v53 =	vld [tilespmem:s23+$0x1980];
	[tilespmem:s22+$0x14D90] =	vst v52;
	v54 =	vadd.f32 v54, v6  }
0x1e3: {  	v52 =	vld [tilespmem:s23+$0x1990];
	[tilespmem:s22+$0x14DA0] =	vst v51;
	v56 =	vadd.f32 v60, v5  }
0x1e4: {  	v57 =	vadd.f32 v61, v3;
	v51 =	vld [tilespmem:s23+$0x19A0];
	[tilespmem:s22+$0x14DB0] =	vst v54  }
0x1e5: {  	v55 =	vadd.f32 v62, v4;
	v54 =	vld [tilespmem:s23+$0x19B0];
	[tilespmem:s22+$0x14DC0] =	vst v56  }
0x1e6: {  	v56 =	vld [tilespmem:s23+$0x19C0];
	[tilespmem:s22+$0x14DD0] =	vst v57;
	v50 =	vadd.f32 v58, v50  }
0x1e7: {  	v57 =	vld [tilespmem:s23+$0x19D0];
	v49 =	vadd.f32 v53, v49;
	[tilespmem:s22+$0x14DE0] =	vst v55  }
0x1e8: {  	v48 =	vadd.f32 v52, v48;
	v63 =	vld [tilespmem:s23+$0x19E0];
	[tilespmem:s23+$0x14DF0] =	vst v50  }
0x1e9: {  	v58 =	vld [tilespmem:s23+$0x19F0];
	[tilespmem:s23+$0x13980] =	vst v49;
	v47 =	vadd.f32 v51, v47  }
0x1ea: {  	v59 =	vld [tilespmem:s23+$0x1D80];
	[tilespmem:s23+$0x13990] =	vst v48;
	v46 =	vadd.f32 v54, v46  }
0x1eb: {  	v60 =	vld [tilespmem:s23+$0x1D90];
	[tilespmem:s23+$0x139A0] =	vst v47;
	v45 =	vadd.f32 v56, v45  }
0x1ec: {  	v61 =	vld [tilespmem:s23+$0x1DA0];
	[tilespmem:s23+$0x139B0] =	vst v46;
	v44 =	vadd.f32 v57, v44  }
0x1ed: {  	v62 =	vld [tilespmem:s23+$0x1DB0];
	[tilespmem:s23+$0x139C0] =	vst v45;
	v43 =	vadd.f32 v63, v43  }
0x1ee: {  	v50 =	vld [tilespmem:s23+$0x1DE0];
	v42 =	vadd.f32 v58, v42;
	[tilespmem:s23+$0x139D0] =	vst v44  }
0x1ef: {  	v52 =	vld [tilespmem:s23+$0x2180];
	v41 =	vadd.f32 v59, v41;
	[tilespmem:s23+$0x139E0] =	vst v43  }
0x1f0: {  	v53 =	vld [tilespmem:s23+$0x2190];
	v40 =	vadd.f32 v60, v40;
	[tilespmem:s23+$0x139F0] =	vst v42  }
0x1f1: {  	v55 =	vld [tilespmem:s23+$0x21B0];
	v39 =	vadd.f32 v61, v39;
	[tilespmem:s23+$0x13D80] =	vst v41  }
0x1f2: {  	v49 =	vld [tilespmem:s23+$0x1DD0];
	v38 =	vadd.f32 v62, v38;
	[tilespmem:s23+$0x13D90] =	vst v40  }
0x1f3: {  	v51 =	vld [tilespmem:s23+$0x1DF0];
	v35 =	vadd.f32 v50, v35;
	[tilespmem:s23+$0x13DA0] =	vst v39  }
0x1f4: {  	v54 =	vld [tilespmem:s23+$0x21A0];
	v33 =	vadd.f32 v52, v33;
	[tilespmem:s23+$0x13DB0] =	vst v38  }
0x1f5: {  	v56 =	vld [tilespmem:s23+$0x21C0];
	v32 =	vadd.f32 v53, v32;
	[tilespmem:s23+$0x13DE0] =	vst v35  }
0x1f6: {  	v57 =	vld [tilespmem:s23+$0x21D0];
	v30 =	vadd.f32 v55, v30;
	[tilespmem:s23+$0x14180] =	vst v33  }
0x1f7: {  	v63 =	vld [tilespmem:s23+$0x1DC0];
	v36 =	vadd.f32 v49, v36;
	[tilespmem:s23+$0x14190] =	vst v32  }
0x1f8: {  	v58 =	vld [tilespmem:s23+$0x21E0];
	v34 =	vadd.f32 v51, v34;
	[tilespmem:s23+$0x141B0] =	vst v30  }
0x1f9: {  	v59 =	vld [tilespmem:s23+$0x21F0];
	v31 =	vadd.f32 v54, v31;
	[tilespmem:s23+$0x13DD0] =	vst v36  }
0x1fa: {  	v60 =	vld [tilespmem:s23+$0x2580];
	[tilespmem:s23+$0x13DF0] =	vst v34;
	v29 =	vadd.f32 v56, v29  }
0x1fb: {  	[tilespmem:s23+$0x141A0] =	vst v31;
	v31 =	vld [tilespmem:s23+$0x2590];
	v28 =	vadd.f32 v57, v28  }
0x1fc: {  	v30 =	vld [tilespmem:s23+$0x25A0];
	v37 =	vadd.f32 v63, v37;
	[tilespmem:s23+$0x141C0] =	vst v29  }
0x1fd: {  	v27 =	vadd.f32 v58, v27;
	v29 =	vld [tilespmem:s23+$0x25B0];
	[tilespmem:s23+$0x141D0] =	vst v28  }
0x1fe: {  	v26 =	vadd.f32 v59, v26;
	v28 =	vld [tilespmem:s23+$0x25C0];
	[tilespmem:s23+$0x13DC0] =	vst v37  }
0x1ff: {  	v25 =	vadd.f32 v60, v25;
	[tilespmem:s23+$0x141E0] =	vst v27;
	v27 =	vld [tilespmem:s23+$0x25D0]  }
0x200: {  	[tilespmem:s23+$0x141F0] =	vst v26;
	v26 =	vld [tilespmem:s23+$0x25E0];
	v24 =	vadd.f32 v31, v24  }
0x201: {  	[tilespmem:s23+$0x14580] =	vst v25;
	v23 =	vadd.f32 v30, v23;
	v25 =	vld [tilespmem:s23+$0x25F0]  }
0x202: {  	v22 =	vadd.f32 v29, v22;
	[tilespmem:s23+$0x14590] =	vst v24;
	v24 =	vld [tilespmem:s23+$0x2980]  }
0x203: {  	[tilespmem:s23+$0x145A0] =	vst v23;
	v23 =	vld [tilespmem:s23+$0x2990];
	v21 =	vadd.f32 v28, v21  }
0x204: {  	[tilespmem:s23+$0x145B0] =	vst v22;
	v20 =	vadd.f32 v27, v20;
	v22 =	vld [tilespmem:s23+$0x29A0]  }
0x205: {  	v19 =	vadd.f32 v26, v19;
	[tilespmem:s23+$0x145C0] =	vst v21;
	v21 =	vld [tilespmem:s23+$0x29B0]  }
0x206: {  	v18 =	vadd.f32 v25, v18;
	[tilespmem:s23+$0x145D0] =	vst v20;
	v20 =	vld [tilespmem:s23+$0x29C0]  }
0x207: {  	[tilespmem:s23+$0x145E0] =	vst v19;
	v19 =	vld [tilespmem:s23+$0x29D0];
	v17 =	vadd.f32 v24, v17  }
0x208: {  	[tilespmem:s23+$0x145F0] =	vst v18;
	v16 =	vadd.f32 v23, v16;
	v18 =	vld [tilespmem:s23+$0x29E0]  }
0x209: {  	v15 =	vadd.f32 v22, v15;
	[tilespmem:s23+$0x14980] =	vst v17;
	v17 =	vld [tilespmem:s23+$0x29F0]  }
0x20a: {  	[tilespmem:s23+$0x14990] =	vst v16;
	v16 =	vld [tilespmem:s23+$0x2D80];
	v14 =	vadd.f32 v21, v14  }
0x20b: {  	[tilespmem:s23+$0x149A0] =	vst v15;
	v13 =	vadd.f32 v20, v13;
	v15 =	vld [tilespmem:s23+$0x2D90]  }
0x20c: {  	v12 =	vadd.f32 v19, v12;
	[tilespmem:s23+$0x149B0] =	vst v14;
	v14 =	vld [tilespmem:s23+$0x2DA0]  }
0x20d: {  	v11 =	vadd.f32 v18, v11;
	[tilespmem:s23+$0x149C0] =	vst v13;
	v13 =	vld [tilespmem:s23+$0x2DB0]  }
0x20e: {  	[tilespmem:s23+$0x149D0] =	vst v12;
	v12 =	vld [tilespmem:s23+$0x2DC0];
	v10 =	vadd.f32 v17, v10  }
0x20f: {  	[tilespmem:s23+$0x149E0] =	vst v11;
	v9 =	vadd.f32 v16, v9;
	v11 =	vld [tilespmem:s23+$0x2DD0]  }
0x210: {  	v8 =	vadd.f32 v15, v8;
	[tilespmem:s23+$0x149F0] =	vst v10;
	v10 =	vld [tilespmem:s23+$0x2DE0]  }
0x211: {  	[tilespmem:s23+$0x14D80] =	vst v9;
	v7 =	vadd.f32 v14, v7  }
0x212: {  	[tilespmem:s23+$0x14D90] =	vst v8;
	v6 =	vadd.f32 v13, v6  }
0x213: {  	s21 =	sor.u32 s14, s21;
	v5 =	vadd.f32 v12, v5;
	[tilespmem:s23+$0x14DA0] =	vst v7  }
0x214: {  	s21 =	sshrl.u32 s21, $0x3;
	v3 =	vadd.f32 v11, v3;
	[tilespmem:s23+$0x14DB0] =	vst v6  }
0x215: {  	s21 =	smul.u32 $0x300, s21;
	[tilespmem:s23+$0x14DC0] =	vst v5;
	v4 =	vadd.f32 v10, v4  }
0x216: {  	[tilespmem:s23+$0x14DD0] =	vst v3  }
0x217: {  	s9 =	sor.u32 $0x1, s9;
	s21 =	sadd.s32 s4, s21;
	[tilespmem:s23+$0x14DE0] =	vst v4  }
0x218: {  	[hbm4b:s21+s5] =	stream.linear.scatter [tilespmem:s6], [sflag:$0x4], $0x6000, $0x38;
	[tilespmem:$0x19980] =	vst v63  }
0x219: {  	p0 =	sgt.u32 s9, $0x6;
	_ =	swait.ge [sflag:s20], $0x6000  }
0x21a: {  	s19 =	sadd.s32 @!p0 s19, s15;
	[sflag:s20] =	ssyncset.done $0x0  }
0x21b: {  	s22 =	simm.s32 @!p0 $0x80;
	s21 =	simm.s32 @!p0 $0x0;
	[sflag:s20] =	ssyncadd.s32 $0xFFFFA000  }
0x21c: {  	[tilespmem:s22], [sflag:$0x5] =	stream.linear.gather @!p0 [hbm4b:s19+s21], $0x20, $0x38;
	[tilespmem:$0x19980] =	vst v63  }
0x21d: {  	s19 =	simm.s32 @!p0 $0x5  }
0x21e: {  	_ =	swait.ge @!p0 [sflag:s19], $0x20  }
0x21f: {  	[sflag:s19] =	ssyncset.done @!p0 $0x0  }
0x220: {  	[sflag:s19] =	ssyncadd.s32 @!p0 $0xFFFFFFE0  }
0x221: {  	v3 =	vld @!p0 [tilespmem:$0x80];
	_ =	sdelay $0x4  }
0x222: {  	v4 =	vshrl.u32 @!p0 v3, $0x3  }
0x223: {  	v4 =	vmul.u32 @!p0 $0x30, v4  }
0x224: {  	v5 =	vlaneseq.u32 @!p0;
	v3 =	vand.u32 @!p0 $0x7, v3  }
0x225: {  	v6 =	vshrl.u32 @!p0 v5, $0x3;
	v3 =	vor.u32 @!p0 v3, v4;
	v4 =	vand.u32 @!p0 $0x7, v5  }
0x226: {  	v6 =	vmul.u32 @!p0 $0x8, v6;
	v7 =	vperm.xlane @!p0 v3, v4;
	_ =	sdelay $0x1  }
0x227: {  	v7 =	vadd.s32 @!p0 v6, v7;
	_ =	sdelay $0x2  }
0x228: {  	v5 =	vor.u32 @!p0 $0x8, v5  }
0x229: {  	vm1 =	vmmov @!p0 $0xffff;
	s19 =	simm.s32 @!p0 $0x1980;
	v3 =	vperm.xlane @!p0 v3, v5  }
0x22a: {  	[tilespmem:s19], [sflag:$0x2] =	stream.indirect_vreg.gather @!p0 [hbm4b:s3+s21], $0x80, v7, vm1, $0xb8;
	[tilespmem:$0x19980] =	vst v63  }
0x22b: {  	v3 =	vadd.s32 @!p0 v6, v3;
	s19 =	simm.s32 @!p0 $0x2180  }
0x22c: {  	[tilespmem:s19], [sflag:$0x2] =	stream.indirect_vreg.gather @!p0 [hbm4b:s10+s21], $0x80, v7, vm1, $0xb8;
	[tilespmem:$0x19980] =	vst v63  }
0x22d: {  	s19 =	simm.s32 @!p0 $0x2980  }
0x22e: {  	[tilespmem:s19], [sflag:$0x2] =	stream.indirect_vreg.gather @!p0 [hbm4b:s11+s21], $0x80, v7, vm1, $0xb8;
	[tilespmem:$0x19980] =	vst v63  }
0x22f: {  	s19 =	simm.s32 @!p0 $0x3180  }
0x230: {  	[tilespmem:s19], [sflag:$0x2] =	stream.indirect_vreg.gather @!p0 [hbm4b:s3+s21], $0x80, v3, vm1, $0xb8;
	[tilespmem:$0x19980] =	vst v63  }
0x231: {  	s19 =	simm.s32 @!p0 $0x3980  }
0x232: {  	[tilespmem:s19], [sflag:$0x2] =	stream.indirect_vreg.gather @!p0 [hbm4b:s10+s21], $0x80, v3, vm1, $0xb8;
	[tilespmem:$0x19980] =	vst v63  }
0x233: {  	s19 =	simm.s32 @!p0 $0x4180  }
0x234: {  	[tilespmem:s19], [sflag:$0x2] =	stream.indirect_vreg.gather @!p0 [hbm4b:s11+s21], $0x80, v3, vm1, $0xb8;
	[tilespmem:$0x19980] =	vst v63  }
0x235: {  	v3 =	vld @!p0 [tilespmem:$0x90];
	_ =	sdelay $0x4  }
0x236: {  	v7 =	vshrl.u32 @!p0 v3, $0x3  }
0x237: {  	v7 =	vmul.u32 @!p0 $0x30, v7  }
0x238: {  	v3 =	vand.u32 @!p0 $0x7, v3  }
0x239: {  	v3 =	vor.u32 @!p0 v3, v7  }
0x23a: {  	v4 =	vperm.xlane @!p0 v3, v4;
	_ =	sdelay $0x1  }
0x23b: {  	v4 =	vadd.s32 @!p0 v6, v4;
	_ =	sdelay $0x3  }
0x23c: {  	s19 =	simm.s32 @!p0 $0x4980;
	v3 =	vperm.xlane @!p0 v3, v5  }
0x23d: {  	[tilespmem:s19], [sflag:$0x2] =	stream.indirect_vreg.gather @!p0 [hbm4b:s3+s21], $0x80, v4, vm1, $0xb8;
	[tilespmem:$0x19980] =	vst v63  }
0x23e: {  	v3 =	vadd.s32 @!p0 v6, v3;
	s19 =	simm.s32 @!p0 $0x5180  }
0x23f: {  	[tilespmem:s19], [sflag:$0x2] =	stream.indirect_vreg.gather @!p0 [hbm4b:s10+s21], $0x80, v4, vm1, $0xb8;
	[tilespmem:$0x19980] =	vst v63  }
0x240: {  	s19 =	simm.s32 @!p0 $0x5980  }
0x241: {  	[tilespmem:s19], [sflag:$0x2] =	stream.indirect_vreg.gather @!p0 [hbm4b:s11+s21], $0x80, v4, vm1, $0xb8;
	[tilespmem:$0x19980] =	vst v63  }
0x242: {  	s19 =	simm.s32 @!p0 $0x6180  }
0x243: {  	[tilespmem:s19], [sflag:$0x2] =	stream.indirect_vreg.gather @!p0 [hbm4b:s3+s21], $0x80, v3, vm1, $0xb8;
	[tilespmem:$0x19980] =	vst v63  }
0x244: {  	s19 =	simm.s32 @!p0 $0x6980  }
0x245: {  	[tilespmem:s19], [sflag:$0x2] =	stream.indirect_vreg.gather @!p0 [hbm4b:s10+s21], $0x80, v3, vm1, $0xb8;
	[tilespmem:$0x19980] =	vst v63  }
0x246: {  	s19 =	simm.s32 @!p0 $0x7180  }
0x247: {  	[tilespmem:s19], [sflag:$0x2] =	stream.indirect_vreg.gather @!p0 [hbm4b:s11+s21], $0x80, v3, vm1, $0xb8;
	[tilespmem:$0x19980] =	vst v63  }
0x248: {  	_ =	swait.ge [sflag:s7], $0x6000  }
0x249: {  	[sflag:s7] =	ssyncset.done $0x0  }
0x24a: {  	[sflag:s7] =	ssyncadd.s32 $0xFFFFA000  }
0x24b: {  	v49 =	vld [tilespmem:$0x180]  }
0x24c: {  	v48 =	vld [tilespmem:$0x190]  }
0x24d: {  	v47 =	vld [tilespmem:$0x1A0]  }
0x24e: {  	v46 =	vld [tilespmem:$0x1B0]  }
0x24f: {  	v45 =	vld [tilespmem:$0x1C0]  }
0x250: {  	v44 =	vld [tilespmem:$0x1D0]  }
0x251: {  	v43 =	vld [tilespmem:$0x1E0]  }
0x252: {  	v42 =	vld [tilespmem:$0x1F0]  }
0x253: {  	v41 =	vld [tilespmem:$0x580]  }
0x254: {  	v40 =	vld [tilespmem:$0x590]  }
0x255: {  	v39 =	vld [tilespmem:$0x5A0]  }
0x256: {  	v38 =	vld [tilespmem:$0x5B0]  }
0x257: {  	v37 =	vld [tilespmem:$0x5C0]  }
0x258: {  	v36 =	vld [tilespmem:$0x5D0]  }
0x259: {  	v35 =	vld [tilespmem:$0x5E0]  }
0x25a: {  	v34 =	vld [tilespmem:$0x5F0]  }
0x25b: {  	v33 =	vld [tilespmem:$0x980]  }
0x25c: {  	v32 =	vld [tilespmem:$0x990]  }
0x25d: {  	v31 =	vld [tilespmem:$0x9A0]  }
0x25e: {  	v30 =	vld [tilespmem:$0x9B0]  }
0x25f: {  	v29 =	vld [tilespmem:$0x9C0]  }
0x260: {  	v28 =	vld [tilespmem:$0x9D0]  }
0x261: {  	v27 =	vld [tilespmem:$0x9E0]  }
0x262: {  	v26 =	vld [tilespmem:$0x9F0]  }
0x263: {  	v25 =	vld [tilespmem:$0xD80]  }
0x264: {  	v24 =	vld [tilespmem:$0xD90]  }
0x265: {  	v23 =	vld [tilespmem:$0xDA0]  }
0x266: {  	v22 =	vld [tilespmem:$0xDB0]  }
0x267: {  	v21 =	vld [tilespmem:$0xDC0]  }
0x268: {  	v20 =	vld [tilespmem:$0xDD0]  }
0x269: {  	v19 =	vld [tilespmem:$0xDE0]  }
0x26a: {  	v18 =	vld [tilespmem:$0xDF0]  }
0x26b: {  	v17 =	vld [tilespmem:$0x1180]  }
0x26c: {  	v16 =	vld [tilespmem:$0x1190]  }
0x26d: {  	v15 =	vld [tilespmem:$0x11A0]  }
0x26e: {  	v14 =	vld [tilespmem:$0x11B0]  }
0x26f: {  	v13 =	vld [tilespmem:$0x11C0]  }
0x270: {  	v12 =	vld [tilespmem:$0x11D0]  }
0x271: {  	v11 =	vld [tilespmem:$0x11E0]  }
0x272: {  	v10 =	vld [tilespmem:$0x11F0]  }
0x273: {  	v9 =	vld [tilespmem:$0x1580]  }
0x274: {  	v8 =	vld [tilespmem:$0x1590]  }
0x275: {  	v7 =	vld [tilespmem:$0x15A0]  }
0x276: {  	v6 =	vld [tilespmem:$0x15B0]  }
0x277: {  	s25 =	simm.s32 $0x0;
	v5 =	vld [tilespmem:$0x15C0]  }
0x278: {  	s21 =	simm.s32 $0x0;
	s19 =	smul.u32 $0x1800, s25;
	v3 =	vld [tilespmem:$0x15D0]  }
0x279: {  	s26 =	sand.u32 $0x380, s21;
	v4 =	vld [tilespmem:$0x15E0]  }
0x27a: {  	s19 =	sor.u32 s26, s19;
	v50 =	vld [tilespmem:$0x15F0]  }
0x27b: {  	v61 =	vld [tilespmem:s19+$0x8DF0]  }
0x27c: {  	v52 =	vld [tilespmem:s19+$0x7980]  }
0x27d: {  	v62 =	vld [tilespmem:s19+$0x7990]  }
0x27e: {  	v63 =	vld [tilespmem:s19+$0x79A0]  }
0x27f: {  	v55 =	vld [tilespmem:s19+$0x79B0]  }
0x280: {  	v60 =	vld [tilespmem:s19+$0x79C0]  }
0x281: {  	v58 =	vld [tilespmem:s19+$0x79E0];
	v51 =	vadd.f32 v61, v50  }
0x282: {  	v53 =	vld [tilespmem:s19+$0x7D90];
	v52 =	vadd.f32 v52, v49  }
0x283: {  	v54 =	vld [tilespmem:s19+$0x7DA0];
	v62 =	vadd.f32 v62, v48;
	[tilespmem:s19+$0xEDF0] =	vst v51  }
0x284: {  	v61 =	vld [tilespmem:s19+$0x79D0];
	v63 =	vadd.f32 v63, v47;
	[tilespmem:s19+$0xD980] =	vst v52  }
0x285: {  	v59 =	vadd.f32 v55, v46;
	v55 =	vld [tilespmem:s19+$0x7DB0];
	[tilespmem:s19+$0xD990] =	vst v62  }
0x286: {  	v60 =	vadd.f32 v60, v45;
	v52 =	vld [tilespmem:s19+$0x79F0];
	[tilespmem:s19+$0xD9A0] =	vst v63  }
0x287: {  	v53 =	vadd.f32 v53, v40;
	v51 =	vld [tilespmem:s19+$0x7D80];
	[tilespmem:s19+$0xD9B0] =	vst v59  }
0x288: {  	v54 =	vadd.f32 v54, v39;
	[tilespmem:s19+$0xD9C0] =	vst v60;
	v63 =	vld [tilespmem:s19+$0x7DC0]  }
0x289: {  	v62 =	vadd.f32 v58, v43;
	v60 =	vld [tilespmem:s19+$0x7DD0];
	[tilespmem:s19+$0xDD90] =	vst v53  }
0x28a: {  	v53 =	vld [tilespmem:s19+$0x8180];
	[tilespmem:s19+$0xDDA0] =	vst v54;
	v61 =	vadd.f32 v61, v44  }
0x28b: {  	[tilespmem:s19+$0xD9E0] =	vst v62;
	v62 =	vld [tilespmem:s19+$0x8190];
	v55 =	vadd.f32 v55, v38  }
0x28c: {  	[tilespmem:s19+$0xD9D0] =	vst v61;
	v52 =	vadd.f32 v52, v42;
	v61 =	vld [tilespmem:s19+$0x7DE0]  }
0x28d: {  	v51 =	vadd.f32 v51, v41;
	v56 =	vadd.f32 v63, v37;
	[tilespmem:s19+$0xDDB0] =	vst v55;
	v63 =	vld [tilespmem:s19+$0x81A0]  }
0x28e: {  	v57 =	vadd.f32 v60, v36;
	v60 =	vld [tilespmem:s19+$0x81B0];
	[tilespmem:s19+$0xD9F0] =	vst v52  }
0x28f: {  	[tilespmem:s19+$0xDD80] =	vst v51;
	v51 =	vld [tilespmem:s19+$0x7DF0]  }
0x290: {  	v53 =	vadd.f32 v53, v33;
	[tilespmem:s19+$0xDDC0] =	vst v56;
	v54 =	vadd.f32 v62, v32;
	v62 =	vld [tilespmem:s19+$0x81F0]  }
0x291: {  	[tilespmem:s19+$0xDDD0] =	vst v57;
	v52 =	vadd.f32 v61, v35;
	v61 =	vld [tilespmem:s19+$0x81C0]  }
0x292: {  	[tilespmem:s19+$0xE180] =	vst v53;
	v55 =	vadd.f32 v63, v31;
	v63 =	vld [tilespmem:s19+$0x8580]  }
0x293: {  	[tilespmem:s19+$0xE190] =	vst v54;
	v56 =	vadd.f32 v60, v30;
	v60 =	vld [tilespmem:s19+$0x8590]  }
0x294: {  	v51 =	vadd.f32 v51, v34;
	[tilespmem:s19+$0xDDE0] =	vst v52;
	v52 =	vld [tilespmem:s19+$0x81D0]  }
0x295: {  	[tilespmem:s19+$0xE1A0] =	vst v55;
	v53 =	vadd.f32 v62, v26;
	v62 =	vld [tilespmem:s19+$0x85D0]  }
0x296: {  	[tilespmem:s19+$0xDDF0] =	vst v51;
	v51 =	vld [tilespmem:s19+$0x81E0]  }
0x297: {  	[tilespmem:s19+$0xE1B0] =	vst v56;
	v57 =	vadd.f32 v61, v29;
	v61 =	vld [tilespmem:s19+$0x85A0]  }
0x298: {  	[tilespmem:s19+$0xE1F0] =	vst v53;
	v54 =	vadd.f32 v63, v25;
	v63 =	vld [tilespmem:s19+$0x85E0]  }
0x299: {  	v55 =	vadd.f32 v60, v24;
	v60 =	vld [tilespmem:s19+$0x85F0];
	[tilespmem:s19+$0xE1C0] =	vst v57  }
0x29a: {  	v52 =	vadd.f32 v52, v28;
	v57 =	vld [tilespmem:s19+$0x85B0];
	[tilespmem:s19+$0xE580] =	vst v54  }
0x29b: {  	[tilespmem:s19+$0xE590] =	vst v55;
	v51 =	vadd.f32 v51, v27  }
0x29c: {  	[tilespmem:s19+$0xE1D0] =	vst v52;
	v52 =	vld [tilespmem:s19+$0x85C0];
	v56 =	vadd.f32 v61, v23  }
0x29d: {  	v61 =	vld [tilespmem:s19+$0x8980];
	v53 =	vadd.f32 v63, v19;
	[tilespmem:s19+$0xE1E0] =	vst v51  }
0x29e: {  	v63 =	vld [tilespmem:s19+$0x89C0];
	v54 =	vadd.f32 v60, v18;
	[tilespmem:s19+$0xE5A0] =	vst v56  }
0x29f: {  	v51 =	vadd.f32 v62, v20;
	v62 =	vld [tilespmem:s19+$0x89B0];
	v57 =	vadd.f32 v57, v22;
	[tilespmem:s19+$0xE5E0] =	vst v53  }
0x2a0: {  	v56 =	vld [tilespmem:s19+$0x8990];
	[tilespmem:s19+$0xE5F0] =	vst v54  }
0x2a1: {  	v52 =	vadd.f32 v52, v21;
	[tilespmem:s19+$0xE5B0] =	vst v57;
	v57 =	vld [tilespmem:s19+$0x89A0]  }
0x2a2: {  	v58 =	vld [tilespmem:s19+$0x89D0];
	[tilespmem:s19+$0xE5D0] =	vst v51;
	v60 =	vadd.f32 v61, v17  }
0x2a3: {  	v61 =	vld [tilespmem:s19+$0x89E0];
	v63 =	vadd.f32 v63, v13;
	[tilespmem:s19+$0xE5C0] =	vst v52  }
0x2a4: {  	v55 =	vld [tilespmem:s19+$0x89F0];
	v62 =	vadd.f32 v62, v14;
	[tilespmem:s19+$0xE980] =	vst v60  }
0x2a5: {  	v53 =	vld [tilespmem:s19+$0x8D80];
	v56 =	vadd.f32 v56, v16;
	[tilespmem:s19+$0xE9C0] =	vst v63  }
0x2a6: {  	v52 =	vld [tilespmem:s19+$0x8D90];
	[tilespmem:s19+$0xE9B0] =	vst v62;
	v57 =	vadd.f32 v57, v15  }
0x2a7: {  	v51 =	vld [tilespmem:s19+$0x8DA0];
	[tilespmem:s19+$0xE990] =	vst v56;
	v56 =	vadd.f32 v58, v12  }
0x2a8: {  	s23 =	simm.s32 $0x0;
	s22 =	simm.s32 $0x2;
	v54 =	vld [tilespmem:s19+$0x8DB0];
	[tilespmem:s19+$0xE9A0] =	vst v57;
	v57 =	vadd.f32 v61, v11  }
.LBB2_7:
0x2a9: {  	p0 =	sne.s32 s22, $0x1F;
	s23 =	smul.u32 $0x1800, s23;
	[tilespmem:s19+$0xE9D0] =	vst v56;
	v55 =	vadd.f32 v55, v10;
	v56 =	vld [tilespmem:s19+$0x8DC0];
	s21 =	sadd.s32 $0x80, s21  }
0x2aa: {  	s24 =	sand.u32 $0x380, s21;
	[tilespmem:s19+$0xE9E0] =	vst v57;
	v53 =	vadd.f32 v53, v9;
	v57 =	vld [tilespmem:s19+$0x8DD0]  }
0x2ab: {  	s23 =	sor.u32 s24, s23;
	[tilespmem:s19+$0xE9F0] =	vst v55;
	v52 =	vadd.f32 v52, v8;
	v55 =	vld [tilespmem:s19+$0x8DE0]  }
0x2ac: {  	v58 =	vld [tilespmem:s23+$0x8DF0];
	[tilespmem:s19+$0xED80] =	vst v53;
	v51 =	vadd.f32 v51, v7  }
0x2ad: {  	v53 =	vld [tilespmem:s23+$0x7980];
	[tilespmem:s19+$0xED90] =	vst v52;
	v52 =	vadd.f32 v54, v6  }
0x2ae: {  	v54 =	vld [tilespmem:s23+$0x7990];
	[tilespmem:s19+$0xEDA0] =	vst v51;
	v51 =	vadd.f32 v56, v5  }
0x2af: {  	v56 =	vld [tilespmem:s23+$0x79A0];
	[tilespmem:s19+$0xEDB0] =	vst v52;
	v52 =	vadd.f32 v57, v3  }
0x2b0: {  	v57 =	vld [tilespmem:s23+$0x79B0];
	[tilespmem:s19+$0xEDC0] =	vst v51;
	v51 =	vadd.f32 v55, v4  }
0x2b1: {  	v55 =	vld [tilespmem:s23+$0x79C0];
	v58 =	vadd.f32 v58, v50;
	[tilespmem:s19+$0xEDD0] =	vst v52  }
0x2b2: {  	v52 =	vadd.f32 v53, v49;
	v53 =	vld [tilespmem:s23+$0x79D0];
	[tilespmem:s19+$0xEDE0] =	vst v51;
	s19 =	smov.u32 s23  }
0x2b3: {  	v51 =	vadd.f32 v54, v48;
	v54 =	vld [tilespmem:s19+$0x79E0];
	[tilespmem:s19+$0xEDF0] =	vst v58  }
0x2b4: {  	[tilespmem:s19+$0xD980] =	vst v52;
	v52 =	vadd.f32 v56, v47;
	v56 =	vld [tilespmem:s19+$0x79F0]  }
0x2b5: {  	[tilespmem:s19+$0xD990] =	vst v51;
	v51 =	vadd.f32 v57, v46;
	v57 =	vld [tilespmem:s19+$0x7D80]  }
0x2b6: {  	[tilespmem:s19+$0xD9A0] =	vst v52;
	v52 =	vadd.f32 v55, v45;
	v55 =	vld [tilespmem:s19+$0x7D90]  }
0x2b7: {  	[tilespmem:s19+$0xD9B0] =	vst v51;
	v51 =	vadd.f32 v53, v44;
	v53 =	vld [tilespmem:s19+$0x7DA0]  }
0x2b8: {  	[tilespmem:s19+$0xD9C0] =	vst v52;
	v52 =	vadd.f32 v54, v43;
	v54 =	vld [tilespmem:s19+$0x7DB0]  }
0x2b9: {  	[tilespmem:s19+$0xD9D0] =	vst v51;
	v51 =	vadd.f32 v56, v42;
	v56 =	vld [tilespmem:s19+$0x7DC0]  }
0x2ba: {  	[tilespmem:s19+$0xD9E0] =	vst v52;
	v52 =	vadd.f32 v57, v41;
	v57 =	vld [tilespmem:s19+$0x7DD0]  }
0x2bb: {  	[tilespmem:s19+$0xD9F0] =	vst v51;
	v51 =	vadd.f32 v55, v40;
	v55 =	vld [tilespmem:s19+$0x7DE0]  }
0x2bc: {  	[tilespmem:s19+$0xDD80] =	vst v52;
	v52 =	vadd.f32 v53, v39;
	v53 =	vld [tilespmem:s19+$0x7DF0]  }
0x2bd: {  	[tilespmem:s19+$0xDD90] =	vst v51;
	v51 =	vadd.f32 v54, v38;
	v54 =	vld [tilespmem:s19+$0x8180]  }
0x2be: {  	[tilespmem:s19+$0xDDA0] =	vst v52;
	v52 =	vadd.f32 v56, v37;
	v56 =	vld [tilespmem:s19+$0x8190]  }
0x2bf: {  	[tilespmem:s19+$0xDDB0] =	vst v51;
	v51 =	vadd.f32 v57, v36;
	v57 =	vld [tilespmem:s19+$0x81A0]  }
0x2c0: {  	[tilespmem:s19+$0xDDC0] =	vst v52;
	v52 =	vadd.f32 v55, v35;
	v55 =	vld [tilespmem:s19+$0x81B0]  }
0x2c1: {  	[tilespmem:s19+$0xDDD0] =	vst v51;
	v51 =	vadd.f32 v53, v34;
	v53 =	vld [tilespmem:s19+$0x81C0]  }
0x2c2: {  	[tilespmem:s19+$0xDDE0] =	vst v52;
	v52 =	vadd.f32 v54, v33;
	v54 =	vld [tilespmem:s19+$0x81D0]  }
0x2c3: {  	[tilespmem:s19+$0xDDF0] =	vst v51;
	v51 =	vadd.f32 v56, v32;
	v56 =	vld [tilespmem:s19+$0x81E0]  }
0x2c4: {  	[tilespmem:s19+$0xE180] =	vst v52;
	v52 =	vadd.f32 v57, v31;
	v57 =	vld [tilespmem:s19+$0x81F0]  }
0x2c5: {  	[tilespmem:s19+$0xE190] =	vst v51;
	v51 =	vadd.f32 v55, v30;
	v55 =	vld [tilespmem:s19+$0x8580]  }
0x2c6: {  	[tilespmem:s19+$0xE1A0] =	vst v52;
	v52 =	vadd.f32 v53, v29;
	v53 =	vld [tilespmem:s19+$0x8590]  }
0x2c7: {  	[tilespmem:s19+$0xE1B0] =	vst v51;
	v51 =	vadd.f32 v54, v28;
	v54 =	vld [tilespmem:s19+$0x85A0]  }
0x2c8: {  	[tilespmem:s19+$0xE1C0] =	vst v52;
	v52 =	vadd.f32 v56, v27;
	v56 =	vld [tilespmem:s19+$0x85B0]  }
0x2c9: {  	[tilespmem:s19+$0xE1D0] =	vst v51;
	v51 =	vadd.f32 v57, v26;
	v57 =	vld [tilespmem:s19+$0x85C0]  }
0x2ca: {  	[tilespmem:s19+$0xE1E0] =	vst v52;
	v52 =	vadd.f32 v55, v25;
	v55 =	vld [tilespmem:s19+$0x85D0]  }
0x2cb: {  	[tilespmem:s19+$0xE1F0] =	vst v51;
	v51 =	vadd.f32 v53, v24;
	v53 =	vld [tilespmem:s19+$0x85E0]  }
0x2cc: {  	[tilespmem:s19+$0xE580] =	vst v52;
	v52 =	vadd.f32 v54, v23;
	v54 =	vld [tilespmem:s19+$0x85F0]  }
0x2cd: {  	[tilespmem:s19+$0xE590] =	vst v51;
	v51 =	vadd.f32 v56, v22;
	v56 =	vld [tilespmem:s19+$0x8980]  }
0x2ce: {  	[tilespmem:s19+$0xE5A0] =	vst v52;
	v52 =	vadd.f32 v57, v21;
	v57 =	vld [tilespmem:s19+$0x8990]  }
0x2cf: {  	[tilespmem:s19+$0xE5B0] =	vst v51;
	v51 =	vadd.f32 v55, v20;
	v55 =	vld [tilespmem:s19+$0x89A0]  }
0x2d0: {  	[tilespmem:s19+$0xE5C0] =	vst v52;
	v52 =	vadd.f32 v53, v19;
	v53 =	vld [tilespmem:s19+$0x89B0]  }
0x2d1: {  	[tilespmem:s19+$0xE5D0] =	vst v51;
	v51 =	vadd.f32 v54, v18;
	v54 =	vld [tilespmem:s19+$0x89C0]  }
0x2d2: {  	[tilespmem:s19+$0xE5E0] =	vst v52;
	v52 =	vadd.f32 v56, v17;
	v56 =	vld [tilespmem:s19+$0x89D0]  }
0x2d3: {  	[tilespmem:s19+$0xE5F0] =	vst v51;
	v51 =	vadd.f32 v57, v16;
	v57 =	vld [tilespmem:s19+$0x89E0]  }
.Ltmp2:
0x2d4: {  	[tilespmem:s19+$0xE980] =	vst v52;
	v52 =	vadd.f32 v55, v15;
	v55 =	vld [tilespmem:s19+$0x89F0];
	(pc) =	sbr.rel @p0 .LBB2_7-.Ltmp2, $4  }
0x2d5: {  	[tilespmem:s19+$0xE990] =	vst v51;
	v51 =	vadd.f32 v53, v14;
	v53 =	vld [tilespmem:s19+$0x8D80]  }
0x2d6: {  	[tilespmem:s19+$0xE9A0] =	vst v52;
	v54 =	vadd.f32 v54, v13;
	v52 =	vld [tilespmem:s19+$0x8D90]  }
0x2d7: {  	[tilespmem:s19+$0xE9B0] =	vst v51;
	v56 =	vadd.f32 v56, v12;
	v51 =	vld [tilespmem:s19+$0x8DA0]  }
0x2d8: {  	s23 =	sshrl.u32 s22, $0x3;
	s22 =	sadd.s32 $0x1, s22;
	[tilespmem:s19+$0xE9C0] =	vst v54;
	v57 =	vadd.f32 v57, v11;
	v54 =	vld [tilespmem:s19+$0x8DB0]  }
0x2d9: {  	[tilespmem:s19+$0xE9D0] =	vst v56;
	v60 =	vld [tilespmem:s19+$0x8DC0];
	v55 =	vadd.f32 v55, v10;
	s22 =	smul.u32 $0x1800, s23;
	s21 =	sadd.s32 $0x80, s21  }
0x2da: {  	v61 =	vld [tilespmem:s19+$0x8DD0];
	[tilespmem:s19+$0xE9E0] =	vst v57;
	s21 =	sand.u32 $0x380, s21;
	v53 =	vadd.f32 v53, v9  }
0x2db: {  	v62 =	vld [tilespmem:s19+$0x8DE0];
	[tilespmem:s19+$0xE9F0] =	vst v55;
	s21 =	sor.u32 s21, s22;
	v52 =	vadd.f32 v52, v8  }
0x2dc: {  	v58 =	vld [tilespmem:s21+$0x8DF0];
	[tilespmem:s19+$0xED80] =	vst v53;
	v51 =	vadd.f32 v51, v7  }
0x2dd: {  	v53 =	vld [tilespmem:s21+$0x7980];
	[tilespmem:s19+$0xED90] =	vst v52;
	v54 =	vadd.f32 v54, v6  }
0x2de: {  	v52 =	vld [tilespmem:s21+$0x7990];
	[tilespmem:s19+$0xEDA0] =	vst v51;
	v56 =	vadd.f32 v60, v5  }
0x2df: {  	v57 =	vadd.f32 v61, v3;
	v51 =	vld [tilespmem:s21+$0x79A0];
	[tilespmem:s19+$0xEDB0] =	vst v54  }
0x2e0: {  	v55 =	vadd.f32 v62, v4;
	v54 =	vld [tilespmem:s21+$0x79B0];
	[tilespmem:s19+$0xEDC0] =	vst v56  }
0x2e1: {  	v56 =	vld [tilespmem:s21+$0x79C0];
	[tilespmem:s19+$0xEDD0] =	vst v57;
	v50 =	vadd.f32 v58, v50  }
0x2e2: {  	v57 =	vld [tilespmem:s21+$0x79D0];
	v49 =	vadd.f32 v53, v49;
	[tilespmem:s19+$0xEDE0] =	vst v55  }
0x2e3: {  	v48 =	vadd.f32 v52, v48;
	v63 =	vld [tilespmem:s21+$0x79E0];
	[tilespmem:s21+$0xEDF0] =	vst v50  }
0x2e4: {  	v58 =	vld [tilespmem:s21+$0x79F0];
	[tilespmem:s21+$0xD980] =	vst v49;
	v47 =	vadd.f32 v51, v47  }
0x2e5: {  	v59 =	vld [tilespmem:s21+$0x7D80];
	[tilespmem:s21+$0xD990] =	vst v48;
	v46 =	vadd.f32 v54, v46  }
0x2e6: {  	v60 =	vld [tilespmem:s21+$0x7D90];
	[tilespmem:s21+$0xD9A0] =	vst v47;
	v45 =	vadd.f32 v56, v45  }
0x2e7: {  	v61 =	vld [tilespmem:s21+$0x7DA0];
	[tilespmem:s21+$0xD9B0] =	vst v46;
	v44 =	vadd.f32 v57, v44  }
0x2e8: {  	v62 =	vld [tilespmem:s21+$0x7DB0];
	[tilespmem:s21+$0xD9C0] =	vst v45;
	v43 =	vadd.f32 v63, v43  }
0x2e9: {  	v50 =	vld [tilespmem:s21+$0x7DE0];
	v42 =	vadd.f32 v58, v42;
	[tilespmem:s21+$0xD9D0] =	vst v44  }
0x2ea: {  	v52 =	vld [tilespmem:s21+$0x8180];
	v41 =	vadd.f32 v59, v41;
	[tilespmem:s21+$0xD9E0] =	vst v43  }
0x2eb: {  	v53 =	vld [tilespmem:s21+$0x8190];
	v40 =	vadd.f32 v60, v40;
	[tilespmem:s21+$0xD9F0] =	vst v42  }
0x2ec: {  	v55 =	vld [tilespmem:s21+$0x81B0];
	v39 =	vadd.f32 v61, v39;
	[tilespmem:s21+$0xDD80] =	vst v41  }
0x2ed: {  	v49 =	vld [tilespmem:s21+$0x7DD0];
	v38 =	vadd.f32 v62, v38;
	[tilespmem:s21+$0xDD90] =	vst v40  }
0x2ee: {  	v51 =	vld [tilespmem:s21+$0x7DF0];
	v35 =	vadd.f32 v50, v35;
	[tilespmem:s21+$0xDDA0] =	vst v39  }
0x2ef: {  	v54 =	vld [tilespmem:s21+$0x81A0];
	v33 =	vadd.f32 v52, v33;
	[tilespmem:s21+$0xDDB0] =	vst v38  }
0x2f0: {  	v56 =	vld [tilespmem:s21+$0x81C0];
	v32 =	vadd.f32 v53, v32;
	[tilespmem:s21+$0xDDE0] =	vst v35  }
0x2f1: {  	v57 =	vld [tilespmem:s21+$0x81D0];
	v30 =	vadd.f32 v55, v30;
	[tilespmem:s21+$0xE180] =	vst v33  }
0x2f2: {  	v63 =	vld [tilespmem:s21+$0x7DC0];
	v36 =	vadd.f32 v49, v36;
	[tilespmem:s21+$0xE190] =	vst v32  }
0x2f3: {  	v58 =	vld [tilespmem:s21+$0x81E0];
	v34 =	vadd.f32 v51, v34;
	[tilespmem:s21+$0xE1B0] =	vst v30  }
0x2f4: {  	v59 =	vld [tilespmem:s21+$0x81F0];
	v31 =	vadd.f32 v54, v31;
	[tilespmem:s21+$0xDDD0] =	vst v36  }
0x2f5: {  	v60 =	vld [tilespmem:s21+$0x8580];
	[tilespmem:s21+$0xDDF0] =	vst v34;
	v29 =	vadd.f32 v56, v29  }
0x2f6: {  	[tilespmem:s21+$0xE1A0] =	vst v31;
	v31 =	vld [tilespmem:s21+$0x8590];
	v28 =	vadd.f32 v57, v28  }
0x2f7: {  	v30 =	vld [tilespmem:s21+$0x85A0];
	v37 =	vadd.f32 v63, v37;
	[tilespmem:s21+$0xE1C0] =	vst v29  }
0x2f8: {  	v27 =	vadd.f32 v58, v27;
	v29 =	vld [tilespmem:s21+$0x85B0];
	[tilespmem:s21+$0xE1D0] =	vst v28  }
0x2f9: {  	v26 =	vadd.f32 v59, v26;
	v28 =	vld [tilespmem:s21+$0x85C0];
	[tilespmem:s21+$0xDDC0] =	vst v37  }
0x2fa: {  	v25 =	vadd.f32 v60, v25;
	[tilespmem:s21+$0xE1E0] =	vst v27;
	v27 =	vld [tilespmem:s21+$0x85D0]  }
0x2fb: {  	[tilespmem:s21+$0xE1F0] =	vst v26;
	v26 =	vld [tilespmem:s21+$0x85E0];
	v24 =	vadd.f32 v31, v24  }
0x2fc: {  	[tilespmem:s21+$0xE580] =	vst v25;
	v23 =	vadd.f32 v30, v23;
	v25 =	vld [tilespmem:s21+$0x85F0]  }
0x2fd: {  	v22 =	vadd.f32 v29, v22;
	[tilespmem:s21+$0xE590] =	vst v24;
	v24 =	vld [tilespmem:s21+$0x8980]  }
0x2fe: {  	[tilespmem:s21+$0xE5A0] =	vst v23;
	v23 =	vld [tilespmem:s21+$0x8990];
	v21 =	vadd.f32 v28, v21  }
0x2ff: {  	[tilespmem:s21+$0xE5B0] =	vst v22;
	v20 =	vadd.f32 v27, v20;
	v22 =	vld [tilespmem:s21+$0x89A0]  }
0x300: {  	v19 =	vadd.f32 v26, v19;
	[tilespmem:s21+$0xE5C0] =	vst v21;
	v21 =	vld [tilespmem:s21+$0x89B0]  }
0x301: {  	v18 =	vadd.f32 v25, v18;
	[tilespmem:s21+$0xE5D0] =	vst v20;
	v20 =	vld [tilespmem:s21+$0x89C0]  }
0x302: {  	[tilespmem:s21+$0xE5E0] =	vst v19;
	v19 =	vld [tilespmem:s21+$0x89D0];
	v17 =	vadd.f32 v24, v17  }
0x303: {  	[tilespmem:s21+$0xE5F0] =	vst v18;
	v16 =	vadd.f32 v23, v16;
	v18 =	vld [tilespmem:s21+$0x89E0]  }
0x304: {  	v15 =	vadd.f32 v22, v15;
	[tilespmem:s21+$0xE980] =	vst v17;
	v17 =	vld [tilespmem:s21+$0x89F0]  }
0x305: {  	[tilespmem:s21+$0xE990] =	vst v16;
	v16 =	vld [tilespmem:s21+$0x8D80];
	v14 =	vadd.f32 v21, v14  }
0x306: {  	[tilespmem:s21+$0xE9A0] =	vst v15;
	v13 =	vadd.f32 v20, v13;
	v15 =	vld [tilespmem:s21+$0x8D90]  }
0x307: {  	v12 =	vadd.f32 v19, v12;
	[tilespmem:s21+$0xE9B0] =	vst v14;
	v14 =	vld [tilespmem:s21+$0x8DA0]  }
0x308: {  	v11 =	vadd.f32 v18, v11;
	[tilespmem:s21+$0xE9C0] =	vst v13;
	v13 =	vld [tilespmem:s21+$0x8DB0]  }
0x309: {  	[tilespmem:s21+$0xE9D0] =	vst v12;
	v12 =	vld [tilespmem:s21+$0x8DC0];
	v10 =	vadd.f32 v17, v10  }
0x30a: {  	[tilespmem:s21+$0xE9E0] =	vst v11;
	v9 =	vadd.f32 v16, v9;
	v11 =	vld [tilespmem:s21+$0x8DD0]  }
0x30b: {  	v8 =	vadd.f32 v15, v8;
	[tilespmem:s21+$0xE9F0] =	vst v10;
	v10 =	vld [tilespmem:s21+$0x8DE0]  }
0x30c: {  	[tilespmem:s21+$0xED80] =	vst v9;
	v7 =	vadd.f32 v14, v7  }
0x30d: {  	s9 =	sshll.u32 s9, $0x5;
	[tilespmem:s21+$0xED90] =	vst v8;
	v6 =	vadd.f32 v13, v6  }
0x30e: {  	s23 =	sor.u32 s13, s9;
	v5 =	vadd.f32 v12, v5;
	[tilespmem:s21+$0xEDA0] =	vst v7  }
0x30f: {  	s19 =	sshrl.u32 s23, $0x3;
	v3 =	vadd.f32 v11, v3;
	[tilespmem:s21+$0xEDB0] =	vst v6  }
0x310: {  	s19 =	smul.u32 $0x300, s19;
	[tilespmem:s21+$0xEDC0] =	vst v5;
	v4 =	vadd.f32 v10, v4  }
0x311: {  	[tilespmem:s21+$0xEDD0] =	vst v3  }
0x312: {  	s24 =	sadd.s32 s4, s19;
	s19 =	simm.s32 $0x0;
	[tilespmem:s21+$0xEDE0] =	vst v4  }
0x313: {  	[hbm4b:s24+s19] =	stream.linear.scatter [tilespmem:s1], [sflag:$0x3], $0x6000, $0x38;
	[tilespmem:$0x19980] =	vst v63  }
0x314: {  	_ =	swait.ge [sflag:s8], $0x6000  }
0x315: {  	[sflag:s8] =	ssyncset.done $0x0  }
0x316: {  	[sflag:s8] =	ssyncadd.s32 $0xFFFFA000  }
0x317: {  	v49 =	vld [tilespmem:$0x200]  }
0x318: {  	v48 =	vld [tilespmem:$0x210]  }
0x319: {  	v47 =	vld [tilespmem:$0x220]  }
0x31a: {  	v46 =	vld [tilespmem:$0x230]  }
0x31b: {  	v45 =	vld [tilespmem:$0x240]  }
0x31c: {  	v44 =	vld [tilespmem:$0x250]  }
0x31d: {  	v43 =	vld [tilespmem:$0x260]  }
0x31e: {  	v42 =	vld [tilespmem:$0x270]  }
0x31f: {  	v41 =	vld [tilespmem:$0x600]  }
0x320: {  	v40 =	vld [tilespmem:$0x610]  }
0x321: {  	v39 =	vld [tilespmem:$0x620]  }
0x322: {  	v38 =	vld [tilespmem:$0x630]  }
0x323: {  	v37 =	vld [tilespmem:$0x640]  }
0x324: {  	v36 =	vld [tilespmem:$0x650]  }
0x325: {  	v35 =	vld [tilespmem:$0x660]  }
0x326: {  	v34 =	vld [tilespmem:$0x670]  }
0x327: {  	v33 =	vld [tilespmem:$0xA00]  }
0x328: {  	v32 =	vld [tilespmem:$0xA10]  }
0x329: {  	v31 =	vld [tilespmem:$0xA20]  }
0x32a: {  	v30 =	vld [tilespmem:$0xA30]  }
0x32b: {  	v29 =	vld [tilespmem:$0xA40]  }
0x32c: {  	v28 =	vld [tilespmem:$0xA50]  }
0x32d: {  	v27 =	vld [tilespmem:$0xA60]  }
0x32e: {  	v26 =	vld [tilespmem:$0xA70]  }
0x32f: {  	v25 =	vld [tilespmem:$0xE00]  }
0x330: {  	v24 =	vld [tilespmem:$0xE10]  }
0x331: {  	v23 =	vld [tilespmem:$0xE20]  }
0x332: {  	v22 =	vld [tilespmem:$0xE30]  }
0x333: {  	v21 =	vld [tilespmem:$0xE40]  }
0x334: {  	v20 =	vld [tilespmem:$0xE50]  }
0x335: {  	v19 =	vld [tilespmem:$0xE60]  }
0x336: {  	v18 =	vld [tilespmem:$0xE70]  }
0x337: {  	v17 =	vld [tilespmem:$0x1200]  }
0x338: {  	v16 =	vld [tilespmem:$0x1210]  }
0x339: {  	v15 =	vld [tilespmem:$0x1220]  }
0x33a: {  	v14 =	vld [tilespmem:$0x1230]  }
0x33b: {  	v13 =	vld [tilespmem:$0x1240]  }
0x33c: {  	v12 =	vld [tilespmem:$0x1250]  }
0x33d: {  	v11 =	vld [tilespmem:$0x1260]  }
0x33e: {  	v10 =	vld [tilespmem:$0x1270]  }
0x33f: {  	v9 =	vld [tilespmem:$0x1600]  }
0x340: {  	v8 =	vld [tilespmem:$0x1610]  }
0x341: {  	v7 =	vld [tilespmem:$0x1620]  }
0x342: {  	v6 =	vld [tilespmem:$0x1630]  }
0x343: {  	s25 =	simm.s32 $0x0;
	v5 =	vld [tilespmem:$0x1640]  }
0x344: {  	s21 =	smul.u32 $0x1800, s25;
	v4 =	vld [tilespmem:$0x1650]  }
0x345: {  	s26 =	sand.u32 $0x380, s19;
	v3 =	vld [tilespmem:$0x1660]  }
0x346: {  	s21 =	sor.u32 s26, s21;
	v50 =	vld [tilespmem:$0x1670]  }
0x347: {  	v61 =	vld [tilespmem:s21+$0x8DF0]  }
0x348: {  	v52 =	vld [tilespmem:s21+$0x7980]  }
0x349: {  	v62 =	vld [tilespmem:s21+$0x7990]  }
0x34a: {  	v63 =	vld [tilespmem:s21+$0x79A0]  }
0x34b: {  	v55 =	vld [tilespmem:s21+$0x79B0]  }
0x34c: {  	v60 =	vld [tilespmem:s21+$0x79C0]  }
0x34d: {  	v58 =	vld [tilespmem:s21+$0x79E0];
	v51 =	vadd.f32 v61, v50  }
0x34e: {  	v53 =	vld [tilespmem:s21+$0x7D90];
	v52 =	vadd.f32 v52, v49  }
0x34f: {  	v54 =	vld [tilespmem:s21+$0x7DA0];
	v62 =	vadd.f32 v62, v48;
	[tilespmem:s21+$0x14DF0] =	vst v51  }
0x350: {  	v61 =	vld [tilespmem:s21+$0x79D0];
	v63 =	vadd.f32 v63, v47;
	[tilespmem:s21+$0x13980] =	vst v52  }
0x351: {  	v59 =	vadd.f32 v55, v46;
	v55 =	vld [tilespmem:s21+$0x7DB0];
	[tilespmem:s21+$0x13990] =	vst v62  }
0x352: {  	v60 =	vadd.f32 v60, v45;
	v52 =	vld [tilespmem:s21+$0x79F0];
	[tilespmem:s21+$0x139A0] =	vst v63  }
0x353: {  	v53 =	vadd.f32 v53, v40;
	v51 =	vld [tilespmem:s21+$0x7D80];
	[tilespmem:s21+$0x139B0] =	vst v59  }
0x354: {  	v54 =	vadd.f32 v54, v39;
	[tilespmem:s21+$0x139C0] =	vst v60;
	v63 =	vld [tilespmem:s21+$0x7DC0]  }
0x355: {  	v62 =	vadd.f32 v58, v43;
	v60 =	vld [tilespmem:s21+$0x7DD0];
	[tilespmem:s21+$0x13D90] =	vst v53  }
0x356: {  	v53 =	vld [tilespmem:s21+$0x8180];
	[tilespmem:s21+$0x13DA0] =	vst v54;
	v61 =	vadd.f32 v61, v44  }
0x357: {  	[tilespmem:s21+$0x139E0] =	vst v62;
	v62 =	vld [tilespmem:s21+$0x8190];
	v55 =	vadd.f32 v55, v38  }
0x358: {  	[tilespmem:s21+$0x139D0] =	vst v61;
	v52 =	vadd.f32 v52, v42;
	v61 =	vld [tilespmem:s21+$0x7DE0]  }
0x359: {  	v51 =	vadd.f32 v51, v41;
	v56 =	vadd.f32 v63, v37;
	[tilespmem:s21+$0x13DB0] =	vst v55;
	v63 =	vld [tilespmem:s21+$0x81A0]  }
0x35a: {  	v57 =	vadd.f32 v60, v36;
	v60 =	vld [tilespmem:s21+$0x81B0];
	[tilespmem:s21+$0x139F0] =	vst v52  }
0x35b: {  	[tilespmem:s21+$0x13D80] =	vst v51;
	v51 =	vld [tilespmem:s21+$0x7DF0]  }
0x35c: {  	v53 =	vadd.f32 v53, v33;
	[tilespmem:s21+$0x13DC0] =	vst v56;
	v54 =	vadd.f32 v62, v32;
	v62 =	vld [tilespmem:s21+$0x81F0]  }
0x35d: {  	[tilespmem:s21+$0x13DD0] =	vst v57;
	v52 =	vadd.f32 v61, v35;
	v61 =	vld [tilespmem:s21+$0x81C0]  }
0x35e: {  	[tilespmem:s21+$0x14180] =	vst v53;
	v55 =	vadd.f32 v63, v31;
	v63 =	vld [tilespmem:s21+$0x8580]  }
0x35f: {  	[tilespmem:s21+$0x14190] =	vst v54;
	v56 =	vadd.f32 v60, v30;
	v60 =	vld [tilespmem:s21+$0x8590]  }
0x360: {  	v51 =	vadd.f32 v51, v34;
	[tilespmem:s21+$0x13DE0] =	vst v52;
	v52 =	vld [tilespmem:s21+$0x81D0]  }
0x361: {  	[tilespmem:s21+$0x141A0] =	vst v55;
	v53 =	vadd.f32 v62, v26;
	v62 =	vld [tilespmem:s21+$0x85D0]  }
0x362: {  	[tilespmem:s21+$0x13DF0] =	vst v51;
	v51 =	vld [tilespmem:s21+$0x81E0]  }
0x363: {  	[tilespmem:s21+$0x141B0] =	vst v56;
	v57 =	vadd.f32 v61, v29;
	v61 =	vld [tilespmem:s21+$0x85A0]  }
0x364: {  	[tilespmem:s21+$0x141F0] =	vst v53;
	v54 =	vadd.f32 v63, v25;
	v63 =	vld [tilespmem:s21+$0x85E0]  }
0x365: {  	v55 =	vadd.f32 v60, v24;
	v60 =	vld [tilespmem:s21+$0x85F0];
	[tilespmem:s21+$0x141C0] =	vst v57  }
0x366: {  	v52 =	vadd.f32 v52, v28;
	v57 =	vld [tilespmem:s21+$0x85B0];
	[tilespmem:s21+$0x14580] =	vst v54  }
0x367: {  	[tilespmem:s21+$0x14590] =	vst v55;
	v51 =	vadd.f32 v51, v27  }
0x368: {  	[tilespmem:s21+$0x141D0] =	vst v52;
	v52 =	vld [tilespmem:s21+$0x85C0];
	v56 =	vadd.f32 v61, v23  }
0x369: {  	v61 =	vld [tilespmem:s21+$0x8980];
	v53 =	vadd.f32 v63, v19;
	[tilespmem:s21+$0x141E0] =	vst v51  }
0x36a: {  	v63 =	vld [tilespmem:s21+$0x89C0];
	v54 =	vadd.f32 v60, v18;
	[tilespmem:s21+$0x145A0] =	vst v56  }
0x36b: {  	v51 =	vadd.f32 v62, v20;
	v62 =	vld [tilespmem:s21+$0x89B0];
	v57 =	vadd.f32 v57, v22;
	[tilespmem:s21+$0x145E0] =	vst v53  }
0x36c: {  	v56 =	vld [tilespmem:s21+$0x8990];
	[tilespmem:s21+$0x145F0] =	vst v54  }
0x36d: {  	v52 =	vadd.f32 v52, v21;
	[tilespmem:s21+$0x145B0] =	vst v57;
	v57 =	vld [tilespmem:s21+$0x89A0]  }
0x36e: {  	v58 =	vld [tilespmem:s21+$0x89D0];
	[tilespmem:s21+$0x145D0] =	vst v51;
	v60 =	vadd.f32 v61, v17  }
0x36f: {  	v61 =	vld [tilespmem:s21+$0x89E0];
	v63 =	vadd.f32 v63, v13;
	[tilespmem:s21+$0x145C0] =	vst v52  }
0x370: {  	v55 =	vld [tilespmem:s21+$0x89F0];
	v62 =	vadd.f32 v62, v14;
	[tilespmem:s21+$0x14980] =	vst v60  }
0x371: {  	v53 =	vld [tilespmem:s21+$0x8D80];
	v56 =	vadd.f32 v56, v16;
	[tilespmem:s21+$0x149C0] =	vst v63  }
0x372: {  	v52 =	vld [tilespmem:s21+$0x8D90];
	[tilespmem:s21+$0x149B0] =	vst v62;
	v57 =	vadd.f32 v57, v15  }
0x373: {  	v51 =	vld [tilespmem:s21+$0x8DA0];
	[tilespmem:s21+$0x14990] =	vst v56;
	v56 =	vadd.f32 v58, v12  }
0x374: {  	s22 =	simm.s32 $0x2;
	s23 =	simm.s32 $0x0;
	v54 =	vld [tilespmem:s21+$0x8DB0];
	[tilespmem:s21+$0x149A0] =	vst v57;
	v57 =	vadd.f32 v61, v11  }
.LBB2_9:
0x375: {  	p0 =	sne.s32 s22, $0x1F;
	s23 =	smul.u32 $0x1800, s23;
	[tilespmem:s21+$0x149D0] =	vst v56;
	v55 =	vadd.f32 v55, v10;
	v56 =	vld [tilespmem:s21+$0x8DC0];
	s19 =	sadd.s32 $0x80, s19  }
0x376: {  	s24 =	sand.u32 $0x380, s19;
	[tilespmem:s21+$0x149E0] =	vst v57;
	v53 =	vadd.f32 v53, v9;
	v57 =	vld [tilespmem:s21+$0x8DD0]  }
0x377: {  	s23 =	sor.u32 s24, s23;
	[tilespmem:s21+$0x149F0] =	vst v55;
	v52 =	vadd.f32 v52, v8;
	v55 =	vld [tilespmem:s21+$0x8DE0]  }
0x378: {  	v58 =	vld [tilespmem:s23+$0x8DF0];
	[tilespmem:s21+$0x14D80] =	vst v53;
	v51 =	vadd.f32 v51, v7  }
0x379: {  	v53 =	vld [tilespmem:s23+$0x7980];
	[tilespmem:s21+$0x14D90] =	vst v52;
	v52 =	vadd.f32 v54, v6  }
0x37a: {  	v54 =	vld [tilespmem:s23+$0x7990];
	[tilespmem:s21+$0x14DA0] =	vst v51;
	v51 =	vadd.f32 v56, v5  }
0x37b: {  	v56 =	vld [tilespmem:s23+$0x79A0];
	[tilespmem:s21+$0x14DB0] =	vst v52;
	v52 =	vadd.f32 v57, v4  }
0x37c: {  	v57 =	vld [tilespmem:s23+$0x79B0];
	[tilespmem:s21+$0x14DC0] =	vst v51;
	v51 =	vadd.f32 v55, v3  }
0x37d: {  	v55 =	vld [tilespmem:s23+$0x79C0];
	v58 =	vadd.f32 v58, v50;
	[tilespmem:s21+$0x14DD0] =	vst v52  }
0x37e: {  	v52 =	vadd.f32 v53, v49;
	v53 =	vld [tilespmem:s23+$0x79D0];
	[tilespmem:s21+$0x14DE0] =	vst v51;
	s21 =	smov.u32 s23  }
0x37f: {  	v51 =	vadd.f32 v54, v48;
	v54 =	vld [tilespmem:s21+$0x79E0];
	[tilespmem:s21+$0x14DF0] =	vst v58  }
0x380: {  	[tilespmem:s21+$0x13980] =	vst v52;
	v52 =	vadd.f32 v56, v47;
	v56 =	vld [tilespmem:s21+$0x79F0]  }
0x381: {  	[tilespmem:s21+$0x13990] =	vst v51;
	v51 =	vadd.f32 v57, v46;
	v57 =	vld [tilespmem:s21+$0x7D80]  }
0x382: {  	[tilespmem:s21+$0x139A0] =	vst v52;
	v52 =	vadd.f32 v55, v45;
	v55 =	vld [tilespmem:s21+$0x7D90]  }
0x383: {  	[tilespmem:s21+$0x139B0] =	vst v51;
	v51 =	vadd.f32 v53, v44;
	v53 =	vld [tilespmem:s21+$0x7DA0]  }
0x384: {  	[tilespmem:s21+$0x139C0] =	vst v52;
	v52 =	vadd.f32 v54, v43;
	v54 =	vld [tilespmem:s21+$0x7DB0]  }
0x385: {  	[tilespmem:s21+$0x139D0] =	vst v51;
	v51 =	vadd.f32 v56, v42;
	v56 =	vld [tilespmem:s21+$0x7DC0]  }
0x386: {  	[tilespmem:s21+$0x139E0] =	vst v52;
	v52 =	vadd.f32 v57, v41;
	v57 =	vld [tilespmem:s21+$0x7DD0]  }
0x387: {  	[tilespmem:s21+$0x139F0] =	vst v51;
	v51 =	vadd.f32 v55, v40;
	v55 =	vld [tilespmem:s21+$0x7DE0]  }
0x388: {  	[tilespmem:s21+$0x13D80] =	vst v52;
	v52 =	vadd.f32 v53, v39;
	v53 =	vld [tilespmem:s21+$0x7DF0]  }
0x389: {  	[tilespmem:s21+$0x13D90] =	vst v51;
	v51 =	vadd.f32 v54, v38;
	v54 =	vld [tilespmem:s21+$0x8180]  }
0x38a: {  	[tilespmem:s21+$0x13DA0] =	vst v52;
	v52 =	vadd.f32 v56, v37;
	v56 =	vld [tilespmem:s21+$0x8190]  }
0x38b: {  	[tilespmem:s21+$0x13DB0] =	vst v51;
	v51 =	vadd.f32 v57, v36;
	v57 =	vld [tilespmem:s21+$0x81A0]  }
0x38c: {  	[tilespmem:s21+$0x13DC0] =	vst v52;
	v52 =	vadd.f32 v55, v35;
	v55 =	vld [tilespmem:s21+$0x81B0]  }
0x38d: {  	[tilespmem:s21+$0x13DD0] =	vst v51;
	v51 =	vadd.f32 v53, v34;
	v53 =	vld [tilespmem:s21+$0x81C0]  }
0x38e: {  	[tilespmem:s21+$0x13DE0] =	vst v52;
	v52 =	vadd.f32 v54, v33;
	v54 =	vld [tilespmem:s21+$0x81D0]  }
0x38f: {  	[tilespmem:s21+$0x13DF0] =	vst v51;
	v51 =	vadd.f32 v56, v32;
	v56 =	vld [tilespmem:s21+$0x81E0]  }
0x390: {  	[tilespmem:s21+$0x14180] =	vst v52;
	v52 =	vadd.f32 v57, v31;
	v57 =	vld [tilespmem:s21+$0x81F0]  }
0x391: {  	[tilespmem:s21+$0x14190] =	vst v51;
	v51 =	vadd.f32 v55, v30;
	v55 =	vld [tilespmem:s21+$0x8580]  }
0x392: {  	[tilespmem:s21+$0x141A0] =	vst v52;
	v52 =	vadd.f32 v53, v29;
	v53 =	vld [tilespmem:s21+$0x8590]  }
0x393: {  	[tilespmem:s21+$0x141B0] =	vst v51;
	v51 =	vadd.f32 v54, v28;
	v54 =	vld [tilespmem:s21+$0x85A0]  }
0x394: {  	[tilespmem:s21+$0x141C0] =	vst v52;
	v52 =	vadd.f32 v56, v27;
	v56 =	vld [tilespmem:s21+$0x85B0]  }
0x395: {  	[tilespmem:s21+$0x141D0] =	vst v51;
	v51 =	vadd.f32 v57, v26;
	v57 =	vld [tilespmem:s21+$0x85C0]  }
0x396: {  	[tilespmem:s21+$0x141E0] =	vst v52;
	v52 =	vadd.f32 v55, v25;
	v55 =	vld [tilespmem:s21+$0x85D0]  }
0x397: {  	[tilespmem:s21+$0x141F0] =	vst v51;
	v51 =	vadd.f32 v53, v24;
	v53 =	vld [tilespmem:s21+$0x85E0]  }
0x398: {  	[tilespmem:s21+$0x14580] =	vst v52;
	v52 =	vadd.f32 v54, v23;
	v54 =	vld [tilespmem:s21+$0x85F0]  }
0x399: {  	[tilespmem:s21+$0x14590] =	vst v51;
	v51 =	vadd.f32 v56, v22;
	v56 =	vld [tilespmem:s21+$0x8980]  }
0x39a: {  	[tilespmem:s21+$0x145A0] =	vst v52;
	v52 =	vadd.f32 v57, v21;
	v57 =	vld [tilespmem:s21+$0x8990]  }
0x39b: {  	[tilespmem:s21+$0x145B0] =	vst v51;
	v51 =	vadd.f32 v55, v20;
	v55 =	vld [tilespmem:s21+$0x89A0]  }
0x39c: {  	[tilespmem:s21+$0x145C0] =	vst v52;
	v52 =	vadd.f32 v53, v19;
	v53 =	vld [tilespmem:s21+$0x89B0]  }
0x39d: {  	[tilespmem:s21+$0x145D0] =	vst v51;
	v51 =	vadd.f32 v54, v18;
	v54 =	vld [tilespmem:s21+$0x89C0]  }
0x39e: {  	[tilespmem:s21+$0x145E0] =	vst v52;
	v52 =	vadd.f32 v56, v17;
	v56 =	vld [tilespmem:s21+$0x89D0]  }
0x39f: {  	[tilespmem:s21+$0x145F0] =	vst v51;
	v51 =	vadd.f32 v57, v16;
	v57 =	vld [tilespmem:s21+$0x89E0]  }
.Ltmp3:
0x3a0: {  	[tilespmem:s21+$0x14980] =	vst v52;
	v52 =	vadd.f32 v55, v15;
	v55 =	vld [tilespmem:s21+$0x89F0];
	(pc) =	sbr.rel @p0 .LBB2_9-.Ltmp3, $4  }
0x3a1: {  	[tilespmem:s21+$0x14990] =	vst v51;
	v51 =	vadd.f32 v53, v14;
	v53 =	vld [tilespmem:s21+$0x8D80]  }
0x3a2: {  	[tilespmem:s21+$0x149A0] =	vst v52;
	v54 =	vadd.f32 v54, v13;
	v52 =	vld [tilespmem:s21+$0x8D90]  }
0x3a3: {  	[tilespmem:s21+$0x149B0] =	vst v51;
	v56 =	vadd.f32 v56, v12;
	v51 =	vld [tilespmem:s21+$0x8DA0]  }
0x3a4: {  	s23 =	sshrl.u32 s22, $0x3;
	s22 =	sadd.s32 $0x1, s22;
	[tilespmem:s21+$0x149C0] =	vst v54;
	v57 =	vadd.f32 v57, v11;
	v54 =	vld [tilespmem:s21+$0x8DB0]  }
0x3a5: {  	[tilespmem:s21+$0x149D0] =	vst v56;
	v61 =	vld [tilespmem:s21+$0x8DC0];
	v55 =	vadd.f32 v55, v10;
	s22 =	smul.u32 $0x1800, s23;
	s19 =	sadd.s32 $0x80, s19  }
0x3a6: {  	v62 =	vld [tilespmem:s21+$0x8DD0];
	[tilespmem:s21+$0x149E0] =	vst v57;
	s19 =	sand.u32 $0x380, s19;
	v53 =	vadd.f32 v53, v9  }
0x3a7: {  	v63 =	vld [tilespmem:s21+$0x8DE0];
	[tilespmem:s21+$0x149F0] =	vst v55;
	s19 =	sor.u32 s19, s22;
	v52 =	vadd.f32 v52, v8  }
0x3a8: {  	v58 =	vld [tilespmem:s19+$0x8DF0];
	[tilespmem:s21+$0x14D80] =	vst v53;
	v51 =	vadd.f32 v51, v7  }
0x3a9: {  	v53 =	vld [tilespmem:s19+$0x7980];
	[tilespmem:s21+$0x14D90] =	vst v52;
	v54 =	vadd.f32 v54, v6  }
0x3aa: {  	v52 =	vld [tilespmem:s19+$0x7990];
	[tilespmem:s21+$0x14DA0] =	vst v51;
	v56 =	vadd.f32 v61, v5  }
0x3ab: {  	v57 =	vadd.f32 v62, v4;
	v51 =	vld [tilespmem:s19+$0x79A0];
	[tilespmem:s21+$0x14DB0] =	vst v54  }
0x3ac: {  	v55 =	vadd.f32 v63, v3;
	v54 =	vld [tilespmem:s19+$0x79B0];
	[tilespmem:s21+$0x14DC0] =	vst v56  }
0x3ad: {  	v56 =	vld [tilespmem:s19+$0x79C0];
	[tilespmem:s21+$0x14DD0] =	vst v57;
	v50 =	vadd.f32 v58, v50  }
0x3ae: {  	v57 =	vld [tilespmem:s19+$0x79D0];
	v49 =	vadd.f32 v53, v49;
	[tilespmem:s21+$0x14DE0] =	vst v55  }
0x3af: {  	v48 =	vadd.f32 v52, v48;
	v58 =	vld [tilespmem:s19+$0x79E0];
	[tilespmem:s19+$0x14DF0] =	vst v50  }
0x3b0: {  	v59 =	vld [tilespmem:s19+$0x79F0];
	[tilespmem:s19+$0x13980] =	vst v49;
	v47 =	vadd.f32 v51, v47  }
0x3b1: {  	v60 =	vld [tilespmem:s19+$0x7D80];
	[tilespmem:s19+$0x13990] =	vst v48;
	v46 =	vadd.f32 v54, v46  }
0x3b2: {  	v61 =	vld [tilespmem:s19+$0x7D90];
	[tilespmem:s19+$0x139A0] =	vst v47;
	v45 =	vadd.f32 v56, v45  }
0x3b3: {  	v62 =	vld [tilespmem:s19+$0x7DA0];
	[tilespmem:s19+$0x139B0] =	vst v46;
	v44 =	vadd.f32 v57, v44  }
0x3b4: {  	v63 =	vld [tilespmem:s19+$0x7DB0];
	[tilespmem:s19+$0x139C0] =	vst v45;
	v43 =	vadd.f32 v58, v43  }
0x3b5: {  	v50 =	vld [tilespmem:s19+$0x7DC0];
	v42 =	vadd.f32 v59, v42;
	[tilespmem:s19+$0x139D0] =	vst v44  }
0x3b6: {  	v52 =	vld [tilespmem:s19+$0x7DE0];
	v41 =	vadd.f32 v60, v41;
	[tilespmem:s19+$0x139E0] =	vst v43  }
0x3b7: {  	v53 =	vld [tilespmem:s19+$0x7DF0];
	v40 =	vadd.f32 v61, v40;
	[tilespmem:s19+$0x139F0] =	vst v42  }
0x3b8: {  	v55 =	vld [tilespmem:s19+$0x8190];
	v39 =	vadd.f32 v62, v39;
	[tilespmem:s19+$0x13D80] =	vst v41  }
0x3b9: {  	v51 =	vld [tilespmem:s19+$0x7DD0];
	v38 =	vadd.f32 v63, v38;
	[tilespmem:s19+$0x13D90] =	vst v40  }
0x3ba: {  	v54 =	vld [tilespmem:s19+$0x8180];
	v37 =	vadd.f32 v50, v37;
	[tilespmem:s19+$0x13DA0] =	vst v39  }
0x3bb: {  	v48 =	vld [tilespmem:s19+$0x89E0];
	v35 =	vadd.f32 v52, v35;
	[tilespmem:s19+$0x13DB0] =	vst v38  }
0x3bc: {  	v49 =	vld [tilespmem:s19+$0x89F0];
	v34 =	vadd.f32 v53, v34;
	[tilespmem:s19+$0x13DC0] =	vst v37  }
0x3bd: {  	v56 =	vld [tilespmem:s19+$0x81A0];
	v32 =	vadd.f32 v55, v32;
	[tilespmem:s19+$0x13DE0] =	vst v35  }
0x3be: {  	v47 =	vld [tilespmem:s19+$0x89D0];
	v36 =	vadd.f32 v51, v36;
	[tilespmem:s19+$0x13DF0] =	vst v34  }
0x3bf: {  	v57 =	vld [tilespmem:s19+$0x81B0];
	v33 =	vadd.f32 v54, v33;
	[tilespmem:s19+$0x14190] =	vst v32  }
0x3c0: {  	v46 =	vld [tilespmem:s19+$0x89C0];
	v11 =	vadd.f32 v48, v11;
	[tilespmem:s19+$0x13DD0] =	vst v36  }
0x3c1: {  	v58 =	vld [tilespmem:s19+$0x81C0];
	v54 =	vadd.f32 v49, v10;
	[tilespmem:s19+$0x14180] =	vst v33  }
0x3c2: {  	v59 =	vld [tilespmem:s19+$0x81D0];
	v31 =	vadd.f32 v56, v31;
	[tilespmem:s19+$0x149E0] =	vst v11  }
0x3c3: {  	v60 =	vld [tilespmem:s19+$0x81E0];
	v12 =	vadd.f32 v47, v12;
	[tilespmem:s19+$0x149F0] =	vst v54  }
0x3c4: {  	v61 =	vld [tilespmem:s19+$0x81F0];
	v30 =	vadd.f32 v57, v30;
	[tilespmem:s19+$0x141A0] =	vst v31  }
0x3c5: {  	v62 =	vld [tilespmem:s19+$0x8580];
	v13 =	vadd.f32 v46, v13;
	[tilespmem:s19+$0x149D0] =	vst v12  }
0x3c6: {  	v63 =	vld [tilespmem:s19+$0x8590];
	v29 =	vadd.f32 v58, v29;
	[tilespmem:s19+$0x141B0] =	vst v30  }
0x3c7: {  	v45 =	vld [tilespmem:s19+$0x89B0];
	v28 =	vadd.f32 v59, v28;
	[tilespmem:s19+$0x149C0] =	vst v13  }
0x3c8: {  	v50 =	vld [tilespmem:s19+$0x8D80];
	v27 =	vadd.f32 v60, v27;
	[tilespmem:s19+$0x141C0] =	vst v29  }
0x3c9: {  	v52 =	vld [tilespmem:s19+$0x8DA0];
	v26 =	vadd.f32 v61, v26;
	[tilespmem:s19+$0x141D0] =	vst v28  }
0x3ca: {  	v53 =	vld [tilespmem:s19+$0x8DB0];
	v25 =	vadd.f32 v62, v25;
	[tilespmem:s19+$0x141E0] =	vst v27  }
0x3cb: {  	v55 =	vld [tilespmem:s19+$0x8DC0];
	v24 =	vadd.f32 v63, v24;
	[tilespmem:s19+$0x141F0] =	vst v26  }
0x3cc: {  	v44 =	vld [tilespmem:s19+$0x89A0];
	v14 =	vadd.f32 v45, v14;
	[tilespmem:s19+$0x14580] =	vst v25  }
0x3cd: {  	v51 =	vld [tilespmem:s19+$0x8D90];
	v56 =	vadd.f32 v50, v9;
	[tilespmem:s19+$0x14590] =	vst v24  }
0x3ce: {  	v37 =	vld [tilespmem:s19+$0x85B0];
	v60 =	vadd.f32 v52, v7;
	[tilespmem:s19+$0x149B0] =	vst v14  }
0x3cf: {  	v38 =	vld [tilespmem:s19+$0x85C0];
	v61 =	vadd.f32 v53, v6;
	[tilespmem:s19+$0x14D80] =	vst v56  }
0x3d0: {  	v39 =	vld [tilespmem:s19+$0x85D0];
	v62 =	vadd.f32 v55, v5;
	[tilespmem:s19+$0x14DA0] =	vst v60  }
0x3d1: {  	v40 =	vld [tilespmem:s19+$0x85E0];
	v15 =	vadd.f32 v44, v15;
	[tilespmem:s19+$0x14DB0] =	vst v61  }
0x3d2: {  	v41 =	vld [tilespmem:s19+$0x85F0];
	v58 =	vadd.f32 v51, v8;
	[tilespmem:s19+$0x14DC0] =	vst v62  }
0x3d3: {  	v42 =	vld [tilespmem:s19+$0x8980];
	v22 =	vadd.f32 v37, v22;
	[tilespmem:s19+$0x149A0] =	vst v15  }
0x3d4: {  	v43 =	vld [tilespmem:s19+$0x8990];
	v21 =	vadd.f32 v38, v21;
	[tilespmem:s19+$0x14D90] =	vst v58  }
0x3d5: {  	v36 =	vld [tilespmem:s19+$0x85A0];
	v20 =	vadd.f32 v39, v20;
	[tilespmem:s19+$0x145B0] =	vst v22  }
0x3d6: {  	v57 =	vld [tilespmem:s19+$0x8DD0];
	v19 =	vadd.f32 v40, v19;
	[tilespmem:s19+$0x145C0] =	vst v21  }
0x3d7: {  	v59 =	vld [tilespmem:s19+$0x8DE0];
	v18 =	vadd.f32 v41, v18;
	[tilespmem:s19+$0x145D0] =	vst v20  }
0x3d8: {  	v17 =	vadd.f32 v42, v17;
	[tilespmem:s19+$0x145E0] =	vst v19  }
0x3d9: {  	s16 =	sadd.s32 $0x1, s16;
	v16 =	vadd.f32 v43, v16;
	[tilespmem:s19+$0x145F0] =	vst v18  }
0x3da: {  	s9 =	sor.u32 s14, s9;
	p0 =	sne.s32 s16, $0x4;
	v23 =	vadd.f32 v36, v23;
	[tilespmem:s19+$0x14980] =	vst v17  }
.Ltmp4:
0x3db: {  	s9 =	sshrl.u32 s9, $0x3;
	[tilespmem:s19+$0x14990] =	vst v16;
	v63 =	vadd.f32 v57, v4;
	(pc) =	sbr.rel @p0 .LBB2_2-.Ltmp4, $4  }
0x3dc: {  	s9 =	smul.u32 $0x300, s9;
	[tilespmem:s19+$0x145A0] =	vst v23;
	v3 =	vadd.f32 v59, v3  }
0x3dd: {  	[tilespmem:s19+$0x14DD0] =	vst v63  }
0x3de: {  	s9 =	sadd.s32 s4, s9;
	[tilespmem:s19+$0x14DE0] =	vst v3  }
0x3df: {  	[hbm4b:s9+s5] =	stream.linear.scatter [tilespmem:s6], [sflag:$0x4], $0x6000, $0x38;
	[tilespmem:$0x19980] =	vst v63  }
0x3e0: {  	_ =	swait.ge [sflag:s7], $0x6000  }
0x3e1: {  	[sflag:s7] =	ssyncset.done $0x0  }
0x3e2: {  	[sflag:s7] =	ssyncadd.s32 $0xFFFFA000  }
0x3e3: {  	_ =	swait.ge [sflag:s8], $0x6000  }
0x3e4: {  	s16 =	rddreg [dreg:$0xa]  }
0x3e5: {  	s9 =	rddreg [dreg:$0x9];
	s16 =	sadd.s32 $0x1, s16  }
0x3e6: {  	p0 =	sne.s32 s16, s9  }
.Ltmp5:
0x3e7: {  	_ = 	snop;
	(pc) =	sbr.rel @p0 .LBB2_1-.Ltmp5, $3  }
0x3e8: {  	_ =	sdelay $0x1  }
0x3e9: {  	[sflag:s8] =	ssyncset.done $0x0  }
0x3ea: {  	[sflag:s8] =	ssyncadd.s32 $0xFFFFA000  }
0x3eb: {  	_ =	sfence.sel $0x180000  }
0x3ec: {  	[bflag:$0x0] =	sbarrier.arrive $0xFFFF  }
0x3ed: {  	_ =	strace $0x90000047  }
0x3ee: {  	s0 =	stileid.u32;
	[bflag:$0x2] =	sbarrier.arrive $0xFFFF  }
0x3ef: {  	p0 =	sne.s32 s0, $0x0;
	s0 =	rddreg [dreg:$0x4]  }
0x3f0: {  	s0 =	sadd.s32 @!p0 $0x100000, s0  }
0x3f1: {  	[sflag:s0] =	ssyncadd.tile.s32 @!p0 $0x1;
	_ =	shalt  }
.Lfunc_end2:
_tile_overlayer_lowered:
.L_overlay_start_2:
0x3f2: {  	(tag) =	ssettag $0x2  }
0x3f3: {  	s0 =	rddreg [dreg:$0x0];
	s2 =	stileid.u32  }
0x3f4: {  	s1 =	rddreg [dreg:$0x1];
	p0 =	sne.s32 s2, $0x0  }
0x3f5: {  	s3 =	rddreg [dreg:$0x2];
	[bflag:$0x3] =	sbarrier.arrive $0xFFFF;
	s2 =	simm.s32 @!p0 $0x1C05  }
0x3f6: {  	[timem:s3], [sflag:s2] =	dma.local @!p0 [hbm:s0], s1  }
0x3f7: {  	s0 =	simm.s32 @!p0 $0x5  }
0x3f8: {  	_ =	swait.ge @!p0 [sflag:s0], s1  }
0x3f9: {  	s1 =	ssub.s32 @!p0 $0x0, s1;
	[sflag:s0] =	ssyncset.done @!p0 $0x0  }
0x3fa: {  	[sflag:s0] =	ssyncadd.s32 @!p0 s1  }
0x3fb: {  	[bflag:$0x3] =	sbarrier.arrive $0xFFFF  }
0x3fc: {  	_ =	shalt  }

</sc_bundles>
